<compile_context>
chip_gen: v7x
topology: tpu7x:2x2x1
jax: 0.10.2.dev20260603
libtpu: 0.0.44.dev20260713+nightly
codegen_flags: <defaults>
</compile_context>

<pallas_src>
import functools

import jax
import jax.numpy as jnp
from jax import lax
from jax.experimental import pallas as pl
from jax.experimental.pallas import tpu as pltpu
from jax.experimental.pallas import tpu_sc as plsc

_B = 16384
_D = 32
_NC = 2
_NS = 16
_NW = _NC * _NS
_N = _B // _NW
_CHUNK = 128
_NCHUNK = _N // _CHUNK
_SIZES = (1000000, 100000, 1000, 100000)


def _sc_body(idx_hbm, item_hbm, cat_hbm, cup_hbm, user_hbm, out_hbm,
             idx_v, rows_v, sem):
    wid = lax.axis_index("s") * _NC + lax.axis_index("c")
    base = wid * _N

    pltpu.sync_copy(idx_hbm.at[wid], idx_v)

    for c, size in enumerate(_SIZES):
        for j in range(_NCHUNK):
            def _mod_body(i, _, c=c, j=j, size=size):
                sl = pl.ds(i * 16, 16)
                idx_v[c, j, sl] = lax.rem(idx_v[c, j, sl], size)
                return 0
            lax.fori_loop(0, _CHUNK // 16, _mod_body, 0)

    tables = (item_hbm, cat_hbm, cup_hbm, user_hbm)
    for c, tab in enumerate(tables):
        for j in range(_NCHUNK):
            pltpu.async_copy(
                tab.at[idx_v.at[c, j]],
                rows_v.at[c, pl.ds(j * _CHUNK, _CHUNK)],
                sem)
    for c in range(4):
        pltpu.make_async_copy(
            tables[c].at[pl.ds(0, _N)], rows_v.at[c], sem).wait()

    for c in range(4):
        pltpu.sync_copy(rows_v.at[c],
                        out_hbm.at[pl.ds(base, _N), pl.ds(c * _D, _D)])


@jax.jit
def kernel(batch_input, item_table, category_table, cup_size_table,
           user_table):
    idx = batch_input.astype(jnp.int32)
    idx = idx.reshape(_NW, _NCHUNK, _CHUNK, 4).transpose(0, 3, 1, 2)

    mesh = plsc.VectorSubcoreMesh(core_axis_name="c", subcore_axis_name="s")
    run = functools.partial(
        pl.kernel,
        mesh=mesh,
        compiler_params=pltpu.CompilerParams(use_tc_tiling_on_sc=False),
        out_type=jax.ShapeDtypeStruct((_B, 4 * _D), jnp.float32),
        scratch_types=[
            pltpu.VMEM((4, _NCHUNK, _CHUNK), jnp.int32),
            pltpu.VMEM((4, _N, _D), jnp.float32),
            pltpu.SemaphoreType.DMA,
        ],
    )(_sc_body)
    return run(idx, item_table, category_table, cup_size_table, user_table)

# --- scband reference (transcript-rebuilt; emitter-appended) ---
"""Pipeline reference for scband-sfnet-6837587935884 (READ-ONLY COPY).

The authoritative reference and input builder live on the scoring server;
editing this copy changes nothing except your own understanding.
"""

import jax, jax.numpy as jnp
import numpy as np

NUM_ITEM = 1000000
NUM_CATEGORY = 100000
NUM_CUP_SIZE = 1000
NUM_USER = 100000
EMBED_DIM = 32
BATCH = 16384


def setup_inputs(seed: int = 0) -> dict:
    key = jax.random.key(seed)
    k0, k1, k2, k3, k4 = jax.random.split(key, 5)
    batch_input = jax.random.randint(k0, (BATCH, 4), 0, 1000000)
    item_table = jax.random.normal(k1, (NUM_ITEM, EMBED_DIM), dtype=jnp.float32) * 0.02
    category_table = jax.random.normal(k2, (NUM_CATEGORY, EMBED_DIM), dtype=jnp.float32) * 0.02
    cup_size_table = jax.random.normal(k3, (NUM_CUP_SIZE, EMBED_DIM), dtype=jnp.float32) * 0.02
    user_table = jax.random.normal(k4, (NUM_USER, EMBED_DIM), dtype=jnp.float32) * 0.02
    return {
        "batch_input": batch_input,
        "item_table": item_table,
        "category_table": category_table,
        "cup_size_table": cup_size_table,
        "user_table": user_table,
    }


def reference(batch_input, item_table, category_table, cup_size_table, user_table):
    # Columns of batch_input: [item_id, category_id, cup_size_id, user_id].
    # Indices are taken modulo each table's vocabulary size to stay in range.
    item_idx = batch_input[:, 0] % item_table.shape[0]
    category_idx = batch_input[:, 1] % category_table.shape[0]
    cup_size_idx = batch_input[:, 2] % cup_size_table.shape[0]
    user_idx = batch_input[:, 3] % user_table.shape[0]
    item_emb = jnp.take(item_table, item_idx, axis=0)
    category_emb = jnp.take(category_table, category_idx, axis=0)
    cup_size_emb = jnp.take(cup_size_table, cup_size_idx, axis=0)
    user_emb = jnp.take(user_table, user_idx, axis=0)
    out = jnp.concatenate([item_emb, category_emb, cup_size_emb, user_emb], axis=-1)
    return out

if __name__ == "__main__":
    import jax
    _d = setup_inputs()
    print(jax.jit(kernel)(*tuple(_d.values())))

</pallas_src>

<mosaic_0001>
#map = affine_map<(d0, d1) -> (0, 0, 0, 0)>
#map1 = affine_map<(d0, d1) -> (0, 0)>
module attributes {stable_mosaic.version = 14 : i64} {
  func.func @_sc_body(%arg0: i32, %arg1: i32, %arg2: memref<32x4x4x128xi32, #tpu.memory_space<hbm>>, %arg3: memref<1000000x32xf32, #tpu.memory_space<hbm>>, %arg4: memref<100000x32xf32, #tpu.memory_space<hbm>>, %arg5: memref<1000x32xf32, #tpu.memory_space<hbm>>, %arg6: memref<100000x32xf32, #tpu.memory_space<hbm>>, %arg7: memref<16384x128xf32, #tpu.memory_space<hbm>>, %arg8: memref<4x4x128xi32, #tpu.memory_space<vmem>>, %arg9: memref<4x512x32xf32, #tpu.memory_space<vmem>>, %arg10: memref<!tpu.dma_semaphore, #tpu.memory_space<semaphore_mem>>) attributes {dimension_semantics = [#tpu.dimension_semantics<core_parallel>, #tpu.dimension_semantics<subcore_parallel>], iteration_bounds = array<i64: 2, 16>, scalar_prefetch = 0 : i64, scratch_operands = 3 : i64, tpu.core_type = #tpu.core_type<sc_vector_subcore>, window_params = [{transform_indices = #map}, {transform_indices = #map1}, {transform_indices = #map1}, {transform_indices = #map1}, {transform_indices = #map1}, {transform_indices = #map1}]} {
    %mul3A = arith.constant 2 : i32
    %mul3A_0 = arith.muli %arg1, %mul3A : i32
    %add3A = arith.addi %mul3A_0, %arg0 : i32
    %mul3A_1 = arith.constant 512 : i32
    %mul3A_2 = arith.muli %add3A, %mul3A_1 : i32
    "tpu.region"() ({
      %run_scoped3A_383 = tpu.sem_alloc : memref<!tpu.dma_semaphore, #tpu.memory_space<semaphore_mem>>
      %dma_start3A_384 = arith.constant 0 : i32
      %dma_start3A_385 = arith.constant 0 : i32
      %dma_start3A_386 = arith.constant 0 : i32
      %dma_start3A_387 = tpu.memref_slice %arg2[%add3A, %dma_start3A_384, %dma_start3A_385, %dma_start3A_386] : memref<32x4x4x128xi32, #tpu.memory_space<hbm>> -> memref<1x4x4x128xi32, #tpu.memory_space<hbm>>
      %dma_start3A_388 = tpu.memref_squeeze %dma_start3A_387 : memref<1x4x4x128xi32, #tpu.memory_space<hbm>> -> memref<4x4x128xi32, #tpu.memory_space<hbm>>
      %dma_start3A_389 = arith.constant 0 : i32
      %dma_start3A_390 = arith.constant 0 : i32
      %dma_start3A_391 = arith.constant 0 : i32
      %dma_start3A_392 = tpu.memref_slice %arg2[%add3A, %dma_start3A_389, %dma_start3A_390, %dma_start3A_391] : memref<32x4x4x128xi32, #tpu.memory_space<hbm>> -> memref<1x4x4x128xi32, #tpu.memory_space<hbm>>
      %dma_start3A_393 = tpu.memref_squeeze %dma_start3A_392 : memref<1x4x4x128xi32, #tpu.memory_space<hbm>> -> memref<4x4x128xi32, #tpu.memory_space<hbm>>
      tpu.enqueue_dma source(%dma_start3A_393 : memref<4x4x128xi32, #tpu.memory_space<hbm>>) target(%arg8 : memref<4x4x128xi32, #tpu.memory_space<vmem>>) target_semaphore(%run_scoped3A_383 : memref<!tpu.dma_semaphore, #tpu.memory_space<semaphore_mem>>)
      %dma_wait3A_394 = arith.constant 0 : i32
      %dma_wait3A_395 = arith.constant 0 : i32
      %dma_wait3A_396 = arith.constant 0 : i32
      %dma_wait3A_397 = tpu.memref_slice %arg2[%add3A, %dma_wait3A_394, %dma_wait3A_395, %dma_wait3A_396] : memref<32x4x4x128xi32, #tpu.memory_space<hbm>> -> memref<1x4x4x128xi32, #tpu.memory_space<hbm>>
      %dma_wait3A_398 = tpu.memref_squeeze %dma_wait3A_397 : memref<1x4x4x128xi32, #tpu.memory_space<hbm>> -> memref<4x4x128xi32, #tpu.memory_space<hbm>>
      %dma_wait3A_399 = arith.constant 0 : i32
      %dma_wait3A_400 = arith.constant 0 : i32
      %dma_wait3A_401 = arith.constant 0 : i32
      %dma_wait3A_402 = tpu.memref_slice %arg2[%add3A, %dma_wait3A_399, %dma_wait3A_400, %dma_wait3A_401] : memref<32x4x4x128xi32, #tpu.memory_space<hbm>> -> memref<1x4x4x128xi32, #tpu.memory_space<hbm>>
      %dma_wait3A_403 = tpu.memref_squeeze %dma_wait3A_402 : memref<1x4x4x128xi32, #tpu.memory_space<hbm>> -> memref<4x4x128xi32, #tpu.memory_space<hbm>>
      tpu.wait_dma2 semaphore(%run_scoped3A_383 : memref<!tpu.dma_semaphore, #tpu.memory_space<semaphore_mem>>) src(%dma_wait3A_403 : memref<4x4x128xi32, #tpu.memory_space<hbm>>) dst(%arg8 : memref<4x4x128xi32, #tpu.memory_space<vmem>>)
      tpu.yield
    }) : () -> ()
    %scan3A = arith.constant 0 : i32
    %scan3A_3 = arith.constant 0 : i32
    %scan3A_4 = arith.constant 8 : i32
    %scan3A_5 = arith.addi %scan3A_3, %scan3A_4 : i32
    %scan3A_6 = arith.constant 1 : i32
    %scan3A_7 = scf.for %scan3A_383 = %scan3A_3 to %scan3A_5 step %scan3A_6 iter_args(%scan3A_384 = %scan3A) -> (i32)  : i32 {
      %mul3A_385 = arith.constant 16 : i32
      %mul3A_386 = arith.muli %scan3A_383, %mul3A_385 : i32
      %get3A = arith.constant 0 : i32
      %get3A_387 = arith.constant 0 : i32
      %get3A_388 = arith.index_cast %get3A : i32 to index
      %get3A_389 = arith.index_cast %get3A_387 : i32 to index
      %get3A_390 = arith.index_cast %mul3A_386 : i32 to index
      %get3A_391 = tpu.vector_load %arg8[%get3A_388, %get3A_389, %get3A_390] {strides = array<i32>} : memref<4x4x128xi32, #tpu.memory_space<vmem>>, vector<1x1x16xi32>,
      %get3A_392 = vector.shape_cast %get3A_391 : vector<1x1x16xi32> to vector<16xi32>
      %rem3A = arith.constant 1000000 : i32
      %rem3A_393 = vector.broadcast %rem3A : i32 to vector<16xi32>
      %rem3A_394 = arith.remsi %get3A_392, %rem3A_393 : vector<16xi32>
      %swap3A = arith.constant 0 : i32
      %swap3A_395 = arith.constant 0 : i32
      %swap3A_396 = arith.index_cast %swap3A : i32 to index
      %swap3A_397 = arith.index_cast %swap3A_395 : i32 to index
      %swap3A_398 = arith.index_cast %mul3A_386 : i32 to index
      %swap3A_399 = tpu.vector_load %arg8[%swap3A_396, %swap3A_397, %swap3A_398] {strides = array<i32>} : memref<4x4x128xi32, #tpu.memory_space<vmem>>, vector<1x1x16xi32>,
      %swap3A_400 = vector.shape_cast %swap3A_399 : vector<1x1x16xi32> to vector<16xi32>
      %swap3A_401 = vector.shape_cast %rem3A_394 : vector<16xi32> to vector<1x1x16xi32>
      tpu.vector_store %arg8[%swap3A_396, %swap3A_397, %swap3A_398], %swap3A_401 {strides = array<i32>} : memref<4x4x128xi32, #tpu.memory_space<vmem>>, vector<1x1x16xi32>,
      %scan3A_402 = arith.constant 0 : i32
      scf.yield %scan3A_402 : i32
    }
    %scan3A_8 = arith.constant 8 : i32
    %scan3A_9 = arith.constant 0 : i32
    %scan3A_10 = arith.constant 0 : i32
    %scan3A_11 = arith.constant 8 : i32
    %scan3A_12 = arith.addi %scan3A_10, %scan3A_11 : i32
    %scan3A_13 = arith.constant 1 : i32
    %scan3A_14 = scf.for %scan3A_383 = %scan3A_10 to %scan3A_12 step %scan3A_13 iter_args(%scan3A_384 = %scan3A_9) -> (i32)  : i32 {
      %mul3A_385 = arith.constant 16 : i32
      %mul3A_386 = arith.muli %scan3A_383, %mul3A_385 : i32
      %get3A = arith.constant 0 : i32
      %get3A_387 = arith.constant 1 : i32
      %get3A_388 = arith.index_cast %get3A : i32 to index
      %get3A_389 = arith.index_cast %get3A_387 : i32 to index
      %get3A_390 = arith.index_cast %mul3A_386 : i32 to index
      %get3A_391 = tpu.vector_load %arg8[%get3A_388, %get3A_389, %get3A_390] {strides = array<i32>} : memref<4x4x128xi32, #tpu.memory_space<vmem>>, vector<1x1x16xi32>,
      %get3A_392 = vector.shape_cast %get3A_391 : vector<1x1x16xi32> to vector<16xi32>
      %rem3A = arith.constant 1000000 : i32
      %rem3A_393 = vector.broadcast %rem3A : i32 to vector<16xi32>
      %rem3A_394 = arith.remsi %get3A_392, %rem3A_393 : vector<16xi32>
      %swap3A = arith.constant 0 : i32
      %swap3A_395 = arith.constant 1 : i32
      %swap3A_396 = arith.index_cast %swap3A : i32 to index
      %swap3A_397 = arith.index_cast %swap3A_395 : i32 to index
      %swap3A_398 = arith.index_cast %mul3A_386 : i32 to index
      %swap3A_399 = tpu.vector_load %arg8[%swap3A_396, %swap3A_397, %swap3A_398] {strides = array<i32>} : memref<4x4x128xi32, #tpu.memory_space<vmem>>, vector<1x1x16xi32>,
      %swap3A_400 = vector.shape_cast %swap3A_399 : vector<1x1x16xi32> to vector<16xi32>
      %swap3A_401 = vector.shape_cast %rem3A_394 : vector<16xi32> to vector<1x1x16xi32>
      tpu.vector_store %arg8[%swap3A_396, %swap3A_397, %swap3A_398], %swap3A_401 {strides = array<i32>} : memref<4x4x128xi32, #tpu.memory_space<vmem>>, vector<1x1x16xi32>,
      %scan3A_402 = arith.constant 0 : i32
      scf.yield %scan3A_402 : i32
    }
    %scan3A_15 = arith.constant 8 : i32
    %scan3A_16 = arith.constant 0 : i32
    %scan3A_17 = arith.constant 0 : i32
    %scan3A_18 = arith.constant 8 : i32
    %scan3A_19 = arith.addi %scan3A_17, %scan3A_18 : i32
    %scan3A_20 = arith.constant 1 : i32
    %scan3A_21 = scf.for %scan3A_383 = %scan3A_17 to %scan3A_19 step %scan3A_20 iter_args(%scan3A_384 = %scan3A_16) -> (i32)  : i32 {
      %mul3A_385 = arith.constant 16 : i32
      %mul3A_386 = arith.muli %scan3A_383, %mul3A_385 : i32
      %get3A = arith.constant 0 : i32
      %get3A_387 = arith.constant 2 : i32
      %get3A_388 = arith.index_cast %get3A : i32 to index
      %get3A_389 = arith.index_cast %get3A_387 : i32 to index
      %get3A_390 = arith.index_cast %mul3A_386 : i32 to index
      %get3A_391 = tpu.vector_load %arg8[%get3A_388, %get3A_389, %get3A_390] {strides = array<i32>} : memref<4x4x128xi32, #tpu.memory_space<vmem>>, vector<1x1x16xi32>,
      %get3A_392 = vector.shape_cast %get3A_391 : vector<1x1x16xi32> to vector<16xi32>
      %rem3A = arith.constant 1000000 : i32
      %rem3A_393 = vector.broadcast %rem3A : i32 to vector<16xi32>
      %rem3A_394 = arith.remsi %get3A_392, %rem3A_393 : vector<16xi32>
      %swap3A = arith.constant 0 : i32
      %swap3A_395 = arith.constant 2 : i32
      %swap3A_396 = arith.index_cast %swap3A : i32 to index
      %swap3A_397 = arith.index_cast %swap3A_395 : i32 to index
      %swap3A_398 = arith.index_cast %mul3A_386 : i32 to index
      %swap3A_399 = tpu.vector_load %arg8[%swap3A_396, %swap3A_397, %swap3A_398] {strides = array<i32>} : memref<4x4x128xi32, #tpu.memory_space<vmem>>, vector<1x1x16xi32>,
      %swap3A_400 = vector.shape_cast %swap3A_399 : vector<1x1x16xi32> to vector<16xi32>
      %swap3A_401 = vector.shape_cast %rem3A_394 : vector<16xi32> to vector<1x1x16xi32>
      tpu.vector_store %arg8[%swap3A_396, %swap3A_397, %swap3A_398], %swap3A_401 {strides = array<i32>} : memref<4x4x128xi32, #tpu.memory_space<vmem>>, vector<1x1x16xi32>,
      %scan3A_402 = arith.constant 0 : i32
      scf.yield %scan3A_402 : i32
    }
    %scan3A_22 = arith.constant 8 : i32
    %scan3A_23 = arith.constant 0 : i32
    %scan3A_24 = arith.constant 0 : i32
    %scan3A_25 = arith.constant 8 : i32
    %scan3A_26 = arith.addi %scan3A_24, %scan3A_25 : i32
    %scan3A_27 = arith.constant 1 : i32
    %scan3A_28 = scf.for %scan3A_383 = %scan3A_24 to %scan3A_26 step %scan3A_27 iter_args(%scan3A_384 = %scan3A_23) -> (i32)  : i32 {
      %mul3A_385 = arith.constant 16 : i32
      %mul3A_386 = arith.muli %scan3A_383, %mul3A_385 : i32
      %get3A = arith.constant 0 : i32
      %get3A_387 = arith.constant 3 : i32
      %get3A_388 = arith.index_cast %get3A : i32 to index
      %get3A_389 = arith.index_cast %get3A_387 : i32 to index
      %get3A_390 = arith.index_cast %mul3A_386 : i32 to index
      %get3A_391 = tpu.vector_load %arg8[%get3A_388, %get3A_389, %get3A_390] {strides = array<i32>} : memref<4x4x128xi32, #tpu.memory_space<vmem>>, vector<1x1x16xi32>,
      %get3A_392 = vector.shape_cast %get3A_391 : vector<1x1x16xi32> to vector<16xi32>
      %rem3A = arith.constant 1000000 : i32
      %rem3A_393 = vector.broadcast %rem3A : i32 to vector<16xi32>
      %rem3A_394 = arith.remsi %get3A_392, %rem3A_393 : vector<16xi32>
      %swap3A = arith.constant 0 : i32
      %swap3A_395 = arith.constant 3 : i32
      %swap3A_396 = arith.index_cast %swap3A : i32 to index
      %swap3A_397 = arith.index_cast %swap3A_395 : i32 to index
      %swap3A_398 = arith.index_cast %mul3A_386 : i32 to index
      %swap3A_399 = tpu.vector_load %arg8[%swap3A_396, %swap3A_397, %swap3A_398] {strides = array<i32>} : memref<4x4x128xi32, #tpu.memory_space<vmem>>, vector<1x1x16xi32>,
      %swap3A_400 = vector.shape_cast %swap3A_399 : vector<1x1x16xi32> to vector<16xi32>
      %swap3A_401 = vector.shape_cast %rem3A_394 : vector<16xi32> to vector<1x1x16xi32>
      tpu.vector_store %arg8[%swap3A_396, %swap3A_397, %swap3A_398], %swap3A_401 {strides = array<i32>} : memref<4x4x128xi32, #tpu.memory_space<vmem>>, vector<1x1x16xi32>,
      %scan3A_402 = arith.constant 0 : i32
      scf.yield %scan3A_402 : i32
    }
    %scan3A_29 = arith.constant 8 : i32
    %scan3A_30 = arith.constant 0 : i32
    %scan3A_31 = arith.constant 0 : i32
    %scan3A_32 = arith.constant 8 : i32
    %scan3A_33 = arith.addi %scan3A_31, %scan3A_32 : i32
    %scan3A_34 = arith.constant 1 : i32
    %scan3A_35 = scf.for %scan3A_383 = %scan3A_31 to %scan3A_33 step %scan3A_34 iter_args(%scan3A_384 = %scan3A_30) -> (i32)  : i32 {
      %mul3A_385 = arith.constant 16 : i32
      %mul3A_386 = arith.muli %scan3A_383, %mul3A_385 : i32
      %get3A = arith.constant 1 : i32
      %get3A_387 = arith.constant 0 : i32
      %get3A_388 = arith.index_cast %get3A : i32 to index
      %get3A_389 = arith.index_cast %get3A_387 : i32 to index
      %get3A_390 = arith.index_cast %mul3A_386 : i32 to index
      %get3A_391 = tpu.vector_load %arg8[%get3A_388, %get3A_389, %get3A_390] {strides = array<i32>} : memref<4x4x128xi32, #tpu.memory_space<vmem>>, vector<1x1x16xi32>,
      %get3A_392 = vector.shape_cast %get3A_391 : vector<1x1x16xi32> to vector<16xi32>
      %rem3A = arith.constant 100000 : i32
      %rem3A_393 = vector.broadcast %rem3A : i32 to vector<16xi32>
      %rem3A_394 = arith.remsi %get3A_392, %rem3A_393 : vector<16xi32>
      %swap3A = arith.constant 1 : i32
      %swap3A_395 = arith.constant 0 : i32
      %swap3A_396 = arith.index_cast %swap3A : i32 to index
      %swap3A_397 = arith.index_cast %swap3A_395 : i32 to index
      %swap3A_398 = arith.index_cast %mul3A_386 : i32 to index
      %swap3A_399 = tpu.vector_load %arg8[%swap3A_396, %swap3A_397, %swap3A_398] {strides = array<i32>} : memref<4x4x128xi32, #tpu.memory_space<vmem>>, vector<1x1x16xi32>,
      %swap3A_400 = vector.shape_cast %swap3A_399 : vector<1x1x16xi32> to vector<16xi32>
      %swap3A_401 = vector.shape_cast %rem3A_394 : vector<16xi32> to vector<1x1x16xi32>
      tpu.vector_store %arg8[%swap3A_396, %swap3A_397, %swap3A_398], %swap3A_401 {strides = array<i32>} : memref<4x4x128xi32, #tpu.memory_space<vmem>>, vector<1x1x16xi32>,
      %scan3A_402 = arith.constant 0 : i32
      scf.yield %scan3A_402 : i32
    }
    %scan3A_36 = arith.constant 8 : i32
    %scan3A_37 = arith.constant 0 : i32
    %scan3A_38 = arith.constant 0 : i32
    %scan3A_39 = arith.constant 8 : i32
    %scan3A_40 = arith.addi %scan3A_38, %scan3A_39 : i32
    %scan3A_41 = arith.constant 1 : i32
    %scan3A_42 = scf.for %scan3A_383 = %scan3A_38 to %scan3A_40 step %scan3A_41 iter_args(%scan3A_384 = %scan3A_37) -> (i32)  : i32 {
      %mul3A_385 = arith.constant 16 : i32
      %mul3A_386 = arith.muli %scan3A_383, %mul3A_385 : i32
      %get3A = arith.constant 1 : i32
      %get3A_387 = arith.constant 1 : i32
      %get3A_388 = arith.index_cast %get3A : i32 to index
      %get3A_389 = arith.index_cast %get3A_387 : i32 to index
      %get3A_390 = arith.index_cast %mul3A_386 : i32 to index
      %get3A_391 = tpu.vector_load %arg8[%get3A_388, %get3A_389, %get3A_390] {strides = array<i32>} : memref<4x4x128xi32, #tpu.memory_space<vmem>>, vector<1x1x16xi32>,
      %get3A_392 = vector.shape_cast %get3A_391 : vector<1x1x16xi32> to vector<16xi32>
      %rem3A = arith.constant 100000 : i32
      %rem3A_393 = vector.broadcast %rem3A : i32 to vector<16xi32>
      %rem3A_394 = arith.remsi %get3A_392, %rem3A_393 : vector<16xi32>
      %swap3A = arith.constant 1 : i32
      %swap3A_395 = arith.constant 1 : i32
      %swap3A_396 = arith.index_cast %swap3A : i32 to index
      %swap3A_397 = arith.index_cast %swap3A_395 : i32 to index
      %swap3A_398 = arith.index_cast %mul3A_386 : i32 to index
      %swap3A_399 = tpu.vector_load %arg8[%swap3A_396, %swap3A_397, %swap3A_398] {strides = array<i32>} : memref<4x4x128xi32, #tpu.memory_space<vmem>>, vector<1x1x16xi32>,
      %swap3A_400 = vector.shape_cast %swap3A_399 : vector<1x1x16xi32> to vector<16xi32>
      %swap3A_401 = vector.shape_cast %rem3A_394 : vector<16xi32> to vector<1x1x16xi32>
      tpu.vector_store %arg8[%swap3A_396, %swap3A_397, %swap3A_398], %swap3A_401 {strides = array<i32>} : memref<4x4x128xi32, #tpu.memory_space<vmem>>, vector<1x1x16xi32>,
      %scan3A_402 = arith.constant 0 : i32
      scf.yield %scan3A_402 : i32
    }
    %scan3A_43 = arith.constant 8 : i32
    %scan3A_44 = arith.constant 0 : i32
    %scan3A_45 = arith.constant 0 : i32
    %scan3A_46 = arith.constant 8 : i32
    %scan3A_47 = arith.addi %scan3A_45, %scan3A_46 : i32
    %scan3A_48 = arith.constant 1 : i32
    %scan3A_49 = scf.for %scan3A_383 = %scan3A_45 to %scan3A_47 step %scan3A_48 iter_args(%scan3A_384 = %scan3A_44) -> (i32)  : i32 {
      %mul3A_385 = arith.constant 16 : i32
      %mul3A_386 = arith.muli %scan3A_383, %mul3A_385 : i32
      %get3A = arith.constant 1 : i32
      %get3A_387 = arith.constant 2 : i32
      %get3A_388 = arith.index_cast %get3A : i32 to index
      %get3A_389 = arith.index_cast %get3A_387 : i32 to index
      %get3A_390 = arith.index_cast %mul3A_386 : i32 to index
      %get3A_391 = tpu.vector_load %arg8[%get3A_388, %get3A_389, %get3A_390] {strides = array<i32>} : memref<4x4x128xi32, #tpu.memory_space<vmem>>, vector<1x1x16xi32>,
      %get3A_392 = vector.shape_cast %get3A_391 : vector<1x1x16xi32> to vector<16xi32>
      %rem3A = arith.constant 100000 : i32
      %rem3A_393 = vector.broadcast %rem3A : i32 to vector<16xi32>
      %rem3A_394 = arith.remsi %get3A_392, %rem3A_393 : vector<16xi32>
      %swap3A = arith.constant 1 : i32
      %swap3A_395 = arith.constant 2 : i32
      %swap3A_396 = arith.index_cast %swap3A : i32 to index
      %swap3A_397 = arith.index_cast %swap3A_395 : i32 to index
      %swap3A_398 = arith.index_cast %mul3A_386 : i32 to index
      %swap3A_399 = tpu.vector_load %arg8[%swap3A_396, %swap3A_397, %swap3A_398] {strides = array<i32>} : memref<4x4x128xi32, #tpu.memory_space<vmem>>, vector<1x1x16xi32>,
      %swap3A_400 = vector.shape_cast %swap3A_399 : vector<1x1x16xi32> to vector<16xi32>
      %swap3A_401 = vector.shape_cast %rem3A_394 : vector<16xi32> to vector<1x1x16xi32>
      tpu.vector_store %arg8[%swap3A_396, %swap3A_397, %swap3A_398], %swap3A_401 {strides = array<i32>} : memref<4x4x128xi32, #tpu.memory_space<vmem>>, vector<1x1x16xi32>,
      %scan3A_402 = arith.constant 0 : i32
      scf.yield %scan3A_402 : i32
    }
    %scan3A_50 = arith.constant 8 : i32
    %scan3A_51 = arith.constant 0 : i32
    %scan3A_52 = arith.constant 0 : i32
    %scan3A_53 = arith.constant 8 : i32
    %scan3A_54 = arith.addi %scan3A_52, %scan3A_53 : i32
    %scan3A_55 = arith.constant 1 : i32
    %scan3A_56 = scf.for %scan3A_383 = %scan3A_52 to %scan3A_54 step %scan3A_55 iter_args(%scan3A_384 = %scan3A_51) -> (i32)  : i32 {
      %mul3A_385 = arith.constant 16 : i32
      %mul3A_386 = arith.muli %scan3A_383, %mul3A_385 : i32
      %get3A = arith.constant 1 : i32
      %get3A_387 = arith.constant 3 : i32
      %get3A_388 = arith.index_cast %get3A : i32 to index
      %get3A_389 = arith.index_cast %get3A_387 : i32 to index
      %get3A_390 = arith.index_cast %mul3A_386 : i32 to index
      %get3A_391 = tpu.vector_load %arg8[%get3A_388, %get3A_389, %get3A_390] {strides = array<i32>} : memref<4x4x128xi32, #tpu.memory_space<vmem>>, vector<1x1x16xi32>,
      %get3A_392 = vector.shape_cast %get3A_391 : vector<1x1x16xi32> to vector<16xi32>
      %rem3A = arith.constant 100000 : i32
      %rem3A_393 = vector.broadcast %rem3A : i32 to vector<16xi32>
      %rem3A_394 = arith.remsi %get3A_392, %rem3A_393 : vector<16xi32>
      %swap3A = arith.constant 1 : i32
      %swap3A_395 = arith.constant 3 : i32
      %swap3A_396 = arith.index_cast %swap3A : i32 to index
      %swap3A_397 = arith.index_cast %swap3A_395 : i32 to index
      %swap3A_398 = arith.index_cast %mul3A_386 : i32 to index
      %swap3A_399 = tpu.vector_load %arg8[%swap3A_396, %swap3A_397, %swap3A_398] {strides = array<i32>} : memref<4x4x128xi32, #tpu.memory_space<vmem>>, vector<1x1x16xi32>,
      %swap3A_400 = vector.shape_cast %swap3A_399 : vector<1x1x16xi32> to vector<16xi32>
      %swap3A_401 = vector.shape_cast %rem3A_394 : vector<16xi32> to vector<1x1x16xi32>
      tpu.vector_store %arg8[%swap3A_396, %swap3A_397, %swap3A_398], %swap3A_401 {strides = array<i32>} : memref<4x4x128xi32, #tpu.memory_space<vmem>>, vector<1x1x16xi32>,
      %scan3A_402 = arith.constant 0 : i32
      scf.yield %scan3A_402 : i32
    }
    %scan3A_57 = arith.constant 8 : i32
    %scan3A_58 = arith.constant 0 : i32
    %scan3A_59 = arith.constant 0 : i32
    %scan3A_60 = arith.constant 8 : i32
    %scan3A_61 = arith.addi %scan3A_59, %scan3A_60 : i32
    %scan3A_62 = arith.constant 1 : i32
    %scan3A_63 = scf.for %scan3A_383 = %scan3A_59 to %scan3A_61 step %scan3A_62 iter_args(%scan3A_384 = %scan3A_58) -> (i32)  : i32 {
      %mul3A_385 = arith.constant 16 : i32
      %mul3A_386 = arith.muli %scan3A_383, %mul3A_385 : i32
      %get3A = arith.constant 2 : i32
      %get3A_387 = arith.constant 0 : i32
      %get3A_388 = arith.index_cast %get3A : i32 to index
      %get3A_389 = arith.index_cast %get3A_387 : i32 to index
      %get3A_390 = arith.index_cast %mul3A_386 : i32 to index
      %get3A_391 = tpu.vector_load %arg8[%get3A_388, %get3A_389, %get3A_390] {strides = array<i32>} : memref<4x4x128xi32, #tpu.memory_space<vmem>>, vector<1x1x16xi32>,
      %get3A_392 = vector.shape_cast %get3A_391 : vector<1x1x16xi32> to vector<16xi32>
      %rem3A = arith.constant 1000 : i32
      %rem3A_393 = vector.broadcast %rem3A : i32 to vector<16xi32>
      %rem3A_394 = arith.remsi %get3A_392, %rem3A_393 : vector<16xi32>
      %swap3A = arith.constant 2 : i32
      %swap3A_395 = arith.constant 0 : i32
      %swap3A_396 = arith.index_cast %swap3A : i32 to index
      %swap3A_397 = arith.index_cast %swap3A_395 : i32 to index
      %swap3A_398 = arith.index_cast %mul3A_386 : i32 to index
      %swap3A_399 = tpu.vector_load %arg8[%swap3A_396, %swap3A_397, %swap3A_398] {strides = array<i32>} : memref<4x4x128xi32, #tpu.memory_space<vmem>>, vector<1x1x16xi32>,
      %swap3A_400 = vector.shape_cast %swap3A_399 : vector<1x1x16xi32> to vector<16xi32>
      %swap3A_401 = vector.shape_cast %rem3A_394 : vector<16xi32> to vector<1x1x16xi32>
      tpu.vector_store %arg8[%swap3A_396, %swap3A_397, %swap3A_398], %swap3A_401 {strides = array<i32>} : memref<4x4x128xi32, #tpu.memory_space<vmem>>, vector<1x1x16xi32>,
      %scan3A_402 = arith.constant 0 : i32
      scf.yield %scan3A_402 : i32
    }
    %scan3A_64 = arith.constant 8 : i32
    %scan3A_65 = arith.constant 0 : i32
    %scan3A_66 = arith.constant 0 : i32
    %scan3A_67 = arith.constant 8 : i32
    %scan3A_68 = arith.addi %scan3A_66, %scan3A_67 : i32
    %scan3A_69 = arith.constant 1 : i32
    %scan3A_70 = scf.for %scan3A_383 = %scan3A_66 to %scan3A_68 step %scan3A_69 iter_args(%scan3A_384 = %scan3A_65) -> (i32)  : i32 {
      %mul3A_385 = arith.constant 16 : i32
      %mul3A_386 = arith.muli %scan3A_383, %mul3A_385 : i32
      %get3A = arith.constant 2 : i32
      %get3A_387 = arith.constant 1 : i32
      %get3A_388 = arith.index_cast %get3A : i32 to index
      %get3A_389 = arith.index_cast %get3A_387 : i32 to index
      %get3A_390 = arith.index_cast %mul3A_386 : i32 to index
      %get3A_391 = tpu.vector_load %arg8[%get3A_388, %get3A_389, %get3A_390] {strides = array<i32>} : memref<4x4x128xi32, #tpu.memory_space<vmem>>, vector<1x1x16xi32>,
      %get3A_392 = vector.shape_cast %get3A_391 : vector<1x1x16xi32> to vector<16xi32>
      %rem3A = arith.constant 1000 : i32
      %rem3A_393 = vector.broadcast %rem3A : i32 to vector<16xi32>
      %rem3A_394 = arith.remsi %get3A_392, %rem3A_393 : vector<16xi32>
      %swap3A = arith.constant 2 : i32
      %swap3A_395 = arith.constant 1 : i32
      %swap3A_396 = arith.index_cast %swap3A : i32 to index
      %swap3A_397 = arith.index_cast %swap3A_395 : i32 to index
      %swap3A_398 = arith.index_cast %mul3A_386 : i32 to index
      %swap3A_399 = tpu.vector_load %arg8[%swap3A_396, %swap3A_397, %swap3A_398] {strides = array<i32>} : memref<4x4x128xi32, #tpu.memory_space<vmem>>, vector<1x1x16xi32>,
      %swap3A_400 = vector.shape_cast %swap3A_399 : vector<1x1x16xi32> to vector<16xi32>
      %swap3A_401 = vector.shape_cast %rem3A_394 : vector<16xi32> to vector<1x1x16xi32>
      tpu.vector_store %arg8[%swap3A_396, %swap3A_397, %swap3A_398], %swap3A_401 {strides = array<i32>} : memref<4x4x128xi32, #tpu.memory_space<vmem>>, vector<1x1x16xi32>,
      %scan3A_402 = arith.constant 0 : i32
      scf.yield %scan3A_402 : i32
    }
    %scan3A_71 = arith.constant 8 : i32
    %scan3A_72 = arith.constant 0 : i32
    %scan3A_73 = arith.constant 0 : i32
    %scan3A_74 = arith.constant 8 : i32
    %scan3A_75 = arith.addi %scan3A_73, %scan3A_74 : i32
    %scan3A_76 = arith.constant 1 : i32
    %scan3A_77 = scf.for %scan3A_383 = %scan3A_73 to %scan3A_75 step %scan3A_76 iter_args(%scan3A_384 = %scan3A_72) -> (i32)  : i32 {
      %mul3A_385 = arith.constant 16 : i32
      %mul3A_386 = arith.muli %scan3A_383, %mul3A_385 : i32
      %get3A = arith.constant 2 : i32
      %get3A_387 = arith.constant 2 : i32
      %get3A_388 = arith.index_cast %get3A : i32 to index
      %get3A_389 = arith.index_cast %get3A_387 : i32 to index
      %get3A_390 = arith.index_cast %mul3A_386 : i32 to index
      %get3A_391 = tpu.vector_load %arg8[%get3A_388, %get3A_389, %get3A_390] {strides = array<i32>} : memref<4x4x128xi32, #tpu.memory_space<vmem>>, vector<1x1x16xi32>,
      %get3A_392 = vector.shape_cast %get3A_391 : vector<1x1x16xi32> to vector<16xi32>
      %rem3A = arith.constant 1000 : i32
      %rem3A_393 = vector.broadcast %rem3A : i32 to vector<16xi32>
      %rem3A_394 = arith.remsi %get3A_392, %rem3A_393 : vector<16xi32>
      %swap3A = arith.constant 2 : i32
      %swap3A_395 = arith.constant 2 : i32
      %swap3A_396 = arith.index_cast %swap3A : i32 to index
      %swap3A_397 = arith.index_cast %swap3A_395 : i32 to index
      %swap3A_398 = arith.index_cast %mul3A_386 : i32 to index
      %swap3A_399 = tpu.vector_load %arg8[%swap3A_396, %swap3A_397, %swap3A_398] {strides = array<i32>} : memref<4x4x128xi32, #tpu.memory_space<vmem>>, vector<1x1x16xi32>,
      %swap3A_400 = vector.shape_cast %swap3A_399 : vector<1x1x16xi32> to vector<16xi32>
      %swap3A_401 = vector.shape_cast %rem3A_394 : vector<16xi32> to vector<1x1x16xi32>
      tpu.vector_store %arg8[%swap3A_396, %swap3A_397, %swap3A_398], %swap3A_401 {strides = array<i32>} : memref<4x4x128xi32, #tpu.memory_space<vmem>>, vector<1x1x16xi32>,
      %scan3A_402 = arith.constant 0 : i32
      scf.yield %scan3A_402 : i32
    }
    %scan3A_78 = arith.constant 8 : i32
    %scan3A_79 = arith.constant 0 : i32
    %scan3A_80 = arith.constant 0 : i32
    %scan3A_81 = arith.constant 8 : i32
    %scan3A_82 = arith.addi %scan3A_80, %scan3A_81 : i32
    %scan3A_83 = arith.constant 1 : i32
    %scan3A_84 = scf.for %scan3A_383 = %scan3A_80 to %scan3A_82 step %scan3A_83 iter_args(%scan3A_384 = %scan3A_79) -> (i32)  : i32 {
      %mul3A_385 = arith.constant 16 : i32
      %mul3A_386 = arith.muli %scan3A_383, %mul3A_385 : i32
      %get3A = arith.constant 2 : i32
      %get3A_387 = arith.constant 3 : i32
      %get3A_388 = arith.index_cast %get3A : i32 to index
      %get3A_389 = arith.index_cast %get3A_387 : i32 to index
      %get3A_390 = arith.index_cast %mul3A_386 : i32 to index
      %get3A_391 = tpu.vector_load %arg8[%get3A_388, %get3A_389, %get3A_390] {strides = array<i32>} : memref<4x4x128xi32, #tpu.memory_space<vmem>>, vector<1x1x16xi32>,
      %get3A_392 = vector.shape_cast %get3A_391 : vector<1x1x16xi32> to vector<16xi32>
      %rem3A = arith.constant 1000 : i32
      %rem3A_393 = vector.broadcast %rem3A : i32 to vector<16xi32>
      %rem3A_394 = arith.remsi %get3A_392, %rem3A_393 : vector<16xi32>
      %swap3A = arith.constant 2 : i32
      %swap3A_395 = arith.constant 3 : i32
      %swap3A_396 = arith.index_cast %swap3A : i32 to index
      %swap3A_397 = arith.index_cast %swap3A_395 : i32 to index
      %swap3A_398 = arith.index_cast %mul3A_386 : i32 to index
      %swap3A_399 = tpu.vector_load %arg8[%swap3A_396, %swap3A_397, %swap3A_398] {strides = array<i32>} : memref<4x4x128xi32, #tpu.memory_space<vmem>>, vector<1x1x16xi32>,
      %swap3A_400 = vector.shape_cast %swap3A_399 : vector<1x1x16xi32> to vector<16xi32>
      %swap3A_401 = vector.shape_cast %rem3A_394 : vector<16xi32> to vector<1x1x16xi32>
      tpu.vector_store %arg8[%swap3A_396, %swap3A_397, %swap3A_398], %swap3A_401 {strides = array<i32>} : memref<4x4x128xi32, #tpu.memory_space<vmem>>, vector<1x1x16xi32>,
      %scan3A_402 = arith.constant 0 : i32
      scf.yield %scan3A_402 : i32
    }
    %scan3A_85 = arith.constant 8 : i32
    %scan3A_86 = arith.constant 0 : i32
    %scan3A_87 = arith.constant 0 : i32
    %scan3A_88 = arith.constant 8 : i32
    %scan3A_89 = arith.addi %scan3A_87, %scan3A_88 : i32
    %scan3A_90 = arith.constant 1 : i32
    %scan3A_91 = scf.for %scan3A_383 = %scan3A_87 to %scan3A_89 step %scan3A_90 iter_args(%scan3A_384 = %scan3A_86) -> (i32)  : i32 {
      %mul3A_385 = arith.constant 16 : i32
      %mul3A_386 = arith.muli %scan3A_383, %mul3A_385 : i32
      %get3A = arith.constant 3 : i32
      %get3A_387 = arith.constant 0 : i32
      %get3A_388 = arith.index_cast %get3A : i32 to index
      %get3A_389 = arith.index_cast %get3A_387 : i32 to index
      %get3A_390 = arith.index_cast %mul3A_386 : i32 to index
      %get3A_391 = tpu.vector_load %arg8[%get3A_388, %get3A_389, %get3A_390] {strides = array<i32>} : memref<4x4x128xi32, #tpu.memory_space<vmem>>, vector<1x1x16xi32>,
      %get3A_392 = vector.shape_cast %get3A_391 : vector<1x1x16xi32> to vector<16xi32>
      %rem3A = arith.constant 100000 : i32
      %rem3A_393 = vector.broadcast %rem3A : i32 to vector<16xi32>
      %rem3A_394 = arith.remsi %get3A_392, %rem3A_393 : vector<16xi32>
      %swap3A = arith.constant 3 : i32
      %swap3A_395 = arith.constant 0 : i32
      %swap3A_396 = arith.index_cast %swap3A : i32 to index
      %swap3A_397 = arith.index_cast %swap3A_395 : i32 to index
      %swap3A_398 = arith.index_cast %mul3A_386 : i32 to index
      %swap3A_399 = tpu.vector_load %arg8[%swap3A_396, %swap3A_397, %swap3A_398] {strides = array<i32>} : memref<4x4x128xi32, #tpu.memory_space<vmem>>, vector<1x1x16xi32>,
      %swap3A_400 = vector.shape_cast %swap3A_399 : vector<1x1x16xi32> to vector<16xi32>
      %swap3A_401 = vector.shape_cast %rem3A_394 : vector<16xi32> to vector<1x1x16xi32>
      tpu.vector_store %arg8[%swap3A_396, %swap3A_397, %swap3A_398], %swap3A_401 {strides = array<i32>} : memref<4x4x128xi32, #tpu.memory_space<vmem>>, vector<1x1x16xi32>,
      %scan3A_402 = arith.constant 0 : i32
      scf.yield %scan3A_402 : i32
    }
    %scan3A_92 = arith.constant 8 : i32
    %scan3A_93 = arith.constant 0 : i32
    %scan3A_94 = arith.constant 0 : i32
    %scan3A_95 = arith.constant 8 : i32
    %scan3A_96 = arith.addi %scan3A_94, %scan3A_95 : i32
    %scan3A_97 = arith.constant 1 : i32
    %scan3A_98 = scf.for %scan3A_383 = %scan3A_94 to %scan3A_96 step %scan3A_97 iter_args(%scan3A_384 = %scan3A_93) -> (i32)  : i32 {
      %mul3A_385 = arith.constant 16 : i32
      %mul3A_386 = arith.muli %scan3A_383, %mul3A_385 : i32
      %get3A = arith.constant 3 : i32
      %get3A_387 = arith.constant 1 : i32
      %get3A_388 = arith.index_cast %get3A : i32 to index
      %get3A_389 = arith.index_cast %get3A_387 : i32 to index
      %get3A_390 = arith.index_cast %mul3A_386 : i32 to index
      %get3A_391 = tpu.vector_load %arg8[%get3A_388, %get3A_389, %get3A_390] {strides = array<i32>} : memref<4x4x128xi32, #tpu.memory_space<vmem>>, vector<1x1x16xi32>,
      %get3A_392 = vector.shape_cast %get3A_391 : vector<1x1x16xi32> to vector<16xi32>
      %rem3A = arith.constant 100000 : i32
      %rem3A_393 = vector.broadcast %rem3A : i32 to vector<16xi32>
      %rem3A_394 = arith.remsi %get3A_392, %rem3A_393 : vector<16xi32>
      %swap3A = arith.constant 3 : i32
      %swap3A_395 = arith.constant 1 : i32
      %swap3A_396 = arith.index_cast %swap3A : i32 to index
      %swap3A_397 = arith.index_cast %swap3A_395 : i32 to index
      %swap3A_398 = arith.index_cast %mul3A_386 : i32 to index
      %swap3A_399 = tpu.vector_load %arg8[%swap3A_396, %swap3A_397, %swap3A_398] {strides = array<i32>} : memref<4x4x128xi32, #tpu.memory_space<vmem>>, vector<1x1x16xi32>,
      %swap3A_400 = vector.shape_cast %swap3A_399 : vector<1x1x16xi32> to vector<16xi32>
      %swap3A_401 = vector.shape_cast %rem3A_394 : vector<16xi32> to vector<1x1x16xi32>
      tpu.vector_store %arg8[%swap3A_396, %swap3A_397, %swap3A_398], %swap3A_401 {strides = array<i32>} : memref<4x4x128xi32, #tpu.memory_space<vmem>>, vector<1x1x16xi32>,
      %scan3A_402 = arith.constant 0 : i32
      scf.yield %scan3A_402 : i32
    }
    %scan3A_99 = arith.constant 8 : i32
    %scan3A_100 = arith.constant 0 : i32
    %scan3A_101 = arith.constant 0 : i32
    %scan3A_102 = arith.constant 8 : i32
    %scan3A_103 = arith.addi %scan3A_101, %scan3A_102 : i32
    %scan3A_104 = arith.constant 1 : i32
    %scan3A_105 = scf.for %scan3A_383 = %scan3A_101 to %scan3A_103 step %scan3A_104 iter_args(%scan3A_384 = %scan3A_100) -> (i32)  : i32 {
      %mul3A_385 = arith.constant 16 : i32
      %mul3A_386 = arith.muli %scan3A_383, %mul3A_385 : i32
      %get3A = arith.constant 3 : i32
      %get3A_387 = arith.constant 2 : i32
      %get3A_388 = arith.index_cast %get3A : i32 to index
      %get3A_389 = arith.index_cast %get3A_387 : i32 to index
      %get3A_390 = arith.index_cast %mul3A_386 : i32 to index
      %get3A_391 = tpu.vector_load %arg8[%get3A_388, %get3A_389, %get3A_390] {strides = array<i32>} : memref<4x4x128xi32, #tpu.memory_space<vmem>>, vector<1x1x16xi32>,
      %get3A_392 = vector.shape_cast %get3A_391 : vector<1x1x16xi32> to vector<16xi32>
      %rem3A = arith.constant 100000 : i32
      %rem3A_393 = vector.broadcast %rem3A : i32 to vector<16xi32>
      %rem3A_394 = arith.remsi %get3A_392, %rem3A_393 : vector<16xi32>
      %swap3A = arith.constant 3 : i32
      %swap3A_395 = arith.constant 2 : i32
      %swap3A_396 = arith.index_cast %swap3A : i32 to index
      %swap3A_397 = arith.index_cast %swap3A_395 : i32 to index
      %swap3A_398 = arith.index_cast %mul3A_386 : i32 to index
      %swap3A_399 = tpu.vector_load %arg8[%swap3A_396, %swap3A_397, %swap3A_398] {strides = array<i32>} : memref<4x4x128xi32, #tpu.memory_space<vmem>>, vector<1x1x16xi32>,
      %swap3A_400 = vector.shape_cast %swap3A_399 : vector<1x1x16xi32> to vector<16xi32>
      %swap3A_401 = vector.shape_cast %rem3A_394 : vector<16xi32> to vector<1x1x16xi32>
      tpu.vector_store %arg8[%swap3A_396, %swap3A_397, %swap3A_398], %swap3A_401 {strides = array<i32>} : memref<4x4x128xi32, #tpu.memory_space<vmem>>, vector<1x1x16xi32>,
      %scan3A_402 = arith.constant 0 : i32
      scf.yield %scan3A_402 : i32
    }
    %scan3A_106 = arith.constant 8 : i32
    %scan3A_107 = arith.constant 0 : i32
    %scan3A_108 = arith.constant 0 : i32
    %scan3A_109 = arith.constant 8 : i32
    %scan3A_110 = arith.addi %scan3A_108, %scan3A_109 : i32
    %scan3A_111 = arith.constant 1 : i32
    %scan3A_112 = scf.for %scan3A_383 = %scan3A_108 to %scan3A_110 step %scan3A_111 iter_args(%scan3A_384 = %scan3A_107) -> (i32)  : i32 {
      %mul3A_385 = arith.constant 16 : i32
      %mul3A_386 = arith.muli %scan3A_383, %mul3A_385 : i32
      %get3A = arith.constant 3 : i32
      %get3A_387 = arith.constant 3 : i32
      %get3A_388 = arith.index_cast %get3A : i32 to index
      %get3A_389 = arith.index_cast %get3A_387 : i32 to index
      %get3A_390 = arith.index_cast %mul3A_386 : i32 to index
      %get3A_391 = tpu.vector_load %arg8[%get3A_388, %get3A_389, %get3A_390] {strides = array<i32>} : memref<4x4x128xi32, #tpu.memory_space<vmem>>, vector<1x1x16xi32>,
      %get3A_392 = vector.shape_cast %get3A_391 : vector<1x1x16xi32> to vector<16xi32>
      %rem3A = arith.constant 100000 : i32
      %rem3A_393 = vector.broadcast %rem3A : i32 to vector<16xi32>
      %rem3A_394 = arith.remsi %get3A_392, %rem3A_393 : vector<16xi32>
      %swap3A = arith.constant 3 : i32
      %swap3A_395 = arith.constant 3 : i32
      %swap3A_396 = arith.index_cast %swap3A : i32 to index
      %swap3A_397 = arith.index_cast %swap3A_395 : i32 to index
      %swap3A_398 = arith.index_cast %mul3A_386 : i32 to index
      %swap3A_399 = tpu.vector_load %arg8[%swap3A_396, %swap3A_397, %swap3A_398] {strides = array<i32>} : memref<4x4x128xi32, #tpu.memory_space<vmem>>, vector<1x1x16xi32>,
      %swap3A_400 = vector.shape_cast %swap3A_399 : vector<1x1x16xi32> to vector<16xi32>
      %swap3A_401 = vector.shape_cast %rem3A_394 : vector<16xi32> to vector<1x1x16xi32>
      tpu.vector_store %arg8[%swap3A_396, %swap3A_397, %swap3A_398], %swap3A_401 {strides = array<i32>} : memref<4x4x128xi32, #tpu.memory_space<vmem>>, vector<1x1x16xi32>,
      %scan3A_402 = arith.constant 0 : i32
      scf.yield %scan3A_402 : i32
    }
    %scan3A_113 = arith.constant 8 : i32
    %dma_start3A = arith.constant 0 : i32
    %dma_start3A_114 = arith.constant 0 : i32
    %dma_start3A_115 = arith.constant 0 : i32
    %dma_start3A_116 = arith.constant 0 : i32
    %dma_start3A_117 = arith.constant 0 : i32
    %dma_start3A_118 = tpu.memref_slice %arg9[%dma_start3A_115, %dma_start3A_116, %dma_start3A_117] : memref<4x512x32xf32, #tpu.memory_space<vmem>> -> memref<1x128x32xf32, #tpu.memory_space<vmem>>
    %dma_start3A_119 = tpu.memref_squeeze %dma_start3A_118 : memref<1x128x32xf32, #tpu.memory_space<vmem>> -> memref<128x32xf32, #tpu.memory_space<vmem>>
    %dma_start3A_120 = arith.constant 0 : i32
    %dma_start3A_121 = tpu.memref_slice %arg8[%dma_start3A, %dma_start3A_114, %dma_start3A_120] : memref<4x4x128xi32, #tpu.memory_space<vmem>> -> memref<1x1x128xi32, #tpu.memory_space<vmem>>
    %dma_start3A_122 = tpu.memref_squeeze %dma_start3A_121 : memref<1x1x128xi32, #tpu.memory_space<vmem>> -> memref<128xi32, #tpu.memory_space<vmem>>
    %dma_start3A_123 = arith.constant 0 : i32
    %dma_start3A_124 = arith.constant 0 : i32
    %dma_start3A_125 = tpu.memref_slice %arg3[%dma_start3A_123, %dma_start3A_124] : memref<1000000x32xf32, #tpu.memory_space<hbm>> -> memref<1000000x32xf32, #tpu.memory_space<hbm>>
    tpu.enqueue_indirect_dma source(%dma_start3A_125 : memref<1000000x32xf32, #tpu.memory_space<hbm>>) target(%dma_start3A_119 : memref<128x32xf32, #tpu.memory_space<vmem>>) offsets(%dma_start3A_122 : memref<128xi32, #tpu.memory_space<vmem>>) semaphore(%arg10 : memref<!tpu.dma_semaphore, #tpu.memory_space<semaphore_mem>>)
    %dma_start3A_126 = arith.constant 0 : i32
    %dma_start3A_127 = arith.constant 1 : i32
    %dma_start3A_128 = arith.constant 0 : i32
    %dma_start3A_129 = arith.constant 128 : i32
    %dma_start3A_130 = arith.constant 0 : i32
    %dma_start3A_131 = tpu.memref_slice %arg9[%dma_start3A_128, %dma_start3A_129, %dma_start3A_130] : memref<4x512x32xf32, #tpu.memory_space<vmem>> -> memref<1x128x32xf32, #tpu.memory_space<vmem>>
    %dma_start3A_132 = tpu.memref_squeeze %dma_start3A_131 : memref<1x128x32xf32, #tpu.memory_space<vmem>> -> memref<128x32xf32, #tpu.memory_space<vmem>>
    %dma_start3A_133 = arith.constant 0 : i32
    %dma_start3A_134 = tpu.memref_slice %arg8[%dma_start3A_126, %dma_start3A_127, %dma_start3A_133] : memref<4x4x128xi32, #tpu.memory_space<vmem>> -> memref<1x1x128xi32, #tpu.memory_space<vmem>>
    %dma_start3A_135 = tpu.memref_squeeze %dma_start3A_134 : memref<1x1x128xi32, #tpu.memory_space<vmem>> -> memref<128xi32, #tpu.memory_space<vmem>>
    %dma_start3A_136 = arith.constant 0 : i32
    %dma_start3A_137 = arith.constant 0 : i32
    %dma_start3A_138 = tpu.memref_slice %arg3[%dma_start3A_136, %dma_start3A_137] : memref<1000000x32xf32, #tpu.memory_space<hbm>> -> memref<1000000x32xf32, #tpu.memory_space<hbm>>
    tpu.enqueue_indirect_dma source(%dma_start3A_138 : memref<1000000x32xf32, #tpu.memory_space<hbm>>) target(%dma_start3A_132 : memref<128x32xf32, #tpu.memory_space<vmem>>) offsets(%dma_start3A_135 : memref<128xi32, #tpu.memory_space<vmem>>) semaphore(%arg10 : memref<!tpu.dma_semaphore, #tpu.memory_space<semaphore_mem>>)
    %dma_start3A_139 = arith.constant 0 : i32
    %dma_start3A_140 = arith.constant 2 : i32
    %dma_start3A_141 = arith.constant 0 : i32
    %dma_start3A_142 = arith.constant 256 : i32
    %dma_start3A_143 = arith.constant 0 : i32
    %dma_start3A_144 = tpu.memref_slice %arg9[%dma_start3A_141, %dma_start3A_142, %dma_start3A_143] : memref<4x512x32xf32, #tpu.memory_space<vmem>> -> memref<1x128x32xf32, #tpu.memory_space<vmem>>
    %dma_start3A_145 = tpu.memref_squeeze %dma_start3A_144 : memref<1x128x32xf32, #tpu.memory_space<vmem>> -> memref<128x32xf32, #tpu.memory_space<vmem>>
    %dma_start3A_146 = arith.constant 0 : i32
    %dma_start3A_147 = tpu.memref_slice %arg8[%dma_start3A_139, %dma_start3A_140, %dma_start3A_146] : memref<4x4x128xi32, #tpu.memory_space<vmem>> -> memref<1x1x128xi32, #tpu.memory_space<vmem>>
    %dma_start3A_148 = tpu.memref_squeeze %dma_start3A_147 : memref<1x1x128xi32, #tpu.memory_space<vmem>> -> memref<128xi32, #tpu.memory_space<vmem>>
    %dma_start3A_149 = arith.constant 0 : i32
    %dma_start3A_150 = arith.constant 0 : i32
    %dma_start3A_151 = tpu.memref_slice %arg3[%dma_start3A_149, %dma_start3A_150] : memref<1000000x32xf32, #tpu.memory_space<hbm>> -> memref<1000000x32xf32, #tpu.memory_space<hbm>>
    tpu.enqueue_indirect_dma source(%dma_start3A_151 : memref<1000000x32xf32, #tpu.memory_space<hbm>>) target(%dma_start3A_145 : memref<128x32xf32, #tpu.memory_space<vmem>>) offsets(%dma_start3A_148 : memref<128xi32, #tpu.memory_space<vmem>>) semaphore(%arg10 : memref<!tpu.dma_semaphore, #tpu.memory_space<semaphore_mem>>)
    %dma_start3A_152 = arith.constant 0 : i32
    %dma_start3A_153 = arith.constant 3 : i32
    %dma_start3A_154 = arith.constant 0 : i32
    %dma_start3A_155 = arith.constant 384 : i32
    %dma_start3A_156 = arith.constant 0 : i32
    %dma_start3A_157 = tpu.memref_slice %arg9[%dma_start3A_154, %dma_start3A_155, %dma_start3A_156] : memref<4x512x32xf32, #tpu.memory_space<vmem>> -> memref<1x128x32xf32, #tpu.memory_space<vmem>>
    %dma_start3A_158 = tpu.memref_squeeze %dma_start3A_157 : memref<1x128x32xf32, #tpu.memory_space<vmem>> -> memref<128x32xf32, #tpu.memory_space<vmem>>
    %dma_start3A_159 = arith.constant 0 : i32
    %dma_start3A_160 = tpu.memref_slice %arg8[%dma_start3A_152, %dma_start3A_153, %dma_start3A_159] : memref<4x4x128xi32, #tpu.memory_space<vmem>> -> memref<1x1x128xi32, #tpu.memory_space<vmem>>
    %dma_start3A_161 = tpu.memref_squeeze %dma_start3A_160 : memref<1x1x128xi32, #tpu.memory_space<vmem>> -> memref<128xi32, #tpu.memory_space<vmem>>
    %dma_start3A_162 = arith.constant 0 : i32
    %dma_start3A_163 = arith.constant 0 : i32
    %dma_start3A_164 = tpu.memref_slice %arg3[%dma_start3A_162, %dma_start3A_163] : memref<1000000x32xf32, #tpu.memory_space<hbm>> -> memref<1000000x32xf32, #tpu.memory_space<hbm>>
    tpu.enqueue_indirect_dma source(%dma_start3A_164 : memref<1000000x32xf32, #tpu.memory_space<hbm>>) target(%dma_start3A_158 : memref<128x32xf32, #tpu.memory_space<vmem>>) offsets(%dma_start3A_161 : memref<128xi32, #tpu.memory_space<vmem>>) semaphore(%arg10 : memref<!tpu.dma_semaphore, #tpu.memory_space<semaphore_mem>>)
    %dma_start3A_165 = arith.constant 1 : i32
    %dma_start3A_166 = arith.constant 0 : i32
    %dma_start3A_167 = arith.constant 1 : i32
    %dma_start3A_168 = arith.constant 0 : i32
    %dma_start3A_169 = arith.constant 0 : i32
    %dma_start3A_170 = tpu.memref_slice %arg9[%dma_start3A_167, %dma_start3A_168, %dma_start3A_169] : memref<4x512x32xf32, #tpu.memory_space<vmem>> -> memref<1x128x32xf32, #tpu.memory_space<vmem>>
    %dma_start3A_171 = tpu.memref_squeeze %dma_start3A_170 : memref<1x128x32xf32, #tpu.memory_space<vmem>> -> memref<128x32xf32, #tpu.memory_space<vmem>>
    %dma_start3A_172 = arith.constant 0 : i32
    %dma_start3A_173 = tpu.memref_slice %arg8[%dma_start3A_165, %dma_start3A_166, %dma_start3A_172] : memref<4x4x128xi32, #tpu.memory_space<vmem>> -> memref<1x1x128xi32, #tpu.memory_space<vmem>>
    %dma_start3A_174 = tpu.memref_squeeze %dma_start3A_173 : memref<1x1x128xi32, #tpu.memory_space<vmem>> -> memref<128xi32, #tpu.memory_space<vmem>>
    %dma_start3A_175 = arith.constant 0 : i32
    %dma_start3A_176 = arith.constant 0 : i32
    %dma_start3A_177 = tpu.memref_slice %arg4[%dma_start3A_175, %dma_start3A_176] : memref<100000x32xf32, #tpu.memory_space<hbm>> -> memref<100000x32xf32, #tpu.memory_space<hbm>>
    tpu.enqueue_indirect_dma source(%dma_start3A_177 : memref<100000x32xf32, #tpu.memory_space<hbm>>) target(%dma_start3A_171 : memref<128x32xf32, #tpu.memory_space<vmem>>) offsets(%dma_start3A_174 : memref<128xi32, #tpu.memory_space<vmem>>) semaphore(%arg10 : memref<!tpu.dma_semaphore, #tpu.memory_space<semaphore_mem>>)
    %dma_start3A_178 = arith.constant 1 : i32
    %dma_start3A_179 = arith.constant 1 : i32
    %dma_start3A_180 = arith.constant 1 : i32
    %dma_start3A_181 = arith.constant 128 : i32
    %dma_start3A_182 = arith.constant 0 : i32
    %dma_start3A_183 = tpu.memref_slice %arg9[%dma_start3A_180, %dma_start3A_181, %dma_start3A_182] : memref<4x512x32xf32, #tpu.memory_space<vmem>> -> memref<1x128x32xf32, #tpu.memory_space<vmem>>
    %dma_start3A_184 = tpu.memref_squeeze %dma_start3A_183 : memref<1x128x32xf32, #tpu.memory_space<vmem>> -> memref<128x32xf32, #tpu.memory_space<vmem>>
    %dma_start3A_185 = arith.constant 0 : i32
    %dma_start3A_186 = tpu.memref_slice %arg8[%dma_start3A_178, %dma_start3A_179, %dma_start3A_185] : memref<4x4x128xi32, #tpu.memory_space<vmem>> -> memref<1x1x128xi32, #tpu.memory_space<vmem>>
    %dma_start3A_187 = tpu.memref_squeeze %dma_start3A_186 : memref<1x1x128xi32, #tpu.memory_space<vmem>> -> memref<128xi32, #tpu.memory_space<vmem>>
    %dma_start3A_188 = arith.constant 0 : i32
    %dma_start3A_189 = arith.constant 0 : i32
    %dma_start3A_190 = tpu.memref_slice %arg4[%dma_start3A_188, %dma_start3A_189] : memref<100000x32xf32, #tpu.memory_space<hbm>> -> memref<100000x32xf32, #tpu.memory_space<hbm>>
    tpu.enqueue_indirect_dma source(%dma_start3A_190 : memref<100000x32xf32, #tpu.memory_space<hbm>>) target(%dma_start3A_184 : memref<128x32xf32, #tpu.memory_space<vmem>>) offsets(%dma_start3A_187 : memref<128xi32, #tpu.memory_space<vmem>>) semaphore(%arg10 : memref<!tpu.dma_semaphore, #tpu.memory_space<semaphore_mem>>)
    %dma_start3A_191 = arith.constant 1 : i32
    %dma_start3A_192 = arith.constant 2 : i32
    %dma_start3A_193 = arith.constant 1 : i32
    %dma_start3A_194 = arith.constant 256 : i32
    %dma_start3A_195 = arith.constant 0 : i32
    %dma_start3A_196 = tpu.memref_slice %arg9[%dma_start3A_193, %dma_start3A_194, %dma_start3A_195] : memref<4x512x32xf32, #tpu.memory_space<vmem>> -> memref<1x128x32xf32, #tpu.memory_space<vmem>>
    %dma_start3A_197 = tpu.memref_squeeze %dma_start3A_196 : memref<1x128x32xf32, #tpu.memory_space<vmem>> -> memref<128x32xf32, #tpu.memory_space<vmem>>
    %dma_start3A_198 = arith.constant 0 : i32
    %dma_start3A_199 = tpu.memref_slice %arg8[%dma_start3A_191, %dma_start3A_192, %dma_start3A_198] : memref<4x4x128xi32, #tpu.memory_space<vmem>> -> memref<1x1x128xi32, #tpu.memory_space<vmem>>
    %dma_start3A_200 = tpu.memref_squeeze %dma_start3A_199 : memref<1x1x128xi32, #tpu.memory_space<vmem>> -> memref<128xi32, #tpu.memory_space<vmem>>
    %dma_start3A_201 = arith.constant 0 : i32
    %dma_start3A_202 = arith.constant 0 : i32
    %dma_start3A_203 = tpu.memref_slice %arg4[%dma_start3A_201, %dma_start3A_202] : memref<100000x32xf32, #tpu.memory_space<hbm>> -> memref<100000x32xf32, #tpu.memory_space<hbm>>
    tpu.enqueue_indirect_dma source(%dma_start3A_203 : memref<100000x32xf32, #tpu.memory_space<hbm>>) target(%dma_start3A_197 : memref<128x32xf32, #tpu.memory_space<vmem>>) offsets(%dma_start3A_200 : memref<128xi32, #tpu.memory_space<vmem>>) semaphore(%arg10 : memref<!tpu.dma_semaphore, #tpu.memory_space<semaphore_mem>>)
    %dma_start3A_204 = arith.constant 1 : i32
    %dma_start3A_205 = arith.constant 3 : i32
    %dma_start3A_206 = arith.constant 1 : i32
    %dma_start3A_207 = arith.constant 384 : i32
    %dma_start3A_208 = arith.constant 0 : i32
    %dma_start3A_209 = tpu.memref_slice %arg9[%dma_start3A_206, %dma_start3A_207, %dma_start3A_208] : memref<4x512x32xf32, #tpu.memory_space<vmem>> -> memref<1x128x32xf32, #tpu.memory_space<vmem>>
    %dma_start3A_210 = tpu.memref_squeeze %dma_start3A_209 : memref<1x128x32xf32, #tpu.memory_space<vmem>> -> memref<128x32xf32, #tpu.memory_space<vmem>>
    %dma_start3A_211 = arith.constant 0 : i32
    %dma_start3A_212 = tpu.memref_slice %arg8[%dma_start3A_204, %dma_start3A_205, %dma_start3A_211] : memref<4x4x128xi32, #tpu.memory_space<vmem>> -> memref<1x1x128xi32, #tpu.memory_space<vmem>>
    %dma_start3A_213 = tpu.memref_squeeze %dma_start3A_212 : memref<1x1x128xi32, #tpu.memory_space<vmem>> -> memref<128xi32, #tpu.memory_space<vmem>>
    %dma_start3A_214 = arith.constant 0 : i32
    %dma_start3A_215 = arith.constant 0 : i32
    %dma_start3A_216 = tpu.memref_slice %arg4[%dma_start3A_214, %dma_start3A_215] : memref<100000x32xf32, #tpu.memory_space<hbm>> -> memref<100000x32xf32, #tpu.memory_space<hbm>>
    tpu.enqueue_indirect_dma source(%dma_start3A_216 : memref<100000x32xf32, #tpu.memory_space<hbm>>) target(%dma_start3A_210 : memref<128x32xf32, #tpu.memory_space<vmem>>) offsets(%dma_start3A_213 : memref<128xi32, #tpu.memory_space<vmem>>) semaphore(%arg10 : memref<!tpu.dma_semaphore, #tpu.memory_space<semaphore_mem>>)
    %dma_start3A_217 = arith.constant 2 : i32
    %dma_start3A_218 = arith.constant 0 : i32
    %dma_start3A_219 = arith.constant 2 : i32
    %dma_start3A_220 = arith.constant 0 : i32
    %dma_start3A_221 = arith.constant 0 : i32
    %dma_start3A_222 = tpu.memref_slice %arg9[%dma_start3A_219, %dma_start3A_220, %dma_start3A_221] : memref<4x512x32xf32, #tpu.memory_space<vmem>> -> memref<1x128x32xf32, #tpu.memory_space<vmem>>
    %dma_start3A_223 = tpu.memref_squeeze %dma_start3A_222 : memref<1x128x32xf32, #tpu.memory_space<vmem>> -> memref<128x32xf32, #tpu.memory_space<vmem>>
    %dma_start3A_224 = arith.constant 0 : i32
    %dma_start3A_225 = tpu.memref_slice %arg8[%dma_start3A_217, %dma_start3A_218, %dma_start3A_224] : memref<4x4x128xi32, #tpu.memory_space<vmem>> -> memref<1x1x128xi32, #tpu.memory_space<vmem>>
    %dma_start3A_226 = tpu.memref_squeeze %dma_start3A_225 : memref<1x1x128xi32, #tpu.memory_space<vmem>> -> memref<128xi32, #tpu.memory_space<vmem>>
    %dma_start3A_227 = arith.constant 0 : i32
    %dma_start3A_228 = arith.constant 0 : i32
    %dma_start3A_229 = tpu.memref_slice %arg5[%dma_start3A_227, %dma_start3A_228] : memref<1000x32xf32, #tpu.memory_space<hbm>> -> memref<1000x32xf32, #tpu.memory_space<hbm>>
    tpu.enqueue_indirect_dma source(%dma_start3A_229 : memref<1000x32xf32, #tpu.memory_space<hbm>>) target(%dma_start3A_223 : memref<128x32xf32, #tpu.memory_space<vmem>>) offsets(%dma_start3A_226 : memref<128xi32, #tpu.memory_space<vmem>>) semaphore(%arg10 : memref<!tpu.dma_semaphore, #tpu.memory_space<semaphore_mem>>)
    %dma_start3A_230 = arith.constant 2 : i32
    %dma_start3A_231 = arith.constant 1 : i32
    %dma_start3A_232 = arith.constant 2 : i32
    %dma_start3A_233 = arith.constant 128 : i32
    %dma_start3A_234 = arith.constant 0 : i32
    %dma_start3A_235 = tpu.memref_slice %arg9[%dma_start3A_232, %dma_start3A_233, %dma_start3A_234] : memref<4x512x32xf32, #tpu.memory_space<vmem>> -> memref<1x128x32xf32, #tpu.memory_space<vmem>>
    %dma_start3A_236 = tpu.memref_squeeze %dma_start3A_235 : memref<1x128x32xf32, #tpu.memory_space<vmem>> -> memref<128x32xf32, #tpu.memory_space<vmem>>
    %dma_start3A_237 = arith.constant 0 : i32
    %dma_start3A_238 = tpu.memref_slice %arg8[%dma_start3A_230, %dma_start3A_231, %dma_start3A_237] : memref<4x4x128xi32, #tpu.memory_space<vmem>> -> memref<1x1x128xi32, #tpu.memory_space<vmem>>
    %dma_start3A_239 = tpu.memref_squeeze %dma_start3A_238 : memref<1x1x128xi32, #tpu.memory_space<vmem>> -> memref<128xi32, #tpu.memory_space<vmem>>
    %dma_start3A_240 = arith.constant 0 : i32
    %dma_start3A_241 = arith.constant 0 : i32
    %dma_start3A_242 = tpu.memref_slice %arg5[%dma_start3A_240, %dma_start3A_241] : memref<1000x32xf32, #tpu.memory_space<hbm>> -> memref<1000x32xf32, #tpu.memory_space<hbm>>
    tpu.enqueue_indirect_dma source(%dma_start3A_242 : memref<1000x32xf32, #tpu.memory_space<hbm>>) target(%dma_start3A_236 : memref<128x32xf32, #tpu.memory_space<vmem>>) offsets(%dma_start3A_239 : memref<128xi32, #tpu.memory_space<vmem>>) semaphore(%arg10 : memref<!tpu.dma_semaphore, #tpu.memory_space<semaphore_mem>>)
    %dma_start3A_243 = arith.constant 2 : i32
    %dma_start3A_244 = arith.constant 2 : i32
    %dma_start3A_245 = arith.constant 2 : i32
    %dma_start3A_246 = arith.constant 256 : i32
    %dma_start3A_247 = arith.constant 0 : i32
    %dma_start3A_248 = tpu.memref_slice %arg9[%dma_start3A_245, %dma_start3A_246, %dma_start3A_247] : memref<4x512x32xf32, #tpu.memory_space<vmem>> -> memref<1x128x32xf32, #tpu.memory_space<vmem>>
    %dma_start3A_249 = tpu.memref_squeeze %dma_start3A_248 : memref<1x128x32xf32, #tpu.memory_space<vmem>> -> memref<128x32xf32, #tpu.memory_space<vmem>>
    %dma_start3A_250 = arith.constant 0 : i32
    %dma_start3A_251 = tpu.memref_slice %arg8[%dma_start3A_243, %dma_start3A_244, %dma_start3A_250] : memref<4x4x128xi32, #tpu.memory_space<vmem>> -> memref<1x1x128xi32, #tpu.memory_space<vmem>>
    %dma_start3A_252 = tpu.memref_squeeze %dma_start3A_251 : memref<1x1x128xi32, #tpu.memory_space<vmem>> -> memref<128xi32, #tpu.memory_space<vmem>>
    %dma_start3A_253 = arith.constant 0 : i32
    %dma_start3A_254 = arith.constant 0 : i32
    %dma_start3A_255 = tpu.memref_slice %arg5[%dma_start3A_253, %dma_start3A_254] : memref<1000x32xf32, #tpu.memory_space<hbm>> -> memref<1000x32xf32, #tpu.memory_space<hbm>>
    tpu.enqueue_indirect_dma source(%dma_start3A_255 : memref<1000x32xf32, #tpu.memory_space<hbm>>) target(%dma_start3A_249 : memref<128x32xf32, #tpu.memory_space<vmem>>) offsets(%dma_start3A_252 : memref<128xi32, #tpu.memory_space<vmem>>) semaphore(%arg10 : memref<!tpu.dma_semaphore, #tpu.memory_space<semaphore_mem>>)
    %dma_start3A_256 = arith.constant 2 : i32
    %dma_start3A_257 = arith.constant 3 : i32
    %dma_start3A_258 = arith.constant 2 : i32
    %dma_start3A_259 = arith.constant 384 : i32
    %dma_start3A_260 = arith.constant 0 : i32
    %dma_start3A_261 = tpu.memref_slice %arg9[%dma_start3A_258, %dma_start3A_259, %dma_start3A_260] : memref<4x512x32xf32, #tpu.memory_space<vmem>> -> memref<1x128x32xf32, #tpu.memory_space<vmem>>
    %dma_start3A_262 = tpu.memref_squeeze %dma_start3A_261 : memref<1x128x32xf32, #tpu.memory_space<vmem>> -> memref<128x32xf32, #tpu.memory_space<vmem>>
    %dma_start3A_263 = arith.constant 0 : i32
    %dma_start3A_264 = tpu.memref_slice %arg8[%dma_start3A_256, %dma_start3A_257, %dma_start3A_263] : memref<4x4x128xi32, #tpu.memory_space<vmem>> -> memref<1x1x128xi32, #tpu.memory_space<vmem>>
    %dma_start3A_265 = tpu.memref_squeeze %dma_start3A_264 : memref<1x1x128xi32, #tpu.memory_space<vmem>> -> memref<128xi32, #tpu.memory_space<vmem>>
    %dma_start3A_266 = arith.constant 0 : i32
    %dma_start3A_267 = arith.constant 0 : i32
    %dma_start3A_268 = tpu.memref_slice %arg5[%dma_start3A_266, %dma_start3A_267] : memref<1000x32xf32, #tpu.memory_space<hbm>> -> memref<1000x32xf32, #tpu.memory_space<hbm>>
    tpu.enqueue_indirect_dma source(%dma_start3A_268 : memref<1000x32xf32, #tpu.memory_space<hbm>>) target(%dma_start3A_262 : memref<128x32xf32, #tpu.memory_space<vmem>>) offsets(%dma_start3A_265 : memref<128xi32, #tpu.memory_space<vmem>>) semaphore(%arg10 : memref<!tpu.dma_semaphore, #tpu.memory_space<semaphore_mem>>)
    %dma_start3A_269 = arith.constant 3 : i32
    %dma_start3A_270 = arith.constant 0 : i32
    %dma_start3A_271 = arith.constant 3 : i32
    %dma_start3A_272 = arith.constant 0 : i32
    %dma_start3A_273 = arith.constant 0 : i32
    %dma_start3A_274 = tpu.memref_slice %arg9[%dma_start3A_271, %dma_start3A_272, %dma_start3A_273] : memref<4x512x32xf32, #tpu.memory_space<vmem>> -> memref<1x128x32xf32, #tpu.memory_space<vmem>>
    %dma_start3A_275 = tpu.memref_squeeze %dma_start3A_274 : memref<1x128x32xf32, #tpu.memory_space<vmem>> -> memref<128x32xf32, #tpu.memory_space<vmem>>
    %dma_start3A_276 = arith.constant 0 : i32
    %dma_start3A_277 = tpu.memref_slice %arg8[%dma_start3A_269, %dma_start3A_270, %dma_start3A_276] : memref<4x4x128xi32, #tpu.memory_space<vmem>> -> memref<1x1x128xi32, #tpu.memory_space<vmem>>
    %dma_start3A_278 = tpu.memref_squeeze %dma_start3A_277 : memref<1x1x128xi32, #tpu.memory_space<vmem>> -> memref<128xi32, #tpu.memory_space<vmem>>
    %dma_start3A_279 = arith.constant 0 : i32
    %dma_start3A_280 = arith.constant 0 : i32
    %dma_start3A_281 = tpu.memref_slice %arg6[%dma_start3A_279, %dma_start3A_280] : memref<100000x32xf32, #tpu.memory_space<hbm>> -> memref<100000x32xf32, #tpu.memory_space<hbm>>
    tpu.enqueue_indirect_dma source(%dma_start3A_281 : memref<100000x32xf32, #tpu.memory_space<hbm>>) target(%dma_start3A_275 : memref<128x32xf32, #tpu.memory_space<vmem>>) offsets(%dma_start3A_278 : memref<128xi32, #tpu.memory_space<vmem>>) semaphore(%arg10 : memref<!tpu.dma_semaphore, #tpu.memory_space<semaphore_mem>>)
    %dma_start3A_282 = arith.constant 3 : i32
    %dma_start3A_283 = arith.constant 1 : i32
    %dma_start3A_284 = arith.constant 3 : i32
    %dma_start3A_285 = arith.constant 128 : i32
    %dma_start3A_286 = arith.constant 0 : i32
    %dma_start3A_287 = tpu.memref_slice %arg9[%dma_start3A_284, %dma_start3A_285, %dma_start3A_286] : memref<4x512x32xf32, #tpu.memory_space<vmem>> -> memref<1x128x32xf32, #tpu.memory_space<vmem>>
    %dma_start3A_288 = tpu.memref_squeeze %dma_start3A_287 : memref<1x128x32xf32, #tpu.memory_space<vmem>> -> memref<128x32xf32, #tpu.memory_space<vmem>>
    %dma_start3A_289 = arith.constant 0 : i32
    %dma_start3A_290 = tpu.memref_slice %arg8[%dma_start3A_282, %dma_start3A_283, %dma_start3A_289] : memref<4x4x128xi32, #tpu.memory_space<vmem>> -> memref<1x1x128xi32, #tpu.memory_space<vmem>>
    %dma_start3A_291 = tpu.memref_squeeze %dma_start3A_290 : memref<1x1x128xi32, #tpu.memory_space<vmem>> -> memref<128xi32, #tpu.memory_space<vmem>>
    %dma_start3A_292 = arith.constant 0 : i32
    %dma_start3A_293 = arith.constant 0 : i32
    %dma_start3A_294 = tpu.memref_slice %arg6[%dma_start3A_292, %dma_start3A_293] : memref<100000x32xf32, #tpu.memory_space<hbm>> -> memref<100000x32xf32, #tpu.memory_space<hbm>>
    tpu.enqueue_indirect_dma source(%dma_start3A_294 : memref<100000x32xf32, #tpu.memory_space<hbm>>) target(%dma_start3A_288 : memref<128x32xf32, #tpu.memory_space<vmem>>) offsets(%dma_start3A_291 : memref<128xi32, #tpu.memory_space<vmem>>) semaphore(%arg10 : memref<!tpu.dma_semaphore, #tpu.memory_space<semaphore_mem>>)
    %dma_start3A_295 = arith.constant 3 : i32
    %dma_start3A_296 = arith.constant 2 : i32
    %dma_start3A_297 = arith.constant 3 : i32
    %dma_start3A_298 = arith.constant 256 : i32
    %dma_start3A_299 = arith.constant 0 : i32
    %dma_start3A_300 = tpu.memref_slice %arg9[%dma_start3A_297, %dma_start3A_298, %dma_start3A_299] : memref<4x512x32xf32, #tpu.memory_space<vmem>> -> memref<1x128x32xf32, #tpu.memory_space<vmem>>
    %dma_start3A_301 = tpu.memref_squeeze %dma_start3A_300 : memref<1x128x32xf32, #tpu.memory_space<vmem>> -> memref<128x32xf32, #tpu.memory_space<vmem>>
    %dma_start3A_302 = arith.constant 0 : i32
    %dma_start3A_303 = tpu.memref_slice %arg8[%dma_start3A_295, %dma_start3A_296, %dma_start3A_302] : memref<4x4x128xi32, #tpu.memory_space<vmem>> -> memref<1x1x128xi32, #tpu.memory_space<vmem>>
    %dma_start3A_304 = tpu.memref_squeeze %dma_start3A_303 : memref<1x1x128xi32, #tpu.memory_space<vmem>> -> memref<128xi32, #tpu.memory_space<vmem>>
    %dma_start3A_305 = arith.constant 0 : i32
    %dma_start3A_306 = arith.constant 0 : i32
    %dma_start3A_307 = tpu.memref_slice %arg6[%dma_start3A_305, %dma_start3A_306] : memref<100000x32xf32, #tpu.memory_space<hbm>> -> memref<100000x32xf32, #tpu.memory_space<hbm>>
    tpu.enqueue_indirect_dma source(%dma_start3A_307 : memref<100000x32xf32, #tpu.memory_space<hbm>>) target(%dma_start3A_301 : memref<128x32xf32, #tpu.memory_space<vmem>>) offsets(%dma_start3A_304 : memref<128xi32, #tpu.memory_space<vmem>>) semaphore(%arg10 : memref<!tpu.dma_semaphore, #tpu.memory_space<semaphore_mem>>)
    %dma_start3A_308 = arith.constant 3 : i32
    %dma_start3A_309 = arith.constant 3 : i32
    %dma_start3A_310 = arith.constant 3 : i32
    %dma_start3A_311 = arith.constant 384 : i32
    %dma_start3A_312 = arith.constant 0 : i32
    %dma_start3A_313 = tpu.memref_slice %arg9[%dma_start3A_310, %dma_start3A_311, %dma_start3A_312] : memref<4x512x32xf32, #tpu.memory_space<vmem>> -> memref<1x128x32xf32, #tpu.memory_space<vmem>>
    %dma_start3A_314 = tpu.memref_squeeze %dma_start3A_313 : memref<1x128x32xf32, #tpu.memory_space<vmem>> -> memref<128x32xf32, #tpu.memory_space<vmem>>
    %dma_start3A_315 = arith.constant 0 : i32
    %dma_start3A_316 = tpu.memref_slice %arg8[%dma_start3A_308, %dma_start3A_309, %dma_start3A_315] : memref<4x4x128xi32, #tpu.memory_space<vmem>> -> memref<1x1x128xi32, #tpu.memory_space<vmem>>
    %dma_start3A_317 = tpu.memref_squeeze %dma_start3A_316 : memref<1x1x128xi32, #tpu.memory_space<vmem>> -> memref<128xi32, #tpu.memory_space<vmem>>
    %dma_start3A_318 = arith.constant 0 : i32
    %dma_start3A_319 = arith.constant 0 : i32
    %dma_start3A_320 = tpu.memref_slice %arg6[%dma_start3A_318, %dma_start3A_319] : memref<100000x32xf32, #tpu.memory_space<hbm>> -> memref<100000x32xf32, #tpu.memory_space<hbm>>
    tpu.enqueue_indirect_dma source(%dma_start3A_320 : memref<100000x32xf32, #tpu.memory_space<hbm>>) target(%dma_start3A_314 : memref<128x32xf32, #tpu.memory_space<vmem>>) offsets(%dma_start3A_317 : memref<128xi32, #tpu.memory_space<vmem>>) semaphore(%arg10 : memref<!tpu.dma_semaphore, #tpu.memory_space<semaphore_mem>>)
    %dma_wait3A = arith.constant 0 : i32
    %dma_wait3A_321 = arith.constant 0 : i32
    %dma_wait3A_322 = arith.constant 0 : i32
    %dma_wait3A_323 = tpu.memref_slice %arg9[%dma_wait3A, %dma_wait3A_321, %dma_wait3A_322] : memref<4x512x32xf32, #tpu.memory_space<vmem>> -> memref<1x512x32xf32, #tpu.memory_space<vmem>>
    %dma_wait3A_324 = tpu.memref_squeeze %dma_wait3A_323 : memref<1x512x32xf32, #tpu.memory_space<vmem>> -> memref<512x32xf32, #tpu.memory_space<vmem>>
    %dma_wait3A_325 = arith.constant 0 : i32
    %dma_wait3A_326 = arith.constant 0 : i32
    %dma_wait3A_327 = tpu.memref_slice %arg3[%dma_wait3A_325, %dma_wait3A_326] : memref<1000000x32xf32, #tpu.memory_space<hbm>> -> memref<512x32xf32, #tpu.memory_space<hbm>>
    %dma_wait3A_328 = arith.constant 0 : i32
    %dma_wait3A_329 = arith.constant 0 : i32
    %dma_wait3A_330 = tpu.memref_slice %arg9[%dma_wait3A, %dma_wait3A_328, %dma_wait3A_329] : memref<4x512x32xf32, #tpu.memory_space<vmem>> -> memref<1x512x32xf32, #tpu.memory_space<vmem>>
    %dma_wait3A_331 = tpu.memref_squeeze %dma_wait3A_330 : memref<1x512x32xf32, #tpu.memory_space<vmem>> -> memref<512x32xf32, #tpu.memory_space<vmem>>
    %dma_wait3A_332 = arith.constant 0 : i32
    %dma_wait3A_333 = arith.constant 0 : i32
    %dma_wait3A_334 = tpu.memref_slice %arg3[%dma_wait3A_332, %dma_wait3A_333] : memref<1000000x32xf32, #tpu.memory_space<hbm>> -> memref<512x32xf32, #tpu.memory_space<hbm>>
    tpu.wait_dma2 semaphore(%arg10 : memref<!tpu.dma_semaphore, #tpu.memory_space<semaphore_mem>>) src(%dma_wait3A_334 : memref<512x32xf32, #tpu.memory_space<hbm>>) dst(%dma_wait3A_331 : memref<512x32xf32, #tpu.memory_space<vmem>>)
    %dma_wait3A_335 = arith.constant 1 : i32
    %dma_wait3A_336 = arith.constant 0 : i32
    %dma_wait3A_337 = arith.constant 0 : i32
    %dma_wait3A_338 = tpu.memref_slice %arg9[%dma_wait3A_335, %dma_wait3A_336, %dma_wait3A_337] : memref<4x512x32xf32, #tpu.memory_space<vmem>> -> memref<1x512x32xf32, #tpu.memory_space<vmem>>
    %dma_wait3A_339 = tpu.memref_squeeze %dma_wait3A_338 : memref<1x512x32xf32, #tpu.memory_space<vmem>> -> memref<512x32xf32, #tpu.memory_space<vmem>>
    %dma_wait3A_340 = arith.constant 0 : i32
    %dma_wait3A_341 = arith.constant 0 : i32
    %dma_wait3A_342 = tpu.memref_slice %arg4[%dma_wait3A_340, %dma_wait3A_341] : memref<100000x32xf32, #tpu.memory_space<hbm>> -> memref<512x32xf32, #tpu.memory_space<hbm>>
    %dma_wait3A_343 = arith.constant 0 : i32
    %dma_wait3A_344 = arith.constant 0 : i32
    %dma_wait3A_345 = tpu.memref_slice %arg9[%dma_wait3A_335, %dma_wait3A_343, %dma_wait3A_344] : memref<4x512x32xf32, #tpu.memory_space<vmem>> -> memref<1x512x32xf32, #tpu.memory_space<vmem>>
    %dma_wait3A_346 = tpu.memref_squeeze %dma_wait3A_345 : memref<1x512x32xf32, #tpu.memory_space<vmem>> -> memref<512x32xf32, #tpu.memory_space<vmem>>
    %dma_wait3A_347 = arith.constant 0 : i32
    %dma_wait3A_348 = arith.constant 0 : i32
    %dma_wait3A_349 = tpu.memref_slice %arg4[%dma_wait3A_347, %dma_wait3A_348] : memref<100000x32xf32, #tpu.memory_space<hbm>> -> memref<512x32xf32, #tpu.memory_space<hbm>>
    tpu.wait_dma2 semaphore(%arg10 : memref<!tpu.dma_semaphore, #tpu.memory_space<semaphore_mem>>) src(%dma_wait3A_349 : memref<512x32xf32, #tpu.memory_space<hbm>>) dst(%dma_wait3A_346 : memref<512x32xf32, #tpu.memory_space<vmem>>)
    %dma_wait3A_350 = arith.constant 2 : i32
    %dma_wait3A_351 = arith.constant 0 : i32
    %dma_wait3A_352 = arith.constant 0 : i32
    %dma_wait3A_353 = tpu.memref_slice %arg9[%dma_wait3A_350, %dma_wait3A_351, %dma_wait3A_352] : memref<4x512x32xf32, #tpu.memory_space<vmem>> -> memref<1x512x32xf32, #tpu.memory_space<vmem>>
    %dma_wait3A_354 = tpu.memref_squeeze %dma_wait3A_353 : memref<1x512x32xf32, #tpu.memory_space<vmem>> -> memref<512x32xf32, #tpu.memory_space<vmem>>
    %dma_wait3A_355 = arith.constant 0 : i32
    %dma_wait3A_356 = arith.constant 0 : i32
    %dma_wait3A_357 = tpu.memref_slice %arg5[%dma_wait3A_355, %dma_wait3A_356] : memref<1000x32xf32, #tpu.memory_space<hbm>> -> memref<512x32xf32, #tpu.memory_space<hbm>>
    %dma_wait3A_358 = arith.constant 0 : i32
    %dma_wait3A_359 = arith.constant 0 : i32
    %dma_wait3A_360 = tpu.memref_slice %arg9[%dma_wait3A_350, %dma_wait3A_358, %dma_wait3A_359] : memref<4x512x32xf32, #tpu.memory_space<vmem>> -> memref<1x512x32xf32, #tpu.memory_space<vmem>>
    %dma_wait3A_361 = tpu.memref_squeeze %dma_wait3A_360 : memref<1x512x32xf32, #tpu.memory_space<vmem>> -> memref<512x32xf32, #tpu.memory_space<vmem>>
    %dma_wait3A_362 = arith.constant 0 : i32
    %dma_wait3A_363 = arith.constant 0 : i32
    %dma_wait3A_364 = tpu.memref_slice %arg5[%dma_wait3A_362, %dma_wait3A_363] : memref<1000x32xf32, #tpu.memory_space<hbm>> -> memref<512x32xf32, #tpu.memory_space<hbm>>
    tpu.wait_dma2 semaphore(%arg10 : memref<!tpu.dma_semaphore, #tpu.memory_space<semaphore_mem>>) src(%dma_wait3A_364 : memref<512x32xf32, #tpu.memory_space<hbm>>) dst(%dma_wait3A_361 : memref<512x32xf32, #tpu.memory_space<vmem>>)
    %dma_wait3A_365 = arith.constant 3 : i32
    %dma_wait3A_366 = arith.constant 0 : i32
    %dma_wait3A_367 = arith.constant 0 : i32
    %dma_wait3A_368 = tpu.memref_slice %arg9[%dma_wait3A_365, %dma_wait3A_366, %dma_wait3A_367] : memref<4x512x32xf32, #tpu.memory_space<vmem>> -> memref<1x512x32xf32, #tpu.memory_space<vmem>>
    %dma_wait3A_369 = tpu.memref_squeeze %dma_wait3A_368 : memref<1x512x32xf32, #tpu.memory_space<vmem>> -> memref<512x32xf32, #tpu.memory_space<vmem>>
    %dma_wait3A_370 = arith.constant 0 : i32
    %dma_wait3A_371 = arith.constant 0 : i32
    %dma_wait3A_372 = tpu.memref_slice %arg6[%dma_wait3A_370, %dma_wait3A_371] : memref<100000x32xf32, #tpu.memory_space<hbm>> -> memref<512x32xf32, #tpu.memory_space<hbm>>
    %dma_wait3A_373 = arith.constant 0 : i32
    %dma_wait3A_374 = arith.constant 0 : i32
    %dma_wait3A_375 = tpu.memref_slice %arg9[%dma_wait3A_365, %dma_wait3A_373, %dma_wait3A_374] : memref<4x512x32xf32, #tpu.memory_space<vmem>> -> memref<1x512x32xf32, #tpu.memory_space<vmem>>
    %dma_wait3A_376 = tpu.memref_squeeze %dma_wait3A_375 : memref<1x512x32xf32, #tpu.memory_space<vmem>> -> memref<512x32xf32, #tpu.memory_space<vmem>>
    %dma_wait3A_377 = arith.constant 0 : i32
    %dma_wait3A_378 = arith.constant 0 : i32
    %dma_wait3A_379 = tpu.memref_slice %arg6[%dma_wait3A_377, %dma_wait3A_378] : memref<100000x32xf32, #tpu.memory_space<hbm>> -> memref<512x32xf32, #tpu.memory_space<hbm>>
    tpu.wait_dma2 semaphore(%arg10 : memref<!tpu.dma_semaphore, #tpu.memory_space<semaphore_mem>>) src(%dma_wait3A_379 : memref<512x32xf32, #tpu.memory_space<hbm>>) dst(%dma_wait3A_376 : memref<512x32xf32, #tpu.memory_space<vmem>>)
    %run_scoped3A = arith.constant 0 : i32
    "tpu.region"() ({
      %run_scoped3A_383 = tpu.sem_alloc : memref<!tpu.dma_semaphore, #tpu.memory_space<semaphore_mem>>
      %dma_start3A_384 = arith.constant 0 : i32
      %dma_start3A_385 = arith.constant 0 : i32
      %dma_start3A_386 = tpu.memref_slice %arg9[%run_scoped3A, %dma_start3A_384, %dma_start3A_385] : memref<4x512x32xf32, #tpu.memory_space<vmem>> -> memref<1x512x32xf32, #tpu.memory_space<vmem>>
      %dma_start3A_387 = tpu.memref_squeeze %dma_start3A_386 : memref<1x512x32xf32, #tpu.memory_space<vmem>> -> memref<512x32xf32, #tpu.memory_space<vmem>>
      %dma_start3A_388 = arith.constant 0 : i32
      %dma_start3A_389 = tpu.memref_slice %arg7[%mul3A_2, %dma_start3A_388] : memref<16384x128xf32, #tpu.memory_space<hbm>> -> memref<512x32xf32, #tpu.memory_space<hbm>>
      %dma_start3A_390 = arith.constant 0 : i32
      %dma_start3A_391 = tpu.memref_slice %arg7[%mul3A_2, %dma_start3A_390] : memref<16384x128xf32, #tpu.memory_space<hbm>> -> memref<512x32xf32, #tpu.memory_space<hbm>>
      %dma_start3A_392 = arith.constant 0 : i32
      %dma_start3A_393 = arith.constant 0 : i32
      %dma_start3A_394 = tpu.memref_slice %arg9[%run_scoped3A, %dma_start3A_392, %dma_start3A_393] : memref<4x512x32xf32, #tpu.memory_space<vmem>> -> memref<1x512x32xf32, #tpu.memory_space<vmem>>
      %dma_start3A_395 = tpu.memref_squeeze %dma_start3A_394 : memref<1x512x32xf32, #tpu.memory_space<vmem>> -> memref<512x32xf32, #tpu.memory_space<vmem>>
      tpu.enqueue_dma source(%dma_start3A_395 : memref<512x32xf32, #tpu.memory_space<vmem>>) target(%dma_start3A_391 : memref<512x32xf32, #tpu.memory_space<hbm>>) target_semaphore(%run_scoped3A_383 : memref<!tpu.dma_semaphore, #tpu.memory_space<semaphore_mem>>)
      %dma_wait3A_396 = arith.constant 0 : i32
      %dma_wait3A_397 = arith.constant 0 : i32
      %dma_wait3A_398 = tpu.memref_slice %arg9[%run_scoped3A, %dma_wait3A_396, %dma_wait3A_397] : memref<4x512x32xf32, #tpu.memory_space<vmem>> -> memref<1x512x32xf32, #tpu.memory_space<vmem>>
      %dma_wait3A_399 = tpu.memref_squeeze %dma_wait3A_398 : memref<1x512x32xf32, #tpu.memory_space<vmem>> -> memref<512x32xf32, #tpu.memory_space<vmem>>
      %dma_wait3A_400 = arith.constant 0 : i32
      %dma_wait3A_401 = tpu.memref_slice %arg7[%mul3A_2, %dma_wait3A_400] : memref<16384x128xf32, #tpu.memory_space<hbm>> -> memref<512x32xf32, #tpu.memory_space<hbm>>
      %dma_wait3A_402 = arith.constant 0 : i32
      %dma_wait3A_403 = tpu.memref_slice %arg7[%mul3A_2, %dma_wait3A_402] : memref<16384x128xf32, #tpu.memory_space<hbm>> -> memref<512x32xf32, #tpu.memory_space<hbm>>
      %dma_wait3A_404 = arith.constant 0 : i32
      %dma_wait3A_405 = arith.constant 0 : i32
      %dma_wait3A_406 = tpu.memref_slice %arg9[%run_scoped3A, %dma_wait3A_404, %dma_wait3A_405] : memref<4x512x32xf32, #tpu.memory_space<vmem>> -> memref<1x512x32xf32, #tpu.memory_space<vmem>>
      %dma_wait3A_407 = tpu.memref_squeeze %dma_wait3A_406 : memref<1x512x32xf32, #tpu.memory_space<vmem>> -> memref<512x32xf32, #tpu.memory_space<vmem>>
      tpu.wait_dma2 semaphore(%run_scoped3A_383 : memref<!tpu.dma_semaphore, #tpu.memory_space<semaphore_mem>>) src(%dma_wait3A_407 : memref<512x32xf32, #tpu.memory_space<vmem>>) dst(%dma_wait3A_403 : memref<512x32xf32, #tpu.memory_space<hbm>>)
      tpu.yield
    }) : () -> ()
    %run_scoped3A_380 = arith.constant 1 : i32
    "tpu.region"() ({
      %run_scoped3A_383 = tpu.sem_alloc : memref<!tpu.dma_semaphore, #tpu.memory_space<semaphore_mem>>
      %dma_start3A_384 = arith.constant 0 : i32
      %dma_start3A_385 = arith.constant 0 : i32
      %dma_start3A_386 = tpu.memref_slice %arg9[%run_scoped3A_380, %dma_start3A_384, %dma_start3A_385] : memref<4x512x32xf32, #tpu.memory_space<vmem>> -> memref<1x512x32xf32, #tpu.memory_space<vmem>>
      %dma_start3A_387 = tpu.memref_squeeze %dma_start3A_386 : memref<1x512x32xf32, #tpu.memory_space<vmem>> -> memref<512x32xf32, #tpu.memory_space<vmem>>
      %dma_start3A_388 = arith.constant 32 : i32
      %dma_start3A_389 = tpu.memref_slice %arg7[%mul3A_2, %dma_start3A_388] : memref<16384x128xf32, #tpu.memory_space<hbm>> -> memref<512x32xf32, #tpu.memory_space<hbm>>
      %dma_start3A_390 = arith.constant 32 : i32
      %dma_start3A_391 = tpu.memref_slice %arg7[%mul3A_2, %dma_start3A_390] : memref<16384x128xf32, #tpu.memory_space<hbm>> -> memref<512x32xf32, #tpu.memory_space<hbm>>
      %dma_start3A_392 = arith.constant 0 : i32
      %dma_start3A_393 = arith.constant 0 : i32
      %dma_start3A_394 = tpu.memref_slice %arg9[%run_scoped3A_380, %dma_start3A_392, %dma_start3A_393] : memref<4x512x32xf32, #tpu.memory_space<vmem>> -> memref<1x512x32xf32, #tpu.memory_space<vmem>>
      %dma_start3A_395 = tpu.memref_squeeze %dma_start3A_394 : memref<1x512x32xf32, #tpu.memory_space<vmem>> -> memref<512x32xf32, #tpu.memory_space<vmem>>
      tpu.enqueue_dma source(%dma_start3A_395 : memref<512x32xf32, #tpu.memory_space<vmem>>) target(%dma_start3A_391 : memref<512x32xf32, #tpu.memory_space<hbm>>) target_semaphore(%run_scoped3A_383 : memref<!tpu.dma_semaphore, #tpu.memory_space<semaphore_mem>>)
      %dma_wait3A_396 = arith.constant 0 : i32
      %dma_wait3A_397 = arith.constant 0 : i32
      %dma_wait3A_398 = tpu.memref_slice %arg9[%run_scoped3A_380, %dma_wait3A_396, %dma_wait3A_397] : memref<4x512x32xf32, #tpu.memory_space<vmem>> -> memref<1x512x32xf32, #tpu.memory_space<vmem>>
      %dma_wait3A_399 = tpu.memref_squeeze %dma_wait3A_398 : memref<1x512x32xf32, #tpu.memory_space<vmem>> -> memref<512x32xf32, #tpu.memory_space<vmem>>
      %dma_wait3A_400 = arith.constant 32 : i32
      %dma_wait3A_401 = tpu.memref_slice %arg7[%mul3A_2, %dma_wait3A_400] : memref<16384x128xf32, #tpu.memory_space<hbm>> -> memref<512x32xf32, #tpu.memory_space<hbm>>
      %dma_wait3A_402 = arith.constant 32 : i32
      %dma_wait3A_403 = tpu.memref_slice %arg7[%mul3A_2, %dma_wait3A_402] : memref<16384x128xf32, #tpu.memory_space<hbm>> -> memref<512x32xf32, #tpu.memory_space<hbm>>
      %dma_wait3A_404 = arith.constant 0 : i32
      %dma_wait3A_405 = arith.constant 0 : i32
      %dma_wait3A_406 = tpu.memref_slice %arg9[%run_scoped3A_380, %dma_wait3A_404, %dma_wait3A_405] : memref<4x512x32xf32, #tpu.memory_space<vmem>> -> memref<1x512x32xf32, #tpu.memory_space<vmem>>
      %dma_wait3A_407 = tpu.memref_squeeze %dma_wait3A_406 : memref<1x512x32xf32, #tpu.memory_space<vmem>> -> memref<512x32xf32, #tpu.memory_space<vmem>>
      tpu.wait_dma2 semaphore(%run_scoped3A_383 : memref<!tpu.dma_semaphore, #tpu.memory_space<semaphore_mem>>) src(%dma_wait3A_407 : memref<512x32xf32, #tpu.memory_space<vmem>>) dst(%dma_wait3A_403 : memref<512x32xf32, #tpu.memory_space<hbm>>)
      tpu.yield
    }) : () -> ()
    %run_scoped3A_381 = arith.constant 2 : i32
    "tpu.region"() ({
      %run_scoped3A_383 = tpu.sem_alloc : memref<!tpu.dma_semaphore, #tpu.memory_space<semaphore_mem>>
      %dma_start3A_384 = arith.constant 0 : i32
      %dma_start3A_385 = arith.constant 0 : i32
      %dma_start3A_386 = tpu.memref_slice %arg9[%run_scoped3A_381, %dma_start3A_384, %dma_start3A_385] : memref<4x512x32xf32, #tpu.memory_space<vmem>> -> memref<1x512x32xf32, #tpu.memory_space<vmem>>
      %dma_start3A_387 = tpu.memref_squeeze %dma_start3A_386 : memref<1x512x32xf32, #tpu.memory_space<vmem>> -> memref<512x32xf32, #tpu.memory_space<vmem>>
      %dma_start3A_388 = arith.constant 64 : i32
      %dma_start3A_389 = tpu.memref_slice %arg7[%mul3A_2, %dma_start3A_388] : memref<16384x128xf32, #tpu.memory_space<hbm>> -> memref<512x32xf32, #tpu.memory_space<hbm>>
      %dma_start3A_390 = arith.constant 64 : i32
      %dma_start3A_391 = tpu.memref_slice %arg7[%mul3A_2, %dma_start3A_390] : memref<16384x128xf32, #tpu.memory_space<hbm>> -> memref<512x32xf32, #tpu.memory_space<hbm>>
      %dma_start3A_392 = arith.constant 0 : i32
      %dma_start3A_393 = arith.constant 0 : i32
      %dma_start3A_394 = tpu.memref_slice %arg9[%run_scoped3A_381, %dma_start3A_392, %dma_start3A_393] : memref<4x512x32xf32, #tpu.memory_space<vmem>> -> memref<1x512x32xf32, #tpu.memory_space<vmem>>
      %dma_start3A_395 = tpu.memref_squeeze %dma_start3A_394 : memref<1x512x32xf32, #tpu.memory_space<vmem>> -> memref<512x32xf32, #tpu.memory_space<vmem>>
      tpu.enqueue_dma source(%dma_start3A_395 : memref<512x32xf32, #tpu.memory_space<vmem>>) target(%dma_start3A_391 : memref<512x32xf32, #tpu.memory_space<hbm>>) target_semaphore(%run_scoped3A_383 : memref<!tpu.dma_semaphore, #tpu.memory_space<semaphore_mem>>)
      %dma_wait3A_396 = arith.constant 0 : i32
      %dma_wait3A_397 = arith.constant 0 : i32
      %dma_wait3A_398 = tpu.memref_slice %arg9[%run_scoped3A_381, %dma_wait3A_396, %dma_wait3A_397] : memref<4x512x32xf32, #tpu.memory_space<vmem>> -> memref<1x512x32xf32, #tpu.memory_space<vmem>>
      %dma_wait3A_399 = tpu.memref_squeeze %dma_wait3A_398 : memref<1x512x32xf32, #tpu.memory_space<vmem>> -> memref<512x32xf32, #tpu.memory_space<vmem>>
      %dma_wait3A_400 = arith.constant 64 : i32
      %dma_wait3A_401 = tpu.memref_slice %arg7[%mul3A_2, %dma_wait3A_400] : memref<16384x128xf32, #tpu.memory_space<hbm>> -> memref<512x32xf32, #tpu.memory_space<hbm>>
      %dma_wait3A_402 = arith.constant 64 : i32
      %dma_wait3A_403 = tpu.memref_slice %arg7[%mul3A_2, %dma_wait3A_402] : memref<16384x128xf32, #tpu.memory_space<hbm>> -> memref<512x32xf32, #tpu.memory_space<hbm>>
      %dma_wait3A_404 = arith.constant 0 : i32
      %dma_wait3A_405 = arith.constant 0 : i32
      %dma_wait3A_406 = tpu.memref_slice %arg9[%run_scoped3A_381, %dma_wait3A_404, %dma_wait3A_405] : memref<4x512x32xf32, #tpu.memory_space<vmem>> -> memref<1x512x32xf32, #tpu.memory_space<vmem>>
      %dma_wait3A_407 = tpu.memref_squeeze %dma_wait3A_406 : memref<1x512x32xf32, #tpu.memory_space<vmem>> -> memref<512x32xf32, #tpu.memory_space<vmem>>
      tpu.wait_dma2 semaphore(%run_scoped3A_383 : memref<!tpu.dma_semaphore, #tpu.memory_space<semaphore_mem>>) src(%dma_wait3A_407 : memref<512x32xf32, #tpu.memory_space<vmem>>) dst(%dma_wait3A_403 : memref<512x32xf32, #tpu.memory_space<hbm>>)
      tpu.yield
    }) : () -> ()
    %run_scoped3A_382 = arith.constant 3 : i32
    "tpu.region"() ({
      %run_scoped3A_383 = tpu.sem_alloc : memref<!tpu.dma_semaphore, #tpu.memory_space<semaphore_mem>>
      %dma_start3A_384 = arith.constant 0 : i32
      %dma_start3A_385 = arith.constant 0 : i32
      %dma_start3A_386 = tpu.memref_slice %arg9[%run_scoped3A_382, %dma_start3A_384, %dma_start3A_385] : memref<4x512x32xf32, #tpu.memory_space<vmem>> -> memref<1x512x32xf32, #tpu.memory_space<vmem>>
      %dma_start3A_387 = tpu.memref_squeeze %dma_start3A_386 : memref<1x512x32xf32, #tpu.memory_space<vmem>> -> memref<512x32xf32, #tpu.memory_space<vmem>>
      %dma_start3A_388 = arith.constant 96 : i32
      %dma_start3A_389 = tpu.memref_slice %arg7[%mul3A_2, %dma_start3A_388] : memref<16384x128xf32, #tpu.memory_space<hbm>> -> memref<512x32xf32, #tpu.memory_space<hbm>>
      %dma_start3A_390 = arith.constant 96 : i32
      %dma_start3A_391 = tpu.memref_slice %arg7[%mul3A_2, %dma_start3A_390] : memref<16384x128xf32, #tpu.memory_space<hbm>> -> memref<512x32xf32, #tpu.memory_space<hbm>>
      %dma_start3A_392 = arith.constant 0 : i32
      %dma_start3A_393 = arith.constant 0 : i32
      %dma_start3A_394 = tpu.memref_slice %arg9[%run_scoped3A_382, %dma_start3A_392, %dma_start3A_393] : memref<4x512x32xf32, #tpu.memory_space<vmem>> -> memref<1x512x32xf32, #tpu.memory_space<vmem>>
      %dma_start3A_395 = tpu.memref_squeeze %dma_start3A_394 : memref<1x512x32xf32, #tpu.memory_space<vmem>> -> memref<512x32xf32, #tpu.memory_space<vmem>>
      tpu.enqueue_dma source(%dma_start3A_395 : memref<512x32xf32, #tpu.memory_space<vmem>>) target(%dma_start3A_391 : memref<512x32xf32, #tpu.memory_space<hbm>>) target_semaphore(%run_scoped3A_383 : memref<!tpu.dma_semaphore, #tpu.memory_space<semaphore_mem>>)
      %dma_wait3A_396 = arith.constant 0 : i32
      %dma_wait3A_397 = arith.constant 0 : i32
      %dma_wait3A_398 = tpu.memref_slice %arg9[%run_scoped3A_382, %dma_wait3A_396, %dma_wait3A_397] : memref<4x512x32xf32, #tpu.memory_space<vmem>> -> memref<1x512x32xf32, #tpu.memory_space<vmem>>
      %dma_wait3A_399 = tpu.memref_squeeze %dma_wait3A_398 : memref<1x512x32xf32, #tpu.memory_space<vmem>> -> memref<512x32xf32, #tpu.memory_space<vmem>>
      %dma_wait3A_400 = arith.constant 96 : i32
      %dma_wait3A_401 = tpu.memref_slice %arg7[%mul3A_2, %dma_wait3A_400] : memref<16384x128xf32, #tpu.memory_space<hbm>> -> memref<512x32xf32, #tpu.memory_space<hbm>>
      %dma_wait3A_402 = arith.constant 96 : i32
      %dma_wait3A_403 = tpu.memref_slice %arg7[%mul3A_2, %dma_wait3A_402] : memref<16384x128xf32, #tpu.memory_space<hbm>> -> memref<512x32xf32, #tpu.memory_space<hbm>>
      %dma_wait3A_404 = arith.constant 0 : i32
      %dma_wait3A_405 = arith.constant 0 : i32
      %dma_wait3A_406 = tpu.memref_slice %arg9[%run_scoped3A_382, %dma_wait3A_404, %dma_wait3A_405] : memref<4x512x32xf32, #tpu.memory_space<vmem>> -> memref<1x512x32xf32, #tpu.memory_space<vmem>>
      %dma_wait3A_407 = tpu.memref_squeeze %dma_wait3A_406 : memref<1x512x32xf32, #tpu.memory_space<vmem>> -> memref<512x32xf32, #tpu.memory_space<vmem>>
      tpu.wait_dma2 semaphore(%run_scoped3A_383 : memref<!tpu.dma_semaphore, #tpu.memory_space<semaphore_mem>>) src(%dma_wait3A_407 : memref<512x32xf32, #tpu.memory_space<vmem>>) dst(%dma_wait3A_403 : memref<512x32xf32, #tpu.memory_space<hbm>>)
      tpu.yield
    }) : () -> ()
    return
  }
}

</mosaic_0001>

<sc_bundles>
// kernel: kernel.3.cloned.1.call-start
scs
__scs_entry_jumppad:
0x0: {  	(pc) =	sbr.rel $0x88, $3  }
0x1: {  	(tag) =	ssettag $0x0;
	lr =	simm.s32 $0x1  }
0x2: {  	[smem:$0x3F9C] =	sst lr;
	_ =	strace $0xD0000000  }
0x3: {  	_ = 	snop  }
0x4: {  	_ = 	snop  }
0x5: {  	_ = 	snop  }
0x6: {  	_ = 	snop  }
0x7: {  	_ = 	snop  }
__scs_overlays_trampoline_lowered:
0x8: {  	[smem:$0x3FAB] =	sst s0  }
0x9: {  	[smem:$0x3FAC] =	sst s1  }
0xa: {  	[smem:$0x3FAD] =	sst s2  }
0xb: {  	[smem:$0x3FAE] =	sst s3  }
0xc: {  	[smem:$0x3FAF] =	sst s4  }
0xd: {  	[smem:$0x3FB0] =	sst s5  }
0xe: {  	[smem:$0x3FB1] =	sst s6  }
0xf: {  	[smem:$0x3FB2] =	sst s7  }
0x10: {  	[smem:$0x3FB3] =	sst s8  }
0x11: {  	[smem:$0x3FB4] =	sst s9;
	s0 =	simm.s32 @!p0 $0x0  }
0x12: {  	s1 =	sld [smem:$0x3F9A];
	s0 =	simm.s32 @p0 $0x1  }
0x13: {  	[smem:$0x3FB5] =	sst s0;
	s0 =	simm.s32 @!p1 $0x0  }
0x14: {  	s2 =	sld [smem:$0x3F99];
	s0 =	simm.s32 @p1 $0x1  }
0x15: {  	[smem:$0x3FB6] =	sst s0;
	s0 =	simm.s32 @!p2 $0x0  }
0x16: {  	s3 =	sld [smem:$0x3FDB];
	s0 =	simm.s32 @p2 $0x1  }
0x17: {  	s4 =	simm.s32 $0x1BF5;
	[smem:$0x3FB8] =	sst s0  }
0x18: {  	s0 =	sld [smem:$0x3F9B];
	_ =	swait.ge [sflag:s4], $0x0  }
0x19: {  	s7 =	sld [smem:$0x3F9C]  }
0x1a: {  	s8 =	sadd.s32 $0xFFFFE003, lr  }
0x1b: {  	s9 =	sadd.s32 $0xFFFFFEF7, lr;
	s5 =	simm.s32 $0xFFFFFFFF;
	p2 =	slt.u32 s8, $0xFFFFF086  }
0x1c: {  	p1 =	slt.u32 s9, $0xF7A;
	s5 =	simm.s32 @!p2 $0x0  }
0x1d: {  	s5 =	simm.s32 @p1 $0x1;
	p0 =	seq.s32 s7, s2  }
0x1e: {  	s7 =	smul.u32 @!p0 $0xF7A, s2;
	p2 =	seq.s32 @!p0 s5, $0x0  }
0x1f: {  	s9 =	smul.u32 $0xF7A, s1;
	s8 =	simm.s32 @!p0 $0x1BF5;
	p2 =	por !p2, p0  }
0x20: {  	[sflag:s8] =	ssyncset.s32 @!p0 $0xFFFFF086;
	s6 =	sadd.s32 @!p0 s3, s7;
	s7 =	simm.s32 @!p0 $0x108  }
0x21: {  	s3 =	sadd.s32 s3, s9;
	s6 =	sadd.s32 @!p0 $0x88, s6;
	s7 =	simm.s32 @p2 $0x1082  }
0x22: {  	[simem:s7], [sflag:s8] =	dma.local @!p0 [hbm:s6], $0xF7A  }
0x23: {  	s9 =	sor.u32 $0xD0000000, s2;
	s6 =	simm.s32 $0x108;
	_ =	swait.ge @!p0 [sflag:s8], $0x0  }
0x24: {  	s3 =	sadd.s32 $0x88, s3;
	s6 =	simm.s32 @!p1 $0x1082;
	[sflag:s4] =	ssyncset.s32 $0xFFFFF086  }
0x25: {  	[simem:s6], [sflag:s4] =	dma.local [hbm:s3], $0xF7A  }
0x26: {  	[smem:$0x3F9C] =	sst s1;
	(tag) =	ssettag s2;
	_ =	strace s9  }
0x27: {  	s1 =	sld [smem:$0x3FAC]  }
0x28: {  	s2 =	sld [smem:$0x3FAD]  }
0x29: {  	s4 =	sld [smem:$0x3FAF]  }
0x2a: {  	p0 =	seq.s32 s5, $0x0;
	s5 =	sld [smem:$0x3FB0]  }
0x2b: {  	s6 =	sld [smem:$0x3FB1]  }
0x2c: {  	s7 =	sld [smem:$0x3FB2]  }
0x2d: {  	s3 =	simm.s32 $0x108;
	s8 =	sld [smem:$0x3FB3]  }
0x2e: {  	s3 =	simm.s32 @!p0 $0x1082;
	s9 =	sld [smem:$0x3FB4]  }
0x2f: {  	lr =	sadd.s32 s0, s3;
	s0 =	sld [smem:$0x3FAB]  }
0x30: {  	s3 =	sld [smem:$0x3FAE]  }
0x31: {  	[smem:$0x3FB7] =	sst s10  }
0x32: {  	s10 =	sld [smem:$0x3FB5];
	_ =	sdelay $0x3  }
0x33: {  	p0 =	seq.s32 s10, $0x1;
	s10 =	sld [smem:$0x3FB7];
	_ =	sdelay $0x3  }
0x34: {  	[smem:$0x3FB7] =	sst s10  }
0x35: {  	s10 =	sld [smem:$0x3FB6];
	_ =	sdelay $0x3  }
0x36: {  	p1 =	seq.s32 s10, $0x1;
	s10 =	sld [smem:$0x3FB7];
	_ =	sdelay $0x3  }
0x37: {  	[smem:$0x3FB7] =	sst s10  }
0x38: {  	s10 =	sld [smem:$0x3FB8]  }
0x39: {  	_ = 	snop;
	(pc) =	sbr.ind lr, $3  }
0x3a: {  	_ = 	snop  }
0x3b: {  	_ = 	snop  }
0x3c: {  	p2 =	seq.s32 s10, $0x1;
	s10 =	sld [smem:$0x3FB7]  }
0x3d: {  	_ =	shalt  }
0x3e: {  	_ =	shalt  }
0x3f: {  	_ =	shalt  }
0x40: {  	_ =	shalt  }
0x41: {  	_ =	shalt  }
0x42: {  	_ =	shalt  }
0x43: {  	_ =	shalt  }
0x44: {  	_ =	shalt  }
0x45: {  	_ =	shalt  }
0x46: {  	_ =	shalt  }
0x47: {  	_ =	shalt  }
0x48: {  	_ =	shalt  }
0x49: {  	_ =	shalt  }
0x4a: {  	_ =	shalt  }
0x4b: {  	_ =	shalt  }
0x4c: {  	_ =	shalt  }
0x4d: {  	_ =	shalt  }
0x4e: {  	_ =	shalt  }
0x4f: {  	_ =	shalt  }
0x50: {  	_ =	shalt  }
0x51: {  	_ =	shalt  }
0x52: {  	_ =	shalt  }
0x53: {  	_ =	shalt  }
0x54: {  	_ =	shalt  }
0x55: {  	_ =	shalt  }
0x56: {  	_ =	shalt  }
0x57: {  	_ =	shalt  }
0x58: {  	_ =	shalt  }
0x59: {  	_ =	shalt  }
0x5a: {  	_ =	shalt  }
0x5b: {  	_ =	shalt  }
0x5c: {  	_ =	shalt  }
0x5d: {  	_ =	shalt  }
0x5e: {  	_ =	shalt  }
0x5f: {  	_ =	shalt  }
0x60: {  	_ =	shalt  }
0x61: {  	_ =	shalt  }
0x62: {  	_ =	shalt  }
0x63: {  	_ =	shalt  }
0x64: {  	_ =	shalt  }
0x65: {  	_ =	shalt  }
0x66: {  	_ =	shalt  }
0x67: {  	_ =	shalt  }
0x68: {  	_ =	shalt  }
0x69: {  	_ =	shalt  }
0x6a: {  	_ =	shalt  }
0x6b: {  	_ =	shalt  }
0x6c: {  	_ =	shalt  }
0x6d: {  	_ =	shalt  }
0x6e: {  	_ =	shalt  }
0x6f: {  	_ =	shalt  }
0x70: {  	_ =	shalt  }
0x71: {  	_ =	shalt  }
0x72: {  	_ =	shalt  }
0x73: {  	_ =	shalt  }
0x74: {  	_ =	shalt  }
0x75: {  	_ =	shalt  }
0x76: {  	_ =	shalt  }
0x77: {  	_ =	shalt  }
0x78: {  	_ =	shalt  }
0x79: {  	_ =	shalt  }
0x7a: {  	_ =	shalt  }
0x7b: {  	_ =	shalt  }
0x7c: {  	_ =	shalt  }
0x7d: {  	_ =	shalt  }
0x7e: {  	_ =	shalt  }
0x7f: {  	_ =	shalt  }
0x80: {  	_ =	shalt  }
0x81: {  	_ =	shalt  }
0x82: {  	_ =	shalt  }
0x83: {  	_ =	shalt  }
0x84: {  	_ =	shalt  }
0x85: {  	_ =	shalt  }
0x86: {  	_ =	shalt  }
0x87: {  	_ =	shalt  }
.Lfunc_end0:
.L_simem_size_0:
called_computation_lowered:
.L_overlay_start_0:
0x88: {  	s2 =	sld [smem:$0x3FD9]  }
0x89: {  	s3 =	sld [smem:$0x3FFE];
	_ =	sdelay $0x1  }
0x8a: {  	s1 =	srdreg.scid  }
0x8b: {  	s0 =	sand.u32 $0x1, s1  }
0x8c: {  	s17 =	sshll.u32 s0, $0xA;
	s2 =	sadd.s32 s3, s2  }
0x8d: {  	s2 =	sadd.s32 s2, s17  }
0x8e: {  	[smem:$0x3FC3] =	sst s2  }
0x8f: {  	_ = 	snop  }
0x90: {  	s2 =	sld [smem:$0x3FD0];
	(tm) =	ssettm $0x1  }
0x91: {  	s18 =	sld [smem:$0x3FFB];
	_ =	sdelay $0x3  }
0x92: {  	_ =	strace s18  }
0x93: {  	s3 =	sld [smem:$0x3FFC];
	_ =	sdelay $0x3  }
0x94: {  	_ =	strace s3  }
0x95: {  	s3 =	sld [smem:$0x3FFD];
	_ =	sdelay $0x3  }
0x96: {  	_ =	strace s3  }
0x97: {  	_ =	strace $0x8FFFFFFF  }
0x98: {  	s19 =	sld [smem:$0x3FDB];
	_ =	sdelay $0x1  }
0x99: {  	s4 =	simm.s32 $_scs_section_size  }
0x9a: {  	s5 =	simm.s32 $_size__tile_overlayer_lowered;
	s6 =	simm.s32 $_tile_overlayer_lowered  }
0x9b: {  	s22 =	simm.s32 $0x1BFF;
	s21 =	sshll.u32 s6, $0x1;
	s3 =	sadd.s32 s4, s19  }
0x9c: {  	s7 =	simm.s32 $0x0;
	s20 =	sshll.u32 s5, $0x1;
	s5 =	sadd.s32 s21, s3  }
0x9d: {  	[timem:s7], [sflag:s22] =	dma.local [hbm:s5], s20  }
0x9e: {  	_ =	swait.ge [sflag:s22], s20  }
0x9f: {  	s4 =	ssub.s32 $0x0, s20;
	[sflag:s22] =	ssyncset.done $0x0  }
0xa0: {  	[sflag:s22] =	ssyncadd.s32 s4;
	_ =	sdelay $0x1  }
0xa1: {  	s23 =	simm.s32 $0x1B8B  }
0xa2: {  	_ =	swait.ge [sflag:s23], $0x1  }
0xa3: {  	[sflag:s23] =	ssyncset.done $0x0  }
0xa4: {  	s25 =	simm.s32 $0x1B8E;
	s24 =	sld [smem:$0x3FFE];
	[sflag:s23] =	ssyncadd.s32 $0xFFFFFFFF  }
0xa5: {  	s26 =	simm.s32 $execute0_lowered;
	[smem:$0x3FD2] =	sst s25  }
0xa6: {  	s5 =	sshll.u32 s26, $0x1;
	_ =	strace $0x80000046;
	[dreg:$0x1] =	wrdreg $0xFFFFFFFF  }
0xa7: {  	s28 =	simm.s32 $_size_execute0_lowered;
	s3 =	sadd.s32 s3, s5;
	[dreg:$0x0] =	wrdreg $0x0  }
0xa8: {  	s5 =	sshll.u32 s28, $0x1;
	[dreg:$0x2] =	wrdreg s3  }
0xa9: {  	[dreg:$0x3] =	wrdreg s5  }
0xaa: {  	[dreg:$0x4] =	wrdreg $0xC0  }
0xab: {  	_ =	task [dreg:s7], $0x5FFFF  }
0xac: {  	[dreg:$0x1] =	wrdreg $0xFFFFFFFF  }
0xad: {  	[dreg:$0x0] =	wrdreg $0x60  }
0xae: {  	[dreg:$0x2] =	wrdreg s24  }
0xaf: {  	[dreg:$0x3] =	wrdreg s2  }
0xb0: {  	[dreg:$0x4] =	wrdreg $0x9  }
0xb1: {  	_ =	task.clear_ibuf [dreg:s7], $0x5FFFF;
	_ =	strace $0x90000046  }
0xb2: {  	s29 =	simm.s32 $0x9;
	_ =	strace $0x80000048  }
0xb3: {  	_ =	swait.ge [sflag:s29], $0x1  }
0xb4: {  	[sflag:s29] =	ssyncadd.s32 $0xFFFFFFFF  }
0xb5: {  	_ =	strace $0x90000048  }
0xb6: {  	_ =	sfence  }
0xb7: {  	s30 =	sld [smem:$0x0];
	_ =	sdelay $0x2  }
0xb8: {  	s31 =	sshll.u32 s1, $0xD;
	s1 =	sshrl.u32 s1, $0x2  }
0xb9: {  	s3 =	sand.u32 $0x4000, s31;
	s1 =	sadd.s32 s1, s30  }
0xba: {  	s0 =	sor.u32 s3, s0;
	s1 =	sshll.u32 s1, $0x11  }
0xbb: {  	s0 =	sor.u32 s1, s0  }
0xbc: {  	s0 =	sadd.s32 $0x8F2B, s0  }
0xbd: {  	[sflag:s0] =	ssyncadd.remote.s32 $0x1  }
0xbe: {  	_ =	sfence.sel $0xFFFF  }
0xbf: {  	[dreg:$0x0] =	wrdreg $0xFFFFFFFF;
	(pc) =	sbr.abs _section_cstart, $3  }
0xc0: {  	[dreg:$0x1] =	wrdreg $0xFFFFFFFF  }
0xc1: {  	_ =	task.clear_ibuf [dreg:s7], $0x2FFFF;
	_ =	strace $0x9FFFFFFF  }
0xc2: {  	(tm) =	ssettm $0x7FFFFFFF  }
0xc3: {  	_ =	shalt  }
tec
execute0_lowered:
.L_overlay_start_1:
0x0: {  	(tag) =	ssettag $0x1  }
0x1: {  	s0 =	rddreg [dreg:$0x0]  }
0x2: {  	s1 =	srdreg.scid;
	s3 =	stileid.u32  }
0x3: {  	s2 =	rddreg [dreg:$0x1];
	s5 =	simm.s32 $0x0;
	s1 =	sand.u32 $0x1, s1  }
0x4: {  	s3 =	sshll.u32 s3, $0x1;
	[smem:$0x7FF] =	sst s5;
	s6 =	sadd.s32 $0xF43E00, s0  }
0x5: {  	s25 =	sadd.s32 $0x1EA000, s0;
	_ =	strace $0x80000047;
	[smem:$0x7F4] =	sst s6  }
0x6: {  	s26 =	sadd.s32 $0x1A00, s0;
	s3 =	sor.u32 s1, s3;
	[smem:$0x7F5] =	sst s25  }
0x7: {  	[smem:$0x7F6] =	sst s26;
	s4 =	sshll.u32 s3, $0x8  }
0x8: {  	s3 =	sshll.u32 s3, $0xD;
	s4 =	sadd.s32 s4, s0;
	s0 =	sadd.s32 $0x188400, s0  }
0x9: {  	v0 =	vimm.s32 $0xECA86420;
	vm0 =	vcmask $0xB08;
	vm1 =	vcmask $0x1310;
	s30 =	sadd.s32 s2, s3;
	[smem:$0x7F7] =	sst s0  }
0xa: {  	vm2 =	vcmask $0x1B18;
	vm3 =	vcmask $0x300;
	vm4 =	vcmask $0x2320;
	s29 =	sadd.s32 $0x2A00, s4;
	[smem:$0x7FB] =	sst s30  }
0xb: {  	vm5 =	vcmask $0x2B28;
	vm6 =	vcmask $0x3330;
	vm7 =	vcmask $0x3B38;
	s1 =	ssub.s32 $0x2, s1;
	s2 =	sadd.s32 $0x4, s30;
	[smem:$0x7F8] =	sst s29  }
0xc: {  	v1 =	vlaneseq.u32;
	vm8 =	vmmov $0xff;
	vm9 =	vcmask $0x704;
	s28 =	sshrl.u32 s1, $0x1;
	s31 =	sadd.s32 $0x8, s30;
	[smem:$0x7F9] =	sst s2  }
0xd: {  	vm10 =	vcmask $0xF0C;
	vm11 =	vcmask $0x1714;
	v0 =	vunpack.c.l.s4.s8 v0;
	s0 =	ssub.s32 s1, s28;
	s1 =	sadd.s32 $0xC, s30;
	[smem:$0x7FA] =	sst s31  }
0xe: {  	vm12 =	vcmask $0x1F1C;
	vm13 =	vcmask $0x2724;
	vm14 =	vcmask $0x2F2C;
	[smem:$0x7FC] =	sst s1;
	s0 =	smax.u32 s0, $0x1  }
0xf: {  	vm15 =	vcmask $0x3734;
	v1 =	vmul.u32 $0x2, v1;
	v0 =	vunpack.c.0.s8.s32 v0;
	s1 =	simm.s32 $0x2;
	s2 =	simm.s32 $0x0;
	[smem:$0x7FD] =	sst s0  }
.LBB2_1:
0x10: {  	s0 =	sld [smem:$0x7F8];
	_ =	sdelay $0x1  }
0x11: {  	[smem:$0x7F2] =	sst s2  }
0x12: {  	[tilespmem:s5], [sflag:$0x2] =	stream.linear.gather [hbm4b:s0+s5], $0x800, $0x38;
	[tilespmem:$0x10800] =	vst v63  }
0x13: {  	_ =	swait.ge [sflag:s1], $0x800  }
0x14: {  	[sflag:s1] =	ssyncset.done $0x0  }
0x15: {  	s16 =	simm.s32 $0x0;
	[sflag:s1] =	ssyncadd.s32 $0xFFFFF800  }
0x16: {  	v2 =	vld [tilespmem:s16+$0x0];
	_ =	sdelay $0x4  }
0x17: {  	(v2sf) =	vpush v2, $0x0  }
0x18: {  	(v2sf) =	vpush v2, $0x1;
	_ =	sdelay $0x1  }
0x19: {  	(v2sf) =	vpush v2, $0x2;
	_ =	sdelay $0x1  }
0x1a: {  	(v2sf) =	vpush v2, $0x7;
	_ =	sdelay $0x2  }
0x1b: {  	(v2sf) =	vpush v2, $0x3  }
0x1c: {  	(v2sf) =	vpush v2, $0x4  }
0x1d: {  	(v2sf) =	vpush v2, $0xC  }
0x1e: {  	(v2sf) =	vpush v2, $0xD;
	_ =	sdelay $0x3  }
0x1f: {  	(v2sf) =	vpush v2, $0xE;
	s23 =	spop (v2sf)  }
0x20: {  	(v2sf) =	vpush v2, $0x8;
	s2 =	smulhi.u32 $0x431BDE83, s23;
	s24 =	spop (v2sf)  }
0x21: {  	(v2sf) =	vpush v2, $0xF;
	s0 =	sshra.s32 s23, $0x1F;
	s3 =	smulhi.u32 $0x431BDE83, s24  }
0x22: {  	s4 =	spop (v2sf);
	s0 =	smul.u32 $0x431BDE83, s0  }
0x23: {  	s1 =	sshra.s32 s24, $0x1F;
	s25 =	smulhi.u32 $0x431BDE83, s4  }
0x24: {  	s6 =	spop (v2sf);
	s1 =	smul.u32 $0x431BDE83, s1  }
0x25: {  	(v2sf) =	vpush v2, $0x9;
	s4 =	sshra.s32 s4, $0x1F;
	s7 =	smulhi.u32 $0x431BDE83, s6  }
0x26: {  	s6 =	sshra.s32 s6, $0x1F;
	s4 =	smul.u32 $0x431BDE83, s4  }
0x27: {  	(v2sf) =	vpush v2, $0xA;
	s8 =	spop (v2sf);
	s6 =	smul.u32 $0x431BDE83, s6  }
0x28: {  	(v2sf) =	vpush v2, $0x5;
	s10 =	spop (v2sf);
	s12 =	smulhi.u32 $0x431BDE83, s8;
	s8 =	sshra.s32 s8, $0x1F  }
0x29: {  	s17 =	sadd.s32 s1, s3;
	s9 =	sshra.s32 s10, $0x1F;
	s11 =	spop (v2sf)  }
0x2a: {  	s4 =	sadd.s32 s4, s25;
	s19 =	smul.u32 $0x431BDE83, s9;
	s26 =	spop (v2sf)  }
0x2b: {  	s13 =	sshra.s32 s11, $0x1F;
	s24 =	sshra.s32 s4, $0x12;
	s11 =	smulhi.u32 $0x431BDE83, s11  }
0x2c: {  	s20 =	sshrl.u32 s4, $0x1F;
	s23 =	sshra.s32 s4, $0x1F;
	s4 =	smul.u32 $0x431BDE83, s8  }
0x2d: {  	(v2sf) =	vpush v2, $0xB;
	s31 =	sshra.s32 s17, $0x12;
	s15 =	smulhi.u32 $0x431BDE83, s26  }
0x2e: {  	(v2sf) =	vpush v2, $0x6;
	s3 =	spop (v2sf);
	s14 =	smul.u32 $0x431BDE83, s13;
	s21 =	sshra.s32 s26, $0x1F  }
0x2f: {  	s26 =	smulhi.u32 $0x431BDE83, s3;
	s13 =	spop (v2sf);
	s1 =	sshra.s32 s3, $0x1F  }
0x30: {  	s5 =	smul.u32 $0x431BDE83, s21;
	s4 =	sadd.s32 s4, s12;
	s22 =	spop (v2sf)  }
0x31: {  	[smem:$0x7F3] =	sst s1;
	s25 =	sadd.s32 s14, s11;
	s18 =	sshra.s32 s22, $0x1F  }
0x32: {  	s9 =	smulhi.u32 $0x431BDE83, s22;
	s5 =	sadd.s32 s5, s15;
	s30 =	sshra.s32 s25, $0x12  }
0x33: {  	s15 =	sshrl.u32 s4, $0x1F;
	s14 =	sshra.s32 s5, $0x12;
	s1 =	smul.u32 $0x431BDE83, s18  }
0x34: {  	s18 =	sadd.s32 s6, s7;
	s6 =	sadd.s32 s0, s2;
	s21 =	spop (v2sf)  }
0x35: {  	s2 =	sshra.s32 s4, $0x12;
	s8 =	sshra.s32 s21, $0x1F;
	s11 =	smulhi.u32 $0x431BDE83, s21  }
0x36: {  	s21 =	sshrl.u32 s25, $0x1F;
	s22 =	spop (v2sf);
	s3 =	smul.u32 $0x431BDE83, s8  }
0x37: {  	s29 =	spop (v2sf);
	s12 =	sshra.s32 s22, $0x1F;
	s25 =	smulhi.u32 $0x431BDE83, s22  }
0x38: {  	s8 =	sshrl.u32 s5, $0x1F;
	s22 =	sshra.s32 s4, $0x1F;
	s28 =	smul.u32 $0x431BDE83, s12  }
0x39: {  	s5 =	sshra.s32 s17, $0x1F;
	s7 =	sadd.s32 s3, s11;
	s11 =	smulhi.u32 $0x431BDE83, s29  }
0x3a: {  	s4 =	sshra.s32 s29, $0x1F;
	s12 =	sshra.s32 s13, $0x1F;
	s3 =	smulhi.u32 $0x431BDE83, s13  }
0x3b: {  	s29 =	sshrl.u32 s17, $0x1F;
	s13 =	sld [smem:$0x7F3];
	s17 =	sshra.s32 s18, $0x1F  }
0x3c: {  	s10 =	smulhi.u32 $0x431BDE83, s10;
	v3 =	vmov s30;
	v4 =	vmov s21;
	s21 =	sshra.s32 s6, $0x12;
	s30 =	spop (v2sf);
	v5 =	vmov s17  }
0x3d: {  	v4 =	vsel vm0, s8, v4;
	s8 =	spop (v2sf);
	v5 =	vsel vm3, s21, v5;
	s21 =	smulhi.u32 $0x431BDE83, s30  }
0x3e: {  	v3 =	vsel vm0, s14, v3;
	s17 =	simm.s32 $0x40;
	s0 =	smul.u32 $0x431BDE83, s13;
	s13 =	sshra.s32 s6, $0x1F  }
.LBB2_2:
0x3f: {  	s14 =	sshrl.u32 s7, $0x1F;
	s12 =	smul.u32 $0x431BDE83, s12  }
0x40: {  	s30 =	sshra.s32 s30, $0x1F;
	v5 =	vsel vm9, s13, v5;
	s6 =	sshrl.u32 s6, $0x1F;
	s4 =	smul.u32 $0x431BDE83, s4  }
0x41: {  	s13 =	sshra.s32 s8, $0x1F;
	s1 =	sadd.s32 s1, s9;
	v5 =	vsel vm0, s31, v5;
	s0 =	sadd.s32 s0, s26  }
0x42: {  	v6 =	vmov s6;
	s6 =	sadd.s32 s19, s10;
	s10 =	smul.u32 $0x431BDE83, s13;
	s13 =	sshra.s32 s7, $0x12;
	v5 =	vsel vm10, s5, v5  }
0x43: {  	s3 =	sadd.s32 s12, s3;
	v6 =	vnsel vm3, $0x0, v6;
	s19 =	sshrl.u32 s0, $0x1F;
	s0 =	sshra.s32 s0, $0x12;
	v5 =	vsel vm1, s24, v5  }
0x44: {  	s26 =	sshrl.u32 s1, $0x1F;
	s9 =	sshrl.u32 s6, $0x1F;
	s4 =	sadd.s32 s4, s11;
	v6 =	vsel vm0, s29, v6;
	v4 =	vsel vm1, s19, v4;
	v3 =	vsel vm1, s0, v3  }
0x45: {  	s1 =	sshra.s32 s1, $0x12;
	s24 =	smul.u32 $0x431BDE83, s30;
	s11 =	sshrl.u32 s4, $0x1F;
	v5 =	vsel vm11, s23, v5;
	v6 =	vsel vm1, s20, v6;
	v4 =	vsel vm2, s26, v4  }
0x46: {  	s19 =	sadd.s32 s28, s25;
	s26 =	sshrl.u32 s3, $0x1F;
	s3 =	sshra.s32 s3, $0x12;
	v3 =	vsel vm2, s1, v3;
	v5 =	vsel vm2, s2, v5;
	v6 =	vsel vm2, s15, v6  }
0x47: {  	s20 =	smulhi.u32 $0x431BDE83, s8;
	s23 =	sshra.s32 s6, $0x12;
	s6 =	sshra.s32 s6, $0x1F;
	v7 =	vmov s26;
	v8 =	vmov s3;
	v5 =	vsel vm12, s22, v5  }
0x48: {  	s15 =	sshra.s32 s4, $0x12;
	s5 =	sadd.s32 s24, s21;
	s21 =	sshra.s32 s19, $0x12;
	v6 =	vsel vm4, s9, v6;
	v7 =	vsel vm0, s14, v7;
	v5 =	vsel vm4, s23, v5  }
0x49: {  	s24 =	sshrl.u32 s19, $0x1F;
	s20 =	sadd.s32 s10, s20;
	s22 =	sshra.s32 s5, $0x12;
	v8 =	vsel vm0, s13, v8;
	v6 =	vsel vm5, s11, v6;
	v5 =	vsel vm13, s6, v5  }
0x4a: {  	s5 =	sshrl.u32 s5, $0x1F;
	s23 =	sshra.s32 s4, $0x1F;
	s25 =	sshrl.u32 s20, $0x1F;
	v7 =	vsel vm1, s24, v7;
	v8 =	vsel vm1, s21, v8;
	v5 =	vsel vm5, s15, v5  }
0x4b: {  	s26 =	sshra.s32 s20, $0x12;
	v6 =	vsel vm6, s25, v6;
	v7 =	vsel vm2, s5, v7;
	v5 =	vsel vm14, s23, v5  }
0x4c: {  	s7 =	sshrl.u32 s18, $0x1F;
	s8 =	sshra.s32 s20, $0x1F;
	v8 =	vsel vm2, s22, v8;
	v4 =	vcombine.low v7, v4;
	v5 =	vsel vm6, s26, v5  }
0x4d: {  	s9 =	sshra.s32 s18, $0x12;
	v6 =	vsel vm7, s7, v6;
	v3 =	vcombine.low v8, v3;
	v5 =	vsel vm15, s8, v5  }
0x4e: {  	v6 =	vperm.xlane v6, v1;
	v4 =	vperm.xlane v4, v0;
	v5 =	vsel vm7, s9, v5  }
0x4f: {  	v3 =	vperm.xlane v3, v0;
	v5 =	vperm.xlane v5, v1;
	_ =	sdelay $0x1  }
0x50: {  	v4 =	vsel vm8, v6, v4;
	v3 =	vsel vm8, v5, v3  }
0x51: {  	v3 =	vadd.s32 v4, v3  }
0x52: {  	v3 =	vmul.u32 $0xF4240, v3;
	_ =	sdelay $0x1  }
0x53: {  	s10 =	smov.u32 s17;
	v2 =	vsub.s32 v2, v3  }
0x54: {  	s11 =	sshra.s32 s10, $0x2;
	[tilespmem:s16+$0x0] =	vst v2  }
0x55: {  	v2 =	vld [tilespmem:s11+$0x0];
	_ =	sdelay $0x4  }
0x56: {  	(v2sf) =	vpush v2, $0x0  }
0x57: {  	(v2sf) =	vpush v2, $0x1  }
0x58: {  	(v2sf) =	vpush v2, $0x2;
	_ =	sdelay $0x1  }
0x59: {  	(v2sf) =	vpush v2, $0x7;
	_ =	sdelay $0x2  }
0x5a: {  	(v2sf) =	vpush v2, $0x3  }
0x5b: {  	(v2sf) =	vpush v2, $0x4;
	_ =	sdelay $0x1  }
0x5c: {  	(v2sf) =	vpush v2, $0xC;
	_ =	sdelay $0x1  }
0x5d: {  	(v2sf) =	vpush v2, $0xD;
	_ =	sdelay $0x2  }
0x5e: {  	(v2sf) =	vpush v2, $0xE;
	s12 =	spop (v2sf)  }
0x5f: {  	s7 =	smulhi.u32 $0x431BDE83, s12;
	s13 =	spop (v2sf)  }
0x60: {  	(v2sf) =	vpush v2, $0x8;
	s14 =	smulhi.u32 $0x431BDE83, s13;
	s15 =	spop (v2sf)  }
0x61: {  	(v2sf) =	vpush v2, $0xF;
	s0 =	sshra.s32 s13, $0x1F;
	s16 =	smulhi.u32 $0x431BDE83, s15  }
0x62: {  	p0 =	sne.s32 s17, $0x1C0;
	s19 =	spop (v2sf);
	s0 =	smul.u32 $0x431BDE83, s0  }
0x63: {  	s17 =	sadd.s32 $0x40, s17;
	(v2sf) =	vpush v2, $0x9;
	s2 =	sshra.s32 s15, $0x1F;
	s21 =	smulhi.u32 $0x431BDE83, s19  }
0x64: {  	[dreg:$0x3] =	wrdreg s11;
	s4 =	sshra.s32 s19, $0x1F;
	s24 =	smul.u32 $0x431BDE83, s2  }
0x65: {  	s18 =	sshra.s32 s12, $0x1F;
	s20 =	spop (v2sf);
	s28 =	smul.u32 $0x431BDE83, s4  }
0x66: {  	s22 =	sshra.s32 s20, $0x1F;
	s10 =	spop (v2sf);
	s3 =	smulhi.u32 $0x431BDE83, s20  }
0x67: {  	(v2sf) =	vpush v2, $0xA;
	s8 =	sadd.s32 s0, s14;
	s23 =	sshra.s32 s10, $0x1F;
	s6 =	smul.u32 $0x431BDE83, s22  }
0x68: {  	s25 =	spop (v2sf);
	s31 =	sshra.s32 s8, $0x12;
	s10 =	smulhi.u32 $0x431BDE83, s10  }
0x69: {  	s0 =	sadd.s32 s24, s16;
	s29 =	sshrl.u32 s8, $0x1F;
	s11 =	smul.u32 $0x431BDE83, s23  }
0x6a: {  	(v2sf) =	vpush v2, $0x5;
	s12 =	spop (v2sf);
	s13 =	sshra.s32 s25, $0x1F;
	s15 =	smulhi.u32 $0x431BDE83, s25  }
0x6b: {  	s24 =	sshra.s32 s0, $0x12;
	s20 =	sshrl.u32 s0, $0x1F;
	s5 =	smulhi.u32 $0x431BDE83, s12  }
0x6c: {  	(v2sf) =	vpush v2, $0xB;
	s23 =	sshra.s32 s0, $0x1F;
	s2 =	sshra.s32 s12, $0x1F;
	s4 =	smul.u32 $0x431BDE83, s13  }
0x6d: {  	s14 =	spop (v2sf);
	(v2sf) =	vpush v2, $0x6;
	s3 =	sadd.s32 s6, s3;
	s6 =	smul.u32 $0x431BDE83, s18  }
0x6e: {  	s18 =	sadd.s32 s28, s21;
	[dreg:$0x13] =	wrdreg s11;
	s26 =	smulhi.u32 $0x431BDE83, s14  }
0x6f: {  	s13 =	sshra.s32 s14, $0x1F;
	s14 =	spop (v2sf);
	s2 =	smul.u32 $0x431BDE83, s2  }
0x70: {  	s21 =	sshra.s32 s18, $0x1F;
	s12 =	sshra.s32 s14, $0x1F;
	s16 =	spop (v2sf)  }
0x71: {  	s0 =	sadd.s32 s4, s15;
	s15 =	sshrl.u32 s3, $0x1F;
	s11 =	sshra.s32 s16, $0x1F  }
0x72: {  	s19 =	spop (v2sf);
	s9 =	smulhi.u32 $0x431BDE83, s16;
	s4 =	sshrl.u32 s0, $0x1F  }
0x73: {  	s5 =	sadd.s32 s2, s5;
	s0 =	sshra.s32 s0, $0x12;
	s16 =	smulhi.u32 $0x431BDE83, s19  }
0x74: {  	s22 =	sshra.s32 s19, $0x1F;
	s2 =	sshra.s32 s5, $0x12;
	v3 =	vmov s0;
	s1 =	smul.u32 $0x431BDE83, s11  }
0x75: {  	s6 =	sadd.s32 s6, s7;
	s19 =	smul.u32 $0x431BDE83, s22;
	v3 =	vsel vm0, s2, v3;
	s2 =	sshra.s32 s3, $0x12  }
0x76: {  	s22 =	sshra.s32 s3, $0x1F;
	s3 =	smulhi.u32 $0x431BDE83, s14;
	s25 =	spop (v2sf)  }
0x77: {  	v4 =	vmov s4;
	s5 =	sshrl.u32 s5, $0x1F;
	s4 =	sshra.s32 s25, $0x1F;
	s25 =	smulhi.u32 $0x431BDE83, s25  }
.Ltmp0:
0x78: {  	s7 =	sadd.s32 s19, s16;
	s19 =	rddreg [dreg:$0x13];
	(pc) =	sbr.rel @p0 .LBB2_2-.Ltmp0, $4  }
0x79: {  	v4 =	vsel vm0, s5, v4;
	s5 =	sshra.s32 s8, $0x1F;
	s28 =	smul.u32 $0x431BDE83, s4;
	s0 =	spop (v2sf)  }
0x7a: {  	s14 =	sshra.s32 s6, $0x12;
	s16 =	rddreg [dreg:$0x3];
	s11 =	smulhi.u32 $0x431BDE83, s0  }
0x7b: {  	v5 =	vmov s21;
	s4 =	sshra.s32 s0, $0x1F;
	s0 =	smul.u32 $0x431BDE83, s13;
	s30 =	spop (v2sf)  }
0x7c: {  	v5 =	vsel vm3, s14, v5;
	s13 =	sshra.s32 s6, $0x1F;
	s21 =	smulhi.u32 $0x431BDE83, s30;
	s8 =	spop (v2sf)  }
0x7d: {  	s1 =	sadd.s32 s1, s9  }
0x7e: {  	v5 =	vsel vm9, s13, v5;
	s0 =	sadd.s32 s0, s26;
	s17 =	smul.u32 $0x431BDE83, s12;
	s6 =	sshrl.u32 s6, $0x1F  }
0x7f: {  	s12 =	sshrl.u32 s7, $0x1F;
	s13 =	sshra.s32 s30, $0x1F;
	s4 =	smul.u32 $0x431BDE83, s4;
	v5 =	vsel vm0, s31, v5  }
0x80: {  	s26 =	sadd.s32 s19, s10;
	s14 =	sshra.s32 s8, $0x1F;
	s19 =	smulhi.u32 $0x431BDE83, s8;
	v6 =	vmov s6;
	v5 =	vsel vm10, s5, v5  }
0x81: {  	v6 =	vnsel vm3, $0x0, v6;
	s5 =	smul.u32 $0x431BDE83, s14;
	s14 =	sshrl.u32 s0, $0x1F;
	s0 =	sshra.s32 s0, $0x12;
	v5 =	vsel vm1, s24, v5  }
0x82: {  	s10 =	sshrl.u32 s26, $0x1F;
	s3 =	sadd.s32 s17, s3;
	s17 =	sshrl.u32 s1, $0x1F;
	v6 =	vsel vm0, s29, v6;
	v4 =	vsel vm1, s14, v4;
	v3 =	vsel vm1, s0, v3  }
0x83: {  	s6 =	sshra.s32 s26, $0x1F;
	s4 =	sadd.s32 s4, s11;
	s1 =	sshra.s32 s1, $0x12;
	v5 =	vsel vm11, s23, v5;
	v6 =	vsel vm1, s20, v6;
	v4 =	vsel vm2, s17, v4  }
0x84: {  	s20 =	sshra.s32 s26, $0x12;
	s26 =	sshrl.u32 s3, $0x1F;
	s3 =	sshra.s32 s3, $0x12;
	v3 =	vsel vm2, s1, v3;
	v5 =	vsel vm2, s2, v5;
	v6 =	vsel vm2, s15, v6  }
0x85: {  	s24 =	sshrl.u32 s4, $0x1F;
	s14 =	sshra.s32 s4, $0x12;
	s23 =	smul.u32 $0x431BDE83, s13;
	v7 =	vmov s26;
	v8 =	vmov s3;
	v5 =	vsel vm12, s22, v5  }
0x86: {  	s19 =	sadd.s32 s5, s19;
	s15 =	sadd.s32 s28, s25;
	v6 =	vsel vm4, s10, v6;
	s10 =	sshra.s32 s7, $0x12;
	v7 =	vsel vm0, s12, v7;
	v5 =	vsel vm4, s20, v5  }
0x87: {  	s5 =	sshrl.u32 s19, $0x1F;
	s17 =	sadd.s32 s23, s21;
	s21 =	sshrl.u32 s15, $0x1F;
	v6 =	vsel vm5, s24, v6;
	v8 =	vsel vm0, s10, v8;
	v5 =	vsel vm13, s6, v5  }
0x88: {  	s22 =	sshra.s32 s15, $0x12;
	s20 =	sshra.s32 s4, $0x1F;
	v7 =	vsel vm1, s21, v7;
	s23 =	sshrl.u32 s17, $0x1F;
	v6 =	vsel vm6, s5, v6;
	v5 =	vsel vm5, s14, v5  }
0x89: {  	s25 =	sshra.s32 s19, $0x12;
	s24 =	sshra.s32 s17, $0x12;
	v8 =	vsel vm1, s22, v8;
	v7 =	vsel vm2, s23, v7;
	v5 =	vsel vm14, s20, v5  }
0x8a: {  	s26 =	sshrl.u32 s18, $0x1F;
	s3 =	sshra.s32 s19, $0x1F;
	v8 =	vsel vm2, s24, v8;
	v4 =	vcombine.low v7, v4;
	v5 =	vsel vm6, s25, v5  }
0x8b: {  	s2 =	sshra.s32 s18, $0x12;
	v6 =	vsel vm7, s26, v6;
	v3 =	vcombine.low v8, v3;
	v5 =	vsel vm15, s3, v5  }
0x8c: {  	v6 =	vperm.xlane v6, v1;
	v4 =	vperm.xlane v4, v0;
	v5 =	vsel vm7, s2, v5  }
0x8d: {  	v3 =	vperm.xlane v3, v0;
	v5 =	vperm.xlane v5, v1;
	_ =	sdelay $0x1  }
0x8e: {  	v4 =	vsel vm8, v6, v4;
	v3 =	vsel vm8, v5, v3  }
0x8f: {  	v3 =	vadd.s32 v4, v3  }
0x90: {  	v3 =	vmul.u32 $0xF4240, v3;
	_ =	sdelay $0x1  }
0x91: {  	v2 =	vsub.s32 v2, v3  }
0x92: {  	[tilespmem:s16+$0x0] =	vst v2;
	s16 =	simm.s32 $0x0  }
0x93: {  	v2 =	vld [tilespmem:s16+$0x80];
	_ =	sdelay $0x4  }
0x94: {  	(v2sf) =	vpush v2, $0x0  }
0x95: {  	(v2sf) =	vpush v2, $0x1;
	_ =	sdelay $0x1  }
0x96: {  	(v2sf) =	vpush v2, $0x2;
	_ =	sdelay $0x1  }
0x97: {  	(v2sf) =	vpush v2, $0x7;
	_ =	sdelay $0x2  }
0x98: {  	(v2sf) =	vpush v2, $0x3  }
0x99: {  	(v2sf) =	vpush v2, $0x4  }
0x9a: {  	(v2sf) =	vpush v2, $0xC  }
0x9b: {  	(v2sf) =	vpush v2, $0xD;
	_ =	sdelay $0x3  }
0x9c: {  	(v2sf) =	vpush v2, $0xE;
	s3 =	spop (v2sf)  }
0x9d: {  	s2 =	smulhi.u32 $0x431BDE83, s3;
	s4 =	spop (v2sf)  }
0x9e: {  	(v2sf) =	vpush v2, $0x8;
	s0 =	sshra.s32 s3, $0x1F;
	s5 =	smulhi.u32 $0x431BDE83, s4  }
0x9f: {  	(v2sf) =	vpush v2, $0xF;
	s10 =	spop (v2sf);
	s0 =	smul.u32 $0x431BDE83, s0  }
0xa0: {  	s1 =	sshra.s32 s4, $0x1F;
	s11 =	smulhi.u32 $0x431BDE83, s10  }
0xa1: {  	s20 =	spop (v2sf);
	s1 =	smul.u32 $0x431BDE83, s1  }
0xa2: {  	s4 =	sshra.s32 s10, $0x1F;
	s7 =	smulhi.u32 $0x431BDE83, s20  }
0xa3: {  	(v2sf) =	vpush v2, $0x9;
	s6 =	sshra.s32 s20, $0x1F;
	s4 =	smul.u32 $0x431BDE83, s4  }
0xa4: {  	s21 =	spop (v2sf);
	s6 =	smul.u32 $0x431BDE83, s6  }
0xa5: {  	(v2sf) =	vpush v2, $0xA;
	s10 =	spop (v2sf);
	s12 =	smulhi.u32 $0x431BDE83, s21;
	s8 =	sshra.s32 s21, $0x1F  }
0xa6: {  	(v2sf) =	vpush v2, $0x5;
	s22 =	sshra.s32 s10, $0x1F;
	s23 =	spop (v2sf);
	s10 =	smulhi.u32 $0x431BDE83, s10  }
0xa7: {  	s4 =	sadd.s32 s4, s11;
	s19 =	smul.u32 $0x431BDE83, s22;
	s25 =	spop (v2sf)  }
0xa8: {  	(v2sf) =	vpush v2, $0xB;
	s26 =	sshra.s32 s23, $0x1F;
	s24 =	sshra.s32 s4, $0x12;
	s11 =	smulhi.u32 $0x431BDE83, s23  }
0xa9: {  	s20 =	sshrl.u32 s4, $0x1F;
	s23 =	sshra.s32 s4, $0x1F;
	s4 =	smul.u32 $0x431BDE83, s8  }
0xaa: {  	s14 =	smulhi.u32 $0x431BDE83, s25  }
0xab: {  	s17 =	sadd.s32 s1, s5;
	s15 =	spop (v2sf);
	s18 =	smul.u32 $0x431BDE83, s26  }
0xac: {  	(v2sf) =	vpush v2, $0x6;
	s31 =	sshra.s32 s17, $0x12;
	s21 =	sshra.s32 s25, $0x1F;
	s26 =	smulhi.u32 $0x431BDE83, s15  }
0xad: {  	s13 =	spop (v2sf);
	s30 =	sshra.s32 s15, $0x1F;
	s5 =	smul.u32 $0x431BDE83, s21  }
0xae: {  	s4 =	sadd.s32 s4, s12;
	s22 =	spop (v2sf);
	s8 =	sadd.s32 s18, s11  }
0xaf: {  	s18 =	sadd.s32 s6, s7;
	s6 =	sadd.s32 s0, s2;
	s0 =	smul.u32 $0x431BDE83, s30  }
0xb0: {  	s2 =	sshra.s32 s4, $0x12;
	s15 =	sshra.s32 s22, $0x1F;
	s9 =	smulhi.u32 $0x431BDE83, s22  }
0xb1: {  	s21 =	sshrl.u32 s8, $0x1F;
	s5 =	sadd.s32 s5, s14;
	s14 =	sshra.s32 s8, $0x12  }
0xb2: {  	s8 =	sshra.s32 s5, $0x12;
	s1 =	smul.u32 $0x431BDE83, s15;
	s25 =	spop (v2sf)  }
0xb3: {  	[smem:$0x7F1] =	sst s8;
	s11 =	sshra.s32 s25, $0x1F;
	s22 =	smulhi.u32 $0x431BDE83, s25  }
0xb4: {  	s15 =	sshrl.u32 s4, $0x1F;
	s25 =	spop (v2sf);
	s3 =	smul.u32 $0x431BDE83, s11  }
0xb5: {  	s29 =	spop (v2sf);
	s12 =	sshra.s32 s25, $0x1F;
	s25 =	smulhi.u32 $0x431BDE83, s25  }
0xb6: {  	v4 =	vmov s21;
	s8 =	sshrl.u32 s5, $0x1F;
	s21 =	sld [smem:$0x7F1];
	s11 =	smulhi.u32 $0x431BDE83, s29  }
0xb7: {  	s5 =	sshra.s32 s17, $0x1F;
	s28 =	smul.u32 $0x431BDE83, s12;
	s30 =	spop (v2sf)  }
0xb8: {  	s7 =	sadd.s32 s3, s22;
	s22 =	sshra.s32 s4, $0x1F;
	s4 =	sshra.s32 s29, $0x1F  }
0xb9: {  	v3 =	vmov s14;
	s3 =	smulhi.u32 $0x431BDE83, s13;
	s29 =	sshrl.u32 s17, $0x1F;
	s17 =	sshra.s32 s18, $0x1F  }
0xba: {  	v3 =	vsel vm0, s21, v3;
	s12 =	sshra.s32 s13, $0x1F;
	s13 =	sshra.s32 s6, $0x12;
	s21 =	smulhi.u32 $0x431BDE83, s30;
	v5 =	vmov s17  }
0xbb: {  	v4 =	vsel vm0, s8, v4;
	s8 =	spop (v2sf);
	s17 =	simm.s32 $0x40;
	v5 =	vsel vm3, s13, v5;
	s13 =	sshra.s32 s6, $0x1F  }
.LBB2_4:
0xbc: {  	s14 =	sshrl.u32 s7, $0x1F;
	s12 =	smul.u32 $0x431BDE83, s12  }
0xbd: {  	s30 =	sshra.s32 s30, $0x1F;
	v5 =	vsel vm9, s13, v5;
	s6 =	sshrl.u32 s6, $0x1F;
	s4 =	smul.u32 $0x431BDE83, s4  }
0xbe: {  	s13 =	sshra.s32 s8, $0x1F;
	s1 =	sadd.s32 s1, s9;
	v5 =	vsel vm0, s31, v5;
	s0 =	sadd.s32 s0, s26  }
0xbf: {  	v6 =	vmov s6;
	s6 =	sadd.s32 s19, s10;
	s10 =	smul.u32 $0x431BDE83, s13;
	s3 =	sadd.s32 s12, s3;
	v5 =	vsel vm10, s5, v5  }
0xc0: {  	s26 =	sshrl.u32 s1, $0x1F;
	v6 =	vnsel vm3, $0x0, v6;
	s19 =	sshrl.u32 s0, $0x1F;
	s0 =	sshra.s32 s0, $0x12;
	v5 =	vsel vm1, s24, v5  }
0xc1: {  	s9 =	sshrl.u32 s6, $0x1F;
	s4 =	sadd.s32 s4, s11;
	s1 =	sshra.s32 s1, $0x12;
	v6 =	vsel vm0, s29, v6;
	v4 =	vsel vm1, s19, v4;
	v3 =	vsel vm1, s0, v3  }
0xc2: {  	s13 =	sshrl.u32 s3, $0x1F;
	s3 =	sshra.s32 s3, $0x12;
	v5 =	vsel vm11, s23, v5;
	v6 =	vsel vm1, s20, v6;
	s23 =	smulhi.u32 $0x431BDE83, s8;
	v4 =	vsel vm2, s26, v4  }
0xc3: {  	s24 =	sshra.s32 s6, $0x12;
	s11 =	sshrl.u32 s4, $0x1F;
	s26 =	smul.u32 $0x431BDE83, s30;
	v7 =	vmov s13;
	v8 =	vmov s3;
	v5 =	vsel vm2, s2, v5  }
0xc4: {  	s6 =	sshra.s32 s6, $0x1F;
	s19 =	sshra.s32 s4, $0x12;
	s20 =	sadd.s32 s28, s25;
	v3 =	vsel vm2, s1, v3;
	v6 =	vsel vm2, s15, v6;
	v5 =	vsel vm12, s22, v5  }
0xc5: {  	s15 =	sshra.s32 s7, $0x12;
	v7 =	vsel vm0, s14, v7;
	v6 =	vsel vm4, s9, v6;
	s5 =	sadd.s32 s26, s21;
	s21 =	sadd.s32 s10, s23;
	v5 =	vsel vm4, s24, v5  }
0xc6: {  	s22 =	sshrl.u32 s20, $0x1F;
	v8 =	vsel vm0, s15, v8;
	s26 =	sshra.s32 s20, $0x12;
	v6 =	vsel vm5, s11, v6;
	s23 =	sshra.s32 s5, $0x12;
	v5 =	vsel vm13, s6, v5  }
0xc7: {  	s24 =	sshra.s32 s4, $0x1F;
	v7 =	vsel vm1, s22, v7;
	s25 =	sshrl.u32 s21, $0x1F;
	s5 =	sshrl.u32 s5, $0x1F;
	v8 =	vsel vm1, s26, v8;
	v5 =	vsel vm5, s19, v5  }
0xc8: {  	s4 =	sshra.s32 s21, $0x12;
	v6 =	vsel vm6, s25, v6;
	v7 =	vsel vm2, s5, v7;
	v5 =	vsel vm14, s24, v5  }
0xc9: {  	s7 =	sshrl.u32 s18, $0x1F;
	s8 =	sshra.s32 s21, $0x1F;
	v8 =	vsel vm2, s23, v8;
	v4 =	vcombine.low v7, v4;
	v5 =	vsel vm6, s4, v5  }
0xca: {  	s9 =	sshra.s32 s18, $0x12;
	v3 =	vcombine.low v8, v3;
	v6 =	vsel vm7, s7, v6;
	v5 =	vsel vm15, s8, v5  }
0xcb: {  	v6 =	vperm.xlane v6, v1;
	v4 =	vperm.xlane v4, v0;
	v5 =	vsel vm7, s9, v5  }
0xcc: {  	v3 =	vperm.xlane v3, v0;
	v5 =	vperm.xlane v5, v1;
	_ =	sdelay $0x1  }
0xcd: {  	v4 =	vsel vm8, v6, v4;
	v3 =	vsel vm8, v5, v3  }
0xce: {  	v3 =	vadd.s32 v4, v3  }
0xcf: {  	v3 =	vmul.u32 $0xF4240, v3;
	_ =	sdelay $0x1  }
0xd0: {  	s10 =	smov.u32 s17;
	v2 =	vsub.s32 v2, v3  }
0xd1: {  	s11 =	sshra.s32 s10, $0x2;
	[tilespmem:s16+$0x80] =	vst v2  }
0xd2: {  	v2 =	vld [tilespmem:s11+$0x80];
	_ =	sdelay $0x4  }
0xd3: {  	(v2sf) =	vpush v2, $0x0  }
0xd4: {  	(v2sf) =	vpush v2, $0x1  }
0xd5: {  	(v2sf) =	vpush v2, $0x2;
	_ =	sdelay $0x1  }
0xd6: {  	(v2sf) =	vpush v2, $0x7;
	_ =	sdelay $0x2  }
0xd7: {  	(v2sf) =	vpush v2, $0x3  }
0xd8: {  	(v2sf) =	vpush v2, $0x4;
	_ =	sdelay $0x1  }
0xd9: {  	(v2sf) =	vpush v2, $0xC;
	_ =	sdelay $0x1  }
0xda: {  	(v2sf) =	vpush v2, $0xD;
	_ =	sdelay $0x2  }
0xdb: {  	(v2sf) =	vpush v2, $0xE;
	s12 =	spop (v2sf)  }
0xdc: {  	s7 =	smulhi.u32 $0x431BDE83, s12;
	s13 =	spop (v2sf)  }
0xdd: {  	(v2sf) =	vpush v2, $0x8;
	s14 =	smulhi.u32 $0x431BDE83, s13;
	s15 =	spop (v2sf)  }
0xde: {  	(v2sf) =	vpush v2, $0xF;
	s0 =	sshra.s32 s13, $0x1F;
	s16 =	smulhi.u32 $0x431BDE83, s15  }
0xdf: {  	p0 =	sne.s32 s17, $0x1C0;
	s19 =	spop (v2sf);
	s0 =	smul.u32 $0x431BDE83, s0  }
0xe0: {  	s17 =	sadd.s32 $0x40, s17;
	(v2sf) =	vpush v2, $0x9;
	s2 =	sshra.s32 s15, $0x1F;
	s21 =	smulhi.u32 $0x431BDE83, s19  }
0xe1: {  	[dreg:$0x4] =	wrdreg s11;
	s4 =	sshra.s32 s19, $0x1F;
	s24 =	smul.u32 $0x431BDE83, s2  }
0xe2: {  	s18 =	sshra.s32 s12, $0x1F;
	s20 =	spop (v2sf);
	s28 =	smul.u32 $0x431BDE83, s4  }
0xe3: {  	s22 =	sshra.s32 s20, $0x1F;
	s10 =	spop (v2sf);
	s3 =	smulhi.u32 $0x431BDE83, s20  }
0xe4: {  	(v2sf) =	vpush v2, $0xA;
	s8 =	sadd.s32 s0, s14;
	s23 =	sshra.s32 s10, $0x1F;
	s6 =	smul.u32 $0x431BDE83, s22  }
0xe5: {  	s25 =	spop (v2sf);
	s31 =	sshra.s32 s8, $0x12;
	s10 =	smulhi.u32 $0x431BDE83, s10  }
0xe6: {  	s0 =	sadd.s32 s24, s16;
	s29 =	sshrl.u32 s8, $0x1F;
	s11 =	smul.u32 $0x431BDE83, s23  }
0xe7: {  	(v2sf) =	vpush v2, $0x5;
	s12 =	spop (v2sf);
	s13 =	sshra.s32 s25, $0x1F;
	s15 =	smulhi.u32 $0x431BDE83, s25  }
0xe8: {  	s24 =	sshra.s32 s0, $0x12;
	s20 =	sshrl.u32 s0, $0x1F;
	s5 =	smulhi.u32 $0x431BDE83, s12  }
0xe9: {  	(v2sf) =	vpush v2, $0xB;
	s23 =	sshra.s32 s0, $0x1F;
	s2 =	sshra.s32 s12, $0x1F;
	s4 =	smul.u32 $0x431BDE83, s13  }
0xea: {  	s14 =	spop (v2sf);
	(v2sf) =	vpush v2, $0x6;
	s3 =	sadd.s32 s6, s3;
	s6 =	smul.u32 $0x431BDE83, s18  }
0xeb: {  	s18 =	sadd.s32 s28, s21;
	[dreg:$0x14] =	wrdreg s11;
	s26 =	smulhi.u32 $0x431BDE83, s14  }
0xec: {  	s13 =	sshra.s32 s14, $0x1F;
	s14 =	spop (v2sf);
	s2 =	smul.u32 $0x431BDE83, s2  }
0xed: {  	s21 =	sshra.s32 s18, $0x1F;
	s12 =	sshra.s32 s14, $0x1F;
	s16 =	spop (v2sf)  }
0xee: {  	s0 =	sadd.s32 s4, s15;
	s15 =	sshrl.u32 s3, $0x1F;
	s11 =	sshra.s32 s16, $0x1F  }
0xef: {  	s19 =	spop (v2sf);
	s9 =	smulhi.u32 $0x431BDE83, s16;
	s4 =	sshrl.u32 s0, $0x1F  }
0xf0: {  	s5 =	sadd.s32 s2, s5;
	s0 =	sshra.s32 s0, $0x12;
	s16 =	smulhi.u32 $0x431BDE83, s19  }
0xf1: {  	s22 =	sshra.s32 s19, $0x1F;
	s2 =	sshra.s32 s5, $0x12;
	v3 =	vmov s0;
	s1 =	smul.u32 $0x431BDE83, s11  }
0xf2: {  	s6 =	sadd.s32 s6, s7;
	s19 =	smul.u32 $0x431BDE83, s22;
	v3 =	vsel vm0, s2, v3;
	s2 =	sshra.s32 s3, $0x12  }
0xf3: {  	s22 =	sshra.s32 s3, $0x1F;
	s3 =	smulhi.u32 $0x431BDE83, s14;
	s25 =	spop (v2sf)  }
0xf4: {  	v4 =	vmov s4;
	s5 =	sshrl.u32 s5, $0x1F;
	s4 =	sshra.s32 s25, $0x1F;
	s25 =	smulhi.u32 $0x431BDE83, s25  }
.Ltmp1:
0xf5: {  	s7 =	sadd.s32 s19, s16;
	s19 =	rddreg [dreg:$0x14];
	(pc) =	sbr.rel @p0 .LBB2_4-.Ltmp1, $4  }
0xf6: {  	v4 =	vsel vm0, s5, v4;
	s5 =	sshra.s32 s8, $0x1F;
	s28 =	smul.u32 $0x431BDE83, s4;
	s0 =	spop (v2sf)  }
0xf7: {  	s14 =	sshra.s32 s6, $0x12;
	s16 =	rddreg [dreg:$0x4];
	s11 =	smulhi.u32 $0x431BDE83, s0  }
0xf8: {  	v5 =	vmov s21;
	s4 =	sshra.s32 s0, $0x1F;
	s0 =	smul.u32 $0x431BDE83, s13;
	s30 =	spop (v2sf)  }
0xf9: {  	v5 =	vsel vm3, s14, v5;
	s13 =	sshra.s32 s6, $0x1F;
	s21 =	smulhi.u32 $0x431BDE83, s30;
	s8 =	spop (v2sf)  }
0xfa: {  	s1 =	sadd.s32 s1, s9  }
0xfb: {  	v5 =	vsel vm9, s13, v5;
	s0 =	sadd.s32 s0, s26;
	s17 =	smul.u32 $0x431BDE83, s12;
	s6 =	sshrl.u32 s6, $0x1F  }
0xfc: {  	s12 =	sshrl.u32 s7, $0x1F;
	s13 =	sshra.s32 s30, $0x1F;
	s4 =	smul.u32 $0x431BDE83, s4;
	v5 =	vsel vm0, s31, v5  }
0xfd: {  	s26 =	sadd.s32 s19, s10;
	s14 =	sshra.s32 s8, $0x1F;
	s19 =	smulhi.u32 $0x431BDE83, s8;
	v6 =	vmov s6;
	v5 =	vsel vm10, s5, v5  }
0xfe: {  	v6 =	vnsel vm3, $0x0, v6;
	s5 =	smul.u32 $0x431BDE83, s14;
	s14 =	sshrl.u32 s0, $0x1F;
	s0 =	sshra.s32 s0, $0x12;
	v5 =	vsel vm1, s24, v5  }
0xff: {  	s7 =	sshra.s32 s7, $0x12;
	s3 =	sadd.s32 s17, s3;
	s17 =	sshrl.u32 s1, $0x1F;
	v6 =	vsel vm0, s29, v6;
	v4 =	vsel vm1, s14, v4;
	v3 =	vsel vm1, s0, v3  }
0x100: {  	s10 =	sshrl.u32 s26, $0x1F;
	s6 =	sshra.s32 s26, $0x1F;
	s1 =	sshra.s32 s1, $0x12;
	v5 =	vsel vm11, s23, v5;
	v6 =	vsel vm1, s20, v6;
	v4 =	vsel vm2, s17, v4  }
0x101: {  	s20 =	sshra.s32 s26, $0x12;
	s26 =	sshrl.u32 s3, $0x1F;
	s3 =	sshra.s32 s3, $0x12;
	v3 =	vsel vm2, s1, v3;
	v5 =	vsel vm2, s2, v5;
	v6 =	vsel vm2, s15, v6  }
0x102: {  	s4 =	sadd.s32 s4, s11;
	s23 =	smul.u32 $0x431BDE83, s13;
	s13 =	sadd.s32 s28, s25;
	v7 =	vmov s26;
	v8 =	vmov s3;
	v5 =	vsel vm12, s22, v5  }
0x103: {  	s24 =	sshrl.u32 s4, $0x1F;
	s15 =	sadd.s32 s5, s19;
	s17 =	sshrl.u32 s13, $0x1F;
	v6 =	vsel vm4, s10, v6;
	v7 =	vsel vm0, s12, v7;
	v5 =	vsel vm4, s20, v5  }
0x104: {  	s10 =	sshra.s32 s4, $0x12;
	s14 =	sadd.s32 s23, s21;
	v8 =	vsel vm0, s7, v8;
	v6 =	vsel vm5, s24, v6;
	s20 =	sshra.s32 s13, $0x12;
	v5 =	vsel vm13, s6, v5  }
0x105: {  	s19 =	sshra.s32 s4, $0x1F;
	s25 =	sshrl.u32 s15, $0x1F;
	v7 =	vsel vm1, s17, v7;
	s22 =	sshrl.u32 s14, $0x1F;
	v8 =	vsel vm1, s20, v8;
	v5 =	vsel vm5, s10, v5  }
0x106: {  	s21 =	sshra.s32 s15, $0x12;
	s23 =	sshra.s32 s14, $0x12;
	v7 =	vsel vm2, s22, v7;
	v6 =	vsel vm6, s25, v6;
	v5 =	vsel vm14, s19, v5  }
0x107: {  	s2 =	sshrl.u32 s18, $0x1F;
	s24 =	sshra.s32 s15, $0x1F;
	v8 =	vsel vm2, s23, v8;
	v4 =	vcombine.low v7, v4;
	v5 =	vsel vm6, s21, v5  }
0x108: {  	s26 =	sshra.s32 s18, $0x12;
	v6 =	vsel vm7, s2, v6;
	v3 =	vcombine.low v8, v3;
	v5 =	vsel vm15, s24, v5  }
0x109: {  	v6 =	vperm.xlane v6, v1;
	v4 =	vperm.xlane v4, v0;
	v5 =	vsel vm7, s26, v5  }
0x10a: {  	v3 =	vperm.xlane v3, v0;
	v5 =	vperm.xlane v5, v1;
	_ =	sdelay $0x1  }
0x10b: {  	v4 =	vsel vm8, v6, v4;
	v3 =	vsel vm8, v5, v3  }
0x10c: {  	v3 =	vadd.s32 v4, v3  }
0x10d: {  	v3 =	vmul.u32 $0xF4240, v3;
	_ =	sdelay $0x1  }
0x10e: {  	v2 =	vsub.s32 v2, v3  }
0x10f: {  	[tilespmem:s16+$0x80] =	vst v2;
	s16 =	simm.s32 $0x0  }
0x110: {  	v2 =	vld [tilespmem:s16+$0x100];
	_ =	sdelay $0x4  }
0x111: {  	(v2sf) =	vpush v2, $0x0  }
0x112: {  	(v2sf) =	vpush v2, $0x1;
	_ =	sdelay $0x1  }
0x113: {  	(v2sf) =	vpush v2, $0x2;
	_ =	sdelay $0x1  }
0x114: {  	(v2sf) =	vpush v2, $0x7;
	_ =	sdelay $0x2  }
0x115: {  	(v2sf) =	vpush v2, $0x3  }
0x116: {  	(v2sf) =	vpush v2, $0x4  }
0x117: {  	(v2sf) =	vpush v2, $0xC  }
0x118: {  	(v2sf) =	vpush v2, $0xD;
	_ =	sdelay $0x3  }
0x119: {  	(v2sf) =	vpush v2, $0xE;
	s3 =	spop (v2sf)  }
0x11a: {  	s2 =	smulhi.u32 $0x431BDE83, s3;
	s4 =	spop (v2sf)  }
0x11b: {  	(v2sf) =	vpush v2, $0x8;
	s0 =	sshra.s32 s3, $0x1F;
	s5 =	smulhi.u32 $0x431BDE83, s4  }
0x11c: {  	(v2sf) =	vpush v2, $0xF;
	s10 =	spop (v2sf);
	s0 =	smul.u32 $0x431BDE83, s0  }
0x11d: {  	s1 =	sshra.s32 s4, $0x1F;
	s11 =	smulhi.u32 $0x431BDE83, s10  }
0x11e: {  	s20 =	spop (v2sf);
	s1 =	smul.u32 $0x431BDE83, s1  }
0x11f: {  	s4 =	sshra.s32 s10, $0x1F;
	s7 =	smulhi.u32 $0x431BDE83, s20  }
0x120: {  	(v2sf) =	vpush v2, $0x9;
	s6 =	sshra.s32 s20, $0x1F;
	s4 =	smul.u32 $0x431BDE83, s4  }
0x121: {  	s21 =	spop (v2sf);
	s6 =	smul.u32 $0x431BDE83, s6  }
0x122: {  	(v2sf) =	vpush v2, $0xA;
	s10 =	spop (v2sf);
	s12 =	smulhi.u32 $0x431BDE83, s21;
	s8 =	sshra.s32 s21, $0x1F  }
0x123: {  	(v2sf) =	vpush v2, $0x5;
	s22 =	sshra.s32 s10, $0x1F;
	s23 =	spop (v2sf);
	s10 =	smulhi.u32 $0x431BDE83, s10  }
0x124: {  	s4 =	sadd.s32 s4, s11;
	s19 =	smul.u32 $0x431BDE83, s22;
	s25 =	spop (v2sf)  }
0x125: {  	(v2sf) =	vpush v2, $0xB;
	s26 =	sshra.s32 s23, $0x1F;
	s24 =	sshra.s32 s4, $0x12;
	s11 =	smulhi.u32 $0x431BDE83, s23  }
0x126: {  	s20 =	sshrl.u32 s4, $0x1F;
	s23 =	sshra.s32 s4, $0x1F;
	s4 =	smul.u32 $0x431BDE83, s8  }
0x127: {  	s14 =	smulhi.u32 $0x431BDE83, s25  }
0x128: {  	s17 =	sadd.s32 s1, s5;
	s15 =	spop (v2sf);
	s18 =	smul.u32 $0x431BDE83, s26  }
0x129: {  	(v2sf) =	vpush v2, $0x6;
	s31 =	sshra.s32 s17, $0x12;
	s21 =	sshra.s32 s25, $0x1F;
	s26 =	smulhi.u32 $0x431BDE83, s15  }
0x12a: {  	s13 =	spop (v2sf);
	s30 =	sshra.s32 s15, $0x1F;
	s5 =	smul.u32 $0x431BDE83, s21  }
0x12b: {  	s4 =	sadd.s32 s4, s12;
	s22 =	spop (v2sf);
	s8 =	sadd.s32 s18, s11  }
0x12c: {  	s18 =	sadd.s32 s6, s7;
	s6 =	sadd.s32 s0, s2;
	s0 =	smul.u32 $0x431BDE83, s30  }
0x12d: {  	s2 =	sshra.s32 s4, $0x12;
	s15 =	sshra.s32 s22, $0x1F;
	s9 =	smulhi.u32 $0x431BDE83, s22  }
0x12e: {  	s21 =	sshrl.u32 s8, $0x1F;
	s5 =	sadd.s32 s5, s14;
	s14 =	sshra.s32 s8, $0x12  }
0x12f: {  	s8 =	sshra.s32 s5, $0x12;
	s1 =	smul.u32 $0x431BDE83, s15;
	s25 =	spop (v2sf)  }
0x130: {  	[smem:$0x7F0] =	sst s8;
	s11 =	sshra.s32 s25, $0x1F;
	s22 =	smulhi.u32 $0x431BDE83, s25  }
0x131: {  	s15 =	sshrl.u32 s4, $0x1F;
	s25 =	spop (v2sf);
	s3 =	smul.u32 $0x431BDE83, s11  }
0x132: {  	s29 =	spop (v2sf);
	s12 =	sshra.s32 s25, $0x1F;
	s25 =	smulhi.u32 $0x431BDE83, s25  }
0x133: {  	v4 =	vmov s21;
	s8 =	sshrl.u32 s5, $0x1F;
	s21 =	sld [smem:$0x7F0];
	s11 =	smulhi.u32 $0x431BDE83, s29  }
0x134: {  	s5 =	sshra.s32 s17, $0x1F;
	s28 =	smul.u32 $0x431BDE83, s12;
	s30 =	spop (v2sf)  }
0x135: {  	s7 =	sadd.s32 s3, s22;
	s22 =	sshra.s32 s4, $0x1F;
	s4 =	sshra.s32 s29, $0x1F  }
0x136: {  	v3 =	vmov s14;
	s3 =	smulhi.u32 $0x431BDE83, s13;
	s29 =	sshrl.u32 s17, $0x1F;
	s17 =	sshra.s32 s18, $0x1F  }
0x137: {  	v3 =	vsel vm0, s21, v3;
	s12 =	sshra.s32 s13, $0x1F;
	s13 =	sshra.s32 s6, $0x12;
	s21 =	smulhi.u32 $0x431BDE83, s30;
	v5 =	vmov s17  }
0x138: {  	v4 =	vsel vm0, s8, v4;
	s8 =	spop (v2sf);
	s17 =	simm.s32 $0x40;
	v5 =	vsel vm3, s13, v5;
	s13 =	sshra.s32 s6, $0x1F  }
.LBB2_6:
0x139: {  	s14 =	sshrl.u32 s7, $0x1F;
	s12 =	smul.u32 $0x431BDE83, s12  }
0x13a: {  	s30 =	sshra.s32 s30, $0x1F;
	v5 =	vsel vm9, s13, v5;
	s6 =	sshrl.u32 s6, $0x1F;
	s4 =	smul.u32 $0x431BDE83, s4  }
0x13b: {  	s13 =	sshra.s32 s8, $0x1F;
	s1 =	sadd.s32 s1, s9;
	v5 =	vsel vm0, s31, v5;
	s0 =	sadd.s32 s0, s26  }
0x13c: {  	v6 =	vmov s6;
	s6 =	sadd.s32 s19, s10;
	s10 =	smul.u32 $0x431BDE83, s13;
	s13 =	sshra.s32 s7, $0x12;
	v5 =	vsel vm10, s5, v5  }
0x13d: {  	s3 =	sadd.s32 s12, s3;
	v6 =	vnsel vm3, $0x0, v6;
	s19 =	sshrl.u32 s0, $0x1F;
	s0 =	sshra.s32 s0, $0x12;
	v5 =	vsel vm1, s24, v5  }
0x13e: {  	s26 =	sshrl.u32 s1, $0x1F;
	s9 =	sshrl.u32 s6, $0x1F;
	s4 =	sadd.s32 s4, s11;
	v6 =	vsel vm0, s29, v6;
	v4 =	vsel vm1, s19, v4;
	v3 =	vsel vm1, s0, v3  }
0x13f: {  	s1 =	sshra.s32 s1, $0x12;
	s24 =	smul.u32 $0x431BDE83, s30;
	s11 =	sshrl.u32 s4, $0x1F;
	v5 =	vsel vm11, s23, v5;
	v6 =	vsel vm1, s20, v6;
	v4 =	vsel vm2, s26, v4  }
0x140: {  	s19 =	sadd.s32 s28, s25;
	s26 =	sshrl.u32 s3, $0x1F;
	s3 =	sshra.s32 s3, $0x12;
	v3 =	vsel vm2, s1, v3;
	v5 =	vsel vm2, s2, v5;
	v6 =	vsel vm2, s15, v6  }
0x141: {  	s20 =	smulhi.u32 $0x431BDE83, s8;
	s23 =	sshra.s32 s6, $0x12;
	s6 =	sshra.s32 s6, $0x1F;
	v7 =	vmov s26;
	v8 =	vmov s3;
	v5 =	vsel vm12, s22, v5  }
0x142: {  	s15 =	sshra.s32 s4, $0x12;
	s5 =	sadd.s32 s24, s21;
	s21 =	sshra.s32 s19, $0x12;
	v6 =	vsel vm4, s9, v6;
	v7 =	vsel vm0, s14, v7;
	v5 =	vsel vm4, s23, v5  }
0x143: {  	s24 =	sshrl.u32 s19, $0x1F;
	s20 =	sadd.s32 s10, s20;
	s22 =	sshra.s32 s5, $0x12;
	v8 =	vsel vm0, s13, v8;
	v6 =	vsel vm5, s11, v6;
	v5 =	vsel vm13, s6, v5  }
0x144: {  	s5 =	sshrl.u32 s5, $0x1F;
	s23 =	sshra.s32 s4, $0x1F;
	s25 =	sshrl.u32 s20, $0x1F;
	v7 =	vsel vm1, s24, v7;
	v8 =	vsel vm1, s21, v8;
	v5 =	vsel vm5, s15, v5  }
0x145: {  	s26 =	sshra.s32 s20, $0x12;
	v6 =	vsel vm6, s25, v6;
	v7 =	vsel vm2, s5, v7;
	v5 =	vsel vm14, s23, v5  }
0x146: {  	s7 =	sshrl.u32 s18, $0x1F;
	s8 =	sshra.s32 s20, $0x1F;
	v8 =	vsel vm2, s22, v8;
	v4 =	vcombine.low v7, v4;
	v5 =	vsel vm6, s26, v5  }
0x147: {  	s9 =	sshra.s32 s18, $0x12;
	v6 =	vsel vm7, s7, v6;
	v3 =	vcombine.low v8, v3;
	v5 =	vsel vm15, s8, v5  }
0x148: {  	v6 =	vperm.xlane v6, v1;
	v4 =	vperm.xlane v4, v0;
	v5 =	vsel vm7, s9, v5  }
0x149: {  	v3 =	vperm.xlane v3, v0;
	v5 =	vperm.xlane v5, v1;
	_ =	sdelay $0x1  }
0x14a: {  	v4 =	vsel vm8, v6, v4;
	v3 =	vsel vm8, v5, v3  }
0x14b: {  	v3 =	vadd.s32 v4, v3  }
0x14c: {  	v3 =	vmul.u32 $0xF4240, v3;
	_ =	sdelay $0x1  }
0x14d: {  	s10 =	smov.u32 s17;
	v2 =	vsub.s32 v2, v3  }
0x14e: {  	s11 =	sshra.s32 s10, $0x2;
	[tilespmem:s16+$0x100] =	vst v2  }
0x14f: {  	v2 =	vld [tilespmem:s11+$0x100];
	_ =	sdelay $0x4  }
0x150: {  	(v2sf) =	vpush v2, $0x0  }
0x151: {  	(v2sf) =	vpush v2, $0x1  }
0x152: {  	(v2sf) =	vpush v2, $0x2;
	_ =	sdelay $0x1  }
0x153: {  	(v2sf) =	vpush v2, $0x7;
	_ =	sdelay $0x2  }
0x154: {  	(v2sf) =	vpush v2, $0x3  }
0x155: {  	(v2sf) =	vpush v2, $0x4;
	_ =	sdelay $0x1  }
0x156: {  	(v2sf) =	vpush v2, $0xC;
	_ =	sdelay $0x1  }
0x157: {  	(v2sf) =	vpush v2, $0xD;
	_ =	sdelay $0x2  }
0x158: {  	(v2sf) =	vpush v2, $0xE;
	s12 =	spop (v2sf)  }
0x159: {  	s7 =	smulhi.u32 $0x431BDE83, s12;
	s13 =	spop (v2sf)  }
0x15a: {  	(v2sf) =	vpush v2, $0x8;
	s14 =	smulhi.u32 $0x431BDE83, s13;
	s15 =	spop (v2sf)  }
0x15b: {  	(v2sf) =	vpush v2, $0xF;
	s0 =	sshra.s32 s13, $0x1F;
	s16 =	smulhi.u32 $0x431BDE83, s15  }
0x15c: {  	p0 =	sne.s32 s17, $0x1C0;
	s19 =	spop (v2sf);
	s0 =	smul.u32 $0x431BDE83, s0  }
0x15d: {  	s17 =	sadd.s32 $0x40, s17;
	(v2sf) =	vpush v2, $0x9;
	s2 =	sshra.s32 s15, $0x1F;
	s21 =	smulhi.u32 $0x431BDE83, s19  }
0x15e: {  	[dreg:$0x5] =	wrdreg s11;
	s4 =	sshra.s32 s19, $0x1F;
	s24 =	smul.u32 $0x431BDE83, s2  }
0x15f: {  	s18 =	sshra.s32 s12, $0x1F;
	s20 =	spop (v2sf);
	s28 =	smul.u32 $0x431BDE83, s4  }
0x160: {  	s22 =	sshra.s32 s20, $0x1F;
	s10 =	spop (v2sf);
	s3 =	smulhi.u32 $0x431BDE83, s20  }
0x161: {  	(v2sf) =	vpush v2, $0xA;
	s8 =	sadd.s32 s0, s14;
	s23 =	sshra.s32 s10, $0x1F;
	s6 =	smul.u32 $0x431BDE83, s22  }
0x162: {  	s25 =	spop (v2sf);
	s31 =	sshra.s32 s8, $0x12;
	s10 =	smulhi.u32 $0x431BDE83, s10  }
0x163: {  	s0 =	sadd.s32 s24, s16;
	s29 =	sshrl.u32 s8, $0x1F;
	s11 =	smul.u32 $0x431BDE83, s23  }
0x164: {  	(v2sf) =	vpush v2, $0x5;
	s12 =	spop (v2sf);
	s13 =	sshra.s32 s25, $0x1F;
	s15 =	smulhi.u32 $0x431BDE83, s25  }
0x165: {  	s24 =	sshra.s32 s0, $0x12;
	s20 =	sshrl.u32 s0, $0x1F;
	s5 =	smulhi.u32 $0x431BDE83, s12  }
0x166: {  	(v2sf) =	vpush v2, $0xB;
	s23 =	sshra.s32 s0, $0x1F;
	s2 =	sshra.s32 s12, $0x1F;
	s4 =	smul.u32 $0x431BDE83, s13  }
0x167: {  	s14 =	spop (v2sf);
	(v2sf) =	vpush v2, $0x6;
	s3 =	sadd.s32 s6, s3;
	s6 =	smul.u32 $0x431BDE83, s18  }
0x168: {  	s18 =	sadd.s32 s28, s21;
	[dreg:$0x15] =	wrdreg s11;
	s26 =	smulhi.u32 $0x431BDE83, s14  }
0x169: {  	s13 =	sshra.s32 s14, $0x1F;
	s14 =	spop (v2sf);
	s2 =	smul.u32 $0x431BDE83, s2  }
0x16a: {  	s21 =	sshra.s32 s18, $0x1F;
	s12 =	sshra.s32 s14, $0x1F;
	s16 =	spop (v2sf)  }
0x16b: {  	s0 =	sadd.s32 s4, s15;
	s15 =	sshrl.u32 s3, $0x1F;
	s11 =	sshra.s32 s16, $0x1F  }
0x16c: {  	s19 =	spop (v2sf);
	s9 =	smulhi.u32 $0x431BDE83, s16;
	s4 =	sshrl.u32 s0, $0x1F  }
0x16d: {  	s5 =	sadd.s32 s2, s5;
	s0 =	sshra.s32 s0, $0x12;
	s16 =	smulhi.u32 $0x431BDE83, s19  }
0x16e: {  	s22 =	sshra.s32 s19, $0x1F;
	s2 =	sshra.s32 s5, $0x12;
	v3 =	vmov s0;
	s1 =	smul.u32 $0x431BDE83, s11  }
0x16f: {  	s6 =	sadd.s32 s6, s7;
	s19 =	smul.u32 $0x431BDE83, s22;
	v3 =	vsel vm0, s2, v3;
	s2 =	sshra.s32 s3, $0x12  }
0x170: {  	s22 =	sshra.s32 s3, $0x1F;
	s3 =	smulhi.u32 $0x431BDE83, s14;
	s25 =	spop (v2sf)  }
0x171: {  	v4 =	vmov s4;
	s5 =	sshrl.u32 s5, $0x1F;
	s4 =	sshra.s32 s25, $0x1F;
	s25 =	smulhi.u32 $0x431BDE83, s25  }
.Ltmp2:
0x172: {  	s7 =	sadd.s32 s19, s16;
	s19 =	rddreg [dreg:$0x15];
	(pc) =	sbr.rel @p0 .LBB2_6-.Ltmp2, $4  }
0x173: {  	v4 =	vsel vm0, s5, v4;
	s5 =	sshra.s32 s8, $0x1F;
	s28 =	smul.u32 $0x431BDE83, s4;
	s0 =	spop (v2sf)  }
0x174: {  	s14 =	sshra.s32 s6, $0x12;
	s16 =	rddreg [dreg:$0x5];
	s11 =	smulhi.u32 $0x431BDE83, s0  }
0x175: {  	v5 =	vmov s21;
	s4 =	sshra.s32 s0, $0x1F;
	s0 =	smul.u32 $0x431BDE83, s13;
	s30 =	spop (v2sf)  }
0x176: {  	v5 =	vsel vm3, s14, v5;
	s13 =	sshra.s32 s6, $0x1F;
	s21 =	smulhi.u32 $0x431BDE83, s30;
	s8 =	spop (v2sf)  }
0x177: {  	s1 =	sadd.s32 s1, s9  }
0x178: {  	v5 =	vsel vm9, s13, v5;
	s0 =	sadd.s32 s0, s26;
	s17 =	smul.u32 $0x431BDE83, s12;
	s6 =	sshrl.u32 s6, $0x1F  }
0x179: {  	s12 =	sshrl.u32 s7, $0x1F;
	s13 =	sshra.s32 s30, $0x1F;
	s4 =	smul.u32 $0x431BDE83, s4;
	v5 =	vsel vm0, s31, v5  }
0x17a: {  	s26 =	sadd.s32 s19, s10;
	s14 =	sshra.s32 s8, $0x1F;
	s19 =	smulhi.u32 $0x431BDE83, s8;
	v6 =	vmov s6;
	v5 =	vsel vm10, s5, v5  }
0x17b: {  	v6 =	vnsel vm3, $0x0, v6;
	s5 =	smul.u32 $0x431BDE83, s14;
	s14 =	sshrl.u32 s0, $0x1F;
	s0 =	sshra.s32 s0, $0x12;
	v5 =	vsel vm1, s24, v5  }
0x17c: {  	s10 =	sshrl.u32 s26, $0x1F;
	s3 =	sadd.s32 s17, s3;
	s17 =	sshrl.u32 s1, $0x1F;
	v6 =	vsel vm0, s29, v6;
	v4 =	vsel vm1, s14, v4;
	v3 =	vsel vm1, s0, v3  }
0x17d: {  	s6 =	sshra.s32 s26, $0x1F;
	s4 =	sadd.s32 s4, s11;
	s1 =	sshra.s32 s1, $0x12;
	v5 =	vsel vm11, s23, v5;
	v6 =	vsel vm1, s20, v6;
	v4 =	vsel vm2, s17, v4  }
0x17e: {  	s20 =	sshra.s32 s26, $0x12;
	s26 =	sshrl.u32 s3, $0x1F;
	s3 =	sshra.s32 s3, $0x12;
	v3 =	vsel vm2, s1, v3;
	v5 =	vsel vm2, s2, v5;
	v6 =	vsel vm2, s15, v6  }
0x17f: {  	s24 =	sshrl.u32 s4, $0x1F;
	s14 =	sshra.s32 s4, $0x12;
	s23 =	smul.u32 $0x431BDE83, s13;
	v7 =	vmov s26;
	v8 =	vmov s3;
	v5 =	vsel vm12, s22, v5  }
0x180: {  	s19 =	sadd.s32 s5, s19;
	s15 =	sadd.s32 s28, s25;
	v6 =	vsel vm4, s10, v6;
	s10 =	sshra.s32 s7, $0x12;
	v7 =	vsel vm0, s12, v7;
	v5 =	vsel vm4, s20, v5  }
0x181: {  	s5 =	sshrl.u32 s19, $0x1F;
	s17 =	sadd.s32 s23, s21;
	s21 =	sshrl.u32 s15, $0x1F;
	v6 =	vsel vm5, s24, v6;
	v8 =	vsel vm0, s10, v8;
	v5 =	vsel vm13, s6, v5  }
0x182: {  	s22 =	sshra.s32 s15, $0x12;
	s20 =	sshra.s32 s4, $0x1F;
	v7 =	vsel vm1, s21, v7;
	s23 =	sshrl.u32 s17, $0x1F;
	v6 =	vsel vm6, s5, v6;
	v5 =	vsel vm5, s14, v5  }
0x183: {  	s25 =	sshra.s32 s19, $0x12;
	s24 =	sshra.s32 s17, $0x12;
	v8 =	vsel vm1, s22, v8;
	v7 =	vsel vm2, s23, v7;
	v5 =	vsel vm14, s20, v5  }
0x184: {  	s26 =	sshrl.u32 s18, $0x1F;
	s3 =	sshra.s32 s19, $0x1F;
	v8 =	vsel vm2, s24, v8;
	v4 =	vcombine.low v7, v4;
	v5 =	vsel vm6, s25, v5  }
0x185: {  	s2 =	sshra.s32 s18, $0x12;
	v6 =	vsel vm7, s26, v6;
	v3 =	vcombine.low v8, v3;
	v5 =	vsel vm15, s3, v5  }
0x186: {  	v6 =	vperm.xlane v6, v1;
	v4 =	vperm.xlane v4, v0;
	v5 =	vsel vm7, s2, v5  }
0x187: {  	v3 =	vperm.xlane v3, v0;
	v5 =	vperm.xlane v5, v1;
	_ =	sdelay $0x1  }
0x188: {  	v4 =	vsel vm8, v6, v4;
	v3 =	vsel vm8, v5, v3  }
0x189: {  	v3 =	vadd.s32 v4, v3  }
0x18a: {  	v3 =	vmul.u32 $0xF4240, v3;
	_ =	sdelay $0x1  }
0x18b: {  	v2 =	vsub.s32 v2, v3  }
0x18c: {  	[tilespmem:s16+$0x100] =	vst v2;
	s16 =	simm.s32 $0x0  }
0x18d: {  	v2 =	vld [tilespmem:s16+$0x180];
	_ =	sdelay $0x4  }
0x18e: {  	(v2sf) =	vpush v2, $0x0  }
0x18f: {  	(v2sf) =	vpush v2, $0x1;
	_ =	sdelay $0x1  }
0x190: {  	(v2sf) =	vpush v2, $0x2;
	_ =	sdelay $0x1  }
0x191: {  	(v2sf) =	vpush v2, $0x7;
	_ =	sdelay $0x2  }
0x192: {  	(v2sf) =	vpush v2, $0x3  }
0x193: {  	(v2sf) =	vpush v2, $0x4  }
0x194: {  	(v2sf) =	vpush v2, $0xC  }
0x195: {  	(v2sf) =	vpush v2, $0xD;
	_ =	sdelay $0x3  }
0x196: {  	(v2sf) =	vpush v2, $0xE;
	s3 =	spop (v2sf)  }
0x197: {  	s2 =	smulhi.u32 $0x431BDE83, s3;
	s4 =	spop (v2sf)  }
0x198: {  	(v2sf) =	vpush v2, $0x8;
	s0 =	sshra.s32 s3, $0x1F;
	s5 =	smulhi.u32 $0x431BDE83, s4  }
0x199: {  	(v2sf) =	vpush v2, $0xF;
	s10 =	spop (v2sf);
	s0 =	smul.u32 $0x431BDE83, s0  }
0x19a: {  	s1 =	sshra.s32 s4, $0x1F;
	s11 =	smulhi.u32 $0x431BDE83, s10  }
0x19b: {  	s20 =	spop (v2sf);
	s1 =	smul.u32 $0x431BDE83, s1  }
0x19c: {  	s4 =	sshra.s32 s10, $0x1F;
	s7 =	smulhi.u32 $0x431BDE83, s20  }
0x19d: {  	(v2sf) =	vpush v2, $0x9;
	s6 =	sshra.s32 s20, $0x1F;
	s4 =	smul.u32 $0x431BDE83, s4  }
0x19e: {  	s21 =	spop (v2sf);
	s6 =	smul.u32 $0x431BDE83, s6  }
0x19f: {  	(v2sf) =	vpush v2, $0xA;
	s10 =	spop (v2sf);
	s12 =	smulhi.u32 $0x431BDE83, s21;
	s8 =	sshra.s32 s21, $0x1F  }
0x1a0: {  	(v2sf) =	vpush v2, $0x5;
	s22 =	sshra.s32 s10, $0x1F;
	s23 =	spop (v2sf);
	s10 =	smulhi.u32 $0x431BDE83, s10  }
0x1a1: {  	s4 =	sadd.s32 s4, s11;
	s19 =	smul.u32 $0x431BDE83, s22;
	s25 =	spop (v2sf)  }
0x1a2: {  	(v2sf) =	vpush v2, $0xB;
	s26 =	sshra.s32 s23, $0x1F;
	s24 =	sshra.s32 s4, $0x12;
	s11 =	smulhi.u32 $0x431BDE83, s23  }
0x1a3: {  	s20 =	sshrl.u32 s4, $0x1F;
	s23 =	sshra.s32 s4, $0x1F;
	s4 =	smul.u32 $0x431BDE83, s8  }
0x1a4: {  	s14 =	smulhi.u32 $0x431BDE83, s25  }
0x1a5: {  	s17 =	sadd.s32 s1, s5;
	s15 =	spop (v2sf);
	s18 =	smul.u32 $0x431BDE83, s26  }
0x1a6: {  	(v2sf) =	vpush v2, $0x6;
	s31 =	sshra.s32 s17, $0x12;
	s21 =	sshra.s32 s25, $0x1F;
	s26 =	smulhi.u32 $0x431BDE83, s15  }
0x1a7: {  	s13 =	spop (v2sf);
	s30 =	sshra.s32 s15, $0x1F;
	s5 =	smul.u32 $0x431BDE83, s21  }
0x1a8: {  	s4 =	sadd.s32 s4, s12;
	s22 =	spop (v2sf);
	s8 =	sadd.s32 s18, s11  }
0x1a9: {  	s18 =	sadd.s32 s6, s7;
	s6 =	sadd.s32 s0, s2;
	s0 =	smul.u32 $0x431BDE83, s30  }
0x1aa: {  	s2 =	sshra.s32 s4, $0x12;
	s15 =	sshra.s32 s22, $0x1F;
	s9 =	smulhi.u32 $0x431BDE83, s22  }
0x1ab: {  	s21 =	sshrl.u32 s8, $0x1F;
	s5 =	sadd.s32 s5, s14;
	s14 =	sshra.s32 s8, $0x12  }
0x1ac: {  	s8 =	sshra.s32 s5, $0x12;
	s1 =	smul.u32 $0x431BDE83, s15;
	s25 =	spop (v2sf)  }
0x1ad: {  	[smem:$0x7EF] =	sst s8;
	s11 =	sshra.s32 s25, $0x1F;
	s22 =	smulhi.u32 $0x431BDE83, s25  }
0x1ae: {  	s15 =	sshrl.u32 s4, $0x1F;
	s25 =	spop (v2sf);
	s3 =	smul.u32 $0x431BDE83, s11  }
0x1af: {  	s29 =	spop (v2sf);
	s12 =	sshra.s32 s25, $0x1F;
	s25 =	smulhi.u32 $0x431BDE83, s25  }
0x1b0: {  	v4 =	vmov s21;
	s8 =	sshrl.u32 s5, $0x1F;
	s21 =	sld [smem:$0x7EF];
	s11 =	smulhi.u32 $0x431BDE83, s29  }
0x1b1: {  	s5 =	sshra.s32 s17, $0x1F;
	s28 =	smul.u32 $0x431BDE83, s12;
	s30 =	spop (v2sf)  }
0x1b2: {  	s7 =	sadd.s32 s3, s22;
	s22 =	sshra.s32 s4, $0x1F;
	s4 =	sshra.s32 s29, $0x1F  }
0x1b3: {  	v3 =	vmov s14;
	s3 =	smulhi.u32 $0x431BDE83, s13;
	s29 =	sshrl.u32 s17, $0x1F;
	s17 =	sshra.s32 s18, $0x1F  }
0x1b4: {  	v3 =	vsel vm0, s21, v3;
	s12 =	sshra.s32 s13, $0x1F;
	s13 =	sshra.s32 s6, $0x12;
	s21 =	smulhi.u32 $0x431BDE83, s30;
	v5 =	vmov s17  }
0x1b5: {  	v4 =	vsel vm0, s8, v4;
	s8 =	spop (v2sf);
	s17 =	simm.s32 $0x40;
	v5 =	vsel vm3, s13, v5;
	s13 =	sshra.s32 s6, $0x1F  }
.LBB2_8:
0x1b6: {  	s14 =	sshrl.u32 s7, $0x1F;
	s12 =	smul.u32 $0x431BDE83, s12  }
0x1b7: {  	s30 =	sshra.s32 s30, $0x1F;
	v5 =	vsel vm9, s13, v5;
	s6 =	sshrl.u32 s6, $0x1F;
	s4 =	smul.u32 $0x431BDE83, s4  }
0x1b8: {  	s13 =	sshra.s32 s8, $0x1F;
	s1 =	sadd.s32 s1, s9;
	v5 =	vsel vm0, s31, v5;
	s0 =	sadd.s32 s0, s26  }
0x1b9: {  	v6 =	vmov s6;
	s6 =	sadd.s32 s19, s10;
	s10 =	smul.u32 $0x431BDE83, s13;
	s3 =	sadd.s32 s12, s3;
	v5 =	vsel vm10, s5, v5  }
0x1ba: {  	s26 =	sshrl.u32 s1, $0x1F;
	v6 =	vnsel vm3, $0x0, v6;
	s19 =	sshrl.u32 s0, $0x1F;
	s0 =	sshra.s32 s0, $0x12;
	v5 =	vsel vm1, s24, v5  }
0x1bb: {  	s9 =	sshrl.u32 s6, $0x1F;
	s4 =	sadd.s32 s4, s11;
	s1 =	sshra.s32 s1, $0x12;
	v6 =	vsel vm0, s29, v6;
	v4 =	vsel vm1, s19, v4;
	v3 =	vsel vm1, s0, v3  }
0x1bc: {  	s13 =	sshrl.u32 s3, $0x1F;
	s3 =	sshra.s32 s3, $0x12;
	v5 =	vsel vm11, s23, v5;
	v6 =	vsel vm1, s20, v6;
	s23 =	smulhi.u32 $0x431BDE83, s8;
	v4 =	vsel vm2, s26, v4  }
0x1bd: {  	s24 =	sshra.s32 s6, $0x12;
	s11 =	sshrl.u32 s4, $0x1F;
	s26 =	smul.u32 $0x431BDE83, s30;
	v7 =	vmov s13;
	v8 =	vmov s3;
	v5 =	vsel vm2, s2, v5  }
0x1be: {  	s6 =	sshra.s32 s6, $0x1F;
	s19 =	sshra.s32 s4, $0x12;
	s20 =	sadd.s32 s28, s25;
	v3 =	vsel vm2, s1, v3;
	v6 =	vsel vm2, s15, v6;
	v5 =	vsel vm12, s22, v5  }
0x1bf: {  	s15 =	sshra.s32 s7, $0x12;
	v7 =	vsel vm0, s14, v7;
	v6 =	vsel vm4, s9, v6;
	s5 =	sadd.s32 s26, s21;
	s21 =	sadd.s32 s10, s23;
	v5 =	vsel vm4, s24, v5  }
0x1c0: {  	s22 =	sshrl.u32 s20, $0x1F;
	v8 =	vsel vm0, s15, v8;
	s26 =	sshra.s32 s20, $0x12;
	v6 =	vsel vm5, s11, v6;
	s23 =	sshra.s32 s5, $0x12;
	v5 =	vsel vm13, s6, v5  }
0x1c1: {  	s24 =	sshra.s32 s4, $0x1F;
	v7 =	vsel vm1, s22, v7;
	s25 =	sshrl.u32 s21, $0x1F;
	s5 =	sshrl.u32 s5, $0x1F;
	v8 =	vsel vm1, s26, v8;
	v5 =	vsel vm5, s19, v5  }
0x1c2: {  	s4 =	sshra.s32 s21, $0x12;
	v6 =	vsel vm6, s25, v6;
	v7 =	vsel vm2, s5, v7;
	v5 =	vsel vm14, s24, v5  }
0x1c3: {  	s7 =	sshrl.u32 s18, $0x1F;
	s8 =	sshra.s32 s21, $0x1F;
	v8 =	vsel vm2, s23, v8;
	v4 =	vcombine.low v7, v4;
	v5 =	vsel vm6, s4, v5  }
0x1c4: {  	s9 =	sshra.s32 s18, $0x12;
	v3 =	vcombine.low v8, v3;
	v6 =	vsel vm7, s7, v6;
	v5 =	vsel vm15, s8, v5  }
0x1c5: {  	v6 =	vperm.xlane v6, v1;
	v4 =	vperm.xlane v4, v0;
	v5 =	vsel vm7, s9, v5  }
0x1c6: {  	v3 =	vperm.xlane v3, v0;
	v5 =	vperm.xlane v5, v1;
	_ =	sdelay $0x1  }
0x1c7: {  	v4 =	vsel vm8, v6, v4;
	v3 =	vsel vm8, v5, v3  }
0x1c8: {  	v3 =	vadd.s32 v4, v3  }
0x1c9: {  	v3 =	vmul.u32 $0xF4240, v3;
	_ =	sdelay $0x1  }
0x1ca: {  	s10 =	smov.u32 s17;
	v2 =	vsub.s32 v2, v3  }
0x1cb: {  	s11 =	sshra.s32 s10, $0x2;
	[tilespmem:s16+$0x180] =	vst v2  }
0x1cc: {  	v2 =	vld [tilespmem:s11+$0x180];
	_ =	sdelay $0x4  }
0x1cd: {  	(v2sf) =	vpush v2, $0x0  }
0x1ce: {  	(v2sf) =	vpush v2, $0x1  }
0x1cf: {  	(v2sf) =	vpush v2, $0x2;
	_ =	sdelay $0x1  }
0x1d0: {  	(v2sf) =	vpush v2, $0x7;
	_ =	sdelay $0x2  }
0x1d1: {  	(v2sf) =	vpush v2, $0x3  }
0x1d2: {  	(v2sf) =	vpush v2, $0x4;
	_ =	sdelay $0x1  }
0x1d3: {  	(v2sf) =	vpush v2, $0xC;
	_ =	sdelay $0x1  }
0x1d4: {  	(v2sf) =	vpush v2, $0xD;
	_ =	sdelay $0x2  }
0x1d5: {  	(v2sf) =	vpush v2, $0xE;
	s12 =	spop (v2sf)  }
0x1d6: {  	s7 =	smulhi.u32 $0x431BDE83, s12;
	s13 =	spop (v2sf)  }
0x1d7: {  	(v2sf) =	vpush v2, $0x8;
	s14 =	smulhi.u32 $0x431BDE83, s13;
	s15 =	spop (v2sf)  }
0x1d8: {  	(v2sf) =	vpush v2, $0xF;
	s0 =	sshra.s32 s13, $0x1F;
	s16 =	smulhi.u32 $0x431BDE83, s15  }
0x1d9: {  	p0 =	sne.s32 s17, $0x1C0;
	s19 =	spop (v2sf);
	s0 =	smul.u32 $0x431BDE83, s0  }
0x1da: {  	s17 =	sadd.s32 $0x40, s17;
	(v2sf) =	vpush v2, $0x9;
	s2 =	sshra.s32 s15, $0x1F;
	s21 =	smulhi.u32 $0x431BDE83, s19  }
0x1db: {  	[dreg:$0x6] =	wrdreg s11;
	s4 =	sshra.s32 s19, $0x1F;
	s24 =	smul.u32 $0x431BDE83, s2  }
0x1dc: {  	s18 =	sshra.s32 s12, $0x1F;
	s20 =	spop (v2sf);
	s28 =	smul.u32 $0x431BDE83, s4  }
0x1dd: {  	s22 =	sshra.s32 s20, $0x1F;
	s10 =	spop (v2sf);
	s3 =	smulhi.u32 $0x431BDE83, s20  }
0x1de: {  	(v2sf) =	vpush v2, $0xA;
	s8 =	sadd.s32 s0, s14;
	s23 =	sshra.s32 s10, $0x1F;
	s6 =	smul.u32 $0x431BDE83, s22  }
0x1df: {  	s25 =	spop (v2sf);
	s31 =	sshra.s32 s8, $0x12;
	s10 =	smulhi.u32 $0x431BDE83, s10  }
0x1e0: {  	s0 =	sadd.s32 s24, s16;
	s29 =	sshrl.u32 s8, $0x1F;
	s11 =	smul.u32 $0x431BDE83, s23  }
0x1e1: {  	(v2sf) =	vpush v2, $0x5;
	s12 =	spop (v2sf);
	s13 =	sshra.s32 s25, $0x1F;
	s15 =	smulhi.u32 $0x431BDE83, s25  }
0x1e2: {  	s24 =	sshra.s32 s0, $0x12;
	s20 =	sshrl.u32 s0, $0x1F;
	s5 =	smulhi.u32 $0x431BDE83, s12  }
0x1e3: {  	(v2sf) =	vpush v2, $0xB;
	s23 =	sshra.s32 s0, $0x1F;
	s2 =	sshra.s32 s12, $0x1F;
	s4 =	smul.u32 $0x431BDE83, s13  }
0x1e4: {  	s14 =	spop (v2sf);
	(v2sf) =	vpush v2, $0x6;
	s3 =	sadd.s32 s6, s3;
	s6 =	smul.u32 $0x431BDE83, s18  }
0x1e5: {  	s18 =	sadd.s32 s28, s21;
	[dreg:$0x16] =	wrdreg s11;
	s26 =	smulhi.u32 $0x431BDE83, s14  }
0x1e6: {  	s13 =	sshra.s32 s14, $0x1F;
	s14 =	spop (v2sf);
	s2 =	smul.u32 $0x431BDE83, s2  }
0x1e7: {  	s21 =	sshra.s32 s18, $0x1F;
	s12 =	sshra.s32 s14, $0x1F;
	s16 =	spop (v2sf)  }
0x1e8: {  	s0 =	sadd.s32 s4, s15;
	s15 =	sshrl.u32 s3, $0x1F;
	s11 =	sshra.s32 s16, $0x1F  }
0x1e9: {  	s19 =	spop (v2sf);
	s9 =	smulhi.u32 $0x431BDE83, s16;
	s4 =	sshrl.u32 s0, $0x1F  }
0x1ea: {  	s5 =	sadd.s32 s2, s5;
	s0 =	sshra.s32 s0, $0x12;
	s16 =	smulhi.u32 $0x431BDE83, s19  }
0x1eb: {  	s22 =	sshra.s32 s19, $0x1F;
	s2 =	sshra.s32 s5, $0x12;
	v3 =	vmov s0;
	s1 =	smul.u32 $0x431BDE83, s11  }
0x1ec: {  	s6 =	sadd.s32 s6, s7;
	s19 =	smul.u32 $0x431BDE83, s22;
	v3 =	vsel vm0, s2, v3;
	s2 =	sshra.s32 s3, $0x12  }
0x1ed: {  	s22 =	sshra.s32 s3, $0x1F;
	s3 =	smulhi.u32 $0x431BDE83, s14;
	s25 =	spop (v2sf)  }
0x1ee: {  	v4 =	vmov s4;
	s5 =	sshrl.u32 s5, $0x1F;
	s4 =	sshra.s32 s25, $0x1F;
	s25 =	smulhi.u32 $0x431BDE83, s25  }
.Ltmp3:
0x1ef: {  	s7 =	sadd.s32 s19, s16;
	s19 =	rddreg [dreg:$0x16];
	(pc) =	sbr.rel @p0 .LBB2_8-.Ltmp3, $4  }
0x1f0: {  	v4 =	vsel vm0, s5, v4;
	s5 =	sshra.s32 s8, $0x1F;
	s28 =	smul.u32 $0x431BDE83, s4;
	s0 =	spop (v2sf)  }
0x1f1: {  	s14 =	sshra.s32 s6, $0x12;
	s16 =	rddreg [dreg:$0x6];
	s11 =	smulhi.u32 $0x431BDE83, s0  }
0x1f2: {  	v5 =	vmov s21;
	s4 =	sshra.s32 s0, $0x1F;
	s0 =	smul.u32 $0x431BDE83, s13;
	s30 =	spop (v2sf)  }
0x1f3: {  	v5 =	vsel vm3, s14, v5;
	s13 =	sshra.s32 s6, $0x1F;
	s21 =	smulhi.u32 $0x431BDE83, s30;
	s8 =	spop (v2sf)  }
0x1f4: {  	s1 =	sadd.s32 s1, s9  }
0x1f5: {  	v5 =	vsel vm9, s13, v5;
	s0 =	sadd.s32 s0, s26;
	s17 =	smul.u32 $0x431BDE83, s12;
	s6 =	sshrl.u32 s6, $0x1F  }
0x1f6: {  	s12 =	sshrl.u32 s7, $0x1F;
	s13 =	sshra.s32 s30, $0x1F;
	s4 =	smul.u32 $0x431BDE83, s4;
	v5 =	vsel vm0, s31, v5  }
0x1f7: {  	s26 =	sadd.s32 s19, s10;
	s14 =	sshra.s32 s8, $0x1F;
	s19 =	smulhi.u32 $0x431BDE83, s8;
	v6 =	vmov s6;
	v5 =	vsel vm10, s5, v5  }
0x1f8: {  	v6 =	vnsel vm3, $0x0, v6;
	s5 =	smul.u32 $0x431BDE83, s14;
	s14 =	sshrl.u32 s0, $0x1F;
	s0 =	sshra.s32 s0, $0x12;
	v5 =	vsel vm1, s24, v5  }
0x1f9: {  	s7 =	sshra.s32 s7, $0x12;
	s3 =	sadd.s32 s17, s3;
	s17 =	sshrl.u32 s1, $0x1F;
	v6 =	vsel vm0, s29, v6;
	v4 =	vsel vm1, s14, v4;
	v3 =	vsel vm1, s0, v3  }
0x1fa: {  	s10 =	sshrl.u32 s26, $0x1F;
	s6 =	sshra.s32 s26, $0x1F;
	s1 =	sshra.s32 s1, $0x12;
	v5 =	vsel vm11, s23, v5;
	v6 =	vsel vm1, s20, v6;
	v4 =	vsel vm2, s17, v4  }
0x1fb: {  	s20 =	sshra.s32 s26, $0x12;
	s26 =	sshrl.u32 s3, $0x1F;
	s3 =	sshra.s32 s3, $0x12;
	v3 =	vsel vm2, s1, v3;
	v5 =	vsel vm2, s2, v5;
	v6 =	vsel vm2, s15, v6  }
0x1fc: {  	s4 =	sadd.s32 s4, s11;
	s23 =	smul.u32 $0x431BDE83, s13;
	s13 =	sadd.s32 s28, s25;
	v7 =	vmov s26;
	v8 =	vmov s3;
	v5 =	vsel vm12, s22, v5  }
0x1fd: {  	s24 =	sshrl.u32 s4, $0x1F;
	s15 =	sadd.s32 s5, s19;
	s17 =	sshrl.u32 s13, $0x1F;
	v6 =	vsel vm4, s10, v6;
	v7 =	vsel vm0, s12, v7;
	v5 =	vsel vm4, s20, v5  }
0x1fe: {  	s10 =	sshra.s32 s4, $0x12;
	s14 =	sadd.s32 s23, s21;
	v8 =	vsel vm0, s7, v8;
	v6 =	vsel vm5, s24, v6;
	s20 =	sshra.s32 s13, $0x12;
	v5 =	vsel vm13, s6, v5  }
0x1ff: {  	s19 =	sshra.s32 s4, $0x1F;
	s25 =	sshrl.u32 s15, $0x1F;
	v7 =	vsel vm1, s17, v7;
	s22 =	sshrl.u32 s14, $0x1F;
	v8 =	vsel vm1, s20, v8;
	v5 =	vsel vm5, s10, v5  }
0x200: {  	s21 =	sshra.s32 s15, $0x12;
	s23 =	sshra.s32 s14, $0x12;
	v7 =	vsel vm2, s22, v7;
	v6 =	vsel vm6, s25, v6;
	v5 =	vsel vm14, s19, v5  }
0x201: {  	s2 =	sshrl.u32 s18, $0x1F;
	s24 =	sshra.s32 s15, $0x1F;
	v8 =	vsel vm2, s23, v8;
	v4 =	vcombine.low v7, v4;
	v5 =	vsel vm6, s21, v5  }
0x202: {  	s26 =	sshra.s32 s18, $0x12;
	v6 =	vsel vm7, s2, v6;
	v3 =	vcombine.low v8, v3;
	v5 =	vsel vm15, s24, v5  }
0x203: {  	v6 =	vperm.xlane v6, v1;
	v4 =	vperm.xlane v4, v0;
	v5 =	vsel vm7, s26, v5  }
0x204: {  	v3 =	vperm.xlane v3, v0;
	v5 =	vperm.xlane v5, v1;
	_ =	sdelay $0x1  }
0x205: {  	v4 =	vsel vm8, v6, v4;
	v3 =	vsel vm8, v5, v3  }
0x206: {  	v3 =	vadd.s32 v4, v3  }
0x207: {  	v3 =	vmul.u32 $0xF4240, v3;
	_ =	sdelay $0x1  }
0x208: {  	v2 =	vsub.s32 v2, v3  }
0x209: {  	[tilespmem:s16+$0x180] =	vst v2;
	s16 =	simm.s32 $0x0  }
0x20a: {  	v2 =	vld [tilespmem:s16+$0x200];
	_ =	sdelay $0x4  }
0x20b: {  	(v2sf) =	vpush v2, $0x0  }
0x20c: {  	(v2sf) =	vpush v2, $0x1;
	_ =	sdelay $0x1  }
0x20d: {  	(v2sf) =	vpush v2, $0x2;
	_ =	sdelay $0x1  }
0x20e: {  	(v2sf) =	vpush v2, $0x7;
	_ =	sdelay $0x2  }
0x20f: {  	(v2sf) =	vpush v2, $0x3  }
0x210: {  	(v2sf) =	vpush v2, $0x4  }
0x211: {  	(v2sf) =	vpush v2, $0xC  }
0x212: {  	(v2sf) =	vpush v2, $0xD;
	_ =	sdelay $0x3  }
0x213: {  	(v2sf) =	vpush v2, $0xE;
	s3 =	spop (v2sf)  }
0x214: {  	s2 =	smulhi.u32 $0x14F8B589, s3;
	s4 =	spop (v2sf)  }
0x215: {  	(v2sf) =	vpush v2, $0x8;
	s0 =	sshra.s32 s3, $0x1F;
	s5 =	smulhi.u32 $0x14F8B589, s4  }
0x216: {  	(v2sf) =	vpush v2, $0xF;
	s10 =	spop (v2sf);
	s0 =	smul.u32 $0x14F8B589, s0  }
0x217: {  	s1 =	sshra.s32 s4, $0x1F;
	s11 =	smulhi.u32 $0x14F8B589, s10  }
0x218: {  	s20 =	spop (v2sf);
	s1 =	smul.u32 $0x14F8B589, s1  }
0x219: {  	s4 =	sshra.s32 s10, $0x1F;
	s7 =	smulhi.u32 $0x14F8B589, s20  }
0x21a: {  	(v2sf) =	vpush v2, $0x9;
	s6 =	sshra.s32 s20, $0x1F;
	s4 =	smul.u32 $0x14F8B589, s4  }
0x21b: {  	s21 =	spop (v2sf);
	s6 =	smul.u32 $0x14F8B589, s6  }
0x21c: {  	(v2sf) =	vpush v2, $0xA;
	s10 =	spop (v2sf);
	s12 =	smulhi.u32 $0x14F8B589, s21;
	s8 =	sshra.s32 s21, $0x1F  }
0x21d: {  	(v2sf) =	vpush v2, $0x5;
	s22 =	sshra.s32 s10, $0x1F;
	s23 =	spop (v2sf);
	s10 =	smulhi.u32 $0x14F8B589, s10  }
0x21e: {  	s4 =	sadd.s32 s4, s11;
	s19 =	smul.u32 $0x14F8B589, s22;
	s25 =	spop (v2sf)  }
0x21f: {  	(v2sf) =	vpush v2, $0xB;
	s26 =	sshra.s32 s23, $0x1F;
	s24 =	sshra.s32 s4, $0xD;
	s11 =	smulhi.u32 $0x14F8B589, s23  }
0x220: {  	s20 =	sshrl.u32 s4, $0x1F;
	s23 =	sshra.s32 s4, $0x1F;
	s4 =	smul.u32 $0x14F8B589, s8  }
0x221: {  	s14 =	smulhi.u32 $0x14F8B589, s25  }
0x222: {  	s17 =	sadd.s32 s1, s5;
	s15 =	spop (v2sf);
	s18 =	smul.u32 $0x14F8B589, s26  }
0x223: {  	(v2sf) =	vpush v2, $0x6;
	s31 =	sshra.s32 s17, $0xD;
	s21 =	sshra.s32 s25, $0x1F;
	s26 =	smulhi.u32 $0x14F8B589, s15  }
0x224: {  	s13 =	spop (v2sf);
	s30 =	sshra.s32 s15, $0x1F;
	s5 =	smul.u32 $0x14F8B589, s21  }
0x225: {  	s4 =	sadd.s32 s4, s12;
	s22 =	spop (v2sf);
	s8 =	sadd.s32 s18, s11  }
0x226: {  	s18 =	sadd.s32 s6, s7;
	s6 =	sadd.s32 s0, s2;
	s0 =	smul.u32 $0x14F8B589, s30  }
0x227: {  	s2 =	sshra.s32 s4, $0xD;
	s15 =	sshra.s32 s22, $0x1F;
	s9 =	smulhi.u32 $0x14F8B589, s22  }
0x228: {  	s21 =	sshrl.u32 s8, $0x1F;
	s5 =	sadd.s32 s5, s14;
	s14 =	sshra.s32 s8, $0xD  }
0x229: {  	s8 =	sshra.s32 s5, $0xD;
	s1 =	smul.u32 $0x14F8B589, s15;
	s25 =	spop (v2sf)  }
0x22a: {  	[smem:$0x7EE] =	sst s8;
	s11 =	sshra.s32 s25, $0x1F;
	s22 =	smulhi.u32 $0x14F8B589, s25  }
0x22b: {  	s15 =	sshrl.u32 s4, $0x1F;
	s25 =	spop (v2sf);
	s3 =	smul.u32 $0x14F8B589, s11  }
0x22c: {  	s29 =	spop (v2sf);
	s12 =	sshra.s32 s25, $0x1F;
	s25 =	smulhi.u32 $0x14F8B589, s25  }
0x22d: {  	v4 =	vmov s21;
	s8 =	sshrl.u32 s5, $0x1F;
	s21 =	sld [smem:$0x7EE];
	s11 =	smulhi.u32 $0x14F8B589, s29  }
0x22e: {  	s5 =	sshra.s32 s17, $0x1F;
	s28 =	smul.u32 $0x14F8B589, s12;
	s30 =	spop (v2sf)  }
0x22f: {  	s7 =	sadd.s32 s3, s22;
	s22 =	sshra.s32 s4, $0x1F;
	s4 =	sshra.s32 s29, $0x1F  }
0x230: {  	v3 =	vmov s14;
	s3 =	smulhi.u32 $0x14F8B589, s13;
	s29 =	sshrl.u32 s17, $0x1F;
	s17 =	sshra.s32 s18, $0x1F  }
0x231: {  	v3 =	vsel vm0, s21, v3;
	s12 =	sshra.s32 s13, $0x1F;
	s13 =	sshra.s32 s6, $0xD;
	s21 =	smulhi.u32 $0x14F8B589, s30;
	v5 =	vmov s17  }
0x232: {  	v4 =	vsel vm0, s8, v4;
	s8 =	spop (v2sf);
	s17 =	simm.s32 $0x40;
	v5 =	vsel vm3, s13, v5;
	s13 =	sshra.s32 s6, $0x1F  }
.LBB2_10:
0x233: {  	s14 =	sshrl.u32 s7, $0x1F;
	s12 =	smul.u32 $0x14F8B589, s12  }
0x234: {  	s30 =	sshra.s32 s30, $0x1F;
	v5 =	vsel vm9, s13, v5;
	s6 =	sshrl.u32 s6, $0x1F;
	s4 =	smul.u32 $0x14F8B589, s4  }
0x235: {  	s13 =	sshra.s32 s8, $0x1F;
	s1 =	sadd.s32 s1, s9;
	v5 =	vsel vm0, s31, v5;
	s0 =	sadd.s32 s0, s26  }
0x236: {  	v6 =	vmov s6;
	s6 =	sadd.s32 s19, s10;
	s10 =	smul.u32 $0x14F8B589, s13;
	s13 =	sshra.s32 s7, $0xD;
	v5 =	vsel vm10, s5, v5  }
0x237: {  	s3 =	sadd.s32 s12, s3;
	v6 =	vnsel vm3, $0x0, v6;
	s19 =	sshrl.u32 s0, $0x1F;
	s0 =	sshra.s32 s0, $0xD;
	v5 =	vsel vm1, s24, v5  }
0x238: {  	s26 =	sshrl.u32 s1, $0x1F;
	s9 =	sshrl.u32 s6, $0x1F;
	s4 =	sadd.s32 s4, s11;
	v6 =	vsel vm0, s29, v6;
	v4 =	vsel vm1, s19, v4;
	v3 =	vsel vm1, s0, v3  }
0x239: {  	s1 =	sshra.s32 s1, $0xD;
	s24 =	smul.u32 $0x14F8B589, s30;
	s11 =	sshrl.u32 s4, $0x1F;
	v5 =	vsel vm11, s23, v5;
	v6 =	vsel vm1, s20, v6;
	v4 =	vsel vm2, s26, v4  }
0x23a: {  	s19 =	sadd.s32 s28, s25;
	s26 =	sshrl.u32 s3, $0x1F;
	s3 =	sshra.s32 s3, $0xD;
	v3 =	vsel vm2, s1, v3;
	v5 =	vsel vm2, s2, v5;
	v6 =	vsel vm2, s15, v6  }
0x23b: {  	s20 =	smulhi.u32 $0x14F8B589, s8;
	s23 =	sshra.s32 s6, $0xD;
	s6 =	sshra.s32 s6, $0x1F;
	v7 =	vmov s26;
	v8 =	vmov s3;
	v5 =	vsel vm12, s22, v5  }
0x23c: {  	s15 =	sshra.s32 s4, $0xD;
	s5 =	sadd.s32 s24, s21;
	s21 =	sshra.s32 s19, $0xD;
	v6 =	vsel vm4, s9, v6;
	v7 =	vsel vm0, s14, v7;
	v5 =	vsel vm4, s23, v5  }
0x23d: {  	s24 =	sshrl.u32 s19, $0x1F;
	s20 =	sadd.s32 s10, s20;
	s22 =	sshra.s32 s5, $0xD;
	v8 =	vsel vm0, s13, v8;
	v6 =	vsel vm5, s11, v6;
	v5 =	vsel vm13, s6, v5  }
0x23e: {  	s5 =	sshrl.u32 s5, $0x1F;
	s23 =	sshra.s32 s4, $0x1F;
	s25 =	sshrl.u32 s20, $0x1F;
	v7 =	vsel vm1, s24, v7;
	v8 =	vsel vm1, s21, v8;
	v5 =	vsel vm5, s15, v5  }
0x23f: {  	s26 =	sshra.s32 s20, $0xD;
	v6 =	vsel vm6, s25, v6;
	v7 =	vsel vm2, s5, v7;
	v5 =	vsel vm14, s23, v5  }
0x240: {  	s7 =	sshrl.u32 s18, $0x1F;
	s8 =	sshra.s32 s20, $0x1F;
	v8 =	vsel vm2, s22, v8;
	v4 =	vcombine.low v7, v4;
	v5 =	vsel vm6, s26, v5  }
0x241: {  	s9 =	sshra.s32 s18, $0xD;
	v6 =	vsel vm7, s7, v6;
	v3 =	vcombine.low v8, v3;
	v5 =	vsel vm15, s8, v5  }
0x242: {  	v6 =	vperm.xlane v6, v1;
	v4 =	vperm.xlane v4, v0;
	v5 =	vsel vm7, s9, v5  }
0x243: {  	v3 =	vperm.xlane v3, v0;
	v5 =	vperm.xlane v5, v1;
	_ =	sdelay $0x1  }
0x244: {  	v4 =	vsel vm8, v6, v4;
	v3 =	vsel vm8, v5, v3  }
0x245: {  	v3 =	vadd.s32 v4, v3  }
0x246: {  	v3 =	vmul.u32 $0x186A0, v3;
	_ =	sdelay $0x1  }
0x247: {  	s10 =	smov.u32 s17;
	v2 =	vsub.s32 v2, v3  }
0x248: {  	s11 =	sshra.s32 s10, $0x2;
	[tilespmem:s16+$0x200] =	vst v2  }
0x249: {  	v2 =	vld [tilespmem:s11+$0x200];
	_ =	sdelay $0x4  }
0x24a: {  	(v2sf) =	vpush v2, $0x0  }
0x24b: {  	(v2sf) =	vpush v2, $0x1  }
0x24c: {  	(v2sf) =	vpush v2, $0x2;
	_ =	sdelay $0x1  }
0x24d: {  	(v2sf) =	vpush v2, $0x7;
	_ =	sdelay $0x2  }
0x24e: {  	(v2sf) =	vpush v2, $0x3  }
0x24f: {  	(v2sf) =	vpush v2, $0x4;
	_ =	sdelay $0x1  }
0x250: {  	(v2sf) =	vpush v2, $0xC;
	_ =	sdelay $0x1  }
0x251: {  	(v2sf) =	vpush v2, $0xD;
	_ =	sdelay $0x2  }
0x252: {  	(v2sf) =	vpush v2, $0xE;
	s12 =	spop (v2sf)  }
0x253: {  	s7 =	smulhi.u32 $0x14F8B589, s12;
	s13 =	spop (v2sf)  }
0x254: {  	(v2sf) =	vpush v2, $0x8;
	s14 =	smulhi.u32 $0x14F8B589, s13;
	s15 =	spop (v2sf)  }
0x255: {  	(v2sf) =	vpush v2, $0xF;
	s0 =	sshra.s32 s13, $0x1F;
	s16 =	smulhi.u32 $0x14F8B589, s15  }
0x256: {  	p0 =	sne.s32 s17, $0x1C0;
	s19 =	spop (v2sf);
	s0 =	smul.u32 $0x14F8B589, s0  }
0x257: {  	s17 =	sadd.s32 $0x40, s17;
	(v2sf) =	vpush v2, $0x9;
	s2 =	sshra.s32 s15, $0x1F;
	s21 =	smulhi.u32 $0x14F8B589, s19  }
0x258: {  	[dreg:$0x7] =	wrdreg s11;
	s4 =	sshra.s32 s19, $0x1F;
	s24 =	smul.u32 $0x14F8B589, s2  }
0x259: {  	s18 =	sshra.s32 s12, $0x1F;
	s20 =	spop (v2sf);
	s28 =	smul.u32 $0x14F8B589, s4  }
0x25a: {  	s22 =	sshra.s32 s20, $0x1F;
	s10 =	spop (v2sf);
	s3 =	smulhi.u32 $0x14F8B589, s20  }
0x25b: {  	(v2sf) =	vpush v2, $0xA;
	s8 =	sadd.s32 s0, s14;
	s23 =	sshra.s32 s10, $0x1F;
	s6 =	smul.u32 $0x14F8B589, s22  }
0x25c: {  	s25 =	spop (v2sf);
	s31 =	sshra.s32 s8, $0xD;
	s10 =	smulhi.u32 $0x14F8B589, s10  }
0x25d: {  	s0 =	sadd.s32 s24, s16;
	s29 =	sshrl.u32 s8, $0x1F;
	s11 =	smul.u32 $0x14F8B589, s23  }
0x25e: {  	(v2sf) =	vpush v2, $0x5;
	s12 =	spop (v2sf);
	s13 =	sshra.s32 s25, $0x1F;
	s15 =	smulhi.u32 $0x14F8B589, s25  }
0x25f: {  	s24 =	sshra.s32 s0, $0xD;
	s20 =	sshrl.u32 s0, $0x1F;
	s5 =	smulhi.u32 $0x14F8B589, s12  }
0x260: {  	(v2sf) =	vpush v2, $0xB;
	s23 =	sshra.s32 s0, $0x1F;
	s2 =	sshra.s32 s12, $0x1F;
	s4 =	smul.u32 $0x14F8B589, s13  }
0x261: {  	s14 =	spop (v2sf);
	(v2sf) =	vpush v2, $0x6;
	s3 =	sadd.s32 s6, s3;
	s6 =	smul.u32 $0x14F8B589, s18  }
0x262: {  	s18 =	sadd.s32 s28, s21;
	[dreg:$0x17] =	wrdreg s11;
	s26 =	smulhi.u32 $0x14F8B589, s14  }
0x263: {  	s13 =	sshra.s32 s14, $0x1F;
	s14 =	spop (v2sf);
	s2 =	smul.u32 $0x14F8B589, s2  }
0x264: {  	s21 =	sshra.s32 s18, $0x1F;
	s12 =	sshra.s32 s14, $0x1F;
	s16 =	spop (v2sf)  }
0x265: {  	s0 =	sadd.s32 s4, s15;
	s15 =	sshrl.u32 s3, $0x1F;
	s11 =	sshra.s32 s16, $0x1F  }
0x266: {  	s19 =	spop (v2sf);
	s9 =	smulhi.u32 $0x14F8B589, s16;
	s4 =	sshrl.u32 s0, $0x1F  }
0x267: {  	s5 =	sadd.s32 s2, s5;
	s0 =	sshra.s32 s0, $0xD;
	s16 =	smulhi.u32 $0x14F8B589, s19  }
0x268: {  	s22 =	sshra.s32 s19, $0x1F;
	s2 =	sshra.s32 s5, $0xD;
	v3 =	vmov s0;
	s1 =	smul.u32 $0x14F8B589, s11  }
0x269: {  	s6 =	sadd.s32 s6, s7;
	s19 =	smul.u32 $0x14F8B589, s22;
	v3 =	vsel vm0, s2, v3;
	s2 =	sshra.s32 s3, $0xD  }
0x26a: {  	s22 =	sshra.s32 s3, $0x1F;
	s3 =	smulhi.u32 $0x14F8B589, s14;
	s25 =	spop (v2sf)  }
0x26b: {  	v4 =	vmov s4;
	s5 =	sshrl.u32 s5, $0x1F;
	s4 =	sshra.s32 s25, $0x1F;
	s25 =	smulhi.u32 $0x14F8B589, s25  }
.Ltmp4:
0x26c: {  	s7 =	sadd.s32 s19, s16;
	s19 =	rddreg [dreg:$0x17];
	(pc) =	sbr.rel @p0 .LBB2_10-.Ltmp4, $4  }
0x26d: {  	v4 =	vsel vm0, s5, v4;
	s5 =	sshra.s32 s8, $0x1F;
	s28 =	smul.u32 $0x14F8B589, s4;
	s0 =	spop (v2sf)  }
0x26e: {  	s14 =	sshra.s32 s6, $0xD;
	s16 =	rddreg [dreg:$0x7];
	s11 =	smulhi.u32 $0x14F8B589, s0  }
0x26f: {  	v5 =	vmov s21;
	s4 =	sshra.s32 s0, $0x1F;
	s0 =	smul.u32 $0x14F8B589, s13;
	s30 =	spop (v2sf)  }
0x270: {  	v5 =	vsel vm3, s14, v5;
	s13 =	sshra.s32 s6, $0x1F;
	s21 =	smulhi.u32 $0x14F8B589, s30;
	s8 =	spop (v2sf)  }
0x271: {  	s1 =	sadd.s32 s1, s9  }
0x272: {  	v5 =	vsel vm9, s13, v5;
	s0 =	sadd.s32 s0, s26;
	s17 =	smul.u32 $0x14F8B589, s12;
	s6 =	sshrl.u32 s6, $0x1F  }
0x273: {  	s12 =	sshrl.u32 s7, $0x1F;
	s13 =	sshra.s32 s30, $0x1F;
	s4 =	smul.u32 $0x14F8B589, s4;
	v5 =	vsel vm0, s31, v5  }
0x274: {  	s26 =	sadd.s32 s19, s10;
	s14 =	sshra.s32 s8, $0x1F;
	s19 =	smulhi.u32 $0x14F8B589, s8;
	v6 =	vmov s6;
	v5 =	vsel vm10, s5, v5  }
0x275: {  	v6 =	vnsel vm3, $0x0, v6;
	s5 =	smul.u32 $0x14F8B589, s14;
	s14 =	sshrl.u32 s0, $0x1F;
	s0 =	sshra.s32 s0, $0xD;
	v5 =	vsel vm1, s24, v5  }
0x276: {  	s10 =	sshrl.u32 s26, $0x1F;
	s3 =	sadd.s32 s17, s3;
	s17 =	sshrl.u32 s1, $0x1F;
	v6 =	vsel vm0, s29, v6;
	v4 =	vsel vm1, s14, v4;
	v3 =	vsel vm1, s0, v3  }
0x277: {  	s6 =	sshra.s32 s26, $0x1F;
	s4 =	sadd.s32 s4, s11;
	s1 =	sshra.s32 s1, $0xD;
	v5 =	vsel vm11, s23, v5;
	v6 =	vsel vm1, s20, v6;
	v4 =	vsel vm2, s17, v4  }
0x278: {  	s20 =	sshra.s32 s26, $0xD;
	s26 =	sshrl.u32 s3, $0x1F;
	s3 =	sshra.s32 s3, $0xD;
	v3 =	vsel vm2, s1, v3;
	v5 =	vsel vm2, s2, v5;
	v6 =	vsel vm2, s15, v6  }
0x279: {  	s24 =	sshrl.u32 s4, $0x1F;
	s14 =	sshra.s32 s4, $0xD;
	s23 =	smul.u32 $0x14F8B589, s13;
	v7 =	vmov s26;
	v8 =	vmov s3;
	v5 =	vsel vm12, s22, v5  }
0x27a: {  	s19 =	sadd.s32 s5, s19;
	s15 =	sadd.s32 s28, s25;
	v6 =	vsel vm4, s10, v6;
	s10 =	sshra.s32 s7, $0xD;
	v7 =	vsel vm0, s12, v7;
	v5 =	vsel vm4, s20, v5  }
0x27b: {  	s5 =	sshrl.u32 s19, $0x1F;
	s17 =	sadd.s32 s23, s21;
	s21 =	sshrl.u32 s15, $0x1F;
	v6 =	vsel vm5, s24, v6;
	v8 =	vsel vm0, s10, v8;
	v5 =	vsel vm13, s6, v5  }
0x27c: {  	s22 =	sshra.s32 s15, $0xD;
	s20 =	sshra.s32 s4, $0x1F;
	v7 =	vsel vm1, s21, v7;
	s23 =	sshrl.u32 s17, $0x1F;
	v6 =	vsel vm6, s5, v6;
	v5 =	vsel vm5, s14, v5  }
0x27d: {  	s25 =	sshra.s32 s19, $0xD;
	s24 =	sshra.s32 s17, $0xD;
	v8 =	vsel vm1, s22, v8;
	v7 =	vsel vm2, s23, v7;
	v5 =	vsel vm14, s20, v5  }
0x27e: {  	s26 =	sshrl.u32 s18, $0x1F;
	s3 =	sshra.s32 s19, $0x1F;
	v8 =	vsel vm2, s24, v8;
	v4 =	vcombine.low v7, v4;
	v5 =	vsel vm6, s25, v5  }
0x27f: {  	s2 =	sshra.s32 s18, $0xD;
	v6 =	vsel vm7, s26, v6;
	v3 =	vcombine.low v8, v3;
	v5 =	vsel vm15, s3, v5  }
0x280: {  	v6 =	vperm.xlane v6, v1;
	v4 =	vperm.xlane v4, v0;
	v5 =	vsel vm7, s2, v5  }
0x281: {  	v3 =	vperm.xlane v3, v0;
	v5 =	vperm.xlane v5, v1;
	_ =	sdelay $0x1  }
0x282: {  	v4 =	vsel vm8, v6, v4;
	v3 =	vsel vm8, v5, v3  }
0x283: {  	v3 =	vadd.s32 v4, v3  }
0x284: {  	v3 =	vmul.u32 $0x186A0, v3;
	_ =	sdelay $0x1  }
0x285: {  	v2 =	vsub.s32 v2, v3  }
0x286: {  	[tilespmem:s16+$0x200] =	vst v2;
	s16 =	simm.s32 $0x0  }
0x287: {  	v2 =	vld [tilespmem:s16+$0x280];
	_ =	sdelay $0x4  }
0x288: {  	(v2sf) =	vpush v2, $0x0  }
0x289: {  	(v2sf) =	vpush v2, $0x1;
	_ =	sdelay $0x1  }
0x28a: {  	(v2sf) =	vpush v2, $0x2;
	_ =	sdelay $0x1  }
0x28b: {  	(v2sf) =	vpush v2, $0x7;
	_ =	sdelay $0x2  }
0x28c: {  	(v2sf) =	vpush v2, $0x3  }
0x28d: {  	(v2sf) =	vpush v2, $0x4  }
0x28e: {  	(v2sf) =	vpush v2, $0xC  }
0x28f: {  	(v2sf) =	vpush v2, $0xD;
	_ =	sdelay $0x3  }
0x290: {  	(v2sf) =	vpush v2, $0xE;
	s3 =	spop (v2sf)  }
0x291: {  	s2 =	smulhi.u32 $0x14F8B589, s3;
	s4 =	spop (v2sf)  }
0x292: {  	(v2sf) =	vpush v2, $0x8;
	s0 =	sshra.s32 s3, $0x1F;
	s5 =	smulhi.u32 $0x14F8B589, s4  }
0x293: {  	(v2sf) =	vpush v2, $0xF;
	s10 =	spop (v2sf);
	s0 =	smul.u32 $0x14F8B589, s0  }
0x294: {  	s1 =	sshra.s32 s4, $0x1F;
	s11 =	smulhi.u32 $0x14F8B589, s10  }
0x295: {  	s20 =	spop (v2sf);
	s1 =	smul.u32 $0x14F8B589, s1  }
0x296: {  	s4 =	sshra.s32 s10, $0x1F;
	s7 =	smulhi.u32 $0x14F8B589, s20  }
0x297: {  	(v2sf) =	vpush v2, $0x9;
	s6 =	sshra.s32 s20, $0x1F;
	s4 =	smul.u32 $0x14F8B589, s4  }
0x298: {  	s21 =	spop (v2sf);
	s6 =	smul.u32 $0x14F8B589, s6  }
0x299: {  	(v2sf) =	vpush v2, $0xA;
	s10 =	spop (v2sf);
	s12 =	smulhi.u32 $0x14F8B589, s21;
	s8 =	sshra.s32 s21, $0x1F  }
0x29a: {  	(v2sf) =	vpush v2, $0x5;
	s22 =	sshra.s32 s10, $0x1F;
	s23 =	spop (v2sf);
	s10 =	smulhi.u32 $0x14F8B589, s10  }
0x29b: {  	s4 =	sadd.s32 s4, s11;
	s19 =	smul.u32 $0x14F8B589, s22;
	s25 =	spop (v2sf)  }
0x29c: {  	(v2sf) =	vpush v2, $0xB;
	s26 =	sshra.s32 s23, $0x1F;
	s24 =	sshra.s32 s4, $0xD;
	s11 =	smulhi.u32 $0x14F8B589, s23  }
0x29d: {  	s20 =	sshrl.u32 s4, $0x1F;
	s23 =	sshra.s32 s4, $0x1F;
	s4 =	smul.u32 $0x14F8B589, s8  }
0x29e: {  	s14 =	smulhi.u32 $0x14F8B589, s25  }
0x29f: {  	s17 =	sadd.s32 s1, s5;
	s15 =	spop (v2sf);
	s18 =	smul.u32 $0x14F8B589, s26  }
0x2a0: {  	(v2sf) =	vpush v2, $0x6;
	s31 =	sshra.s32 s17, $0xD;
	s21 =	sshra.s32 s25, $0x1F;
	s26 =	smulhi.u32 $0x14F8B589, s15  }
0x2a1: {  	s13 =	spop (v2sf);
	s30 =	sshra.s32 s15, $0x1F;
	s5 =	smul.u32 $0x14F8B589, s21  }
0x2a2: {  	s4 =	sadd.s32 s4, s12;
	s22 =	spop (v2sf);
	s8 =	sadd.s32 s18, s11  }
0x2a3: {  	s18 =	sadd.s32 s6, s7;
	s6 =	sadd.s32 s0, s2;
	s0 =	smul.u32 $0x14F8B589, s30  }
0x2a4: {  	s2 =	sshra.s32 s4, $0xD;
	s15 =	sshra.s32 s22, $0x1F;
	s9 =	smulhi.u32 $0x14F8B589, s22  }
0x2a5: {  	s21 =	sshrl.u32 s8, $0x1F;
	s5 =	sadd.s32 s5, s14;
	s14 =	sshra.s32 s8, $0xD  }
0x2a6: {  	s8 =	sshra.s32 s5, $0xD;
	s1 =	smul.u32 $0x14F8B589, s15;
	s25 =	spop (v2sf)  }
0x2a7: {  	[smem:$0x7ED] =	sst s8;
	s11 =	sshra.s32 s25, $0x1F;
	s22 =	smulhi.u32 $0x14F8B589, s25  }
0x2a8: {  	s15 =	sshrl.u32 s4, $0x1F;
	s25 =	spop (v2sf);
	s3 =	smul.u32 $0x14F8B589, s11  }
0x2a9: {  	s29 =	spop (v2sf);
	s12 =	sshra.s32 s25, $0x1F;
	s25 =	smulhi.u32 $0x14F8B589, s25  }
0x2aa: {  	v4 =	vmov s21;
	s8 =	sshrl.u32 s5, $0x1F;
	s21 =	sld [smem:$0x7ED];
	s11 =	smulhi.u32 $0x14F8B589, s29  }
0x2ab: {  	s5 =	sshra.s32 s17, $0x1F;
	s28 =	smul.u32 $0x14F8B589, s12;
	s30 =	spop (v2sf)  }
0x2ac: {  	s7 =	sadd.s32 s3, s22;
	s22 =	sshra.s32 s4, $0x1F;
	s4 =	sshra.s32 s29, $0x1F  }
0x2ad: {  	v3 =	vmov s14;
	s3 =	smulhi.u32 $0x14F8B589, s13;
	s29 =	sshrl.u32 s17, $0x1F;
	s17 =	sshra.s32 s18, $0x1F  }
0x2ae: {  	v3 =	vsel vm0, s21, v3;
	s12 =	sshra.s32 s13, $0x1F;
	s13 =	sshra.s32 s6, $0xD;
	s21 =	smulhi.u32 $0x14F8B589, s30;
	v5 =	vmov s17  }
0x2af: {  	v4 =	vsel vm0, s8, v4;
	s8 =	spop (v2sf);
	s17 =	simm.s32 $0x40;
	v5 =	vsel vm3, s13, v5;
	s13 =	sshra.s32 s6, $0x1F  }
.LBB2_12:
0x2b0: {  	s14 =	sshrl.u32 s7, $0x1F;
	s12 =	smul.u32 $0x14F8B589, s12  }
0x2b1: {  	s30 =	sshra.s32 s30, $0x1F;
	v5 =	vsel vm9, s13, v5;
	s6 =	sshrl.u32 s6, $0x1F;
	s4 =	smul.u32 $0x14F8B589, s4  }
0x2b2: {  	s13 =	sshra.s32 s8, $0x1F;
	s1 =	sadd.s32 s1, s9;
	v5 =	vsel vm0, s31, v5;
	s0 =	sadd.s32 s0, s26  }
0x2b3: {  	v6 =	vmov s6;
	s6 =	sadd.s32 s19, s10;
	s10 =	smul.u32 $0x14F8B589, s13;
	s3 =	sadd.s32 s12, s3;
	v5 =	vsel vm10, s5, v5  }
0x2b4: {  	s26 =	sshrl.u32 s1, $0x1F;
	v6 =	vnsel vm3, $0x0, v6;
	s19 =	sshrl.u32 s0, $0x1F;
	s0 =	sshra.s32 s0, $0xD;
	v5 =	vsel vm1, s24, v5  }
0x2b5: {  	s9 =	sshrl.u32 s6, $0x1F;
	s4 =	sadd.s32 s4, s11;
	s1 =	sshra.s32 s1, $0xD;
	v6 =	vsel vm0, s29, v6;
	v4 =	vsel vm1, s19, v4;
	v3 =	vsel vm1, s0, v3  }
0x2b6: {  	s13 =	sshrl.u32 s3, $0x1F;
	s3 =	sshra.s32 s3, $0xD;
	v5 =	vsel vm11, s23, v5;
	v6 =	vsel vm1, s20, v6;
	s23 =	smulhi.u32 $0x14F8B589, s8;
	v4 =	vsel vm2, s26, v4  }
0x2b7: {  	s24 =	sshra.s32 s6, $0xD;
	s11 =	sshrl.u32 s4, $0x1F;
	s26 =	smul.u32 $0x14F8B589, s30;
	v7 =	vmov s13;
	v8 =	vmov s3;
	v5 =	vsel vm2, s2, v5  }
0x2b8: {  	s6 =	sshra.s32 s6, $0x1F;
	s19 =	sshra.s32 s4, $0xD;
	s20 =	sadd.s32 s28, s25;
	v3 =	vsel vm2, s1, v3;
	v6 =	vsel vm2, s15, v6;
	v5 =	vsel vm12, s22, v5  }
0x2b9: {  	s15 =	sshra.s32 s7, $0xD;
	v7 =	vsel vm0, s14, v7;
	v6 =	vsel vm4, s9, v6;
	s5 =	sadd.s32 s26, s21;
	s21 =	sadd.s32 s10, s23;
	v5 =	vsel vm4, s24, v5  }
0x2ba: {  	s22 =	sshrl.u32 s20, $0x1F;
	v8 =	vsel vm0, s15, v8;
	s26 =	sshra.s32 s20, $0xD;
	v6 =	vsel vm5, s11, v6;
	s23 =	sshra.s32 s5, $0xD;
	v5 =	vsel vm13, s6, v5  }
0x2bb: {  	s24 =	sshra.s32 s4, $0x1F;
	v7 =	vsel vm1, s22, v7;
	s25 =	sshrl.u32 s21, $0x1F;
	s5 =	sshrl.u32 s5, $0x1F;
	v8 =	vsel vm1, s26, v8;
	v5 =	vsel vm5, s19, v5  }
0x2bc: {  	s4 =	sshra.s32 s21, $0xD;
	v6 =	vsel vm6, s25, v6;
	v7 =	vsel vm2, s5, v7;
	v5 =	vsel vm14, s24, v5  }
0x2bd: {  	s7 =	sshrl.u32 s18, $0x1F;
	s8 =	sshra.s32 s21, $0x1F;
	v8 =	vsel vm2, s23, v8;
	v4 =	vcombine.low v7, v4;
	v5 =	vsel vm6, s4, v5  }
0x2be: {  	s9 =	sshra.s32 s18, $0xD;
	v3 =	vcombine.low v8, v3;
	v6 =	vsel vm7, s7, v6;
	v5 =	vsel vm15, s8, v5  }
0x2bf: {  	v6 =	vperm.xlane v6, v1;
	v4 =	vperm.xlane v4, v0;
	v5 =	vsel vm7, s9, v5  }
0x2c0: {  	v3 =	vperm.xlane v3, v0;
	v5 =	vperm.xlane v5, v1;
	_ =	sdelay $0x1  }
0x2c1: {  	v4 =	vsel vm8, v6, v4;
	v3 =	vsel vm8, v5, v3  }
0x2c2: {  	v3 =	vadd.s32 v4, v3  }
0x2c3: {  	v3 =	vmul.u32 $0x186A0, v3;
	_ =	sdelay $0x1  }
0x2c4: {  	s10 =	smov.u32 s17;
	v2 =	vsub.s32 v2, v3  }
0x2c5: {  	s11 =	sshra.s32 s10, $0x2;
	[tilespmem:s16+$0x280] =	vst v2  }
0x2c6: {  	v2 =	vld [tilespmem:s11+$0x280];
	_ =	sdelay $0x4  }
0x2c7: {  	(v2sf) =	vpush v2, $0x0  }
0x2c8: {  	(v2sf) =	vpush v2, $0x1  }
0x2c9: {  	(v2sf) =	vpush v2, $0x2;
	_ =	sdelay $0x1  }
0x2ca: {  	(v2sf) =	vpush v2, $0x7;
	_ =	sdelay $0x2  }
0x2cb: {  	(v2sf) =	vpush v2, $0x3  }
0x2cc: {  	(v2sf) =	vpush v2, $0x4;
	_ =	sdelay $0x1  }
0x2cd: {  	(v2sf) =	vpush v2, $0xC;
	_ =	sdelay $0x1  }
0x2ce: {  	(v2sf) =	vpush v2, $0xD;
	_ =	sdelay $0x2  }
0x2cf: {  	(v2sf) =	vpush v2, $0xE;
	s12 =	spop (v2sf)  }
0x2d0: {  	s7 =	smulhi.u32 $0x14F8B589, s12;
	s13 =	spop (v2sf)  }
0x2d1: {  	(v2sf) =	vpush v2, $0x8;
	s14 =	smulhi.u32 $0x14F8B589, s13;
	s15 =	spop (v2sf)  }
0x2d2: {  	(v2sf) =	vpush v2, $0xF;
	s0 =	sshra.s32 s13, $0x1F;
	s16 =	smulhi.u32 $0x14F8B589, s15  }
0x2d3: {  	p0 =	sne.s32 s17, $0x1C0;
	s19 =	spop (v2sf);
	s0 =	smul.u32 $0x14F8B589, s0  }
0x2d4: {  	s17 =	sadd.s32 $0x40, s17;
	(v2sf) =	vpush v2, $0x9;
	s2 =	sshra.s32 s15, $0x1F;
	s21 =	smulhi.u32 $0x14F8B589, s19  }
0x2d5: {  	[dreg:$0x8] =	wrdreg s11;
	s4 =	sshra.s32 s19, $0x1F;
	s24 =	smul.u32 $0x14F8B589, s2  }
0x2d6: {  	s18 =	sshra.s32 s12, $0x1F;
	s20 =	spop (v2sf);
	s28 =	smul.u32 $0x14F8B589, s4  }
0x2d7: {  	s22 =	sshra.s32 s20, $0x1F;
	s10 =	spop (v2sf);
	s3 =	smulhi.u32 $0x14F8B589, s20  }
0x2d8: {  	(v2sf) =	vpush v2, $0xA;
	s8 =	sadd.s32 s0, s14;
	s23 =	sshra.s32 s10, $0x1F;
	s6 =	smul.u32 $0x14F8B589, s22  }
0x2d9: {  	s25 =	spop (v2sf);
	s31 =	sshra.s32 s8, $0xD;
	s10 =	smulhi.u32 $0x14F8B589, s10  }
0x2da: {  	s0 =	sadd.s32 s24, s16;
	s29 =	sshrl.u32 s8, $0x1F;
	s11 =	smul.u32 $0x14F8B589, s23  }
0x2db: {  	(v2sf) =	vpush v2, $0x5;
	s12 =	spop (v2sf);
	s13 =	sshra.s32 s25, $0x1F;
	s15 =	smulhi.u32 $0x14F8B589, s25  }
0x2dc: {  	s24 =	sshra.s32 s0, $0xD;
	s20 =	sshrl.u32 s0, $0x1F;
	s5 =	smulhi.u32 $0x14F8B589, s12  }
0x2dd: {  	(v2sf) =	vpush v2, $0xB;
	s23 =	sshra.s32 s0, $0x1F;
	s2 =	sshra.s32 s12, $0x1F;
	s4 =	smul.u32 $0x14F8B589, s13  }
0x2de: {  	s14 =	spop (v2sf);
	(v2sf) =	vpush v2, $0x6;
	s3 =	sadd.s32 s6, s3;
	s6 =	smul.u32 $0x14F8B589, s18  }
0x2df: {  	s18 =	sadd.s32 s28, s21;
	[dreg:$0x18] =	wrdreg s11;
	s26 =	smulhi.u32 $0x14F8B589, s14  }
0x2e0: {  	s13 =	sshra.s32 s14, $0x1F;
	s14 =	spop (v2sf);
	s2 =	smul.u32 $0x14F8B589, s2  }
0x2e1: {  	s21 =	sshra.s32 s18, $0x1F;
	s12 =	sshra.s32 s14, $0x1F;
	s16 =	spop (v2sf)  }
0x2e2: {  	s0 =	sadd.s32 s4, s15;
	s15 =	sshrl.u32 s3, $0x1F;
	s11 =	sshra.s32 s16, $0x1F  }
0x2e3: {  	s19 =	spop (v2sf);
	s9 =	smulhi.u32 $0x14F8B589, s16;
	s4 =	sshrl.u32 s0, $0x1F  }
0x2e4: {  	s5 =	sadd.s32 s2, s5;
	s0 =	sshra.s32 s0, $0xD;
	s16 =	smulhi.u32 $0x14F8B589, s19  }
0x2e5: {  	s22 =	sshra.s32 s19, $0x1F;
	s2 =	sshra.s32 s5, $0xD;
	v3 =	vmov s0;
	s1 =	smul.u32 $0x14F8B589, s11  }
0x2e6: {  	s6 =	sadd.s32 s6, s7;
	s19 =	smul.u32 $0x14F8B589, s22;
	v3 =	vsel vm0, s2, v3;
	s2 =	sshra.s32 s3, $0xD  }
0x2e7: {  	s22 =	sshra.s32 s3, $0x1F;
	s3 =	smulhi.u32 $0x14F8B589, s14;
	s25 =	spop (v2sf)  }
0x2e8: {  	v4 =	vmov s4;
	s5 =	sshrl.u32 s5, $0x1F;
	s4 =	sshra.s32 s25, $0x1F;
	s25 =	smulhi.u32 $0x14F8B589, s25  }
.Ltmp5:
0x2e9: {  	s7 =	sadd.s32 s19, s16;
	s19 =	rddreg [dreg:$0x18];
	(pc) =	sbr.rel @p0 .LBB2_12-.Ltmp5, $4  }
0x2ea: {  	v4 =	vsel vm0, s5, v4;
	s5 =	sshra.s32 s8, $0x1F;
	s28 =	smul.u32 $0x14F8B589, s4;
	s0 =	spop (v2sf)  }
0x2eb: {  	s14 =	sshra.s32 s6, $0xD;
	s16 =	rddreg [dreg:$0x8];
	s11 =	smulhi.u32 $0x14F8B589, s0  }
0x2ec: {  	v5 =	vmov s21;
	s4 =	sshra.s32 s0, $0x1F;
	s0 =	smul.u32 $0x14F8B589, s13;
	s30 =	spop (v2sf)  }
0x2ed: {  	v5 =	vsel vm3, s14, v5;
	s13 =	sshra.s32 s6, $0x1F;
	s21 =	smulhi.u32 $0x14F8B589, s30;
	s8 =	spop (v2sf)  }
0x2ee: {  	s1 =	sadd.s32 s1, s9  }
0x2ef: {  	v5 =	vsel vm9, s13, v5;
	s0 =	sadd.s32 s0, s26;
	s17 =	smul.u32 $0x14F8B589, s12;
	s6 =	sshrl.u32 s6, $0x1F  }
0x2f0: {  	s12 =	sshrl.u32 s7, $0x1F;
	s13 =	sshra.s32 s30, $0x1F;
	s4 =	smul.u32 $0x14F8B589, s4;
	v5 =	vsel vm0, s31, v5  }
0x2f1: {  	s26 =	sadd.s32 s19, s10;
	s14 =	sshra.s32 s8, $0x1F;
	s19 =	smulhi.u32 $0x14F8B589, s8;
	v6 =	vmov s6;
	v5 =	vsel vm10, s5, v5  }
0x2f2: {  	v6 =	vnsel vm3, $0x0, v6;
	s5 =	smul.u32 $0x14F8B589, s14;
	s14 =	sshrl.u32 s0, $0x1F;
	s0 =	sshra.s32 s0, $0xD;
	v5 =	vsel vm1, s24, v5  }
0x2f3: {  	s7 =	sshra.s32 s7, $0xD;
	s3 =	sadd.s32 s17, s3;
	s17 =	sshrl.u32 s1, $0x1F;
	v6 =	vsel vm0, s29, v6;
	v4 =	vsel vm1, s14, v4;
	v3 =	vsel vm1, s0, v3  }
0x2f4: {  	s10 =	sshrl.u32 s26, $0x1F;
	s6 =	sshra.s32 s26, $0x1F;
	s1 =	sshra.s32 s1, $0xD;
	v5 =	vsel vm11, s23, v5;
	v6 =	vsel vm1, s20, v6;
	v4 =	vsel vm2, s17, v4  }
0x2f5: {  	s20 =	sshra.s32 s26, $0xD;
	s26 =	sshrl.u32 s3, $0x1F;
	s3 =	sshra.s32 s3, $0xD;
	v3 =	vsel vm2, s1, v3;
	v5 =	vsel vm2, s2, v5;
	v6 =	vsel vm2, s15, v6  }
0x2f6: {  	s4 =	sadd.s32 s4, s11;
	s23 =	smul.u32 $0x14F8B589, s13;
	s13 =	sadd.s32 s28, s25;
	v7 =	vmov s26;
	v8 =	vmov s3;
	v5 =	vsel vm12, s22, v5  }
0x2f7: {  	s24 =	sshrl.u32 s4, $0x1F;
	s15 =	sadd.s32 s5, s19;
	s17 =	sshrl.u32 s13, $0x1F;
	v6 =	vsel vm4, s10, v6;
	v7 =	vsel vm0, s12, v7;
	v5 =	vsel vm4, s20, v5  }
0x2f8: {  	s10 =	sshra.s32 s4, $0xD;
	s14 =	sadd.s32 s23, s21;
	v8 =	vsel vm0, s7, v8;
	v6 =	vsel vm5, s24, v6;
	s20 =	sshra.s32 s13, $0xD;
	v5 =	vsel vm13, s6, v5  }
0x2f9: {  	s19 =	sshra.s32 s4, $0x1F;
	s25 =	sshrl.u32 s15, $0x1F;
	v7 =	vsel vm1, s17, v7;
	s22 =	sshrl.u32 s14, $0x1F;
	v8 =	vsel vm1, s20, v8;
	v5 =	vsel vm5, s10, v5  }
0x2fa: {  	s21 =	sshra.s32 s15, $0xD;
	s23 =	sshra.s32 s14, $0xD;
	v7 =	vsel vm2, s22, v7;
	v6 =	vsel vm6, s25, v6;
	v5 =	vsel vm14, s19, v5  }
0x2fb: {  	s2 =	sshrl.u32 s18, $0x1F;
	s24 =	sshra.s32 s15, $0x1F;
	v8 =	vsel vm2, s23, v8;
	v4 =	vcombine.low v7, v4;
	v5 =	vsel vm6, s21, v5  }
0x2fc: {  	s26 =	sshra.s32 s18, $0xD;
	v6 =	vsel vm7, s2, v6;
	v3 =	vcombine.low v8, v3;
	v5 =	vsel vm15, s24, v5  }
0x2fd: {  	v6 =	vperm.xlane v6, v1;
	v4 =	vperm.xlane v4, v0;
	v5 =	vsel vm7, s26, v5  }
0x2fe: {  	v3 =	vperm.xlane v3, v0;
	v5 =	vperm.xlane v5, v1;
	_ =	sdelay $0x1  }
0x2ff: {  	v4 =	vsel vm8, v6, v4;
	v3 =	vsel vm8, v5, v3  }
0x300: {  	v3 =	vadd.s32 v4, v3  }
0x301: {  	v3 =	vmul.u32 $0x186A0, v3;
	_ =	sdelay $0x1  }
0x302: {  	v2 =	vsub.s32 v2, v3  }
0x303: {  	[tilespmem:s16+$0x280] =	vst v2;
	s16 =	simm.s32 $0x0  }
0x304: {  	v2 =	vld [tilespmem:s16+$0x300];
	_ =	sdelay $0x4  }
0x305: {  	(v2sf) =	vpush v2, $0x0  }
0x306: {  	(v2sf) =	vpush v2, $0x1;
	_ =	sdelay $0x1  }
0x307: {  	(v2sf) =	vpush v2, $0x2;
	_ =	sdelay $0x1  }
0x308: {  	(v2sf) =	vpush v2, $0x7;
	_ =	sdelay $0x2  }
0x309: {  	(v2sf) =	vpush v2, $0x3  }
0x30a: {  	(v2sf) =	vpush v2, $0x4  }
0x30b: {  	(v2sf) =	vpush v2, $0xC  }
0x30c: {  	(v2sf) =	vpush v2, $0xD;
	_ =	sdelay $0x3  }
0x30d: {  	(v2sf) =	vpush v2, $0xE;
	s3 =	spop (v2sf)  }
0x30e: {  	s2 =	smulhi.u32 $0x14F8B589, s3;
	s4 =	spop (v2sf)  }
0x30f: {  	(v2sf) =	vpush v2, $0x8;
	s0 =	sshra.s32 s3, $0x1F;
	s5 =	smulhi.u32 $0x14F8B589, s4  }
0x310: {  	(v2sf) =	vpush v2, $0xF;
	s10 =	spop (v2sf);
	s0 =	smul.u32 $0x14F8B589, s0  }
0x311: {  	s1 =	sshra.s32 s4, $0x1F;
	s11 =	smulhi.u32 $0x14F8B589, s10  }
0x312: {  	s20 =	spop (v2sf);
	s1 =	smul.u32 $0x14F8B589, s1  }
0x313: {  	s4 =	sshra.s32 s10, $0x1F;
	s7 =	smulhi.u32 $0x14F8B589, s20  }
0x314: {  	(v2sf) =	vpush v2, $0x9;
	s6 =	sshra.s32 s20, $0x1F;
	s4 =	smul.u32 $0x14F8B589, s4  }
0x315: {  	s21 =	spop (v2sf);
	s6 =	smul.u32 $0x14F8B589, s6  }
0x316: {  	(v2sf) =	vpush v2, $0xA;
	s10 =	spop (v2sf);
	s12 =	smulhi.u32 $0x14F8B589, s21;
	s8 =	sshra.s32 s21, $0x1F  }
0x317: {  	(v2sf) =	vpush v2, $0x5;
	s22 =	sshra.s32 s10, $0x1F;
	s23 =	spop (v2sf);
	s10 =	smulhi.u32 $0x14F8B589, s10  }
0x318: {  	s4 =	sadd.s32 s4, s11;
	s19 =	smul.u32 $0x14F8B589, s22;
	s25 =	spop (v2sf)  }
0x319: {  	(v2sf) =	vpush v2, $0xB;
	s26 =	sshra.s32 s23, $0x1F;
	s24 =	sshra.s32 s4, $0xD;
	s11 =	smulhi.u32 $0x14F8B589, s23  }
0x31a: {  	s20 =	sshrl.u32 s4, $0x1F;
	s23 =	sshra.s32 s4, $0x1F;
	s4 =	smul.u32 $0x14F8B589, s8  }
0x31b: {  	s14 =	smulhi.u32 $0x14F8B589, s25  }
0x31c: {  	s17 =	sadd.s32 s1, s5;
	s15 =	spop (v2sf);
	s18 =	smul.u32 $0x14F8B589, s26  }
0x31d: {  	(v2sf) =	vpush v2, $0x6;
	s31 =	sshra.s32 s17, $0xD;
	s21 =	sshra.s32 s25, $0x1F;
	s26 =	smulhi.u32 $0x14F8B589, s15  }
0x31e: {  	s13 =	spop (v2sf);
	s30 =	sshra.s32 s15, $0x1F;
	s5 =	smul.u32 $0x14F8B589, s21  }
0x31f: {  	s4 =	sadd.s32 s4, s12;
	s22 =	spop (v2sf);
	s8 =	sadd.s32 s18, s11  }
0x320: {  	s18 =	sadd.s32 s6, s7;
	s6 =	sadd.s32 s0, s2;
	s0 =	smul.u32 $0x14F8B589, s30  }
0x321: {  	s2 =	sshra.s32 s4, $0xD;
	s15 =	sshra.s32 s22, $0x1F;
	s9 =	smulhi.u32 $0x14F8B589, s22  }
0x322: {  	s21 =	sshrl.u32 s8, $0x1F;
	s5 =	sadd.s32 s5, s14;
	s14 =	sshra.s32 s8, $0xD  }
0x323: {  	s8 =	sshra.s32 s5, $0xD;
	s1 =	smul.u32 $0x14F8B589, s15;
	s25 =	spop (v2sf)  }
0x324: {  	[smem:$0x7EC] =	sst s8;
	s11 =	sshra.s32 s25, $0x1F;
	s22 =	smulhi.u32 $0x14F8B589, s25  }
0x325: {  	s15 =	sshrl.u32 s4, $0x1F;
	s25 =	spop (v2sf);
	s3 =	smul.u32 $0x14F8B589, s11  }
0x326: {  	s29 =	spop (v2sf);
	s12 =	sshra.s32 s25, $0x1F;
	s25 =	smulhi.u32 $0x14F8B589, s25  }
0x327: {  	v4 =	vmov s21;
	s8 =	sshrl.u32 s5, $0x1F;
	s21 =	sld [smem:$0x7EC];
	s11 =	smulhi.u32 $0x14F8B589, s29  }
0x328: {  	s5 =	sshra.s32 s17, $0x1F;
	s28 =	smul.u32 $0x14F8B589, s12;
	s30 =	spop (v2sf)  }
0x329: {  	s7 =	sadd.s32 s3, s22;
	s22 =	sshra.s32 s4, $0x1F;
	s4 =	sshra.s32 s29, $0x1F  }
0x32a: {  	v3 =	vmov s14;
	s3 =	smulhi.u32 $0x14F8B589, s13;
	s29 =	sshrl.u32 s17, $0x1F;
	s17 =	sshra.s32 s18, $0x1F  }
0x32b: {  	v3 =	vsel vm0, s21, v3;
	s12 =	sshra.s32 s13, $0x1F;
	s13 =	sshra.s32 s6, $0xD;
	s21 =	smulhi.u32 $0x14F8B589, s30;
	v5 =	vmov s17  }
0x32c: {  	v4 =	vsel vm0, s8, v4;
	s8 =	spop (v2sf);
	s17 =	simm.s32 $0x40;
	v5 =	vsel vm3, s13, v5;
	s13 =	sshra.s32 s6, $0x1F  }
.LBB2_14:
0x32d: {  	s14 =	sshrl.u32 s7, $0x1F;
	s12 =	smul.u32 $0x14F8B589, s12  }
0x32e: {  	s30 =	sshra.s32 s30, $0x1F;
	v5 =	vsel vm9, s13, v5;
	s6 =	sshrl.u32 s6, $0x1F;
	s4 =	smul.u32 $0x14F8B589, s4  }
0x32f: {  	s13 =	sshra.s32 s8, $0x1F;
	s1 =	sadd.s32 s1, s9;
	v5 =	vsel vm0, s31, v5;
	s0 =	sadd.s32 s0, s26  }
0x330: {  	v6 =	vmov s6;
	s6 =	sadd.s32 s19, s10;
	s10 =	smul.u32 $0x14F8B589, s13;
	s13 =	sshra.s32 s7, $0xD;
	v5 =	vsel vm10, s5, v5  }
0x331: {  	s3 =	sadd.s32 s12, s3;
	v6 =	vnsel vm3, $0x0, v6;
	s19 =	sshrl.u32 s0, $0x1F;
	s0 =	sshra.s32 s0, $0xD;
	v5 =	vsel vm1, s24, v5  }
0x332: {  	s26 =	sshrl.u32 s1, $0x1F;
	s9 =	sshrl.u32 s6, $0x1F;
	s4 =	sadd.s32 s4, s11;
	v6 =	vsel vm0, s29, v6;
	v4 =	vsel vm1, s19, v4;
	v3 =	vsel vm1, s0, v3  }
0x333: {  	s1 =	sshra.s32 s1, $0xD;
	s24 =	smul.u32 $0x14F8B589, s30;
	s11 =	sshrl.u32 s4, $0x1F;
	v5 =	vsel vm11, s23, v5;
	v6 =	vsel vm1, s20, v6;
	v4 =	vsel vm2, s26, v4  }
0x334: {  	s19 =	sadd.s32 s28, s25;
	s26 =	sshrl.u32 s3, $0x1F;
	s3 =	sshra.s32 s3, $0xD;
	v3 =	vsel vm2, s1, v3;
	v5 =	vsel vm2, s2, v5;
	v6 =	vsel vm2, s15, v6  }
0x335: {  	s20 =	smulhi.u32 $0x14F8B589, s8;
	s23 =	sshra.s32 s6, $0xD;
	s6 =	sshra.s32 s6, $0x1F;
	v7 =	vmov s26;
	v8 =	vmov s3;
	v5 =	vsel vm12, s22, v5  }
0x336: {  	s15 =	sshra.s32 s4, $0xD;
	s5 =	sadd.s32 s24, s21;
	s21 =	sshra.s32 s19, $0xD;
	v6 =	vsel vm4, s9, v6;
	v7 =	vsel vm0, s14, v7;
	v5 =	vsel vm4, s23, v5  }
0x337: {  	s24 =	sshrl.u32 s19, $0x1F;
	s20 =	sadd.s32 s10, s20;
	s22 =	sshra.s32 s5, $0xD;
	v8 =	vsel vm0, s13, v8;
	v6 =	vsel vm5, s11, v6;
	v5 =	vsel vm13, s6, v5  }
0x338: {  	s5 =	sshrl.u32 s5, $0x1F;
	s23 =	sshra.s32 s4, $0x1F;
	s25 =	sshrl.u32 s20, $0x1F;
	v7 =	vsel vm1, s24, v7;
	v8 =	vsel vm1, s21, v8;
	v5 =	vsel vm5, s15, v5  }
0x339: {  	s26 =	sshra.s32 s20, $0xD;
	v6 =	vsel vm6, s25, v6;
	v7 =	vsel vm2, s5, v7;
	v5 =	vsel vm14, s23, v5  }
0x33a: {  	s7 =	sshrl.u32 s18, $0x1F;
	s8 =	sshra.s32 s20, $0x1F;
	v8 =	vsel vm2, s22, v8;
	v4 =	vcombine.low v7, v4;
	v5 =	vsel vm6, s26, v5  }
0x33b: {  	s9 =	sshra.s32 s18, $0xD;
	v6 =	vsel vm7, s7, v6;
	v3 =	vcombine.low v8, v3;
	v5 =	vsel vm15, s8, v5  }
0x33c: {  	v6 =	vperm.xlane v6, v1;
	v4 =	vperm.xlane v4, v0;
	v5 =	vsel vm7, s9, v5  }
0x33d: {  	v3 =	vperm.xlane v3, v0;
	v5 =	vperm.xlane v5, v1;
	_ =	sdelay $0x1  }
0x33e: {  	v4 =	vsel vm8, v6, v4;
	v3 =	vsel vm8, v5, v3  }
0x33f: {  	v3 =	vadd.s32 v4, v3  }
0x340: {  	v3 =	vmul.u32 $0x186A0, v3;
	_ =	sdelay $0x1  }
0x341: {  	s10 =	smov.u32 s17;
	v2 =	vsub.s32 v2, v3  }
0x342: {  	s11 =	sshra.s32 s10, $0x2;
	[tilespmem:s16+$0x300] =	vst v2  }
0x343: {  	v2 =	vld [tilespmem:s11+$0x300];
	_ =	sdelay $0x4  }
0x344: {  	(v2sf) =	vpush v2, $0x0  }
0x345: {  	(v2sf) =	vpush v2, $0x1  }
0x346: {  	(v2sf) =	vpush v2, $0x2;
	_ =	sdelay $0x1  }
0x347: {  	(v2sf) =	vpush v2, $0x7;
	_ =	sdelay $0x2  }
0x348: {  	(v2sf) =	vpush v2, $0x3  }
0x349: {  	(v2sf) =	vpush v2, $0x4;
	_ =	sdelay $0x1  }
0x34a: {  	(v2sf) =	vpush v2, $0xC;
	_ =	sdelay $0x1  }
0x34b: {  	(v2sf) =	vpush v2, $0xD;
	_ =	sdelay $0x2  }
0x34c: {  	(v2sf) =	vpush v2, $0xE;
	s12 =	spop (v2sf)  }
0x34d: {  	s7 =	smulhi.u32 $0x14F8B589, s12;
	s13 =	spop (v2sf)  }
0x34e: {  	(v2sf) =	vpush v2, $0x8;
	s14 =	smulhi.u32 $0x14F8B589, s13;
	s15 =	spop (v2sf)  }
0x34f: {  	(v2sf) =	vpush v2, $0xF;
	s0 =	sshra.s32 s13, $0x1F;
	s16 =	smulhi.u32 $0x14F8B589, s15  }
0x350: {  	p0 =	sne.s32 s17, $0x1C0;
	s19 =	spop (v2sf);
	s0 =	smul.u32 $0x14F8B589, s0  }
0x351: {  	s17 =	sadd.s32 $0x40, s17;
	(v2sf) =	vpush v2, $0x9;
	s2 =	sshra.s32 s15, $0x1F;
	s21 =	smulhi.u32 $0x14F8B589, s19  }
0x352: {  	[dreg:$0x9] =	wrdreg s11;
	s4 =	sshra.s32 s19, $0x1F;
	s24 =	smul.u32 $0x14F8B589, s2  }
0x353: {  	s18 =	sshra.s32 s12, $0x1F;
	s20 =	spop (v2sf);
	s28 =	smul.u32 $0x14F8B589, s4  }
0x354: {  	s22 =	sshra.s32 s20, $0x1F;
	s10 =	spop (v2sf);
	s3 =	smulhi.u32 $0x14F8B589, s20  }
0x355: {  	(v2sf) =	vpush v2, $0xA;
	s8 =	sadd.s32 s0, s14;
	s23 =	sshra.s32 s10, $0x1F;
	s6 =	smul.u32 $0x14F8B589, s22  }
0x356: {  	s25 =	spop (v2sf);
	s31 =	sshra.s32 s8, $0xD;
	s10 =	smulhi.u32 $0x14F8B589, s10  }
0x357: {  	s0 =	sadd.s32 s24, s16;
	s29 =	sshrl.u32 s8, $0x1F;
	s11 =	smul.u32 $0x14F8B589, s23  }
0x358: {  	(v2sf) =	vpush v2, $0x5;
	s12 =	spop (v2sf);
	s13 =	sshra.s32 s25, $0x1F;
	s15 =	smulhi.u32 $0x14F8B589, s25  }
0x359: {  	s24 =	sshra.s32 s0, $0xD;
	s20 =	sshrl.u32 s0, $0x1F;
	s5 =	smulhi.u32 $0x14F8B589, s12  }
0x35a: {  	(v2sf) =	vpush v2, $0xB;
	s23 =	sshra.s32 s0, $0x1F;
	s2 =	sshra.s32 s12, $0x1F;
	s4 =	smul.u32 $0x14F8B589, s13  }
0x35b: {  	s14 =	spop (v2sf);
	(v2sf) =	vpush v2, $0x6;
	s3 =	sadd.s32 s6, s3;
	s6 =	smul.u32 $0x14F8B589, s18  }
0x35c: {  	s18 =	sadd.s32 s28, s21;
	[dreg:$0x19] =	wrdreg s11;
	s26 =	smulhi.u32 $0x14F8B589, s14  }
0x35d: {  	s13 =	sshra.s32 s14, $0x1F;
	s14 =	spop (v2sf);
	s2 =	smul.u32 $0x14F8B589, s2  }
0x35e: {  	s21 =	sshra.s32 s18, $0x1F;
	s12 =	sshra.s32 s14, $0x1F;
	s16 =	spop (v2sf)  }
0x35f: {  	s0 =	sadd.s32 s4, s15;
	s15 =	sshrl.u32 s3, $0x1F;
	s11 =	sshra.s32 s16, $0x1F  }
0x360: {  	s19 =	spop (v2sf);
	s9 =	smulhi.u32 $0x14F8B589, s16;
	s4 =	sshrl.u32 s0, $0x1F  }
0x361: {  	s5 =	sadd.s32 s2, s5;
	s0 =	sshra.s32 s0, $0xD;
	s16 =	smulhi.u32 $0x14F8B589, s19  }
0x362: {  	s22 =	sshra.s32 s19, $0x1F;
	s2 =	sshra.s32 s5, $0xD;
	v3 =	vmov s0;
	s1 =	smul.u32 $0x14F8B589, s11  }
0x363: {  	s6 =	sadd.s32 s6, s7;
	s19 =	smul.u32 $0x14F8B589, s22;
	v3 =	vsel vm0, s2, v3;
	s2 =	sshra.s32 s3, $0xD  }
0x364: {  	s22 =	sshra.s32 s3, $0x1F;
	s3 =	smulhi.u32 $0x14F8B589, s14;
	s25 =	spop (v2sf)  }
0x365: {  	v4 =	vmov s4;
	s5 =	sshrl.u32 s5, $0x1F;
	s4 =	sshra.s32 s25, $0x1F;
	s25 =	smulhi.u32 $0x14F8B589, s25  }
.Ltmp6:
0x366: {  	s7 =	sadd.s32 s19, s16;
	s19 =	rddreg [dreg:$0x19];
	(pc) =	sbr.rel @p0 .LBB2_14-.Ltmp6, $4  }
0x367: {  	v4 =	vsel vm0, s5, v4;
	s5 =	sshra.s32 s8, $0x1F;
	s28 =	smul.u32 $0x14F8B589, s4;
	s0 =	spop (v2sf)  }
0x368: {  	s14 =	sshra.s32 s6, $0xD;
	s16 =	rddreg [dreg:$0x9];
	s11 =	smulhi.u32 $0x14F8B589, s0  }
0x369: {  	v5 =	vmov s21;
	s4 =	sshra.s32 s0, $0x1F;
	s0 =	smul.u32 $0x14F8B589, s13;
	s30 =	spop (v2sf)  }
0x36a: {  	v5 =	vsel vm3, s14, v5;
	s13 =	sshra.s32 s6, $0x1F;
	s21 =	smulhi.u32 $0x14F8B589, s30;
	s8 =	spop (v2sf)  }
0x36b: {  	s1 =	sadd.s32 s1, s9  }
0x36c: {  	v5 =	vsel vm9, s13, v5;
	s0 =	sadd.s32 s0, s26;
	s17 =	smul.u32 $0x14F8B589, s12;
	s6 =	sshrl.u32 s6, $0x1F  }
0x36d: {  	s12 =	sshrl.u32 s7, $0x1F;
	s13 =	sshra.s32 s30, $0x1F;
	s4 =	smul.u32 $0x14F8B589, s4;
	v5 =	vsel vm0, s31, v5  }
0x36e: {  	s26 =	sadd.s32 s19, s10;
	s14 =	sshra.s32 s8, $0x1F;
	s19 =	smulhi.u32 $0x14F8B589, s8;
	v6 =	vmov s6;
	v5 =	vsel vm10, s5, v5  }
0x36f: {  	v6 =	vnsel vm3, $0x0, v6;
	s5 =	smul.u32 $0x14F8B589, s14;
	s14 =	sshrl.u32 s0, $0x1F;
	s0 =	sshra.s32 s0, $0xD;
	v5 =	vsel vm1, s24, v5  }
0x370: {  	s10 =	sshrl.u32 s26, $0x1F;
	s3 =	sadd.s32 s17, s3;
	s17 =	sshrl.u32 s1, $0x1F;
	v6 =	vsel vm0, s29, v6;
	v4 =	vsel vm1, s14, v4;
	v3 =	vsel vm1, s0, v3  }
0x371: {  	s6 =	sshra.s32 s26, $0x1F;
	s4 =	sadd.s32 s4, s11;
	s1 =	sshra.s32 s1, $0xD;
	v5 =	vsel vm11, s23, v5;
	v6 =	vsel vm1, s20, v6;
	v4 =	vsel vm2, s17, v4  }
0x372: {  	s20 =	sshra.s32 s26, $0xD;
	s26 =	sshrl.u32 s3, $0x1F;
	s3 =	sshra.s32 s3, $0xD;
	v3 =	vsel vm2, s1, v3;
	v5 =	vsel vm2, s2, v5;
	v6 =	vsel vm2, s15, v6  }
0x373: {  	s24 =	sshrl.u32 s4, $0x1F;
	s14 =	sshra.s32 s4, $0xD;
	s23 =	smul.u32 $0x14F8B589, s13;
	v7 =	vmov s26;
	v8 =	vmov s3;
	v5 =	vsel vm12, s22, v5  }
0x374: {  	s19 =	sadd.s32 s5, s19;
	s15 =	sadd.s32 s28, s25;
	v6 =	vsel vm4, s10, v6;
	s10 =	sshra.s32 s7, $0xD;
	v7 =	vsel vm0, s12, v7;
	v5 =	vsel vm4, s20, v5  }
0x375: {  	s5 =	sshrl.u32 s19, $0x1F;
	s17 =	sadd.s32 s23, s21;
	s21 =	sshrl.u32 s15, $0x1F;
	v6 =	vsel vm5, s24, v6;
	v8 =	vsel vm0, s10, v8;
	v5 =	vsel vm13, s6, v5  }
0x376: {  	s22 =	sshra.s32 s15, $0xD;
	s20 =	sshra.s32 s4, $0x1F;
	v7 =	vsel vm1, s21, v7;
	s23 =	sshrl.u32 s17, $0x1F;
	v6 =	vsel vm6, s5, v6;
	v5 =	vsel vm5, s14, v5  }
0x377: {  	s25 =	sshra.s32 s19, $0xD;
	s24 =	sshra.s32 s17, $0xD;
	v8 =	vsel vm1, s22, v8;
	v7 =	vsel vm2, s23, v7;
	v5 =	vsel vm14, s20, v5  }
0x378: {  	s26 =	sshrl.u32 s18, $0x1F;
	s3 =	sshra.s32 s19, $0x1F;
	v8 =	vsel vm2, s24, v8;
	v4 =	vcombine.low v7, v4;
	v5 =	vsel vm6, s25, v5  }
0x379: {  	s2 =	sshra.s32 s18, $0xD;
	v6 =	vsel vm7, s26, v6;
	v3 =	vcombine.low v8, v3;
	v5 =	vsel vm15, s3, v5  }
0x37a: {  	v6 =	vperm.xlane v6, v1;
	v4 =	vperm.xlane v4, v0;
	v5 =	vsel vm7, s2, v5  }
0x37b: {  	v3 =	vperm.xlane v3, v0;
	v5 =	vperm.xlane v5, v1;
	_ =	sdelay $0x1  }
0x37c: {  	v4 =	vsel vm8, v6, v4;
	v3 =	vsel vm8, v5, v3  }
0x37d: {  	v3 =	vadd.s32 v4, v3  }
0x37e: {  	v3 =	vmul.u32 $0x186A0, v3;
	_ =	sdelay $0x1  }
0x37f: {  	v2 =	vsub.s32 v2, v3  }
0x380: {  	[tilespmem:s16+$0x300] =	vst v2;
	s16 =	simm.s32 $0x0  }
0x381: {  	v2 =	vld [tilespmem:s16+$0x380];
	_ =	sdelay $0x4  }
0x382: {  	(v2sf) =	vpush v2, $0x0  }
0x383: {  	(v2sf) =	vpush v2, $0x1;
	_ =	sdelay $0x1  }
0x384: {  	(v2sf) =	vpush v2, $0x2;
	_ =	sdelay $0x1  }
0x385: {  	(v2sf) =	vpush v2, $0x7;
	_ =	sdelay $0x2  }
0x386: {  	(v2sf) =	vpush v2, $0x3  }
0x387: {  	(v2sf) =	vpush v2, $0x4  }
0x388: {  	(v2sf) =	vpush v2, $0xC  }
0x389: {  	(v2sf) =	vpush v2, $0xD;
	_ =	sdelay $0x3  }
0x38a: {  	(v2sf) =	vpush v2, $0xE;
	s3 =	spop (v2sf)  }
0x38b: {  	s2 =	smulhi.u32 $0x14F8B589, s3;
	s4 =	spop (v2sf)  }
0x38c: {  	(v2sf) =	vpush v2, $0x8;
	s0 =	sshra.s32 s3, $0x1F;
	s5 =	smulhi.u32 $0x14F8B589, s4  }
0x38d: {  	(v2sf) =	vpush v2, $0xF;
	s10 =	spop (v2sf);
	s0 =	smul.u32 $0x14F8B589, s0  }
0x38e: {  	s1 =	sshra.s32 s4, $0x1F;
	s11 =	smulhi.u32 $0x14F8B589, s10  }
0x38f: {  	s20 =	spop (v2sf);
	s1 =	smul.u32 $0x14F8B589, s1  }
0x390: {  	s4 =	sshra.s32 s10, $0x1F;
	s7 =	smulhi.u32 $0x14F8B589, s20  }
0x391: {  	(v2sf) =	vpush v2, $0x9;
	s6 =	sshra.s32 s20, $0x1F;
	s4 =	smul.u32 $0x14F8B589, s4  }
0x392: {  	s21 =	spop (v2sf);
	s6 =	smul.u32 $0x14F8B589, s6  }
0x393: {  	(v2sf) =	vpush v2, $0xA;
	s10 =	spop (v2sf);
	s12 =	smulhi.u32 $0x14F8B589, s21;
	s8 =	sshra.s32 s21, $0x1F  }
0x394: {  	(v2sf) =	vpush v2, $0x5;
	s22 =	sshra.s32 s10, $0x1F;
	s23 =	spop (v2sf);
	s10 =	smulhi.u32 $0x14F8B589, s10  }
0x395: {  	s4 =	sadd.s32 s4, s11;
	s19 =	smul.u32 $0x14F8B589, s22;
	s25 =	spop (v2sf)  }
0x396: {  	(v2sf) =	vpush v2, $0xB;
	s26 =	sshra.s32 s23, $0x1F;
	s24 =	sshra.s32 s4, $0xD;
	s11 =	smulhi.u32 $0x14F8B589, s23  }
0x397: {  	s20 =	sshrl.u32 s4, $0x1F;
	s23 =	sshra.s32 s4, $0x1F;
	s4 =	smul.u32 $0x14F8B589, s8  }
0x398: {  	s14 =	smulhi.u32 $0x14F8B589, s25  }
0x399: {  	s17 =	sadd.s32 s1, s5;
	s15 =	spop (v2sf);
	s18 =	smul.u32 $0x14F8B589, s26  }
0x39a: {  	(v2sf) =	vpush v2, $0x6;
	s31 =	sshra.s32 s17, $0xD;
	s21 =	sshra.s32 s25, $0x1F;
	s26 =	smulhi.u32 $0x14F8B589, s15  }
0x39b: {  	s13 =	spop (v2sf);
	s30 =	sshra.s32 s15, $0x1F;
	s5 =	smul.u32 $0x14F8B589, s21  }
0x39c: {  	s4 =	sadd.s32 s4, s12;
	s22 =	spop (v2sf);
	s8 =	sadd.s32 s18, s11  }
0x39d: {  	s18 =	sadd.s32 s6, s7;
	s6 =	sadd.s32 s0, s2;
	s0 =	smul.u32 $0x14F8B589, s30  }
0x39e: {  	s2 =	sshra.s32 s4, $0xD;
	s15 =	sshra.s32 s22, $0x1F;
	s9 =	smulhi.u32 $0x14F8B589, s22  }
0x39f: {  	s21 =	sshrl.u32 s8, $0x1F;
	s5 =	sadd.s32 s5, s14;
	s14 =	sshra.s32 s8, $0xD  }
0x3a0: {  	s8 =	sshra.s32 s5, $0xD;
	s1 =	smul.u32 $0x14F8B589, s15;
	s25 =	spop (v2sf)  }
0x3a1: {  	[smem:$0x7EB] =	sst s8;
	s11 =	sshra.s32 s25, $0x1F;
	s22 =	smulhi.u32 $0x14F8B589, s25  }
0x3a2: {  	s15 =	sshrl.u32 s4, $0x1F;
	s25 =	spop (v2sf);
	s3 =	smul.u32 $0x14F8B589, s11  }
0x3a3: {  	s29 =	spop (v2sf);
	s12 =	sshra.s32 s25, $0x1F;
	s25 =	smulhi.u32 $0x14F8B589, s25  }
0x3a4: {  	v4 =	vmov s21;
	s8 =	sshrl.u32 s5, $0x1F;
	s21 =	sld [smem:$0x7EB];
	s11 =	smulhi.u32 $0x14F8B589, s29  }
0x3a5: {  	s5 =	sshra.s32 s17, $0x1F;
	s28 =	smul.u32 $0x14F8B589, s12;
	s30 =	spop (v2sf)  }
0x3a6: {  	s7 =	sadd.s32 s3, s22;
	s22 =	sshra.s32 s4, $0x1F;
	s4 =	sshra.s32 s29, $0x1F  }
0x3a7: {  	v3 =	vmov s14;
	s3 =	smulhi.u32 $0x14F8B589, s13;
	s29 =	sshrl.u32 s17, $0x1F;
	s17 =	sshra.s32 s18, $0x1F  }
0x3a8: {  	v3 =	vsel vm0, s21, v3;
	s12 =	sshra.s32 s13, $0x1F;
	s13 =	sshra.s32 s6, $0xD;
	s21 =	smulhi.u32 $0x14F8B589, s30;
	v5 =	vmov s17  }
0x3a9: {  	v4 =	vsel vm0, s8, v4;
	s8 =	spop (v2sf);
	s17 =	simm.s32 $0x40;
	v5 =	vsel vm3, s13, v5;
	s13 =	sshra.s32 s6, $0x1F  }
.LBB2_16:
0x3aa: {  	s14 =	sshrl.u32 s7, $0x1F;
	s12 =	smul.u32 $0x14F8B589, s12  }
0x3ab: {  	s30 =	sshra.s32 s30, $0x1F;
	v5 =	vsel vm9, s13, v5;
	s6 =	sshrl.u32 s6, $0x1F;
	s4 =	smul.u32 $0x14F8B589, s4  }
0x3ac: {  	s13 =	sshra.s32 s8, $0x1F;
	s1 =	sadd.s32 s1, s9;
	v5 =	vsel vm0, s31, v5;
	s0 =	sadd.s32 s0, s26  }
0x3ad: {  	v6 =	vmov s6;
	s6 =	sadd.s32 s19, s10;
	s10 =	smul.u32 $0x14F8B589, s13;
	s3 =	sadd.s32 s12, s3;
	v5 =	vsel vm10, s5, v5  }
0x3ae: {  	s26 =	sshrl.u32 s1, $0x1F;
	v6 =	vnsel vm3, $0x0, v6;
	s19 =	sshrl.u32 s0, $0x1F;
	s0 =	sshra.s32 s0, $0xD;
	v5 =	vsel vm1, s24, v5  }
0x3af: {  	s9 =	sshrl.u32 s6, $0x1F;
	s4 =	sadd.s32 s4, s11;
	s1 =	sshra.s32 s1, $0xD;
	v6 =	vsel vm0, s29, v6;
	v4 =	vsel vm1, s19, v4;
	v3 =	vsel vm1, s0, v3  }
0x3b0: {  	s13 =	sshrl.u32 s3, $0x1F;
	s3 =	sshra.s32 s3, $0xD;
	v5 =	vsel vm11, s23, v5;
	v6 =	vsel vm1, s20, v6;
	s23 =	smulhi.u32 $0x14F8B589, s8;
	v4 =	vsel vm2, s26, v4  }
0x3b1: {  	s24 =	sshra.s32 s6, $0xD;
	s11 =	sshrl.u32 s4, $0x1F;
	s26 =	smul.u32 $0x14F8B589, s30;
	v7 =	vmov s13;
	v8 =	vmov s3;
	v5 =	vsel vm2, s2, v5  }
0x3b2: {  	s6 =	sshra.s32 s6, $0x1F;
	s19 =	sshra.s32 s4, $0xD;
	s20 =	sadd.s32 s28, s25;
	v3 =	vsel vm2, s1, v3;
	v6 =	vsel vm2, s15, v6;
	v5 =	vsel vm12, s22, v5  }
0x3b3: {  	s15 =	sshra.s32 s7, $0xD;
	v7 =	vsel vm0, s14, v7;
	v6 =	vsel vm4, s9, v6;
	s5 =	sadd.s32 s26, s21;
	s21 =	sadd.s32 s10, s23;
	v5 =	vsel vm4, s24, v5  }
0x3b4: {  	s22 =	sshrl.u32 s20, $0x1F;
	v8 =	vsel vm0, s15, v8;
	s26 =	sshra.s32 s20, $0xD;
	v6 =	vsel vm5, s11, v6;
	s23 =	sshra.s32 s5, $0xD;
	v5 =	vsel vm13, s6, v5  }
0x3b5: {  	s24 =	sshra.s32 s4, $0x1F;
	v7 =	vsel vm1, s22, v7;
	s25 =	sshrl.u32 s21, $0x1F;
	s5 =	sshrl.u32 s5, $0x1F;
	v8 =	vsel vm1, s26, v8;
	v5 =	vsel vm5, s19, v5  }
0x3b6: {  	s4 =	sshra.s32 s21, $0xD;
	v6 =	vsel vm6, s25, v6;
	v7 =	vsel vm2, s5, v7;
	v5 =	vsel vm14, s24, v5  }
0x3b7: {  	s7 =	sshrl.u32 s18, $0x1F;
	s8 =	sshra.s32 s21, $0x1F;
	v8 =	vsel vm2, s23, v8;
	v4 =	vcombine.low v7, v4;
	v5 =	vsel vm6, s4, v5  }
0x3b8: {  	s9 =	sshra.s32 s18, $0xD;
	v3 =	vcombine.low v8, v3;
	v6 =	vsel vm7, s7, v6;
	v5 =	vsel vm15, s8, v5  }
0x3b9: {  	v6 =	vperm.xlane v6, v1;
	v4 =	vperm.xlane v4, v0;
	v5 =	vsel vm7, s9, v5  }
0x3ba: {  	v3 =	vperm.xlane v3, v0;
	v5 =	vperm.xlane v5, v1;
	_ =	sdelay $0x1  }
0x3bb: {  	v4 =	vsel vm8, v6, v4;
	v3 =	vsel vm8, v5, v3  }
0x3bc: {  	v3 =	vadd.s32 v4, v3  }
0x3bd: {  	v3 =	vmul.u32 $0x186A0, v3;
	_ =	sdelay $0x1  }
0x3be: {  	s10 =	smov.u32 s17;
	v2 =	vsub.s32 v2, v3  }
0x3bf: {  	s11 =	sshra.s32 s10, $0x2;
	[tilespmem:s16+$0x380] =	vst v2  }
0x3c0: {  	v2 =	vld [tilespmem:s11+$0x380];
	_ =	sdelay $0x4  }
0x3c1: {  	(v2sf) =	vpush v2, $0x0  }
0x3c2: {  	(v2sf) =	vpush v2, $0x1  }
0x3c3: {  	(v2sf) =	vpush v2, $0x2;
	_ =	sdelay $0x1  }
0x3c4: {  	(v2sf) =	vpush v2, $0x7;
	_ =	sdelay $0x2  }
0x3c5: {  	(v2sf) =	vpush v2, $0x3  }
0x3c6: {  	(v2sf) =	vpush v2, $0x4;
	_ =	sdelay $0x1  }
0x3c7: {  	(v2sf) =	vpush v2, $0xC;
	_ =	sdelay $0x1  }
0x3c8: {  	(v2sf) =	vpush v2, $0xD;
	_ =	sdelay $0x2  }
0x3c9: {  	(v2sf) =	vpush v2, $0xE;
	s12 =	spop (v2sf)  }
0x3ca: {  	s7 =	smulhi.u32 $0x14F8B589, s12;
	s13 =	spop (v2sf)  }
0x3cb: {  	(v2sf) =	vpush v2, $0x8;
	s14 =	smulhi.u32 $0x14F8B589, s13;
	s15 =	spop (v2sf)  }
0x3cc: {  	(v2sf) =	vpush v2, $0xF;
	s0 =	sshra.s32 s13, $0x1F;
	s16 =	smulhi.u32 $0x14F8B589, s15  }
0x3cd: {  	p0 =	sne.s32 s17, $0x1C0;
	s19 =	spop (v2sf);
	s0 =	smul.u32 $0x14F8B589, s0  }
0x3ce: {  	s17 =	sadd.s32 $0x40, s17;
	(v2sf) =	vpush v2, $0x9;
	s2 =	sshra.s32 s15, $0x1F;
	s21 =	smulhi.u32 $0x14F8B589, s19  }
0x3cf: {  	[dreg:$0xa] =	wrdreg s11;
	s4 =	sshra.s32 s19, $0x1F;
	s24 =	smul.u32 $0x14F8B589, s2  }
0x3d0: {  	s18 =	sshra.s32 s12, $0x1F;
	s20 =	spop (v2sf);
	s28 =	smul.u32 $0x14F8B589, s4  }
0x3d1: {  	s22 =	sshra.s32 s20, $0x1F;
	s10 =	spop (v2sf);
	s3 =	smulhi.u32 $0x14F8B589, s20  }
0x3d2: {  	(v2sf) =	vpush v2, $0xA;
	s8 =	sadd.s32 s0, s14;
	s23 =	sshra.s32 s10, $0x1F;
	s6 =	smul.u32 $0x14F8B589, s22  }
0x3d3: {  	s25 =	spop (v2sf);
	s31 =	sshra.s32 s8, $0xD;
	s10 =	smulhi.u32 $0x14F8B589, s10  }
0x3d4: {  	s0 =	sadd.s32 s24, s16;
	s29 =	sshrl.u32 s8, $0x1F;
	s11 =	smul.u32 $0x14F8B589, s23  }
0x3d5: {  	(v2sf) =	vpush v2, $0x5;
	s12 =	spop (v2sf);
	s13 =	sshra.s32 s25, $0x1F;
	s15 =	smulhi.u32 $0x14F8B589, s25  }
0x3d6: {  	s24 =	sshra.s32 s0, $0xD;
	s20 =	sshrl.u32 s0, $0x1F;
	s5 =	smulhi.u32 $0x14F8B589, s12  }
0x3d7: {  	(v2sf) =	vpush v2, $0xB;
	s23 =	sshra.s32 s0, $0x1F;
	s2 =	sshra.s32 s12, $0x1F;
	s4 =	smul.u32 $0x14F8B589, s13  }
0x3d8: {  	s14 =	spop (v2sf);
	(v2sf) =	vpush v2, $0x6;
	s3 =	sadd.s32 s6, s3;
	s6 =	smul.u32 $0x14F8B589, s18  }
0x3d9: {  	s18 =	sadd.s32 s28, s21;
	[dreg:$0x1a] =	wrdreg s11;
	s26 =	smulhi.u32 $0x14F8B589, s14  }
0x3da: {  	s13 =	sshra.s32 s14, $0x1F;
	s14 =	spop (v2sf);
	s2 =	smul.u32 $0x14F8B589, s2  }
0x3db: {  	s21 =	sshra.s32 s18, $0x1F;
	s12 =	sshra.s32 s14, $0x1F;
	s16 =	spop (v2sf)  }
0x3dc: {  	s0 =	sadd.s32 s4, s15;
	s15 =	sshrl.u32 s3, $0x1F;
	s11 =	sshra.s32 s16, $0x1F  }
0x3dd: {  	s19 =	spop (v2sf);
	s9 =	smulhi.u32 $0x14F8B589, s16;
	s4 =	sshrl.u32 s0, $0x1F  }
0x3de: {  	s5 =	sadd.s32 s2, s5;
	s0 =	sshra.s32 s0, $0xD;
	s16 =	smulhi.u32 $0x14F8B589, s19  }
0x3df: {  	s22 =	sshra.s32 s19, $0x1F;
	s2 =	sshra.s32 s5, $0xD;
	v3 =	vmov s0;
	s1 =	smul.u32 $0x14F8B589, s11  }
0x3e0: {  	s6 =	sadd.s32 s6, s7;
	s19 =	smul.u32 $0x14F8B589, s22;
	v3 =	vsel vm0, s2, v3;
	s2 =	sshra.s32 s3, $0xD  }
0x3e1: {  	s22 =	sshra.s32 s3, $0x1F;
	s3 =	smulhi.u32 $0x14F8B589, s14;
	s25 =	spop (v2sf)  }
0x3e2: {  	v4 =	vmov s4;
	s5 =	sshrl.u32 s5, $0x1F;
	s4 =	sshra.s32 s25, $0x1F;
	s25 =	smulhi.u32 $0x14F8B589, s25  }
.Ltmp7:
0x3e3: {  	s7 =	sadd.s32 s19, s16;
	s19 =	rddreg [dreg:$0x1a];
	(pc) =	sbr.rel @p0 .LBB2_16-.Ltmp7, $4  }
0x3e4: {  	v4 =	vsel vm0, s5, v4;
	s5 =	sshra.s32 s8, $0x1F;
	s28 =	smul.u32 $0x14F8B589, s4;
	s0 =	spop (v2sf)  }
0x3e5: {  	s14 =	sshra.s32 s6, $0xD;
	s16 =	rddreg [dreg:$0xa];
	s11 =	smulhi.u32 $0x14F8B589, s0  }
0x3e6: {  	v5 =	vmov s21;
	s4 =	sshra.s32 s0, $0x1F;
	s0 =	smul.u32 $0x14F8B589, s13;
	s30 =	spop (v2sf)  }
0x3e7: {  	v5 =	vsel vm3, s14, v5;
	s13 =	sshra.s32 s6, $0x1F;
	s21 =	smulhi.u32 $0x14F8B589, s30;
	s8 =	spop (v2sf)  }
0x3e8: {  	s1 =	sadd.s32 s1, s9  }
0x3e9: {  	v5 =	vsel vm9, s13, v5;
	s0 =	sadd.s32 s0, s26;
	s17 =	smul.u32 $0x14F8B589, s12;
	s6 =	sshrl.u32 s6, $0x1F  }
0x3ea: {  	s12 =	sshrl.u32 s7, $0x1F;
	s13 =	sshra.s32 s30, $0x1F;
	s4 =	smul.u32 $0x14F8B589, s4;
	v5 =	vsel vm0, s31, v5  }
0x3eb: {  	s26 =	sadd.s32 s19, s10;
	s14 =	sshra.s32 s8, $0x1F;
	s19 =	smulhi.u32 $0x14F8B589, s8;
	v6 =	vmov s6;
	v5 =	vsel vm10, s5, v5  }
0x3ec: {  	v6 =	vnsel vm3, $0x0, v6;
	s5 =	smul.u32 $0x14F8B589, s14;
	s14 =	sshrl.u32 s0, $0x1F;
	s0 =	sshra.s32 s0, $0xD;
	v5 =	vsel vm1, s24, v5  }
0x3ed: {  	s7 =	sshra.s32 s7, $0xD;
	s3 =	sadd.s32 s17, s3;
	s17 =	sshrl.u32 s1, $0x1F;
	v6 =	vsel vm0, s29, v6;
	v4 =	vsel vm1, s14, v4;
	v3 =	vsel vm1, s0, v3  }
0x3ee: {  	s10 =	sshrl.u32 s26, $0x1F;
	s6 =	sshra.s32 s26, $0x1F;
	s1 =	sshra.s32 s1, $0xD;
	v5 =	vsel vm11, s23, v5;
	v6 =	vsel vm1, s20, v6;
	v4 =	vsel vm2, s17, v4  }
0x3ef: {  	s20 =	sshra.s32 s26, $0xD;
	s26 =	sshrl.u32 s3, $0x1F;
	s3 =	sshra.s32 s3, $0xD;
	v3 =	vsel vm2, s1, v3;
	v5 =	vsel vm2, s2, v5;
	v6 =	vsel vm2, s15, v6  }
0x3f0: {  	s4 =	sadd.s32 s4, s11;
	s23 =	smul.u32 $0x14F8B589, s13;
	s13 =	sadd.s32 s28, s25;
	v7 =	vmov s26;
	v8 =	vmov s3;
	v5 =	vsel vm12, s22, v5  }
0x3f1: {  	s24 =	sshrl.u32 s4, $0x1F;
	s15 =	sadd.s32 s5, s19;
	s17 =	sshrl.u32 s13, $0x1F;
	v6 =	vsel vm4, s10, v6;
	v7 =	vsel vm0, s12, v7;
	v5 =	vsel vm4, s20, v5  }
0x3f2: {  	s10 =	sshra.s32 s4, $0xD;
	s14 =	sadd.s32 s23, s21;
	v8 =	vsel vm0, s7, v8;
	v6 =	vsel vm5, s24, v6;
	s20 =	sshra.s32 s13, $0xD;
	v5 =	vsel vm13, s6, v5  }
0x3f3: {  	s19 =	sshra.s32 s4, $0x1F;
	s25 =	sshrl.u32 s15, $0x1F;
	v7 =	vsel vm1, s17, v7;
	s22 =	sshrl.u32 s14, $0x1F;
	v8 =	vsel vm1, s20, v8;
	v5 =	vsel vm5, s10, v5  }
0x3f4: {  	s21 =	sshra.s32 s15, $0xD;
	s23 =	sshra.s32 s14, $0xD;
	v7 =	vsel vm2, s22, v7;
	v6 =	vsel vm6, s25, v6;
	v5 =	vsel vm14, s19, v5  }
0x3f5: {  	s2 =	sshrl.u32 s18, $0x1F;
	s24 =	sshra.s32 s15, $0x1F;
	v8 =	vsel vm2, s23, v8;
	v4 =	vcombine.low v7, v4;
	v5 =	vsel vm6, s21, v5  }
0x3f6: {  	s26 =	sshra.s32 s18, $0xD;
	v6 =	vsel vm7, s2, v6;
	v3 =	vcombine.low v8, v3;
	v5 =	vsel vm15, s24, v5  }
0x3f7: {  	v6 =	vperm.xlane v6, v1;
	v4 =	vperm.xlane v4, v0;
	v5 =	vsel vm7, s26, v5  }
0x3f8: {  	v3 =	vperm.xlane v3, v0;
	v5 =	vperm.xlane v5, v1;
	_ =	sdelay $0x1  }
0x3f9: {  	v4 =	vsel vm8, v6, v4;
	v3 =	vsel vm8, v5, v3  }
0x3fa: {  	v3 =	vadd.s32 v4, v3  }
0x3fb: {  	v3 =	vmul.u32 $0x186A0, v3;
	_ =	sdelay $0x1  }
0x3fc: {  	v2 =	vsub.s32 v2, v3  }
0x3fd: {  	[tilespmem:s16+$0x380] =	vst v2;
	s16 =	simm.s32 $0x0  }
0x3fe: {  	v2 =	vld [tilespmem:s16+$0x400];
	_ =	sdelay $0x4  }
0x3ff: {  	(v2sf) =	vpush v2, $0x0  }
0x400: {  	(v2sf) =	vpush v2, $0x1;
	_ =	sdelay $0x1  }
0x401: {  	(v2sf) =	vpush v2, $0x2;
	_ =	sdelay $0x1  }
0x402: {  	(v2sf) =	vpush v2, $0x7;
	_ =	sdelay $0x2  }
0x403: {  	(v2sf) =	vpush v2, $0x3  }
0x404: {  	(v2sf) =	vpush v2, $0x4  }
0x405: {  	(v2sf) =	vpush v2, $0xC  }
0x406: {  	(v2sf) =	vpush v2, $0xD;
	_ =	sdelay $0x3  }
0x407: {  	(v2sf) =	vpush v2, $0xE;
	s3 =	spop (v2sf)  }
0x408: {  	s2 =	smulhi.u32 $0x10624DD3, s3;
	s4 =	spop (v2sf)  }
0x409: {  	(v2sf) =	vpush v2, $0x8;
	s0 =	sshra.s32 s3, $0x1F;
	s5 =	smulhi.u32 $0x10624DD3, s4  }
0x40a: {  	(v2sf) =	vpush v2, $0xF;
	s10 =	spop (v2sf);
	s0 =	smul.u32 $0x10624DD3, s0  }
0x40b: {  	s1 =	sshra.s32 s4, $0x1F;
	s11 =	smulhi.u32 $0x10624DD3, s10  }
0x40c: {  	s20 =	spop (v2sf);
	s1 =	smul.u32 $0x10624DD3, s1  }
0x40d: {  	s4 =	sshra.s32 s10, $0x1F;
	s7 =	smulhi.u32 $0x10624DD3, s20  }
0x40e: {  	(v2sf) =	vpush v2, $0x9;
	s6 =	sshra.s32 s20, $0x1F;
	s4 =	smul.u32 $0x10624DD3, s4  }
0x40f: {  	s21 =	spop (v2sf);
	s6 =	smul.u32 $0x10624DD3, s6  }
0x410: {  	(v2sf) =	vpush v2, $0xA;
	s10 =	spop (v2sf);
	s12 =	smulhi.u32 $0x10624DD3, s21;
	s8 =	sshra.s32 s21, $0x1F  }
0x411: {  	(v2sf) =	vpush v2, $0x5;
	s22 =	sshra.s32 s10, $0x1F;
	s23 =	spop (v2sf);
	s10 =	smulhi.u32 $0x10624DD3, s10  }
0x412: {  	s4 =	sadd.s32 s4, s11;
	s19 =	smul.u32 $0x10624DD3, s22;
	s25 =	spop (v2sf)  }
0x413: {  	(v2sf) =	vpush v2, $0xB;
	s26 =	sshra.s32 s23, $0x1F;
	s24 =	sshra.s32 s4, $0x6;
	s11 =	smulhi.u32 $0x10624DD3, s23  }
0x414: {  	s20 =	sshrl.u32 s4, $0x1F;
	s23 =	sshra.s32 s4, $0x1F;
	s4 =	smul.u32 $0x10624DD3, s8  }
0x415: {  	s14 =	smulhi.u32 $0x10624DD3, s25  }
0x416: {  	s17 =	sadd.s32 s1, s5;
	s15 =	spop (v2sf);
	s18 =	smul.u32 $0x10624DD3, s26  }
0x417: {  	(v2sf) =	vpush v2, $0x6;
	s31 =	sshra.s32 s17, $0x6;
	s21 =	sshra.s32 s25, $0x1F;
	s26 =	smulhi.u32 $0x10624DD3, s15  }
0x418: {  	s13 =	spop (v2sf);
	s30 =	sshra.s32 s15, $0x1F;
	s5 =	smul.u32 $0x10624DD3, s21  }
0x419: {  	s4 =	sadd.s32 s4, s12;
	s22 =	spop (v2sf);
	s8 =	sadd.s32 s18, s11  }
0x41a: {  	s18 =	sadd.s32 s6, s7;
	s6 =	sadd.s32 s0, s2;
	s0 =	smul.u32 $0x10624DD3, s30  }
0x41b: {  	s2 =	sshra.s32 s4, $0x6;
	s15 =	sshra.s32 s22, $0x1F;
	s9 =	smulhi.u32 $0x10624DD3, s22  }
0x41c: {  	s21 =	sshrl.u32 s8, $0x1F;
	s5 =	sadd.s32 s5, s14;
	s14 =	sshra.s32 s8, $0x6  }
0x41d: {  	s8 =	sshra.s32 s5, $0x6;
	s1 =	smul.u32 $0x10624DD3, s15;
	s25 =	spop (v2sf)  }
0x41e: {  	[smem:$0x7EA] =	sst s8;
	s11 =	sshra.s32 s25, $0x1F;
	s22 =	smulhi.u32 $0x10624DD3, s25  }
0x41f: {  	s15 =	sshrl.u32 s4, $0x1F;
	s25 =	spop (v2sf);
	s3 =	smul.u32 $0x10624DD3, s11  }
0x420: {  	s29 =	spop (v2sf);
	s12 =	sshra.s32 s25, $0x1F;
	s25 =	smulhi.u32 $0x10624DD3, s25  }
0x421: {  	v4 =	vmov s21;
	s8 =	sshrl.u32 s5, $0x1F;
	s21 =	sld [smem:$0x7EA];
	s11 =	smulhi.u32 $0x10624DD3, s29  }
0x422: {  	s5 =	sshra.s32 s17, $0x1F;
	s28 =	smul.u32 $0x10624DD3, s12;
	s30 =	spop (v2sf)  }
0x423: {  	s7 =	sadd.s32 s3, s22;
	s22 =	sshra.s32 s4, $0x1F;
	s4 =	sshra.s32 s29, $0x1F  }
0x424: {  	v3 =	vmov s14;
	s3 =	smulhi.u32 $0x10624DD3, s13;
	s29 =	sshrl.u32 s17, $0x1F;
	s17 =	sshra.s32 s18, $0x1F  }
0x425: {  	v3 =	vsel vm0, s21, v3;
	s12 =	sshra.s32 s13, $0x1F;
	s13 =	sshra.s32 s6, $0x6;
	s21 =	smulhi.u32 $0x10624DD3, s30;
	v5 =	vmov s17  }
0x426: {  	v4 =	vsel vm0, s8, v4;
	s8 =	spop (v2sf);
	s17 =	simm.s32 $0x40;
	v5 =	vsel vm3, s13, v5;
	s13 =	sshra.s32 s6, $0x1F  }
.LBB2_18:
0x427: {  	s14 =	sshrl.u32 s7, $0x1F;
	s12 =	smul.u32 $0x10624DD3, s12  }
0x428: {  	s30 =	sshra.s32 s30, $0x1F;
	v5 =	vsel vm9, s13, v5;
	s6 =	sshrl.u32 s6, $0x1F;
	s4 =	smul.u32 $0x10624DD3, s4  }
0x429: {  	s13 =	sshra.s32 s8, $0x1F;
	s1 =	sadd.s32 s1, s9;
	v5 =	vsel vm0, s31, v5;
	s0 =	sadd.s32 s0, s26  }
0x42a: {  	v6 =	vmov s6;
	s6 =	sadd.s32 s19, s10;
	s10 =	smul.u32 $0x10624DD3, s13;
	s13 =	sshra.s32 s7, $0x6;
	v5 =	vsel vm10, s5, v5  }
0x42b: {  	s3 =	sadd.s32 s12, s3;
	v6 =	vnsel vm3, $0x0, v6;
	s19 =	sshrl.u32 s0, $0x1F;
	s0 =	sshra.s32 s0, $0x6;
	v5 =	vsel vm1, s24, v5  }
0x42c: {  	s26 =	sshrl.u32 s1, $0x1F;
	s9 =	sshrl.u32 s6, $0x1F;
	s4 =	sadd.s32 s4, s11;
	v6 =	vsel vm0, s29, v6;
	v4 =	vsel vm1, s19, v4;
	v3 =	vsel vm1, s0, v3  }
0x42d: {  	s1 =	sshra.s32 s1, $0x6;
	s24 =	smul.u32 $0x10624DD3, s30;
	s11 =	sshrl.u32 s4, $0x1F;
	v5 =	vsel vm11, s23, v5;
	v6 =	vsel vm1, s20, v6;
	v4 =	vsel vm2, s26, v4  }
0x42e: {  	s19 =	sadd.s32 s28, s25;
	s26 =	sshrl.u32 s3, $0x1F;
	s3 =	sshra.s32 s3, $0x6;
	v3 =	vsel vm2, s1, v3;
	v5 =	vsel vm2, s2, v5;
	v6 =	vsel vm2, s15, v6  }
0x42f: {  	s20 =	smulhi.u32 $0x10624DD3, s8;
	s23 =	sshra.s32 s6, $0x6;
	s6 =	sshra.s32 s6, $0x1F;
	v7 =	vmov s26;
	v8 =	vmov s3;
	v5 =	vsel vm12, s22, v5  }
0x430: {  	s15 =	sshra.s32 s4, $0x6;
	s5 =	sadd.s32 s24, s21;
	s21 =	sshra.s32 s19, $0x6;
	v6 =	vsel vm4, s9, v6;
	v7 =	vsel vm0, s14, v7;
	v5 =	vsel vm4, s23, v5  }
0x431: {  	s24 =	sshrl.u32 s19, $0x1F;
	s20 =	sadd.s32 s10, s20;
	s22 =	sshra.s32 s5, $0x6;
	v8 =	vsel vm0, s13, v8;
	v6 =	vsel vm5, s11, v6;
	v5 =	vsel vm13, s6, v5  }
0x432: {  	s5 =	sshrl.u32 s5, $0x1F;
	s23 =	sshra.s32 s4, $0x1F;
	s25 =	sshrl.u32 s20, $0x1F;
	v7 =	vsel vm1, s24, v7;
	v8 =	vsel vm1, s21, v8;
	v5 =	vsel vm5, s15, v5  }
0x433: {  	s26 =	sshra.s32 s20, $0x6;
	v6 =	vsel vm6, s25, v6;
	v7 =	vsel vm2, s5, v7;
	v5 =	vsel vm14, s23, v5  }
0x434: {  	s7 =	sshrl.u32 s18, $0x1F;
	s8 =	sshra.s32 s20, $0x1F;
	v8 =	vsel vm2, s22, v8;
	v4 =	vcombine.low v7, v4;
	v5 =	vsel vm6, s26, v5  }
0x435: {  	s9 =	sshra.s32 s18, $0x6;
	v6 =	vsel vm7, s7, v6;
	v3 =	vcombine.low v8, v3;
	v5 =	vsel vm15, s8, v5  }
0x436: {  	v6 =	vperm.xlane v6, v1;
	v4 =	vperm.xlane v4, v0;
	v5 =	vsel vm7, s9, v5  }
0x437: {  	v3 =	vperm.xlane v3, v0;
	v5 =	vperm.xlane v5, v1;
	_ =	sdelay $0x1  }
0x438: {  	v4 =	vsel vm8, v6, v4;
	v3 =	vsel vm8, v5, v3  }
0x439: {  	v3 =	vadd.s32 v4, v3  }
0x43a: {  	v3 =	vmul.u32 $0x3E8, v3;
	_ =	sdelay $0x1  }
0x43b: {  	s10 =	smov.u32 s17;
	v2 =	vsub.s32 v2, v3  }
0x43c: {  	s11 =	sshra.s32 s10, $0x2;
	[tilespmem:s16+$0x400] =	vst v2  }
0x43d: {  	v2 =	vld [tilespmem:s11+$0x400];
	_ =	sdelay $0x4  }
0x43e: {  	(v2sf) =	vpush v2, $0x0  }
0x43f: {  	(v2sf) =	vpush v2, $0x1  }
0x440: {  	(v2sf) =	vpush v2, $0x2;
	_ =	sdelay $0x1  }
0x441: {  	(v2sf) =	vpush v2, $0x7;
	_ =	sdelay $0x2  }
0x442: {  	(v2sf) =	vpush v2, $0x3  }
0x443: {  	(v2sf) =	vpush v2, $0x4;
	_ =	sdelay $0x1  }
0x444: {  	(v2sf) =	vpush v2, $0xC;
	_ =	sdelay $0x1  }
0x445: {  	(v2sf) =	vpush v2, $0xD;
	_ =	sdelay $0x2  }
0x446: {  	(v2sf) =	vpush v2, $0xE;
	s12 =	spop (v2sf)  }
0x447: {  	s7 =	smulhi.u32 $0x10624DD3, s12;
	s13 =	spop (v2sf)  }
0x448: {  	(v2sf) =	vpush v2, $0x8;
	s14 =	smulhi.u32 $0x10624DD3, s13;
	s15 =	spop (v2sf)  }
0x449: {  	(v2sf) =	vpush v2, $0xF;
	s0 =	sshra.s32 s13, $0x1F;
	s16 =	smulhi.u32 $0x10624DD3, s15  }
0x44a: {  	p0 =	sne.s32 s17, $0x1C0;
	s19 =	spop (v2sf);
	s0 =	smul.u32 $0x10624DD3, s0  }
0x44b: {  	s17 =	sadd.s32 $0x40, s17;
	(v2sf) =	vpush v2, $0x9;
	s2 =	sshra.s32 s15, $0x1F;
	s21 =	smulhi.u32 $0x10624DD3, s19  }
0x44c: {  	[dreg:$0xb] =	wrdreg s11;
	s4 =	sshra.s32 s19, $0x1F;
	s24 =	smul.u32 $0x10624DD3, s2  }
0x44d: {  	s18 =	sshra.s32 s12, $0x1F;
	s20 =	spop (v2sf);
	s28 =	smul.u32 $0x10624DD3, s4  }
0x44e: {  	s22 =	sshra.s32 s20, $0x1F;
	s10 =	spop (v2sf);
	s3 =	smulhi.u32 $0x10624DD3, s20  }
0x44f: {  	(v2sf) =	vpush v2, $0xA;
	s8 =	sadd.s32 s0, s14;
	s23 =	sshra.s32 s10, $0x1F;
	s6 =	smul.u32 $0x10624DD3, s22  }
0x450: {  	s25 =	spop (v2sf);
	s31 =	sshra.s32 s8, $0x6;
	s10 =	smulhi.u32 $0x10624DD3, s10  }
0x451: {  	s0 =	sadd.s32 s24, s16;
	s29 =	sshrl.u32 s8, $0x1F;
	s11 =	smul.u32 $0x10624DD3, s23  }
0x452: {  	(v2sf) =	vpush v2, $0x5;
	s12 =	spop (v2sf);
	s13 =	sshra.s32 s25, $0x1F;
	s15 =	smulhi.u32 $0x10624DD3, s25  }
0x453: {  	s24 =	sshra.s32 s0, $0x6;
	s20 =	sshrl.u32 s0, $0x1F;
	s5 =	smulhi.u32 $0x10624DD3, s12  }
0x454: {  	(v2sf) =	vpush v2, $0xB;
	s23 =	sshra.s32 s0, $0x1F;
	s2 =	sshra.s32 s12, $0x1F;
	s4 =	smul.u32 $0x10624DD3, s13  }
0x455: {  	s14 =	spop (v2sf);
	(v2sf) =	vpush v2, $0x6;
	s3 =	sadd.s32 s6, s3;
	s6 =	smul.u32 $0x10624DD3, s18  }
0x456: {  	s18 =	sadd.s32 s28, s21;
	[dreg:$0x1b] =	wrdreg s11;
	s26 =	smulhi.u32 $0x10624DD3, s14  }
0x457: {  	s13 =	sshra.s32 s14, $0x1F;
	s14 =	spop (v2sf);
	s2 =	smul.u32 $0x10624DD3, s2  }
0x458: {  	s21 =	sshra.s32 s18, $0x1F;
	s12 =	sshra.s32 s14, $0x1F;
	s16 =	spop (v2sf)  }
0x459: {  	s0 =	sadd.s32 s4, s15;
	s15 =	sshrl.u32 s3, $0x1F;
	s11 =	sshra.s32 s16, $0x1F  }
0x45a: {  	s19 =	spop (v2sf);
	s9 =	smulhi.u32 $0x10624DD3, s16;
	s4 =	sshrl.u32 s0, $0x1F  }
0x45b: {  	s5 =	sadd.s32 s2, s5;
	s0 =	sshra.s32 s0, $0x6;
	s16 =	smulhi.u32 $0x10624DD3, s19  }
0x45c: {  	s22 =	sshra.s32 s19, $0x1F;
	s2 =	sshra.s32 s5, $0x6;
	v3 =	vmov s0;
	s1 =	smul.u32 $0x10624DD3, s11  }
0x45d: {  	s6 =	sadd.s32 s6, s7;
	s19 =	smul.u32 $0x10624DD3, s22;
	v3 =	vsel vm0, s2, v3;
	s2 =	sshra.s32 s3, $0x6  }
0x45e: {  	s22 =	sshra.s32 s3, $0x1F;
	s3 =	smulhi.u32 $0x10624DD3, s14;
	s25 =	spop (v2sf)  }
0x45f: {  	v4 =	vmov s4;
	s5 =	sshrl.u32 s5, $0x1F;
	s4 =	sshra.s32 s25, $0x1F;
	s25 =	smulhi.u32 $0x10624DD3, s25  }
.Ltmp8:
0x460: {  	s7 =	sadd.s32 s19, s16;
	s19 =	rddreg [dreg:$0x1b];
	(pc) =	sbr.rel @p0 .LBB2_18-.Ltmp8, $4  }
0x461: {  	v4 =	vsel vm0, s5, v4;
	s5 =	sshra.s32 s8, $0x1F;
	s28 =	smul.u32 $0x10624DD3, s4;
	s0 =	spop (v2sf)  }
0x462: {  	s14 =	sshra.s32 s6, $0x6;
	s16 =	rddreg [dreg:$0xb];
	s11 =	smulhi.u32 $0x10624DD3, s0  }
0x463: {  	v5 =	vmov s21;
	s4 =	sshra.s32 s0, $0x1F;
	s0 =	smul.u32 $0x10624DD3, s13;
	s30 =	spop (v2sf)  }
0x464: {  	v5 =	vsel vm3, s14, v5;
	s13 =	sshra.s32 s6, $0x1F;
	s21 =	smulhi.u32 $0x10624DD3, s30;
	s8 =	spop (v2sf)  }
0x465: {  	s1 =	sadd.s32 s1, s9  }
0x466: {  	v5 =	vsel vm9, s13, v5;
	s0 =	sadd.s32 s0, s26;
	s17 =	smul.u32 $0x10624DD3, s12;
	s6 =	sshrl.u32 s6, $0x1F  }
0x467: {  	s12 =	sshrl.u32 s7, $0x1F;
	s13 =	sshra.s32 s30, $0x1F;
	s4 =	smul.u32 $0x10624DD3, s4;
	v5 =	vsel vm0, s31, v5  }
0x468: {  	s26 =	sadd.s32 s19, s10;
	s14 =	sshra.s32 s8, $0x1F;
	s19 =	smulhi.u32 $0x10624DD3, s8;
	v6 =	vmov s6;
	v5 =	vsel vm10, s5, v5  }
0x469: {  	v6 =	vnsel vm3, $0x0, v6;
	s5 =	smul.u32 $0x10624DD3, s14;
	s14 =	sshrl.u32 s0, $0x1F;
	s0 =	sshra.s32 s0, $0x6;
	v5 =	vsel vm1, s24, v5  }
0x46a: {  	s10 =	sshrl.u32 s26, $0x1F;
	s3 =	sadd.s32 s17, s3;
	s17 =	sshrl.u32 s1, $0x1F;
	v6 =	vsel vm0, s29, v6;
	v4 =	vsel vm1, s14, v4;
	v3 =	vsel vm1, s0, v3  }
0x46b: {  	s6 =	sshra.s32 s26, $0x1F;
	s4 =	sadd.s32 s4, s11;
	s1 =	sshra.s32 s1, $0x6;
	v5 =	vsel vm11, s23, v5;
	v6 =	vsel vm1, s20, v6;
	v4 =	vsel vm2, s17, v4  }
0x46c: {  	s20 =	sshra.s32 s26, $0x6;
	s26 =	sshrl.u32 s3, $0x1F;
	s3 =	sshra.s32 s3, $0x6;
	v3 =	vsel vm2, s1, v3;
	v5 =	vsel vm2, s2, v5;
	v6 =	vsel vm2, s15, v6  }
0x46d: {  	s24 =	sshrl.u32 s4, $0x1F;
	s14 =	sshra.s32 s4, $0x6;
	s23 =	smul.u32 $0x10624DD3, s13;
	v7 =	vmov s26;
	v8 =	vmov s3;
	v5 =	vsel vm12, s22, v5  }
0x46e: {  	s19 =	sadd.s32 s5, s19;
	s15 =	sadd.s32 s28, s25;
	v6 =	vsel vm4, s10, v6;
	s10 =	sshra.s32 s7, $0x6;
	v7 =	vsel vm0, s12, v7;
	v5 =	vsel vm4, s20, v5  }
0x46f: {  	s5 =	sshrl.u32 s19, $0x1F;
	s17 =	sadd.s32 s23, s21;
	s21 =	sshrl.u32 s15, $0x1F;
	v6 =	vsel vm5, s24, v6;
	v8 =	vsel vm0, s10, v8;
	v5 =	vsel vm13, s6, v5  }
0x470: {  	s22 =	sshra.s32 s15, $0x6;
	s20 =	sshra.s32 s4, $0x1F;
	v7 =	vsel vm1, s21, v7;
	s23 =	sshrl.u32 s17, $0x1F;
	v6 =	vsel vm6, s5, v6;
	v5 =	vsel vm5, s14, v5  }
0x471: {  	s25 =	sshra.s32 s19, $0x6;
	s24 =	sshra.s32 s17, $0x6;
	v8 =	vsel vm1, s22, v8;
	v7 =	vsel vm2, s23, v7;
	v5 =	vsel vm14, s20, v5  }
0x472: {  	s26 =	sshrl.u32 s18, $0x1F;
	s3 =	sshra.s32 s19, $0x1F;
	v8 =	vsel vm2, s24, v8;
	v4 =	vcombine.low v7, v4;
	v5 =	vsel vm6, s25, v5  }
0x473: {  	s2 =	sshra.s32 s18, $0x6;
	v6 =	vsel vm7, s26, v6;
	v3 =	vcombine.low v8, v3;
	v5 =	vsel vm15, s3, v5  }
0x474: {  	v6 =	vperm.xlane v6, v1;
	v4 =	vperm.xlane v4, v0;
	v5 =	vsel vm7, s2, v5  }
0x475: {  	v3 =	vperm.xlane v3, v0;
	v5 =	vperm.xlane v5, v1;
	_ =	sdelay $0x1  }
0x476: {  	v4 =	vsel vm8, v6, v4;
	v3 =	vsel vm8, v5, v3  }
0x477: {  	v3 =	vadd.s32 v4, v3  }
0x478: {  	v3 =	vmul.u32 $0x3E8, v3;
	_ =	sdelay $0x1  }
0x479: {  	v2 =	vsub.s32 v2, v3  }
0x47a: {  	[tilespmem:s16+$0x400] =	vst v2;
	s16 =	simm.s32 $0x0  }
0x47b: {  	v2 =	vld [tilespmem:s16+$0x480];
	_ =	sdelay $0x4  }
0x47c: {  	(v2sf) =	vpush v2, $0x0  }
0x47d: {  	(v2sf) =	vpush v2, $0x1;
	_ =	sdelay $0x1  }
0x47e: {  	(v2sf) =	vpush v2, $0x2;
	_ =	sdelay $0x1  }
0x47f: {  	(v2sf) =	vpush v2, $0x7;
	_ =	sdelay $0x2  }
0x480: {  	(v2sf) =	vpush v2, $0x3  }
0x481: {  	(v2sf) =	vpush v2, $0x4  }
0x482: {  	(v2sf) =	vpush v2, $0xC  }
0x483: {  	(v2sf) =	vpush v2, $0xD;
	_ =	sdelay $0x3  }
0x484: {  	(v2sf) =	vpush v2, $0xE;
	s3 =	spop (v2sf)  }
0x485: {  	s2 =	smulhi.u32 $0x10624DD3, s3;
	s4 =	spop (v2sf)  }
0x486: {  	(v2sf) =	vpush v2, $0x8;
	s0 =	sshra.s32 s3, $0x1F;
	s5 =	smulhi.u32 $0x10624DD3, s4  }
0x487: {  	(v2sf) =	vpush v2, $0xF;
	s10 =	spop (v2sf);
	s0 =	smul.u32 $0x10624DD3, s0  }
0x488: {  	s1 =	sshra.s32 s4, $0x1F;
	s11 =	smulhi.u32 $0x10624DD3, s10  }
0x489: {  	s20 =	spop (v2sf);
	s1 =	smul.u32 $0x10624DD3, s1  }
0x48a: {  	s4 =	sshra.s32 s10, $0x1F;
	s7 =	smulhi.u32 $0x10624DD3, s20  }
0x48b: {  	(v2sf) =	vpush v2, $0x9;
	s6 =	sshra.s32 s20, $0x1F;
	s4 =	smul.u32 $0x10624DD3, s4  }
0x48c: {  	s21 =	spop (v2sf);
	s6 =	smul.u32 $0x10624DD3, s6  }
0x48d: {  	(v2sf) =	vpush v2, $0xA;
	s10 =	spop (v2sf);
	s12 =	smulhi.u32 $0x10624DD3, s21;
	s8 =	sshra.s32 s21, $0x1F  }
0x48e: {  	(v2sf) =	vpush v2, $0x5;
	s22 =	sshra.s32 s10, $0x1F;
	s23 =	spop (v2sf);
	s10 =	smulhi.u32 $0x10624DD3, s10  }
0x48f: {  	s4 =	sadd.s32 s4, s11;
	s19 =	smul.u32 $0x10624DD3, s22;
	s25 =	spop (v2sf)  }
0x490: {  	(v2sf) =	vpush v2, $0xB;
	s26 =	sshra.s32 s23, $0x1F;
	s24 =	sshra.s32 s4, $0x6;
	s11 =	smulhi.u32 $0x10624DD3, s23  }
0x491: {  	s20 =	sshrl.u32 s4, $0x1F;
	s23 =	sshra.s32 s4, $0x1F;
	s4 =	smul.u32 $0x10624DD3, s8  }
0x492: {  	s14 =	smulhi.u32 $0x10624DD3, s25  }
0x493: {  	s17 =	sadd.s32 s1, s5;
	s15 =	spop (v2sf);
	s18 =	smul.u32 $0x10624DD3, s26  }
0x494: {  	(v2sf) =	vpush v2, $0x6;
	s31 =	sshra.s32 s17, $0x6;
	s21 =	sshra.s32 s25, $0x1F;
	s26 =	smulhi.u32 $0x10624DD3, s15  }
0x495: {  	s13 =	spop (v2sf);
	s30 =	sshra.s32 s15, $0x1F;
	s5 =	smul.u32 $0x10624DD3, s21  }
0x496: {  	s4 =	sadd.s32 s4, s12;
	s22 =	spop (v2sf);
	s8 =	sadd.s32 s18, s11  }
0x497: {  	s18 =	sadd.s32 s6, s7;
	s6 =	sadd.s32 s0, s2;
	s0 =	smul.u32 $0x10624DD3, s30  }
0x498: {  	s2 =	sshra.s32 s4, $0x6;
	s15 =	sshra.s32 s22, $0x1F;
	s9 =	smulhi.u32 $0x10624DD3, s22  }
0x499: {  	s21 =	sshrl.u32 s8, $0x1F;
	s5 =	sadd.s32 s5, s14;
	s14 =	sshra.s32 s8, $0x6  }
0x49a: {  	s8 =	sshra.s32 s5, $0x6;
	s1 =	smul.u32 $0x10624DD3, s15;
	s25 =	spop (v2sf)  }
0x49b: {  	[smem:$0x7E9] =	sst s8;
	s11 =	sshra.s32 s25, $0x1F;
	s22 =	smulhi.u32 $0x10624DD3, s25  }
0x49c: {  	s15 =	sshrl.u32 s4, $0x1F;
	s25 =	spop (v2sf);
	s3 =	smul.u32 $0x10624DD3, s11  }
0x49d: {  	s29 =	spop (v2sf);
	s12 =	sshra.s32 s25, $0x1F;
	s25 =	smulhi.u32 $0x10624DD3, s25  }
0x49e: {  	v4 =	vmov s21;
	s8 =	sshrl.u32 s5, $0x1F;
	s21 =	sld [smem:$0x7E9];
	s11 =	smulhi.u32 $0x10624DD3, s29  }
0x49f: {  	s5 =	sshra.s32 s17, $0x1F;
	s28 =	smul.u32 $0x10624DD3, s12;
	s30 =	spop (v2sf)  }
0x4a0: {  	s7 =	sadd.s32 s3, s22;
	s22 =	sshra.s32 s4, $0x1F;
	s4 =	sshra.s32 s29, $0x1F  }
0x4a1: {  	v3 =	vmov s14;
	s3 =	smulhi.u32 $0x10624DD3, s13;
	s29 =	sshrl.u32 s17, $0x1F;
	s17 =	sshra.s32 s18, $0x1F  }
0x4a2: {  	v3 =	vsel vm0, s21, v3;
	s12 =	sshra.s32 s13, $0x1F;
	s13 =	sshra.s32 s6, $0x6;
	s21 =	smulhi.u32 $0x10624DD3, s30;
	v5 =	vmov s17  }
0x4a3: {  	v4 =	vsel vm0, s8, v4;
	s8 =	spop (v2sf);
	s17 =	simm.s32 $0x40;
	v5 =	vsel vm3, s13, v5;
	s13 =	sshra.s32 s6, $0x1F  }
.LBB2_20:
0x4a4: {  	s14 =	sshrl.u32 s7, $0x1F;
	s12 =	smul.u32 $0x10624DD3, s12  }
0x4a5: {  	s30 =	sshra.s32 s30, $0x1F;
	v5 =	vsel vm9, s13, v5;
	s6 =	sshrl.u32 s6, $0x1F;
	s4 =	smul.u32 $0x10624DD3, s4  }
0x4a6: {  	s13 =	sshra.s32 s8, $0x1F;
	s1 =	sadd.s32 s1, s9;
	v5 =	vsel vm0, s31, v5;
	s0 =	sadd.s32 s0, s26  }
0x4a7: {  	v6 =	vmov s6;
	s6 =	sadd.s32 s19, s10;
	s10 =	smul.u32 $0x10624DD3, s13;
	s3 =	sadd.s32 s12, s3;
	v5 =	vsel vm10, s5, v5  }
0x4a8: {  	s26 =	sshrl.u32 s1, $0x1F;
	v6 =	vnsel vm3, $0x0, v6;
	s19 =	sshrl.u32 s0, $0x1F;
	s0 =	sshra.s32 s0, $0x6;
	v5 =	vsel vm1, s24, v5  }
0x4a9: {  	s9 =	sshrl.u32 s6, $0x1F;
	s4 =	sadd.s32 s4, s11;
	s1 =	sshra.s32 s1, $0x6;
	v6 =	vsel vm0, s29, v6;
	v4 =	vsel vm1, s19, v4;
	v3 =	vsel vm1, s0, v3  }
0x4aa: {  	s13 =	sshrl.u32 s3, $0x1F;
	s3 =	sshra.s32 s3, $0x6;
	v5 =	vsel vm11, s23, v5;
	v6 =	vsel vm1, s20, v6;
	s23 =	smulhi.u32 $0x10624DD3, s8;
	v4 =	vsel vm2, s26, v4  }
0x4ab: {  	s24 =	sshra.s32 s6, $0x6;
	s11 =	sshrl.u32 s4, $0x1F;
	s26 =	smul.u32 $0x10624DD3, s30;
	v7 =	vmov s13;
	v8 =	vmov s3;
	v5 =	vsel vm2, s2, v5  }
0x4ac: {  	s6 =	sshra.s32 s6, $0x1F;
	s19 =	sshra.s32 s4, $0x6;
	s20 =	sadd.s32 s28, s25;
	v3 =	vsel vm2, s1, v3;
	v6 =	vsel vm2, s15, v6;
	v5 =	vsel vm12, s22, v5  }
0x4ad: {  	s15 =	sshra.s32 s7, $0x6;
	v7 =	vsel vm0, s14, v7;
	v6 =	vsel vm4, s9, v6;
	s5 =	sadd.s32 s26, s21;
	s21 =	sadd.s32 s10, s23;
	v5 =	vsel vm4, s24, v5  }
0x4ae: {  	s22 =	sshrl.u32 s20, $0x1F;
	v8 =	vsel vm0, s15, v8;
	s26 =	sshra.s32 s20, $0x6;
	v6 =	vsel vm5, s11, v6;
	s23 =	sshra.s32 s5, $0x6;
	v5 =	vsel vm13, s6, v5  }
0x4af: {  	s24 =	sshra.s32 s4, $0x1F;
	v7 =	vsel vm1, s22, v7;
	s25 =	sshrl.u32 s21, $0x1F;
	s5 =	sshrl.u32 s5, $0x1F;
	v8 =	vsel vm1, s26, v8;
	v5 =	vsel vm5, s19, v5  }
0x4b0: {  	s4 =	sshra.s32 s21, $0x6;
	v6 =	vsel vm6, s25, v6;
	v7 =	vsel vm2, s5, v7;
	v5 =	vsel vm14, s24, v5  }
0x4b1: {  	s7 =	sshrl.u32 s18, $0x1F;
	s8 =	sshra.s32 s21, $0x1F;
	v8 =	vsel vm2, s23, v8;
	v4 =	vcombine.low v7, v4;
	v5 =	vsel vm6, s4, v5  }
0x4b2: {  	s9 =	sshra.s32 s18, $0x6;
	v3 =	vcombine.low v8, v3;
	v6 =	vsel vm7, s7, v6;
	v5 =	vsel vm15, s8, v5  }
0x4b3: {  	v6 =	vperm.xlane v6, v1;
	v4 =	vperm.xlane v4, v0;
	v5 =	vsel vm7, s9, v5  }
0x4b4: {  	v3 =	vperm.xlane v3, v0;
	v5 =	vperm.xlane v5, v1;
	_ =	sdelay $0x1  }
0x4b5: {  	v4 =	vsel vm8, v6, v4;
	v3 =	vsel vm8, v5, v3  }
0x4b6: {  	v3 =	vadd.s32 v4, v3  }
0x4b7: {  	v3 =	vmul.u32 $0x3E8, v3;
	_ =	sdelay $0x1  }
0x4b8: {  	s10 =	smov.u32 s17;
	v2 =	vsub.s32 v2, v3  }
0x4b9: {  	s11 =	sshra.s32 s10, $0x2;
	[tilespmem:s16+$0x480] =	vst v2  }
0x4ba: {  	v2 =	vld [tilespmem:s11+$0x480];
	_ =	sdelay $0x4  }
0x4bb: {  	(v2sf) =	vpush v2, $0x0  }
0x4bc: {  	(v2sf) =	vpush v2, $0x1  }
0x4bd: {  	(v2sf) =	vpush v2, $0x2;
	_ =	sdelay $0x1  }
0x4be: {  	(v2sf) =	vpush v2, $0x7;
	_ =	sdelay $0x2  }
0x4bf: {  	(v2sf) =	vpush v2, $0x3  }
0x4c0: {  	(v2sf) =	vpush v2, $0x4;
	_ =	sdelay $0x1  }
0x4c1: {  	(v2sf) =	vpush v2, $0xC;
	_ =	sdelay $0x1  }
0x4c2: {  	(v2sf) =	vpush v2, $0xD;
	_ =	sdelay $0x2  }
0x4c3: {  	(v2sf) =	vpush v2, $0xE;
	s12 =	spop (v2sf)  }
0x4c4: {  	s7 =	smulhi.u32 $0x10624DD3, s12;
	s13 =	spop (v2sf)  }
0x4c5: {  	(v2sf) =	vpush v2, $0x8;
	s14 =	smulhi.u32 $0x10624DD3, s13;
	s15 =	spop (v2sf)  }
0x4c6: {  	(v2sf) =	vpush v2, $0xF;
	s0 =	sshra.s32 s13, $0x1F;
	s16 =	smulhi.u32 $0x10624DD3, s15  }
0x4c7: {  	p0 =	sne.s32 s17, $0x1C0;
	s19 =	spop (v2sf);
	s0 =	smul.u32 $0x10624DD3, s0  }
0x4c8: {  	s17 =	sadd.s32 $0x40, s17;
	(v2sf) =	vpush v2, $0x9;
	s2 =	sshra.s32 s15, $0x1F;
	s21 =	smulhi.u32 $0x10624DD3, s19  }
0x4c9: {  	[dreg:$0xc] =	wrdreg s11;
	s4 =	sshra.s32 s19, $0x1F;
	s24 =	smul.u32 $0x10624DD3, s2  }
0x4ca: {  	s18 =	sshra.s32 s12, $0x1F;
	s20 =	spop (v2sf);
	s28 =	smul.u32 $0x10624DD3, s4  }
0x4cb: {  	s22 =	sshra.s32 s20, $0x1F;
	s10 =	spop (v2sf);
	s3 =	smulhi.u32 $0x10624DD3, s20  }
0x4cc: {  	(v2sf) =	vpush v2, $0xA;
	s8 =	sadd.s32 s0, s14;
	s23 =	sshra.s32 s10, $0x1F;
	s6 =	smul.u32 $0x10624DD3, s22  }
0x4cd: {  	s25 =	spop (v2sf);
	s31 =	sshra.s32 s8, $0x6;
	s10 =	smulhi.u32 $0x10624DD3, s10  }
0x4ce: {  	s0 =	sadd.s32 s24, s16;
	s29 =	sshrl.u32 s8, $0x1F;
	s11 =	smul.u32 $0x10624DD3, s23  }
0x4cf: {  	(v2sf) =	vpush v2, $0x5;
	s12 =	spop (v2sf);
	s13 =	sshra.s32 s25, $0x1F;
	s15 =	smulhi.u32 $0x10624DD3, s25  }
0x4d0: {  	s24 =	sshra.s32 s0, $0x6;
	s20 =	sshrl.u32 s0, $0x1F;
	s5 =	smulhi.u32 $0x10624DD3, s12  }
0x4d1: {  	(v2sf) =	vpush v2, $0xB;
	s23 =	sshra.s32 s0, $0x1F;
	s2 =	sshra.s32 s12, $0x1F;
	s4 =	smul.u32 $0x10624DD3, s13  }
0x4d2: {  	s14 =	spop (v2sf);
	(v2sf) =	vpush v2, $0x6;
	s3 =	sadd.s32 s6, s3;
	s6 =	smul.u32 $0x10624DD3, s18  }
0x4d3: {  	s18 =	sadd.s32 s28, s21;
	[dreg:$0x1c] =	wrdreg s11;
	s26 =	smulhi.u32 $0x10624DD3, s14  }
0x4d4: {  	s13 =	sshra.s32 s14, $0x1F;
	s14 =	spop (v2sf);
	s2 =	smul.u32 $0x10624DD3, s2  }
0x4d5: {  	s21 =	sshra.s32 s18, $0x1F;
	s12 =	sshra.s32 s14, $0x1F;
	s16 =	spop (v2sf)  }
0x4d6: {  	s0 =	sadd.s32 s4, s15;
	s15 =	sshrl.u32 s3, $0x1F;
	s11 =	sshra.s32 s16, $0x1F  }
0x4d7: {  	s19 =	spop (v2sf);
	s9 =	smulhi.u32 $0x10624DD3, s16;
	s4 =	sshrl.u32 s0, $0x1F  }
0x4d8: {  	s5 =	sadd.s32 s2, s5;
	s0 =	sshra.s32 s0, $0x6;
	s16 =	smulhi.u32 $0x10624DD3, s19  }
0x4d9: {  	s22 =	sshra.s32 s19, $0x1F;
	s2 =	sshra.s32 s5, $0x6;
	v3 =	vmov s0;
	s1 =	smul.u32 $0x10624DD3, s11  }
0x4da: {  	s6 =	sadd.s32 s6, s7;
	s19 =	smul.u32 $0x10624DD3, s22;
	v3 =	vsel vm0, s2, v3;
	s2 =	sshra.s32 s3, $0x6  }
0x4db: {  	s22 =	sshra.s32 s3, $0x1F;
	s3 =	smulhi.u32 $0x10624DD3, s14;
	s25 =	spop (v2sf)  }
0x4dc: {  	v4 =	vmov s4;
	s5 =	sshrl.u32 s5, $0x1F;
	s4 =	sshra.s32 s25, $0x1F;
	s25 =	smulhi.u32 $0x10624DD3, s25  }
.Ltmp9:
0x4dd: {  	s7 =	sadd.s32 s19, s16;
	s19 =	rddreg [dreg:$0x1c];
	(pc) =	sbr.rel @p0 .LBB2_20-.Ltmp9, $4  }
0x4de: {  	v4 =	vsel vm0, s5, v4;
	s5 =	sshra.s32 s8, $0x1F;
	s28 =	smul.u32 $0x10624DD3, s4;
	s0 =	spop (v2sf)  }
0x4df: {  	s14 =	sshra.s32 s6, $0x6;
	s16 =	rddreg [dreg:$0xc];
	s11 =	smulhi.u32 $0x10624DD3, s0  }
0x4e0: {  	v5 =	vmov s21;
	s4 =	sshra.s32 s0, $0x1F;
	s0 =	smul.u32 $0x10624DD3, s13;
	s30 =	spop (v2sf)  }
0x4e1: {  	v5 =	vsel vm3, s14, v5;
	s13 =	sshra.s32 s6, $0x1F;
	s21 =	smulhi.u32 $0x10624DD3, s30;
	s8 =	spop (v2sf)  }
0x4e2: {  	s1 =	sadd.s32 s1, s9  }
0x4e3: {  	v5 =	vsel vm9, s13, v5;
	s0 =	sadd.s32 s0, s26;
	s17 =	smul.u32 $0x10624DD3, s12;
	s6 =	sshrl.u32 s6, $0x1F  }
0x4e4: {  	s12 =	sshrl.u32 s7, $0x1F;
	s13 =	sshra.s32 s30, $0x1F;
	s4 =	smul.u32 $0x10624DD3, s4;
	v5 =	vsel vm0, s31, v5  }
0x4e5: {  	s26 =	sadd.s32 s19, s10;
	s14 =	sshra.s32 s8, $0x1F;
	s19 =	smulhi.u32 $0x10624DD3, s8;
	v6 =	vmov s6;
	v5 =	vsel vm10, s5, v5  }
0x4e6: {  	v6 =	vnsel vm3, $0x0, v6;
	s5 =	smul.u32 $0x10624DD3, s14;
	s14 =	sshrl.u32 s0, $0x1F;
	s0 =	sshra.s32 s0, $0x6;
	v5 =	vsel vm1, s24, v5  }
0x4e7: {  	s7 =	sshra.s32 s7, $0x6;
	s3 =	sadd.s32 s17, s3;
	s17 =	sshrl.u32 s1, $0x1F;
	v6 =	vsel vm0, s29, v6;
	v4 =	vsel vm1, s14, v4;
	v3 =	vsel vm1, s0, v3  }
0x4e8: {  	s10 =	sshrl.u32 s26, $0x1F;
	s6 =	sshra.s32 s26, $0x1F;
	s1 =	sshra.s32 s1, $0x6;
	v5 =	vsel vm11, s23, v5;
	v6 =	vsel vm1, s20, v6;
	v4 =	vsel vm2, s17, v4  }
0x4e9: {  	s20 =	sshra.s32 s26, $0x6;
	s26 =	sshrl.u32 s3, $0x1F;
	s3 =	sshra.s32 s3, $0x6;
	v3 =	vsel vm2, s1, v3;
	v5 =	vsel vm2, s2, v5;
	v6 =	vsel vm2, s15, v6  }
0x4ea: {  	s4 =	sadd.s32 s4, s11;
	s23 =	smul.u32 $0x10624DD3, s13;
	s13 =	sadd.s32 s28, s25;
	v7 =	vmov s26;
	v8 =	vmov s3;
	v5 =	vsel vm12, s22, v5  }
0x4eb: {  	s24 =	sshrl.u32 s4, $0x1F;
	s15 =	sadd.s32 s5, s19;
	s17 =	sshrl.u32 s13, $0x1F;
	v6 =	vsel vm4, s10, v6;
	v7 =	vsel vm0, s12, v7;
	v5 =	vsel vm4, s20, v5  }
0x4ec: {  	s10 =	sshra.s32 s4, $0x6;
	s14 =	sadd.s32 s23, s21;
	v8 =	vsel vm0, s7, v8;
	v6 =	vsel vm5, s24, v6;
	s20 =	sshra.s32 s13, $0x6;
	v5 =	vsel vm13, s6, v5  }
0x4ed: {  	s19 =	sshra.s32 s4, $0x1F;
	s25 =	sshrl.u32 s15, $0x1F;
	v7 =	vsel vm1, s17, v7;
	s22 =	sshrl.u32 s14, $0x1F;
	v8 =	vsel vm1, s20, v8;
	v5 =	vsel vm5, s10, v5  }
0x4ee: {  	s21 =	sshra.s32 s15, $0x6;
	s23 =	sshra.s32 s14, $0x6;
	v7 =	vsel vm2, s22, v7;
	v6 =	vsel vm6, s25, v6;
	v5 =	vsel vm14, s19, v5  }
0x4ef: {  	s2 =	sshrl.u32 s18, $0x1F;
	s24 =	sshra.s32 s15, $0x1F;
	v8 =	vsel vm2, s23, v8;
	v4 =	vcombine.low v7, v4;
	v5 =	vsel vm6, s21, v5  }
0x4f0: {  	s26 =	sshra.s32 s18, $0x6;
	v6 =	vsel vm7, s2, v6;
	v3 =	vcombine.low v8, v3;
	v5 =	vsel vm15, s24, v5  }
0x4f1: {  	v6 =	vperm.xlane v6, v1;
	v4 =	vperm.xlane v4, v0;
	v5 =	vsel vm7, s26, v5  }
0x4f2: {  	v3 =	vperm.xlane v3, v0;
	v5 =	vperm.xlane v5, v1;
	_ =	sdelay $0x1  }
0x4f3: {  	v4 =	vsel vm8, v6, v4;
	v3 =	vsel vm8, v5, v3  }
0x4f4: {  	v3 =	vadd.s32 v4, v3  }
0x4f5: {  	v3 =	vmul.u32 $0x3E8, v3;
	_ =	sdelay $0x1  }
0x4f6: {  	v2 =	vsub.s32 v2, v3  }
0x4f7: {  	[tilespmem:s16+$0x480] =	vst v2;
	s16 =	simm.s32 $0x0  }
0x4f8: {  	v2 =	vld [tilespmem:s16+$0x500];
	_ =	sdelay $0x4  }
0x4f9: {  	(v2sf) =	vpush v2, $0x0  }
0x4fa: {  	(v2sf) =	vpush v2, $0x1;
	_ =	sdelay $0x1  }
0x4fb: {  	(v2sf) =	vpush v2, $0x2;
	_ =	sdelay $0x1  }
0x4fc: {  	(v2sf) =	vpush v2, $0x7;
	_ =	sdelay $0x2  }
0x4fd: {  	(v2sf) =	vpush v2, $0x3  }
0x4fe: {  	(v2sf) =	vpush v2, $0x4  }
0x4ff: {  	(v2sf) =	vpush v2, $0xC  }
0x500: {  	(v2sf) =	vpush v2, $0xD;
	_ =	sdelay $0x3  }
0x501: {  	(v2sf) =	vpush v2, $0xE;
	s3 =	spop (v2sf)  }
0x502: {  	s2 =	smulhi.u32 $0x10624DD3, s3;
	s4 =	spop (v2sf)  }
0x503: {  	(v2sf) =	vpush v2, $0x8;
	s0 =	sshra.s32 s3, $0x1F;
	s5 =	smulhi.u32 $0x10624DD3, s4  }
0x504: {  	(v2sf) =	vpush v2, $0xF;
	s10 =	spop (v2sf);
	s0 =	smul.u32 $0x10624DD3, s0  }
0x505: {  	s1 =	sshra.s32 s4, $0x1F;
	s11 =	smulhi.u32 $0x10624DD3, s10  }
0x506: {  	s20 =	spop (v2sf);
	s1 =	smul.u32 $0x10624DD3, s1  }
0x507: {  	s4 =	sshra.s32 s10, $0x1F;
	s7 =	smulhi.u32 $0x10624DD3, s20  }
0x508: {  	(v2sf) =	vpush v2, $0x9;
	s6 =	sshra.s32 s20, $0x1F;
	s4 =	smul.u32 $0x10624DD3, s4  }
0x509: {  	s21 =	spop (v2sf);
	s6 =	smul.u32 $0x10624DD3, s6  }
0x50a: {  	(v2sf) =	vpush v2, $0xA;
	s10 =	spop (v2sf);
	s12 =	smulhi.u32 $0x10624DD3, s21;
	s8 =	sshra.s32 s21, $0x1F  }
0x50b: {  	(v2sf) =	vpush v2, $0x5;
	s22 =	sshra.s32 s10, $0x1F;
	s23 =	spop (v2sf);
	s10 =	smulhi.u32 $0x10624DD3, s10  }
0x50c: {  	s4 =	sadd.s32 s4, s11;
	s19 =	smul.u32 $0x10624DD3, s22;
	s25 =	spop (v2sf)  }
0x50d: {  	(v2sf) =	vpush v2, $0xB;
	s26 =	sshra.s32 s23, $0x1F;
	s24 =	sshra.s32 s4, $0x6;
	s11 =	smulhi.u32 $0x10624DD3, s23  }
0x50e: {  	s20 =	sshrl.u32 s4, $0x1F;
	s23 =	sshra.s32 s4, $0x1F;
	s4 =	smul.u32 $0x10624DD3, s8  }
0x50f: {  	s14 =	smulhi.u32 $0x10624DD3, s25  }
0x510: {  	s17 =	sadd.s32 s1, s5;
	s15 =	spop (v2sf);
	s18 =	smul.u32 $0x10624DD3, s26  }
0x511: {  	(v2sf) =	vpush v2, $0x6;
	s31 =	sshra.s32 s17, $0x6;
	s21 =	sshra.s32 s25, $0x1F;
	s26 =	smulhi.u32 $0x10624DD3, s15  }
0x512: {  	s13 =	spop (v2sf);
	s30 =	sshra.s32 s15, $0x1F;
	s5 =	smul.u32 $0x10624DD3, s21  }
0x513: {  	s4 =	sadd.s32 s4, s12;
	s22 =	spop (v2sf);
	s8 =	sadd.s32 s18, s11  }
0x514: {  	s18 =	sadd.s32 s6, s7;
	s6 =	sadd.s32 s0, s2;
	s0 =	smul.u32 $0x10624DD3, s30  }
0x515: {  	s2 =	sshra.s32 s4, $0x6;
	s15 =	sshra.s32 s22, $0x1F;
	s9 =	smulhi.u32 $0x10624DD3, s22  }
0x516: {  	s21 =	sshrl.u32 s8, $0x1F;
	s5 =	sadd.s32 s5, s14;
	s14 =	sshra.s32 s8, $0x6  }
0x517: {  	s8 =	sshra.s32 s5, $0x6;
	s1 =	smul.u32 $0x10624DD3, s15;
	s25 =	spop (v2sf)  }
0x518: {  	[smem:$0x7E8] =	sst s8;
	s11 =	sshra.s32 s25, $0x1F;
	s22 =	smulhi.u32 $0x10624DD3, s25  }
0x519: {  	s15 =	sshrl.u32 s4, $0x1F;
	s25 =	spop (v2sf);
	s3 =	smul.u32 $0x10624DD3, s11  }
0x51a: {  	s29 =	spop (v2sf);
	s12 =	sshra.s32 s25, $0x1F;
	s25 =	smulhi.u32 $0x10624DD3, s25  }
0x51b: {  	v4 =	vmov s21;
	s8 =	sshrl.u32 s5, $0x1F;
	s21 =	sld [smem:$0x7E8];
	s11 =	smulhi.u32 $0x10624DD3, s29  }
0x51c: {  	s5 =	sshra.s32 s17, $0x1F;
	s28 =	smul.u32 $0x10624DD3, s12;
	s30 =	spop (v2sf)  }
0x51d: {  	s7 =	sadd.s32 s3, s22;
	s22 =	sshra.s32 s4, $0x1F;
	s4 =	sshra.s32 s29, $0x1F  }
0x51e: {  	v3 =	vmov s14;
	s3 =	smulhi.u32 $0x10624DD3, s13;
	s29 =	sshrl.u32 s17, $0x1F;
	s17 =	sshra.s32 s18, $0x1F  }
0x51f: {  	v3 =	vsel vm0, s21, v3;
	s12 =	sshra.s32 s13, $0x1F;
	s13 =	sshra.s32 s6, $0x6;
	s21 =	smulhi.u32 $0x10624DD3, s30;
	v5 =	vmov s17  }
0x520: {  	v4 =	vsel vm0, s8, v4;
	s8 =	spop (v2sf);
	s17 =	simm.s32 $0x40;
	v5 =	vsel vm3, s13, v5;
	s13 =	sshra.s32 s6, $0x1F  }
.LBB2_22:
0x521: {  	s14 =	sshrl.u32 s7, $0x1F;
	s12 =	smul.u32 $0x10624DD3, s12  }
0x522: {  	s30 =	sshra.s32 s30, $0x1F;
	v5 =	vsel vm9, s13, v5;
	s6 =	sshrl.u32 s6, $0x1F;
	s4 =	smul.u32 $0x10624DD3, s4  }
0x523: {  	s13 =	sshra.s32 s8, $0x1F;
	s1 =	sadd.s32 s1, s9;
	v5 =	vsel vm0, s31, v5;
	s0 =	sadd.s32 s0, s26  }
0x524: {  	v6 =	vmov s6;
	s6 =	sadd.s32 s19, s10;
	s10 =	smul.u32 $0x10624DD3, s13;
	s13 =	sshra.s32 s7, $0x6;
	v5 =	vsel vm10, s5, v5  }
0x525: {  	s3 =	sadd.s32 s12, s3;
	v6 =	vnsel vm3, $0x0, v6;
	s19 =	sshrl.u32 s0, $0x1F;
	s0 =	sshra.s32 s0, $0x6;
	v5 =	vsel vm1, s24, v5  }
0x526: {  	s26 =	sshrl.u32 s1, $0x1F;
	s9 =	sshrl.u32 s6, $0x1F;
	s4 =	sadd.s32 s4, s11;
	v6 =	vsel vm0, s29, v6;
	v4 =	vsel vm1, s19, v4;
	v3 =	vsel vm1, s0, v3  }
0x527: {  	s1 =	sshra.s32 s1, $0x6;
	s24 =	smul.u32 $0x10624DD3, s30;
	s11 =	sshrl.u32 s4, $0x1F;
	v5 =	vsel vm11, s23, v5;
	v6 =	vsel vm1, s20, v6;
	v4 =	vsel vm2, s26, v4  }
0x528: {  	s19 =	sadd.s32 s28, s25;
	s26 =	sshrl.u32 s3, $0x1F;
	s3 =	sshra.s32 s3, $0x6;
	v3 =	vsel vm2, s1, v3;
	v5 =	vsel vm2, s2, v5;
	v6 =	vsel vm2, s15, v6  }
0x529: {  	s20 =	smulhi.u32 $0x10624DD3, s8;
	s23 =	sshra.s32 s6, $0x6;
	s6 =	sshra.s32 s6, $0x1F;
	v7 =	vmov s26;
	v8 =	vmov s3;
	v5 =	vsel vm12, s22, v5  }
0x52a: {  	s15 =	sshra.s32 s4, $0x6;
	s5 =	sadd.s32 s24, s21;
	s21 =	sshra.s32 s19, $0x6;
	v6 =	vsel vm4, s9, v6;
	v7 =	vsel vm0, s14, v7;
	v5 =	vsel vm4, s23, v5  }
0x52b: {  	s24 =	sshrl.u32 s19, $0x1F;
	s20 =	sadd.s32 s10, s20;
	s22 =	sshra.s32 s5, $0x6;
	v8 =	vsel vm0, s13, v8;
	v6 =	vsel vm5, s11, v6;
	v5 =	vsel vm13, s6, v5  }
0x52c: {  	s5 =	sshrl.u32 s5, $0x1F;
	s23 =	sshra.s32 s4, $0x1F;
	s25 =	sshrl.u32 s20, $0x1F;
	v7 =	vsel vm1, s24, v7;
	v8 =	vsel vm1, s21, v8;
	v5 =	vsel vm5, s15, v5  }
0x52d: {  	s26 =	sshra.s32 s20, $0x6;
	v6 =	vsel vm6, s25, v6;
	v7 =	vsel vm2, s5, v7;
	v5 =	vsel vm14, s23, v5  }
0x52e: {  	s7 =	sshrl.u32 s18, $0x1F;
	s8 =	sshra.s32 s20, $0x1F;
	v8 =	vsel vm2, s22, v8;
	v4 =	vcombine.low v7, v4;
	v5 =	vsel vm6, s26, v5  }
0x52f: {  	s9 =	sshra.s32 s18, $0x6;
	v6 =	vsel vm7, s7, v6;
	v3 =	vcombine.low v8, v3;
	v5 =	vsel vm15, s8, v5  }
0x530: {  	v6 =	vperm.xlane v6, v1;
	v4 =	vperm.xlane v4, v0;
	v5 =	vsel vm7, s9, v5  }
0x531: {  	v3 =	vperm.xlane v3, v0;
	v5 =	vperm.xlane v5, v1;
	_ =	sdelay $0x1  }
0x532: {  	v4 =	vsel vm8, v6, v4;
	v3 =	vsel vm8, v5, v3  }
0x533: {  	v3 =	vadd.s32 v4, v3  }
0x534: {  	v3 =	vmul.u32 $0x3E8, v3;
	_ =	sdelay $0x1  }
0x535: {  	s10 =	smov.u32 s17;
	v2 =	vsub.s32 v2, v3  }
0x536: {  	s11 =	sshra.s32 s10, $0x2;
	[tilespmem:s16+$0x500] =	vst v2  }
0x537: {  	v2 =	vld [tilespmem:s11+$0x500];
	_ =	sdelay $0x4  }
0x538: {  	(v2sf) =	vpush v2, $0x0  }
0x539: {  	(v2sf) =	vpush v2, $0x1  }
0x53a: {  	(v2sf) =	vpush v2, $0x2;
	_ =	sdelay $0x1  }
0x53b: {  	(v2sf) =	vpush v2, $0x7;
	_ =	sdelay $0x2  }
0x53c: {  	(v2sf) =	vpush v2, $0x3  }
0x53d: {  	(v2sf) =	vpush v2, $0x4;
	_ =	sdelay $0x1  }
0x53e: {  	(v2sf) =	vpush v2, $0xC;
	_ =	sdelay $0x1  }
0x53f: {  	(v2sf) =	vpush v2, $0xD;
	_ =	sdelay $0x2  }
0x540: {  	(v2sf) =	vpush v2, $0xE;
	s12 =	spop (v2sf)  }
0x541: {  	s7 =	smulhi.u32 $0x10624DD3, s12;
	s13 =	spop (v2sf)  }
0x542: {  	(v2sf) =	vpush v2, $0x8;
	s14 =	smulhi.u32 $0x10624DD3, s13;
	s15 =	spop (v2sf)  }
0x543: {  	(v2sf) =	vpush v2, $0xF;
	s0 =	sshra.s32 s13, $0x1F;
	s16 =	smulhi.u32 $0x10624DD3, s15  }
0x544: {  	p0 =	sne.s32 s17, $0x1C0;
	s19 =	spop (v2sf);
	s0 =	smul.u32 $0x10624DD3, s0  }
0x545: {  	s17 =	sadd.s32 $0x40, s17;
	(v2sf) =	vpush v2, $0x9;
	s2 =	sshra.s32 s15, $0x1F;
	s21 =	smulhi.u32 $0x10624DD3, s19  }
0x546: {  	[dreg:$0xd] =	wrdreg s11;
	s4 =	sshra.s32 s19, $0x1F;
	s24 =	smul.u32 $0x10624DD3, s2  }
0x547: {  	s18 =	sshra.s32 s12, $0x1F;
	s20 =	spop (v2sf);
	s28 =	smul.u32 $0x10624DD3, s4  }
0x548: {  	s22 =	sshra.s32 s20, $0x1F;
	s10 =	spop (v2sf);
	s3 =	smulhi.u32 $0x10624DD3, s20  }
0x549: {  	(v2sf) =	vpush v2, $0xA;
	s8 =	sadd.s32 s0, s14;
	s23 =	sshra.s32 s10, $0x1F;
	s6 =	smul.u32 $0x10624DD3, s22  }
0x54a: {  	s25 =	spop (v2sf);
	s31 =	sshra.s32 s8, $0x6;
	s10 =	smulhi.u32 $0x10624DD3, s10  }
0x54b: {  	s0 =	sadd.s32 s24, s16;
	s29 =	sshrl.u32 s8, $0x1F;
	s11 =	smul.u32 $0x10624DD3, s23  }
0x54c: {  	(v2sf) =	vpush v2, $0x5;
	s12 =	spop (v2sf);
	s13 =	sshra.s32 s25, $0x1F;
	s15 =	smulhi.u32 $0x10624DD3, s25  }
0x54d: {  	s24 =	sshra.s32 s0, $0x6;
	s20 =	sshrl.u32 s0, $0x1F;
	s5 =	smulhi.u32 $0x10624DD3, s12  }
0x54e: {  	(v2sf) =	vpush v2, $0xB;
	s23 =	sshra.s32 s0, $0x1F;
	s2 =	sshra.s32 s12, $0x1F;
	s4 =	smul.u32 $0x10624DD3, s13  }
0x54f: {  	s14 =	spop (v2sf);
	(v2sf) =	vpush v2, $0x6;
	s3 =	sadd.s32 s6, s3;
	s6 =	smul.u32 $0x10624DD3, s18  }
0x550: {  	s18 =	sadd.s32 s28, s21;
	[dreg:$0x1d] =	wrdreg s11;
	s26 =	smulhi.u32 $0x10624DD3, s14  }
0x551: {  	s13 =	sshra.s32 s14, $0x1F;
	s14 =	spop (v2sf);
	s2 =	smul.u32 $0x10624DD3, s2  }
0x552: {  	s21 =	sshra.s32 s18, $0x1F;
	s12 =	sshra.s32 s14, $0x1F;
	s16 =	spop (v2sf)  }
0x553: {  	s0 =	sadd.s32 s4, s15;
	s15 =	sshrl.u32 s3, $0x1F;
	s11 =	sshra.s32 s16, $0x1F  }
0x554: {  	s19 =	spop (v2sf);
	s9 =	smulhi.u32 $0x10624DD3, s16;
	s4 =	sshrl.u32 s0, $0x1F  }
0x555: {  	s5 =	sadd.s32 s2, s5;
	s0 =	sshra.s32 s0, $0x6;
	s16 =	smulhi.u32 $0x10624DD3, s19  }
0x556: {  	s22 =	sshra.s32 s19, $0x1F;
	s2 =	sshra.s32 s5, $0x6;
	v3 =	vmov s0;
	s1 =	smul.u32 $0x10624DD3, s11  }
0x557: {  	s6 =	sadd.s32 s6, s7;
	s19 =	smul.u32 $0x10624DD3, s22;
	v3 =	vsel vm0, s2, v3;
	s2 =	sshra.s32 s3, $0x6  }
0x558: {  	s22 =	sshra.s32 s3, $0x1F;
	s3 =	smulhi.u32 $0x10624DD3, s14;
	s25 =	spop (v2sf)  }
0x559: {  	v4 =	vmov s4;
	s5 =	sshrl.u32 s5, $0x1F;
	s4 =	sshra.s32 s25, $0x1F;
	s25 =	smulhi.u32 $0x10624DD3, s25  }
.Ltmp10:
0x55a: {  	s7 =	sadd.s32 s19, s16;
	s19 =	rddreg [dreg:$0x1d];
	(pc) =	sbr.rel @p0 .LBB2_22-.Ltmp10, $4  }
0x55b: {  	v4 =	vsel vm0, s5, v4;
	s5 =	sshra.s32 s8, $0x1F;
	s28 =	smul.u32 $0x10624DD3, s4;
	s0 =	spop (v2sf)  }
0x55c: {  	s14 =	sshra.s32 s6, $0x6;
	s16 =	rddreg [dreg:$0xd];
	s11 =	smulhi.u32 $0x10624DD3, s0  }
0x55d: {  	v5 =	vmov s21;
	s4 =	sshra.s32 s0, $0x1F;
	s0 =	smul.u32 $0x10624DD3, s13;
	s30 =	spop (v2sf)  }
0x55e: {  	v5 =	vsel vm3, s14, v5;
	s13 =	sshra.s32 s6, $0x1F;
	s21 =	smulhi.u32 $0x10624DD3, s30;
	s8 =	spop (v2sf)  }
0x55f: {  	s1 =	sadd.s32 s1, s9  }
0x560: {  	v5 =	vsel vm9, s13, v5;
	s0 =	sadd.s32 s0, s26;
	s17 =	smul.u32 $0x10624DD3, s12;
	s6 =	sshrl.u32 s6, $0x1F  }
0x561: {  	s12 =	sshrl.u32 s7, $0x1F;
	s13 =	sshra.s32 s30, $0x1F;
	s4 =	smul.u32 $0x10624DD3, s4;
	v5 =	vsel vm0, s31, v5  }
0x562: {  	s26 =	sadd.s32 s19, s10;
	s14 =	sshra.s32 s8, $0x1F;
	s19 =	smulhi.u32 $0x10624DD3, s8;
	v6 =	vmov s6;
	v5 =	vsel vm10, s5, v5  }
0x563: {  	v6 =	vnsel vm3, $0x0, v6;
	s5 =	smul.u32 $0x10624DD3, s14;
	s14 =	sshrl.u32 s0, $0x1F;
	s0 =	sshra.s32 s0, $0x6;
	v5 =	vsel vm1, s24, v5  }
0x564: {  	s10 =	sshrl.u32 s26, $0x1F;
	s3 =	sadd.s32 s17, s3;
	s17 =	sshrl.u32 s1, $0x1F;
	v6 =	vsel vm0, s29, v6;
	v4 =	vsel vm1, s14, v4;
	v3 =	vsel vm1, s0, v3  }
0x565: {  	s6 =	sshra.s32 s26, $0x1F;
	s4 =	sadd.s32 s4, s11;
	s1 =	sshra.s32 s1, $0x6;
	v5 =	vsel vm11, s23, v5;
	v6 =	vsel vm1, s20, v6;
	v4 =	vsel vm2, s17, v4  }
0x566: {  	s20 =	sshra.s32 s26, $0x6;
	s26 =	sshrl.u32 s3, $0x1F;
	s3 =	sshra.s32 s3, $0x6;
	v3 =	vsel vm2, s1, v3;
	v5 =	vsel vm2, s2, v5;
	v6 =	vsel vm2, s15, v6  }
0x567: {  	s24 =	sshrl.u32 s4, $0x1F;
	s14 =	sshra.s32 s4, $0x6;
	s23 =	smul.u32 $0x10624DD3, s13;
	v7 =	vmov s26;
	v8 =	vmov s3;
	v5 =	vsel vm12, s22, v5  }
0x568: {  	s19 =	sadd.s32 s5, s19;
	s15 =	sadd.s32 s28, s25;
	v6 =	vsel vm4, s10, v6;
	s10 =	sshra.s32 s7, $0x6;
	v7 =	vsel vm0, s12, v7;
	v5 =	vsel vm4, s20, v5  }
0x569: {  	s5 =	sshrl.u32 s19, $0x1F;
	s17 =	sadd.s32 s23, s21;
	s21 =	sshrl.u32 s15, $0x1F;
	v6 =	vsel vm5, s24, v6;
	v8 =	vsel vm0, s10, v8;
	v5 =	vsel vm13, s6, v5  }
0x56a: {  	s22 =	sshra.s32 s15, $0x6;
	s20 =	sshra.s32 s4, $0x1F;
	v7 =	vsel vm1, s21, v7;
	s23 =	sshrl.u32 s17, $0x1F;
	v6 =	vsel vm6, s5, v6;
	v5 =	vsel vm5, s14, v5  }
0x56b: {  	s25 =	sshra.s32 s19, $0x6;
	s24 =	sshra.s32 s17, $0x6;
	v8 =	vsel vm1, s22, v8;
	v7 =	vsel vm2, s23, v7;
	v5 =	vsel vm14, s20, v5  }
0x56c: {  	s26 =	sshrl.u32 s18, $0x1F;
	s3 =	sshra.s32 s19, $0x1F;
	v8 =	vsel vm2, s24, v8;
	v4 =	vcombine.low v7, v4;
	v5 =	vsel vm6, s25, v5  }
0x56d: {  	s2 =	sshra.s32 s18, $0x6;
	v6 =	vsel vm7, s26, v6;
	v3 =	vcombine.low v8, v3;
	v5 =	vsel vm15, s3, v5  }
0x56e: {  	v6 =	vperm.xlane v6, v1;
	v4 =	vperm.xlane v4, v0;
	v5 =	vsel vm7, s2, v5  }
0x56f: {  	v3 =	vperm.xlane v3, v0;
	v5 =	vperm.xlane v5, v1;
	_ =	sdelay $0x1  }
0x570: {  	v4 =	vsel vm8, v6, v4;
	v3 =	vsel vm8, v5, v3  }
0x571: {  	v3 =	vadd.s32 v4, v3  }
0x572: {  	v3 =	vmul.u32 $0x3E8, v3;
	_ =	sdelay $0x1  }
0x573: {  	v2 =	vsub.s32 v2, v3  }
0x574: {  	[tilespmem:s16+$0x500] =	vst v2;
	s16 =	simm.s32 $0x0  }
0x575: {  	v2 =	vld [tilespmem:s16+$0x580];
	_ =	sdelay $0x4  }
0x576: {  	(v2sf) =	vpush v2, $0x0  }
0x577: {  	(v2sf) =	vpush v2, $0x1;
	_ =	sdelay $0x1  }
0x578: {  	(v2sf) =	vpush v2, $0x2;
	_ =	sdelay $0x1  }
0x579: {  	(v2sf) =	vpush v2, $0x7;
	_ =	sdelay $0x2  }
0x57a: {  	(v2sf) =	vpush v2, $0x3  }
0x57b: {  	(v2sf) =	vpush v2, $0x4  }
0x57c: {  	(v2sf) =	vpush v2, $0xC  }
0x57d: {  	(v2sf) =	vpush v2, $0xD;
	_ =	sdelay $0x3  }
0x57e: {  	(v2sf) =	vpush v2, $0xE;
	s3 =	spop (v2sf)  }
0x57f: {  	s2 =	smulhi.u32 $0x10624DD3, s3;
	s4 =	spop (v2sf)  }
0x580: {  	(v2sf) =	vpush v2, $0x8;
	s0 =	sshra.s32 s3, $0x1F;
	s5 =	smulhi.u32 $0x10624DD3, s4  }
0x581: {  	(v2sf) =	vpush v2, $0xF;
	s10 =	spop (v2sf);
	s0 =	smul.u32 $0x10624DD3, s0  }
0x582: {  	s1 =	sshra.s32 s4, $0x1F;
	s11 =	smulhi.u32 $0x10624DD3, s10  }
0x583: {  	s20 =	spop (v2sf);
	s1 =	smul.u32 $0x10624DD3, s1  }
0x584: {  	s4 =	sshra.s32 s10, $0x1F;
	s7 =	smulhi.u32 $0x10624DD3, s20  }
0x585: {  	(v2sf) =	vpush v2, $0x9;
	s6 =	sshra.s32 s20, $0x1F;
	s4 =	smul.u32 $0x10624DD3, s4  }
0x586: {  	s21 =	spop (v2sf);
	s6 =	smul.u32 $0x10624DD3, s6  }
0x587: {  	(v2sf) =	vpush v2, $0xA;
	s10 =	spop (v2sf);
	s12 =	smulhi.u32 $0x10624DD3, s21;
	s8 =	sshra.s32 s21, $0x1F  }
0x588: {  	(v2sf) =	vpush v2, $0x5;
	s22 =	sshra.s32 s10, $0x1F;
	s23 =	spop (v2sf);
	s10 =	smulhi.u32 $0x10624DD3, s10  }
0x589: {  	s4 =	sadd.s32 s4, s11;
	s19 =	smul.u32 $0x10624DD3, s22;
	s25 =	spop (v2sf)  }
0x58a: {  	(v2sf) =	vpush v2, $0xB;
	s26 =	sshra.s32 s23, $0x1F;
	s24 =	sshra.s32 s4, $0x6;
	s11 =	smulhi.u32 $0x10624DD3, s23  }
0x58b: {  	s20 =	sshrl.u32 s4, $0x1F;
	s23 =	sshra.s32 s4, $0x1F;
	s4 =	smul.u32 $0x10624DD3, s8  }
0x58c: {  	s14 =	smulhi.u32 $0x10624DD3, s25  }
0x58d: {  	s17 =	sadd.s32 s1, s5;
	s15 =	spop (v2sf);
	s18 =	smul.u32 $0x10624DD3, s26  }
0x58e: {  	(v2sf) =	vpush v2, $0x6;
	s31 =	sshra.s32 s17, $0x6;
	s21 =	sshra.s32 s25, $0x1F;
	s26 =	smulhi.u32 $0x10624DD3, s15  }
0x58f: {  	s13 =	spop (v2sf);
	s30 =	sshra.s32 s15, $0x1F;
	s5 =	smul.u32 $0x10624DD3, s21  }
0x590: {  	s4 =	sadd.s32 s4, s12;
	s22 =	spop (v2sf);
	s8 =	sadd.s32 s18, s11  }
0x591: {  	s18 =	sadd.s32 s6, s7;
	s6 =	sadd.s32 s0, s2;
	s0 =	smul.u32 $0x10624DD3, s30  }
0x592: {  	s2 =	sshra.s32 s4, $0x6;
	s15 =	sshra.s32 s22, $0x1F;
	s9 =	smulhi.u32 $0x10624DD3, s22  }
0x593: {  	s21 =	sshrl.u32 s8, $0x1F;
	s5 =	sadd.s32 s5, s14;
	s14 =	sshra.s32 s8, $0x6  }
0x594: {  	s8 =	sshra.s32 s5, $0x6;
	s1 =	smul.u32 $0x10624DD3, s15;
	s25 =	spop (v2sf)  }
0x595: {  	[smem:$0x7E7] =	sst s8;
	s11 =	sshra.s32 s25, $0x1F;
	s22 =	smulhi.u32 $0x10624DD3, s25  }
0x596: {  	s15 =	sshrl.u32 s4, $0x1F;
	s25 =	spop (v2sf);
	s3 =	smul.u32 $0x10624DD3, s11  }
0x597: {  	s29 =	spop (v2sf);
	s12 =	sshra.s32 s25, $0x1F;
	s25 =	smulhi.u32 $0x10624DD3, s25  }
0x598: {  	v4 =	vmov s21;
	s8 =	sshrl.u32 s5, $0x1F;
	s21 =	sld [smem:$0x7E7];
	s11 =	smulhi.u32 $0x10624DD3, s29  }
0x599: {  	s5 =	sshra.s32 s17, $0x1F;
	s28 =	smul.u32 $0x10624DD3, s12;
	s30 =	spop (v2sf)  }
0x59a: {  	s7 =	sadd.s32 s3, s22;
	s22 =	sshra.s32 s4, $0x1F;
	s4 =	sshra.s32 s29, $0x1F  }
0x59b: {  	v3 =	vmov s14;
	s3 =	smulhi.u32 $0x10624DD3, s13;
	s29 =	sshrl.u32 s17, $0x1F;
	s17 =	sshra.s32 s18, $0x1F  }
0x59c: {  	v3 =	vsel vm0, s21, v3;
	s12 =	sshra.s32 s13, $0x1F;
	s13 =	sshra.s32 s6, $0x6;
	s21 =	smulhi.u32 $0x10624DD3, s30;
	v5 =	vmov s17  }
0x59d: {  	v4 =	vsel vm0, s8, v4;
	s8 =	spop (v2sf);
	s17 =	simm.s32 $0x40;
	v5 =	vsel vm3, s13, v5;
	s13 =	sshra.s32 s6, $0x1F  }
.LBB2_24:
0x59e: {  	s14 =	sshrl.u32 s7, $0x1F;
	s12 =	smul.u32 $0x10624DD3, s12  }
0x59f: {  	s30 =	sshra.s32 s30, $0x1F;
	v5 =	vsel vm9, s13, v5;
	s6 =	sshrl.u32 s6, $0x1F;
	s4 =	smul.u32 $0x10624DD3, s4  }
0x5a0: {  	s13 =	sshra.s32 s8, $0x1F;
	s1 =	sadd.s32 s1, s9;
	v5 =	vsel vm0, s31, v5;
	s0 =	sadd.s32 s0, s26  }
0x5a1: {  	v6 =	vmov s6;
	s6 =	sadd.s32 s19, s10;
	s10 =	smul.u32 $0x10624DD3, s13;
	s3 =	sadd.s32 s12, s3;
	v5 =	vsel vm10, s5, v5  }
0x5a2: {  	s26 =	sshrl.u32 s1, $0x1F;
	v6 =	vnsel vm3, $0x0, v6;
	s19 =	sshrl.u32 s0, $0x1F;
	s0 =	sshra.s32 s0, $0x6;
	v5 =	vsel vm1, s24, v5  }
0x5a3: {  	s9 =	sshrl.u32 s6, $0x1F;
	s4 =	sadd.s32 s4, s11;
	s1 =	sshra.s32 s1, $0x6;
	v6 =	vsel vm0, s29, v6;
	v4 =	vsel vm1, s19, v4;
	v3 =	vsel vm1, s0, v3  }
0x5a4: {  	s13 =	sshrl.u32 s3, $0x1F;
	s3 =	sshra.s32 s3, $0x6;
	v5 =	vsel vm11, s23, v5;
	v6 =	vsel vm1, s20, v6;
	s23 =	smulhi.u32 $0x10624DD3, s8;
	v4 =	vsel vm2, s26, v4  }
0x5a5: {  	s24 =	sshra.s32 s6, $0x6;
	s11 =	sshrl.u32 s4, $0x1F;
	s26 =	smul.u32 $0x10624DD3, s30;
	v7 =	vmov s13;
	v8 =	vmov s3;
	v5 =	vsel vm2, s2, v5  }
0x5a6: {  	s6 =	sshra.s32 s6, $0x1F;
	s19 =	sshra.s32 s4, $0x6;
	s20 =	sadd.s32 s28, s25;
	v3 =	vsel vm2, s1, v3;
	v6 =	vsel vm2, s15, v6;
	v5 =	vsel vm12, s22, v5  }
0x5a7: {  	s15 =	sshra.s32 s7, $0x6;
	v7 =	vsel vm0, s14, v7;
	v6 =	vsel vm4, s9, v6;
	s5 =	sadd.s32 s26, s21;
	s21 =	sadd.s32 s10, s23;
	v5 =	vsel vm4, s24, v5  }
0x5a8: {  	s22 =	sshrl.u32 s20, $0x1F;
	v8 =	vsel vm0, s15, v8;
	s26 =	sshra.s32 s20, $0x6;
	v6 =	vsel vm5, s11, v6;
	s23 =	sshra.s32 s5, $0x6;
	v5 =	vsel vm13, s6, v5  }
0x5a9: {  	s24 =	sshra.s32 s4, $0x1F;
	v7 =	vsel vm1, s22, v7;
	s25 =	sshrl.u32 s21, $0x1F;
	s5 =	sshrl.u32 s5, $0x1F;
	v8 =	vsel vm1, s26, v8;
	v5 =	vsel vm5, s19, v5  }
0x5aa: {  	s4 =	sshra.s32 s21, $0x6;
	v6 =	vsel vm6, s25, v6;
	v7 =	vsel vm2, s5, v7;
	v5 =	vsel vm14, s24, v5  }
0x5ab: {  	s7 =	sshrl.u32 s18, $0x1F;
	s8 =	sshra.s32 s21, $0x1F;
	v8 =	vsel vm2, s23, v8;
	v4 =	vcombine.low v7, v4;
	v5 =	vsel vm6, s4, v5  }
0x5ac: {  	s9 =	sshra.s32 s18, $0x6;
	v3 =	vcombine.low v8, v3;
	v6 =	vsel vm7, s7, v6;
	v5 =	vsel vm15, s8, v5  }
0x5ad: {  	v6 =	vperm.xlane v6, v1;
	v4 =	vperm.xlane v4, v0;
	v5 =	vsel vm7, s9, v5  }
0x5ae: {  	v3 =	vperm.xlane v3, v0;
	v5 =	vperm.xlane v5, v1;
	_ =	sdelay $0x1  }
0x5af: {  	v4 =	vsel vm8, v6, v4;
	v3 =	vsel vm8, v5, v3  }
0x5b0: {  	v3 =	vadd.s32 v4, v3  }
0x5b1: {  	v3 =	vmul.u32 $0x3E8, v3;
	_ =	sdelay $0x1  }
0x5b2: {  	s10 =	smov.u32 s17;
	v2 =	vsub.s32 v2, v3  }
0x5b3: {  	s11 =	sshra.s32 s10, $0x2;
	[tilespmem:s16+$0x580] =	vst v2  }
0x5b4: {  	v2 =	vld [tilespmem:s11+$0x580];
	_ =	sdelay $0x4  }
0x5b5: {  	(v2sf) =	vpush v2, $0x0  }
0x5b6: {  	(v2sf) =	vpush v2, $0x1  }
0x5b7: {  	(v2sf) =	vpush v2, $0x2;
	_ =	sdelay $0x1  }
0x5b8: {  	(v2sf) =	vpush v2, $0x7;
	_ =	sdelay $0x2  }
0x5b9: {  	(v2sf) =	vpush v2, $0x3  }
0x5ba: {  	(v2sf) =	vpush v2, $0x4;
	_ =	sdelay $0x1  }
0x5bb: {  	(v2sf) =	vpush v2, $0xC;
	_ =	sdelay $0x1  }
0x5bc: {  	(v2sf) =	vpush v2, $0xD;
	_ =	sdelay $0x2  }
0x5bd: {  	(v2sf) =	vpush v2, $0xE;
	s12 =	spop (v2sf)  }
0x5be: {  	s7 =	smulhi.u32 $0x10624DD3, s12;
	s13 =	spop (v2sf)  }
0x5bf: {  	(v2sf) =	vpush v2, $0x8;
	s14 =	smulhi.u32 $0x10624DD3, s13;
	s15 =	spop (v2sf)  }
0x5c0: {  	(v2sf) =	vpush v2, $0xF;
	s0 =	sshra.s32 s13, $0x1F;
	s16 =	smulhi.u32 $0x10624DD3, s15  }
0x5c1: {  	p0 =	sne.s32 s17, $0x1C0;
	s19 =	spop (v2sf);
	s0 =	smul.u32 $0x10624DD3, s0  }
0x5c2: {  	s17 =	sadd.s32 $0x40, s17;
	(v2sf) =	vpush v2, $0x9;
	s2 =	sshra.s32 s15, $0x1F;
	s21 =	smulhi.u32 $0x10624DD3, s19  }
0x5c3: {  	[dreg:$0xe] =	wrdreg s11;
	s4 =	sshra.s32 s19, $0x1F;
	s24 =	smul.u32 $0x10624DD3, s2  }
0x5c4: {  	s18 =	sshra.s32 s12, $0x1F;
	s20 =	spop (v2sf);
	s28 =	smul.u32 $0x10624DD3, s4  }
0x5c5: {  	s22 =	sshra.s32 s20, $0x1F;
	s10 =	spop (v2sf);
	s3 =	smulhi.u32 $0x10624DD3, s20  }
0x5c6: {  	(v2sf) =	vpush v2, $0xA;
	s8 =	sadd.s32 s0, s14;
	s23 =	sshra.s32 s10, $0x1F;
	s6 =	smul.u32 $0x10624DD3, s22  }
0x5c7: {  	s25 =	spop (v2sf);
	s31 =	sshra.s32 s8, $0x6;
	s10 =	smulhi.u32 $0x10624DD3, s10  }
0x5c8: {  	s0 =	sadd.s32 s24, s16;
	s29 =	sshrl.u32 s8, $0x1F;
	s11 =	smul.u32 $0x10624DD3, s23  }
0x5c9: {  	(v2sf) =	vpush v2, $0x5;
	s12 =	spop (v2sf);
	s13 =	sshra.s32 s25, $0x1F;
	s15 =	smulhi.u32 $0x10624DD3, s25  }
0x5ca: {  	s24 =	sshra.s32 s0, $0x6;
	s20 =	sshrl.u32 s0, $0x1F;
	s5 =	smulhi.u32 $0x10624DD3, s12  }
0x5cb: {  	(v2sf) =	vpush v2, $0xB;
	s23 =	sshra.s32 s0, $0x1F;
	s2 =	sshra.s32 s12, $0x1F;
	s4 =	smul.u32 $0x10624DD3, s13  }
0x5cc: {  	s14 =	spop (v2sf);
	(v2sf) =	vpush v2, $0x6;
	s3 =	sadd.s32 s6, s3;
	s6 =	smul.u32 $0x10624DD3, s18  }
0x5cd: {  	s18 =	sadd.s32 s28, s21;
	[dreg:$0x1e] =	wrdreg s11;
	s26 =	smulhi.u32 $0x10624DD3, s14  }
0x5ce: {  	s13 =	sshra.s32 s14, $0x1F;
	s14 =	spop (v2sf);
	s2 =	smul.u32 $0x10624DD3, s2  }
0x5cf: {  	s21 =	sshra.s32 s18, $0x1F;
	s12 =	sshra.s32 s14, $0x1F;
	s16 =	spop (v2sf)  }
0x5d0: {  	s0 =	sadd.s32 s4, s15;
	s15 =	sshrl.u32 s3, $0x1F;
	s11 =	sshra.s32 s16, $0x1F  }
0x5d1: {  	s19 =	spop (v2sf);
	s9 =	smulhi.u32 $0x10624DD3, s16;
	s4 =	sshrl.u32 s0, $0x1F  }
0x5d2: {  	s5 =	sadd.s32 s2, s5;
	s0 =	sshra.s32 s0, $0x6;
	s16 =	smulhi.u32 $0x10624DD3, s19  }
0x5d3: {  	s22 =	sshra.s32 s19, $0x1F;
	s2 =	sshra.s32 s5, $0x6;
	v3 =	vmov s0;
	s1 =	smul.u32 $0x10624DD3, s11  }
0x5d4: {  	s6 =	sadd.s32 s6, s7;
	s19 =	smul.u32 $0x10624DD3, s22;
	v3 =	vsel vm0, s2, v3;
	s2 =	sshra.s32 s3, $0x6  }
0x5d5: {  	s22 =	sshra.s32 s3, $0x1F;
	s3 =	smulhi.u32 $0x10624DD3, s14;
	s25 =	spop (v2sf)  }
0x5d6: {  	v4 =	vmov s4;
	s5 =	sshrl.u32 s5, $0x1F;
	s4 =	sshra.s32 s25, $0x1F;
	s25 =	smulhi.u32 $0x10624DD3, s25  }
.Ltmp11:
0x5d7: {  	s7 =	sadd.s32 s19, s16;
	s19 =	rddreg [dreg:$0x1e];
	(pc) =	sbr.rel @p0 .LBB2_24-.Ltmp11, $4  }
0x5d8: {  	v4 =	vsel vm0, s5, v4;
	s5 =	sshra.s32 s8, $0x1F;
	s28 =	smul.u32 $0x10624DD3, s4;
	s0 =	spop (v2sf)  }
0x5d9: {  	s14 =	sshra.s32 s6, $0x6;
	s16 =	rddreg [dreg:$0xe];
	s11 =	smulhi.u32 $0x10624DD3, s0  }
0x5da: {  	v5 =	vmov s21;
	s4 =	sshra.s32 s0, $0x1F;
	s0 =	smul.u32 $0x10624DD3, s13;
	s30 =	spop (v2sf)  }
0x5db: {  	v5 =	vsel vm3, s14, v5;
	s13 =	sshra.s32 s6, $0x1F;
	s21 =	smulhi.u32 $0x10624DD3, s30;
	s8 =	spop (v2sf)  }
0x5dc: {  	s1 =	sadd.s32 s1, s9  }
0x5dd: {  	v5 =	vsel vm9, s13, v5;
	s0 =	sadd.s32 s0, s26;
	s17 =	smul.u32 $0x10624DD3, s12;
	s6 =	sshrl.u32 s6, $0x1F  }
0x5de: {  	s12 =	sshrl.u32 s7, $0x1F;
	s13 =	sshra.s32 s30, $0x1F;
	s4 =	smul.u32 $0x10624DD3, s4;
	v5 =	vsel vm0, s31, v5  }
0x5df: {  	s26 =	sadd.s32 s19, s10;
	s14 =	sshra.s32 s8, $0x1F;
	s19 =	smulhi.u32 $0x10624DD3, s8;
	v6 =	vmov s6;
	v5 =	vsel vm10, s5, v5  }
0x5e0: {  	v6 =	vnsel vm3, $0x0, v6;
	s5 =	smul.u32 $0x10624DD3, s14;
	s14 =	sshrl.u32 s0, $0x1F;
	s0 =	sshra.s32 s0, $0x6;
	v5 =	vsel vm1, s24, v5  }
0x5e1: {  	s7 =	sshra.s32 s7, $0x6;
	s3 =	sadd.s32 s17, s3;
	s17 =	sshrl.u32 s1, $0x1F;
	v6 =	vsel vm0, s29, v6;
	v4 =	vsel vm1, s14, v4;
	v3 =	vsel vm1, s0, v3  }
0x5e2: {  	s10 =	sshrl.u32 s26, $0x1F;
	s6 =	sshra.s32 s26, $0x1F;
	s1 =	sshra.s32 s1, $0x6;
	v5 =	vsel vm11, s23, v5;
	v6 =	vsel vm1, s20, v6;
	v4 =	vsel vm2, s17, v4  }
0x5e3: {  	s20 =	sshra.s32 s26, $0x6;
	s26 =	sshrl.u32 s3, $0x1F;
	s3 =	sshra.s32 s3, $0x6;
	v3 =	vsel vm2, s1, v3;
	v5 =	vsel vm2, s2, v5;
	v6 =	vsel vm2, s15, v6  }
0x5e4: {  	s4 =	sadd.s32 s4, s11;
	s23 =	smul.u32 $0x10624DD3, s13;
	s13 =	sadd.s32 s28, s25;
	v7 =	vmov s26;
	v8 =	vmov s3;
	v5 =	vsel vm12, s22, v5  }
0x5e5: {  	s24 =	sshrl.u32 s4, $0x1F;
	s15 =	sadd.s32 s5, s19;
	s17 =	sshrl.u32 s13, $0x1F;
	v6 =	vsel vm4, s10, v6;
	v7 =	vsel vm0, s12, v7;
	v5 =	vsel vm4, s20, v5  }
0x5e6: {  	s10 =	sshra.s32 s4, $0x6;
	s14 =	sadd.s32 s23, s21;
	v8 =	vsel vm0, s7, v8;
	v6 =	vsel vm5, s24, v6;
	s20 =	sshra.s32 s13, $0x6;
	v5 =	vsel vm13, s6, v5  }
0x5e7: {  	s19 =	sshra.s32 s4, $0x1F;
	s25 =	sshrl.u32 s15, $0x1F;
	v7 =	vsel vm1, s17, v7;
	s22 =	sshrl.u32 s14, $0x1F;
	v8 =	vsel vm1, s20, v8;
	v5 =	vsel vm5, s10, v5  }
0x5e8: {  	s21 =	sshra.s32 s15, $0x6;
	s23 =	sshra.s32 s14, $0x6;
	v7 =	vsel vm2, s22, v7;
	v6 =	vsel vm6, s25, v6;
	v5 =	vsel vm14, s19, v5  }
0x5e9: {  	s2 =	sshrl.u32 s18, $0x1F;
	s24 =	sshra.s32 s15, $0x1F;
	v8 =	vsel vm2, s23, v8;
	v4 =	vcombine.low v7, v4;
	v5 =	vsel vm6, s21, v5  }
0x5ea: {  	s26 =	sshra.s32 s18, $0x6;
	v6 =	vsel vm7, s2, v6;
	v3 =	vcombine.low v8, v3;
	v5 =	vsel vm15, s24, v5  }
0x5eb: {  	v6 =	vperm.xlane v6, v1;
	v4 =	vperm.xlane v4, v0;
	v5 =	vsel vm7, s26, v5  }
0x5ec: {  	v3 =	vperm.xlane v3, v0;
	v5 =	vperm.xlane v5, v1;
	_ =	sdelay $0x1  }
0x5ed: {  	v4 =	vsel vm8, v6, v4;
	v3 =	vsel vm8, v5, v3  }
0x5ee: {  	v3 =	vadd.s32 v4, v3  }
0x5ef: {  	v3 =	vmul.u32 $0x3E8, v3;
	_ =	sdelay $0x1  }
0x5f0: {  	v2 =	vsub.s32 v2, v3  }
0x5f1: {  	[tilespmem:s16+$0x580] =	vst v2;
	s16 =	simm.s32 $0x0  }
0x5f2: {  	v2 =	vld [tilespmem:s16+$0x600];
	_ =	sdelay $0x4  }
0x5f3: {  	(v2sf) =	vpush v2, $0x0  }
0x5f4: {  	(v2sf) =	vpush v2, $0x1;
	_ =	sdelay $0x1  }
0x5f5: {  	(v2sf) =	vpush v2, $0x2;
	_ =	sdelay $0x1  }
0x5f6: {  	(v2sf) =	vpush v2, $0x7;
	_ =	sdelay $0x2  }
0x5f7: {  	(v2sf) =	vpush v2, $0x3  }
0x5f8: {  	(v2sf) =	vpush v2, $0x4  }
0x5f9: {  	(v2sf) =	vpush v2, $0xC  }
0x5fa: {  	(v2sf) =	vpush v2, $0xD;
	_ =	sdelay $0x3  }
0x5fb: {  	(v2sf) =	vpush v2, $0xE;
	s3 =	spop (v2sf)  }
0x5fc: {  	s2 =	smulhi.u32 $0x14F8B589, s3;
	s4 =	spop (v2sf)  }
0x5fd: {  	(v2sf) =	vpush v2, $0x8;
	s0 =	sshra.s32 s3, $0x1F;
	s5 =	smulhi.u32 $0x14F8B589, s4  }
0x5fe: {  	(v2sf) =	vpush v2, $0xF;
	s10 =	spop (v2sf);
	s0 =	smul.u32 $0x14F8B589, s0  }
0x5ff: {  	s1 =	sshra.s32 s4, $0x1F;
	s11 =	smulhi.u32 $0x14F8B589, s10  }
0x600: {  	s20 =	spop (v2sf);
	s1 =	smul.u32 $0x14F8B589, s1  }
0x601: {  	s4 =	sshra.s32 s10, $0x1F;
	s7 =	smulhi.u32 $0x14F8B589, s20  }
0x602: {  	(v2sf) =	vpush v2, $0x9;
	s6 =	sshra.s32 s20, $0x1F;
	s4 =	smul.u32 $0x14F8B589, s4  }
0x603: {  	s21 =	spop (v2sf);
	s6 =	smul.u32 $0x14F8B589, s6  }
0x604: {  	(v2sf) =	vpush v2, $0xA;
	s10 =	spop (v2sf);
	s12 =	smulhi.u32 $0x14F8B589, s21;
	s8 =	sshra.s32 s21, $0x1F  }
0x605: {  	(v2sf) =	vpush v2, $0x5;
	s22 =	sshra.s32 s10, $0x1F;
	s23 =	spop (v2sf);
	s10 =	smulhi.u32 $0x14F8B589, s10  }
0x606: {  	s4 =	sadd.s32 s4, s11;
	s19 =	smul.u32 $0x14F8B589, s22;
	s25 =	spop (v2sf)  }
0x607: {  	(v2sf) =	vpush v2, $0xB;
	s26 =	sshra.s32 s23, $0x1F;
	s24 =	sshra.s32 s4, $0xD;
	s11 =	smulhi.u32 $0x14F8B589, s23  }
0x608: {  	s20 =	sshrl.u32 s4, $0x1F;
	s23 =	sshra.s32 s4, $0x1F;
	s4 =	smul.u32 $0x14F8B589, s8  }
0x609: {  	s14 =	smulhi.u32 $0x14F8B589, s25  }
0x60a: {  	s17 =	sadd.s32 s1, s5;
	s15 =	spop (v2sf);
	s18 =	smul.u32 $0x14F8B589, s26  }
0x60b: {  	(v2sf) =	vpush v2, $0x6;
	s31 =	sshra.s32 s17, $0xD;
	s21 =	sshra.s32 s25, $0x1F;
	s26 =	smulhi.u32 $0x14F8B589, s15  }
0x60c: {  	s13 =	spop (v2sf);
	s30 =	sshra.s32 s15, $0x1F;
	s5 =	smul.u32 $0x14F8B589, s21  }
0x60d: {  	s4 =	sadd.s32 s4, s12;
	s22 =	spop (v2sf);
	s8 =	sadd.s32 s18, s11  }
0x60e: {  	s18 =	sadd.s32 s6, s7;
	s6 =	sadd.s32 s0, s2;
	s0 =	smul.u32 $0x14F8B589, s30  }
0x60f: {  	s2 =	sshra.s32 s4, $0xD;
	s15 =	sshra.s32 s22, $0x1F;
	s9 =	smulhi.u32 $0x14F8B589, s22  }
0x610: {  	s21 =	sshrl.u32 s8, $0x1F;
	s5 =	sadd.s32 s5, s14;
	s14 =	sshra.s32 s8, $0xD  }
0x611: {  	s8 =	sshra.s32 s5, $0xD;
	s1 =	smul.u32 $0x14F8B589, s15;
	s25 =	spop (v2sf)  }
0x612: {  	[smem:$0x7E6] =	sst s8;
	s11 =	sshra.s32 s25, $0x1F;
	s22 =	smulhi.u32 $0x14F8B589, s25  }
0x613: {  	s15 =	sshrl.u32 s4, $0x1F;
	s25 =	spop (v2sf);
	s3 =	smul.u32 $0x14F8B589, s11  }
0x614: {  	s29 =	spop (v2sf);
	s12 =	sshra.s32 s25, $0x1F;
	s25 =	smulhi.u32 $0x14F8B589, s25  }
0x615: {  	v4 =	vmov s21;
	s8 =	sshrl.u32 s5, $0x1F;
	s21 =	sld [smem:$0x7E6];
	s11 =	smulhi.u32 $0x14F8B589, s29  }
0x616: {  	s5 =	sshra.s32 s17, $0x1F;
	s28 =	smul.u32 $0x14F8B589, s12;
	s30 =	spop (v2sf)  }
0x617: {  	s7 =	sadd.s32 s3, s22;
	s22 =	sshra.s32 s4, $0x1F;
	s4 =	sshra.s32 s29, $0x1F  }
0x618: {  	v3 =	vmov s14;
	s3 =	smulhi.u32 $0x14F8B589, s13;
	s29 =	sshrl.u32 s17, $0x1F;
	s17 =	sshra.s32 s18, $0x1F  }
0x619: {  	v3 =	vsel vm0, s21, v3;
	s12 =	sshra.s32 s13, $0x1F;
	s13 =	sshra.s32 s6, $0xD;
	s21 =	smulhi.u32 $0x14F8B589, s30;
	v5 =	vmov s17  }
0x61a: {  	v4 =	vsel vm0, s8, v4;
	s8 =	spop (v2sf);
	s17 =	simm.s32 $0x40;
	v5 =	vsel vm3, s13, v5;
	s13 =	sshra.s32 s6, $0x1F  }
.LBB2_26:
0x61b: {  	s14 =	sshrl.u32 s7, $0x1F;
	s12 =	smul.u32 $0x14F8B589, s12  }
0x61c: {  	s30 =	sshra.s32 s30, $0x1F;
	v5 =	vsel vm9, s13, v5;
	s6 =	sshrl.u32 s6, $0x1F;
	s4 =	smul.u32 $0x14F8B589, s4  }
0x61d: {  	s13 =	sshra.s32 s8, $0x1F;
	s1 =	sadd.s32 s1, s9;
	v5 =	vsel vm0, s31, v5;
	s0 =	sadd.s32 s0, s26  }
0x61e: {  	v6 =	vmov s6;
	s6 =	sadd.s32 s19, s10;
	s10 =	smul.u32 $0x14F8B589, s13;
	s13 =	sshra.s32 s7, $0xD;
	v5 =	vsel vm10, s5, v5  }
0x61f: {  	s3 =	sadd.s32 s12, s3;
	v6 =	vnsel vm3, $0x0, v6;
	s19 =	sshrl.u32 s0, $0x1F;
	s0 =	sshra.s32 s0, $0xD;
	v5 =	vsel vm1, s24, v5  }
0x620: {  	s26 =	sshrl.u32 s1, $0x1F;
	s9 =	sshrl.u32 s6, $0x1F;
	s4 =	sadd.s32 s4, s11;
	v6 =	vsel vm0, s29, v6;
	v4 =	vsel vm1, s19, v4;
	v3 =	vsel vm1, s0, v3  }
0x621: {  	s1 =	sshra.s32 s1, $0xD;
	s24 =	smul.u32 $0x14F8B589, s30;
	s11 =	sshrl.u32 s4, $0x1F;
	v5 =	vsel vm11, s23, v5;
	v6 =	vsel vm1, s20, v6;
	v4 =	vsel vm2, s26, v4  }
0x622: {  	s19 =	sadd.s32 s28, s25;
	s26 =	sshrl.u32 s3, $0x1F;
	s3 =	sshra.s32 s3, $0xD;
	v3 =	vsel vm2, s1, v3;
	v5 =	vsel vm2, s2, v5;
	v6 =	vsel vm2, s15, v6  }
0x623: {  	s20 =	smulhi.u32 $0x14F8B589, s8;
	s23 =	sshra.s32 s6, $0xD;
	s6 =	sshra.s32 s6, $0x1F;
	v7 =	vmov s26;
	v8 =	vmov s3;
	v5 =	vsel vm12, s22, v5  }
0x624: {  	s15 =	sshra.s32 s4, $0xD;
	s5 =	sadd.s32 s24, s21;
	s21 =	sshra.s32 s19, $0xD;
	v6 =	vsel vm4, s9, v6;
	v7 =	vsel vm0, s14, v7;
	v5 =	vsel vm4, s23, v5  }
0x625: {  	s24 =	sshrl.u32 s19, $0x1F;
	s20 =	sadd.s32 s10, s20;
	s22 =	sshra.s32 s5, $0xD;
	v8 =	vsel vm0, s13, v8;
	v6 =	vsel vm5, s11, v6;
	v5 =	vsel vm13, s6, v5  }
0x626: {  	s5 =	sshrl.u32 s5, $0x1F;
	s23 =	sshra.s32 s4, $0x1F;
	s25 =	sshrl.u32 s20, $0x1F;
	v7 =	vsel vm1, s24, v7;
	v8 =	vsel vm1, s21, v8;
	v5 =	vsel vm5, s15, v5  }
0x627: {  	s26 =	sshra.s32 s20, $0xD;
	v6 =	vsel vm6, s25, v6;
	v7 =	vsel vm2, s5, v7;
	v5 =	vsel vm14, s23, v5  }
0x628: {  	s7 =	sshrl.u32 s18, $0x1F;
	s8 =	sshra.s32 s20, $0x1F;
	v8 =	vsel vm2, s22, v8;
	v4 =	vcombine.low v7, v4;
	v5 =	vsel vm6, s26, v5  }
0x629: {  	s9 =	sshra.s32 s18, $0xD;
	v6 =	vsel vm7, s7, v6;
	v3 =	vcombine.low v8, v3;
	v5 =	vsel vm15, s8, v5  }
0x62a: {  	v6 =	vperm.xlane v6, v1;
	v4 =	vperm.xlane v4, v0;
	v5 =	vsel vm7, s9, v5  }
0x62b: {  	v3 =	vperm.xlane v3, v0;
	v5 =	vperm.xlane v5, v1;
	_ =	sdelay $0x1  }
0x62c: {  	v4 =	vsel vm8, v6, v4;
	v3 =	vsel vm8, v5, v3  }
0x62d: {  	v3 =	vadd.s32 v4, v3  }
0x62e: {  	v3 =	vmul.u32 $0x186A0, v3;
	_ =	sdelay $0x1  }
0x62f: {  	s10 =	smov.u32 s17;
	v2 =	vsub.s32 v2, v3  }
0x630: {  	s11 =	sshra.s32 s10, $0x2;
	[tilespmem:s16+$0x600] =	vst v2  }
0x631: {  	v2 =	vld [tilespmem:s11+$0x600];
	_ =	sdelay $0x4  }
0x632: {  	(v2sf) =	vpush v2, $0x0  }
0x633: {  	(v2sf) =	vpush v2, $0x1  }
0x634: {  	(v2sf) =	vpush v2, $0x2;
	_ =	sdelay $0x1  }
0x635: {  	(v2sf) =	vpush v2, $0x7;
	_ =	sdelay $0x2  }
0x636: {  	(v2sf) =	vpush v2, $0x3  }
0x637: {  	(v2sf) =	vpush v2, $0x4;
	_ =	sdelay $0x1  }
0x638: {  	(v2sf) =	vpush v2, $0xC;
	_ =	sdelay $0x1  }
0x639: {  	(v2sf) =	vpush v2, $0xD;
	_ =	sdelay $0x2  }
0x63a: {  	(v2sf) =	vpush v2, $0xE;
	s12 =	spop (v2sf)  }
0x63b: {  	s7 =	smulhi.u32 $0x14F8B589, s12;
	s13 =	spop (v2sf)  }
0x63c: {  	(v2sf) =	vpush v2, $0x8;
	s14 =	smulhi.u32 $0x14F8B589, s13;
	s15 =	spop (v2sf)  }
0x63d: {  	(v2sf) =	vpush v2, $0xF;
	s0 =	sshra.s32 s13, $0x1F;
	s16 =	smulhi.u32 $0x14F8B589, s15  }
0x63e: {  	p0 =	sne.s32 s17, $0x1C0;
	s19 =	spop (v2sf);
	s0 =	smul.u32 $0x14F8B589, s0  }
0x63f: {  	s17 =	sadd.s32 $0x40, s17;
	(v2sf) =	vpush v2, $0x9;
	s2 =	sshra.s32 s15, $0x1F;
	s21 =	smulhi.u32 $0x14F8B589, s19  }
0x640: {  	[dreg:$0xf] =	wrdreg s11;
	s4 =	sshra.s32 s19, $0x1F;
	s24 =	smul.u32 $0x14F8B589, s2  }
0x641: {  	s18 =	sshra.s32 s12, $0x1F;
	s20 =	spop (v2sf);
	s28 =	smul.u32 $0x14F8B589, s4  }
0x642: {  	s22 =	sshra.s32 s20, $0x1F;
	s10 =	spop (v2sf);
	s3 =	smulhi.u32 $0x14F8B589, s20  }
0x643: {  	(v2sf) =	vpush v2, $0xA;
	s8 =	sadd.s32 s0, s14;
	s23 =	sshra.s32 s10, $0x1F;
	s6 =	smul.u32 $0x14F8B589, s22  }
0x644: {  	s25 =	spop (v2sf);
	s31 =	sshra.s32 s8, $0xD;
	s10 =	smulhi.u32 $0x14F8B589, s10  }
0x645: {  	s0 =	sadd.s32 s24, s16;
	s29 =	sshrl.u32 s8, $0x1F;
	s11 =	smul.u32 $0x14F8B589, s23  }
0x646: {  	(v2sf) =	vpush v2, $0x5;
	s12 =	spop (v2sf);
	s13 =	sshra.s32 s25, $0x1F;
	s15 =	smulhi.u32 $0x14F8B589, s25  }
0x647: {  	s24 =	sshra.s32 s0, $0xD;
	s20 =	sshrl.u32 s0, $0x1F;
	s5 =	smulhi.u32 $0x14F8B589, s12  }
0x648: {  	(v2sf) =	vpush v2, $0xB;
	s23 =	sshra.s32 s0, $0x1F;
	s2 =	sshra.s32 s12, $0x1F;
	s4 =	smul.u32 $0x14F8B589, s13  }
0x649: {  	s14 =	spop (v2sf);
	(v2sf) =	vpush v2, $0x6;
	s3 =	sadd.s32 s6, s3;
	s6 =	smul.u32 $0x14F8B589, s18  }
0x64a: {  	s18 =	sadd.s32 s28, s21;
	[dreg:$0x1f] =	wrdreg s11;
	s26 =	smulhi.u32 $0x14F8B589, s14  }
0x64b: {  	s13 =	sshra.s32 s14, $0x1F;
	s14 =	spop (v2sf);
	s2 =	smul.u32 $0x14F8B589, s2  }
0x64c: {  	s21 =	sshra.s32 s18, $0x1F;
	s12 =	sshra.s32 s14, $0x1F;
	s16 =	spop (v2sf)  }
0x64d: {  	s0 =	sadd.s32 s4, s15;
	s15 =	sshrl.u32 s3, $0x1F;
	s11 =	sshra.s32 s16, $0x1F  }
0x64e: {  	s19 =	spop (v2sf);
	s9 =	smulhi.u32 $0x14F8B589, s16;
	s4 =	sshrl.u32 s0, $0x1F  }
0x64f: {  	s5 =	sadd.s32 s2, s5;
	s0 =	sshra.s32 s0, $0xD;
	s16 =	smulhi.u32 $0x14F8B589, s19  }
0x650: {  	s22 =	sshra.s32 s19, $0x1F;
	s2 =	sshra.s32 s5, $0xD;
	v3 =	vmov s0;
	s1 =	smul.u32 $0x14F8B589, s11  }
0x651: {  	s6 =	sadd.s32 s6, s7;
	s19 =	smul.u32 $0x14F8B589, s22;
	v3 =	vsel vm0, s2, v3;
	s2 =	sshra.s32 s3, $0xD  }
0x652: {  	s22 =	sshra.s32 s3, $0x1F;
	s3 =	smulhi.u32 $0x14F8B589, s14;
	s25 =	spop (v2sf)  }
0x653: {  	v4 =	vmov s4;
	s5 =	sshrl.u32 s5, $0x1F;
	s4 =	sshra.s32 s25, $0x1F;
	s25 =	smulhi.u32 $0x14F8B589, s25  }
.Ltmp12:
0x654: {  	s7 =	sadd.s32 s19, s16;
	s19 =	rddreg [dreg:$0x1f];
	(pc) =	sbr.rel @p0 .LBB2_26-.Ltmp12, $4  }
0x655: {  	v4 =	vsel vm0, s5, v4;
	s5 =	sshra.s32 s8, $0x1F;
	s28 =	smul.u32 $0x14F8B589, s4;
	s0 =	spop (v2sf)  }
0x656: {  	s14 =	sshra.s32 s6, $0xD;
	s16 =	rddreg [dreg:$0xf];
	s11 =	smulhi.u32 $0x14F8B589, s0  }
0x657: {  	v5 =	vmov s21;
	s4 =	sshra.s32 s0, $0x1F;
	s0 =	smul.u32 $0x14F8B589, s13;
	s30 =	spop (v2sf)  }
0x658: {  	v5 =	vsel vm3, s14, v5;
	s13 =	sshra.s32 s6, $0x1F;
	s21 =	smulhi.u32 $0x14F8B589, s30;
	s8 =	spop (v2sf)  }
0x659: {  	s1 =	sadd.s32 s1, s9  }
0x65a: {  	v5 =	vsel vm9, s13, v5;
	s0 =	sadd.s32 s0, s26;
	s17 =	smul.u32 $0x14F8B589, s12;
	s6 =	sshrl.u32 s6, $0x1F  }
0x65b: {  	s12 =	sshrl.u32 s7, $0x1F;
	s13 =	sshra.s32 s30, $0x1F;
	s4 =	smul.u32 $0x14F8B589, s4;
	v5 =	vsel vm0, s31, v5  }
0x65c: {  	s26 =	sadd.s32 s19, s10;
	s14 =	sshra.s32 s8, $0x1F;
	s19 =	smulhi.u32 $0x14F8B589, s8;
	v6 =	vmov s6;
	v5 =	vsel vm10, s5, v5  }
0x65d: {  	v6 =	vnsel vm3, $0x0, v6;
	s5 =	smul.u32 $0x14F8B589, s14;
	s14 =	sshrl.u32 s0, $0x1F;
	s0 =	sshra.s32 s0, $0xD;
	v5 =	vsel vm1, s24, v5  }
0x65e: {  	s10 =	sshrl.u32 s26, $0x1F;
	s3 =	sadd.s32 s17, s3;
	s17 =	sshrl.u32 s1, $0x1F;
	v6 =	vsel vm0, s29, v6;
	v4 =	vsel vm1, s14, v4;
	v3 =	vsel vm1, s0, v3  }
0x65f: {  	s6 =	sshra.s32 s26, $0x1F;
	s4 =	sadd.s32 s4, s11;
	s1 =	sshra.s32 s1, $0xD;
	v5 =	vsel vm11, s23, v5;
	v6 =	vsel vm1, s20, v6;
	v4 =	vsel vm2, s17, v4  }
0x660: {  	s20 =	sshra.s32 s26, $0xD;
	s26 =	sshrl.u32 s3, $0x1F;
	s3 =	sshra.s32 s3, $0xD;
	v3 =	vsel vm2, s1, v3;
	v5 =	vsel vm2, s2, v5;
	v6 =	vsel vm2, s15, v6  }
0x661: {  	s24 =	sshrl.u32 s4, $0x1F;
	s14 =	sshra.s32 s4, $0xD;
	s23 =	smul.u32 $0x14F8B589, s13;
	v7 =	vmov s26;
	v8 =	vmov s3;
	v5 =	vsel vm12, s22, v5  }
0x662: {  	s19 =	sadd.s32 s5, s19;
	s15 =	sadd.s32 s28, s25;
	v6 =	vsel vm4, s10, v6;
	s10 =	sshra.s32 s7, $0xD;
	v7 =	vsel vm0, s12, v7;
	v5 =	vsel vm4, s20, v5  }
0x663: {  	s5 =	sshrl.u32 s19, $0x1F;
	s17 =	sadd.s32 s23, s21;
	s21 =	sshrl.u32 s15, $0x1F;
	v6 =	vsel vm5, s24, v6;
	v8 =	vsel vm0, s10, v8;
	v5 =	vsel vm13, s6, v5  }
0x664: {  	s22 =	sshra.s32 s15, $0xD;
	s20 =	sshra.s32 s4, $0x1F;
	v7 =	vsel vm1, s21, v7;
	s23 =	sshrl.u32 s17, $0x1F;
	v6 =	vsel vm6, s5, v6;
	v5 =	vsel vm5, s14, v5  }
0x665: {  	s25 =	sshra.s32 s19, $0xD;
	s24 =	sshra.s32 s17, $0xD;
	v8 =	vsel vm1, s22, v8;
	v7 =	vsel vm2, s23, v7;
	v5 =	vsel vm14, s20, v5  }
0x666: {  	s26 =	sshrl.u32 s18, $0x1F;
	s3 =	sshra.s32 s19, $0x1F;
	v8 =	vsel vm2, s24, v8;
	v4 =	vcombine.low v7, v4;
	v5 =	vsel vm6, s25, v5  }
0x667: {  	s2 =	sshra.s32 s18, $0xD;
	v6 =	vsel vm7, s26, v6;
	v3 =	vcombine.low v8, v3;
	v5 =	vsel vm15, s3, v5  }
0x668: {  	v6 =	vperm.xlane v6, v1;
	v4 =	vperm.xlane v4, v0;
	v5 =	vsel vm7, s2, v5  }
0x669: {  	v3 =	vperm.xlane v3, v0;
	v5 =	vperm.xlane v5, v1;
	_ =	sdelay $0x1  }
0x66a: {  	v4 =	vsel vm8, v6, v4;
	v3 =	vsel vm8, v5, v3  }
0x66b: {  	v3 =	vadd.s32 v4, v3  }
0x66c: {  	v3 =	vmul.u32 $0x186A0, v3;
	_ =	sdelay $0x1  }
0x66d: {  	v2 =	vsub.s32 v2, v3  }
0x66e: {  	[tilespmem:s16+$0x600] =	vst v2;
	s16 =	simm.s32 $0x0  }
0x66f: {  	v2 =	vld [tilespmem:s16+$0x680];
	_ =	sdelay $0x4  }
0x670: {  	(v2sf) =	vpush v2, $0x0  }
0x671: {  	(v2sf) =	vpush v2, $0x1;
	_ =	sdelay $0x1  }
0x672: {  	(v2sf) =	vpush v2, $0x2;
	_ =	sdelay $0x1  }
0x673: {  	(v2sf) =	vpush v2, $0x7;
	_ =	sdelay $0x2  }
0x674: {  	(v2sf) =	vpush v2, $0x3  }
0x675: {  	(v2sf) =	vpush v2, $0x4  }
0x676: {  	(v2sf) =	vpush v2, $0xC  }
0x677: {  	(v2sf) =	vpush v2, $0xD;
	_ =	sdelay $0x3  }
0x678: {  	(v2sf) =	vpush v2, $0xE;
	s3 =	spop (v2sf)  }
0x679: {  	s2 =	smulhi.u32 $0x14F8B589, s3;
	s4 =	spop (v2sf)  }
0x67a: {  	(v2sf) =	vpush v2, $0x8;
	s0 =	sshra.s32 s3, $0x1F;
	s5 =	smulhi.u32 $0x14F8B589, s4  }
0x67b: {  	(v2sf) =	vpush v2, $0xF;
	s10 =	spop (v2sf);
	s0 =	smul.u32 $0x14F8B589, s0  }
0x67c: {  	s1 =	sshra.s32 s4, $0x1F;
	s11 =	smulhi.u32 $0x14F8B589, s10  }
0x67d: {  	s20 =	spop (v2sf);
	s1 =	smul.u32 $0x14F8B589, s1  }
0x67e: {  	s4 =	sshra.s32 s10, $0x1F;
	s7 =	smulhi.u32 $0x14F8B589, s20  }
0x67f: {  	(v2sf) =	vpush v2, $0x9;
	s6 =	sshra.s32 s20, $0x1F;
	s4 =	smul.u32 $0x14F8B589, s4  }
0x680: {  	s21 =	spop (v2sf);
	s6 =	smul.u32 $0x14F8B589, s6  }
0x681: {  	(v2sf) =	vpush v2, $0xA;
	s10 =	spop (v2sf);
	s12 =	smulhi.u32 $0x14F8B589, s21;
	s8 =	sshra.s32 s21, $0x1F  }
0x682: {  	(v2sf) =	vpush v2, $0x5;
	s22 =	sshra.s32 s10, $0x1F;
	s23 =	spop (v2sf);
	s10 =	smulhi.u32 $0x14F8B589, s10  }
0x683: {  	s4 =	sadd.s32 s4, s11;
	s19 =	smul.u32 $0x14F8B589, s22;
	s25 =	spop (v2sf)  }
0x684: {  	(v2sf) =	vpush v2, $0xB;
	s26 =	sshra.s32 s23, $0x1F;
	s24 =	sshra.s32 s4, $0xD;
	s11 =	smulhi.u32 $0x14F8B589, s23  }
0x685: {  	s20 =	sshrl.u32 s4, $0x1F;
	s23 =	sshra.s32 s4, $0x1F;
	s4 =	smul.u32 $0x14F8B589, s8  }
0x686: {  	s14 =	smulhi.u32 $0x14F8B589, s25  }
0x687: {  	s17 =	sadd.s32 s1, s5;
	s15 =	spop (v2sf);
	s18 =	smul.u32 $0x14F8B589, s26  }
0x688: {  	(v2sf) =	vpush v2, $0x6;
	s31 =	sshra.s32 s17, $0xD;
	s21 =	sshra.s32 s25, $0x1F;
	s26 =	smulhi.u32 $0x14F8B589, s15  }
0x689: {  	s13 =	spop (v2sf);
	s30 =	sshra.s32 s15, $0x1F;
	s5 =	smul.u32 $0x14F8B589, s21  }
0x68a: {  	s4 =	sadd.s32 s4, s12;
	s22 =	spop (v2sf);
	s8 =	sadd.s32 s18, s11  }
0x68b: {  	s18 =	sadd.s32 s6, s7;
	s6 =	sadd.s32 s0, s2;
	s0 =	smul.u32 $0x14F8B589, s30  }
0x68c: {  	s2 =	sshra.s32 s4, $0xD;
	s15 =	sshra.s32 s22, $0x1F;
	s9 =	smulhi.u32 $0x14F8B589, s22  }
0x68d: {  	s21 =	sshrl.u32 s8, $0x1F;
	s5 =	sadd.s32 s5, s14;
	s14 =	sshra.s32 s8, $0xD  }
0x68e: {  	s8 =	sshra.s32 s5, $0xD;
	s1 =	smul.u32 $0x14F8B589, s15;
	s25 =	spop (v2sf)  }
0x68f: {  	[smem:$0x7E5] =	sst s8;
	s11 =	sshra.s32 s25, $0x1F;
	s22 =	smulhi.u32 $0x14F8B589, s25  }
0x690: {  	s15 =	sshrl.u32 s4, $0x1F;
	s25 =	spop (v2sf);
	s3 =	smul.u32 $0x14F8B589, s11  }
0x691: {  	s29 =	spop (v2sf);
	s12 =	sshra.s32 s25, $0x1F;
	s25 =	smulhi.u32 $0x14F8B589, s25  }
0x692: {  	v4 =	vmov s21;
	s8 =	sshrl.u32 s5, $0x1F;
	s21 =	sld [smem:$0x7E5];
	s11 =	smulhi.u32 $0x14F8B589, s29  }
0x693: {  	s5 =	sshra.s32 s17, $0x1F;
	s28 =	smul.u32 $0x14F8B589, s12;
	s30 =	spop (v2sf)  }
0x694: {  	s7 =	sadd.s32 s3, s22;
	s22 =	sshra.s32 s4, $0x1F;
	s4 =	sshra.s32 s29, $0x1F  }
0x695: {  	v3 =	vmov s14;
	s3 =	smulhi.u32 $0x14F8B589, s13;
	s29 =	sshrl.u32 s17, $0x1F;
	s17 =	sshra.s32 s18, $0x1F  }
0x696: {  	v3 =	vsel vm0, s21, v3;
	s12 =	sshra.s32 s13, $0x1F;
	s13 =	sshra.s32 s6, $0xD;
	s21 =	smulhi.u32 $0x14F8B589, s30;
	v5 =	vmov s17  }
0x697: {  	v4 =	vsel vm0, s8, v4;
	s8 =	spop (v2sf);
	s17 =	simm.s32 $0x40;
	v5 =	vsel vm3, s13, v5;
	s13 =	sshra.s32 s6, $0x1F  }
.LBB2_28:
0x698: {  	s14 =	sshrl.u32 s7, $0x1F;
	s12 =	smul.u32 $0x14F8B589, s12  }
0x699: {  	s30 =	sshra.s32 s30, $0x1F;
	v5 =	vsel vm9, s13, v5;
	s6 =	sshrl.u32 s6, $0x1F;
	s4 =	smul.u32 $0x14F8B589, s4  }
0x69a: {  	s13 =	sshra.s32 s8, $0x1F;
	s1 =	sadd.s32 s1, s9;
	v5 =	vsel vm0, s31, v5;
	s0 =	sadd.s32 s0, s26  }
0x69b: {  	v6 =	vmov s6;
	s3 =	sadd.s32 s12, s3;
	s6 =	sadd.s32 s19, s10;
	v5 =	vsel vm10, s5, v5;
	s26 =	sshrl.u32 s1, $0x1F  }
0x69c: {  	v6 =	vnsel vm3, $0x0, v6;
	s19 =	sshrl.u32 s0, $0x1F;
	s4 =	sadd.s32 s4, s11;
	s0 =	sshra.s32 s0, $0xD;
	v5 =	vsel vm1, s24, v5  }
0x69d: {  	s10 =	smul.u32 $0x14F8B589, s13;
	s1 =	sshra.s32 s1, $0xD;
	s9 =	sshrl.u32 s6, $0x1F;
	v6 =	vsel vm0, s29, v6;
	v4 =	vsel vm1, s19, v4;
	v3 =	vsel vm1, s0, v3  }
0x69e: {  	s13 =	sshrl.u32 s3, $0x1F;
	s3 =	sshra.s32 s3, $0xD;
	v5 =	vsel vm11, s23, v5;
	v6 =	vsel vm1, s20, v6;
	s23 =	smulhi.u32 $0x14F8B589, s8;
	v4 =	vsel vm2, s26, v4  }
0x69f: {  	s24 =	sshra.s32 s6, $0xD;
	s11 =	sshrl.u32 s4, $0x1F;
	s26 =	smul.u32 $0x14F8B589, s30;
	v7 =	vmov s13;
	v8 =	vmov s3;
	v5 =	vsel vm2, s2, v5  }
0x6a0: {  	s6 =	sshra.s32 s6, $0x1F;
	s19 =	sshra.s32 s4, $0xD;
	s20 =	sadd.s32 s28, s25;
	v3 =	vsel vm2, s1, v3;
	v6 =	vsel vm2, s15, v6;
	v5 =	vsel vm12, s22, v5  }
0x6a1: {  	s15 =	sshra.s32 s7, $0xD;
	v7 =	vsel vm0, s14, v7;
	v6 =	vsel vm4, s9, v6;
	s5 =	sadd.s32 s26, s21;
	s21 =	sadd.s32 s10, s23;
	v5 =	vsel vm4, s24, v5  }
0x6a2: {  	s22 =	sshrl.u32 s20, $0x1F;
	v8 =	vsel vm0, s15, v8;
	s26 =	sshra.s32 s20, $0xD;
	v6 =	vsel vm5, s11, v6;
	s23 =	sshra.s32 s5, $0xD;
	v5 =	vsel vm13, s6, v5  }
0x6a3: {  	s24 =	sshra.s32 s4, $0x1F;
	v7 =	vsel vm1, s22, v7;
	s25 =	sshrl.u32 s21, $0x1F;
	s5 =	sshrl.u32 s5, $0x1F;
	v8 =	vsel vm1, s26, v8;
	v5 =	vsel vm5, s19, v5  }
0x6a4: {  	s4 =	sshra.s32 s21, $0xD;
	v6 =	vsel vm6, s25, v6;
	v7 =	vsel vm2, s5, v7;
	v5 =	vsel vm14, s24, v5  }
0x6a5: {  	s7 =	sshrl.u32 s18, $0x1F;
	s8 =	sshra.s32 s21, $0x1F;
	v8 =	vsel vm2, s23, v8;
	v4 =	vcombine.low v7, v4;
	v5 =	vsel vm6, s4, v5  }
0x6a6: {  	s9 =	sshra.s32 s18, $0xD;
	v3 =	vcombine.low v8, v3;
	v6 =	vsel vm7, s7, v6;
	v5 =	vsel vm15, s8, v5  }
0x6a7: {  	v6 =	vperm.xlane v6, v1;
	v4 =	vperm.xlane v4, v0;
	v5 =	vsel vm7, s9, v5  }
0x6a8: {  	v3 =	vperm.xlane v3, v0;
	v5 =	vperm.xlane v5, v1;
	_ =	sdelay $0x1  }
0x6a9: {  	v4 =	vsel vm8, v6, v4;
	v3 =	vsel vm8, v5, v3  }
0x6aa: {  	v3 =	vadd.s32 v4, v3  }
0x6ab: {  	v3 =	vmul.u32 $0x186A0, v3;
	_ =	sdelay $0x1  }
0x6ac: {  	s10 =	smov.u32 s17;
	v2 =	vsub.s32 v2, v3  }
0x6ad: {  	s11 =	sshra.s32 s10, $0x2;
	[tilespmem:s16+$0x680] =	vst v2  }
0x6ae: {  	v2 =	vld [tilespmem:s11+$0x680];
	_ =	sdelay $0x4  }
0x6af: {  	(v2sf) =	vpush v2, $0x0  }
0x6b0: {  	(v2sf) =	vpush v2, $0x1  }
0x6b1: {  	(v2sf) =	vpush v2, $0x2;
	_ =	sdelay $0x1  }
0x6b2: {  	(v2sf) =	vpush v2, $0x7;
	_ =	sdelay $0x2  }
0x6b3: {  	(v2sf) =	vpush v2, $0x3  }
0x6b4: {  	(v2sf) =	vpush v2, $0x4;
	_ =	sdelay $0x1  }
0x6b5: {  	(v2sf) =	vpush v2, $0xC;
	_ =	sdelay $0x1  }
0x6b6: {  	(v2sf) =	vpush v2, $0xD;
	_ =	sdelay $0x2  }
0x6b7: {  	(v2sf) =	vpush v2, $0xE;
	s12 =	spop (v2sf)  }
0x6b8: {  	s7 =	smulhi.u32 $0x14F8B589, s12;
	s13 =	spop (v2sf)  }
0x6b9: {  	(v2sf) =	vpush v2, $0x8;
	s14 =	smulhi.u32 $0x14F8B589, s13;
	s15 =	spop (v2sf)  }
0x6ba: {  	(v2sf) =	vpush v2, $0xF;
	s0 =	sshra.s32 s13, $0x1F;
	s16 =	smulhi.u32 $0x14F8B589, s15  }
0x6bb: {  	p0 =	sne.s32 s17, $0x1C0;
	s19 =	spop (v2sf);
	s0 =	smul.u32 $0x14F8B589, s0  }
0x6bc: {  	s17 =	sadd.s32 $0x40, s17;
	(v2sf) =	vpush v2, $0x9;
	s2 =	sshra.s32 s15, $0x1F;
	s21 =	smulhi.u32 $0x14F8B589, s19  }
0x6bd: {  	[dreg:$0x10] =	wrdreg s11;
	s4 =	sshra.s32 s19, $0x1F;
	s24 =	smul.u32 $0x14F8B589, s2  }
0x6be: {  	s18 =	sshra.s32 s12, $0x1F;
	s20 =	spop (v2sf);
	s28 =	smul.u32 $0x14F8B589, s4  }
0x6bf: {  	s22 =	sshra.s32 s20, $0x1F;
	s10 =	spop (v2sf);
	s3 =	smulhi.u32 $0x14F8B589, s20  }
0x6c0: {  	(v2sf) =	vpush v2, $0xA;
	s8 =	sadd.s32 s0, s14;
	s23 =	sshra.s32 s10, $0x1F;
	s6 =	smul.u32 $0x14F8B589, s22  }
0x6c1: {  	s25 =	spop (v2sf);
	s31 =	sshra.s32 s8, $0xD;
	s10 =	smulhi.u32 $0x14F8B589, s10  }
0x6c2: {  	s0 =	sadd.s32 s24, s16;
	s29 =	sshrl.u32 s8, $0x1F;
	s11 =	smul.u32 $0x14F8B589, s23  }
0x6c3: {  	(v2sf) =	vpush v2, $0x5;
	s12 =	spop (v2sf);
	s13 =	sshra.s32 s25, $0x1F;
	s15 =	smulhi.u32 $0x14F8B589, s25  }
0x6c4: {  	s24 =	sshra.s32 s0, $0xD;
	s20 =	sshrl.u32 s0, $0x1F;
	s5 =	smulhi.u32 $0x14F8B589, s12  }
0x6c5: {  	(v2sf) =	vpush v2, $0xB;
	s23 =	sshra.s32 s0, $0x1F;
	s2 =	sshra.s32 s12, $0x1F;
	s4 =	smul.u32 $0x14F8B589, s13  }
0x6c6: {  	s14 =	spop (v2sf);
	(v2sf) =	vpush v2, $0x6;
	s3 =	sadd.s32 s6, s3;
	s6 =	smul.u32 $0x14F8B589, s18  }
0x6c7: {  	s18 =	sadd.s32 s28, s21;
	[smem:$0x7E4] =	sst s11;
	s26 =	smulhi.u32 $0x14F8B589, s14  }
0x6c8: {  	s13 =	sshra.s32 s14, $0x1F;
	s14 =	spop (v2sf);
	s2 =	smul.u32 $0x14F8B589, s2  }
0x6c9: {  	s21 =	sshra.s32 s18, $0x1F;
	s12 =	sshra.s32 s14, $0x1F;
	s16 =	spop (v2sf)  }
0x6ca: {  	s0 =	sadd.s32 s4, s15;
	s15 =	sshrl.u32 s3, $0x1F;
	s11 =	sshra.s32 s16, $0x1F  }
0x6cb: {  	s19 =	spop (v2sf);
	s9 =	smulhi.u32 $0x14F8B589, s16;
	s4 =	sshrl.u32 s0, $0x1F  }
0x6cc: {  	s5 =	sadd.s32 s2, s5;
	s0 =	sshra.s32 s0, $0xD;
	s16 =	smulhi.u32 $0x14F8B589, s19  }
0x6cd: {  	s22 =	sshra.s32 s19, $0x1F;
	s2 =	sshra.s32 s5, $0xD;
	v3 =	vmov s0;
	s1 =	smul.u32 $0x14F8B589, s11  }
0x6ce: {  	s6 =	sadd.s32 s6, s7;
	s19 =	smul.u32 $0x14F8B589, s22;
	v3 =	vsel vm0, s2, v3;
	s2 =	sshra.s32 s3, $0xD  }
0x6cf: {  	s22 =	sshra.s32 s3, $0x1F;
	s3 =	smulhi.u32 $0x14F8B589, s14;
	s25 =	spop (v2sf)  }
0x6d0: {  	v4 =	vmov s4;
	s5 =	sshrl.u32 s5, $0x1F;
	s4 =	sshra.s32 s25, $0x1F;
	s25 =	smulhi.u32 $0x14F8B589, s25  }
.Ltmp13:
0x6d1: {  	s7 =	sadd.s32 s19, s16;
	s19 =	sld [smem:$0x7E4];
	(pc) =	sbr.rel @p0 .LBB2_28-.Ltmp13, $4  }
0x6d2: {  	v4 =	vsel vm0, s5, v4;
	s5 =	sshra.s32 s8, $0x1F;
	s28 =	smul.u32 $0x14F8B589, s4;
	s0 =	spop (v2sf)  }
0x6d3: {  	s14 =	sshra.s32 s6, $0xD;
	s16 =	rddreg [dreg:$0x10];
	s11 =	smulhi.u32 $0x14F8B589, s0  }
0x6d4: {  	v5 =	vmov s21;
	s4 =	sshra.s32 s0, $0x1F;
	s0 =	smul.u32 $0x14F8B589, s13;
	s30 =	spop (v2sf)  }
0x6d5: {  	v5 =	vsel vm3, s14, v5;
	s13 =	sshra.s32 s6, $0x1F;
	s21 =	smulhi.u32 $0x14F8B589, s30;
	s8 =	spop (v2sf)  }
0x6d6: {  	s1 =	sadd.s32 s1, s9  }
0x6d7: {  	v5 =	vsel vm9, s13, v5;
	s0 =	sadd.s32 s0, s26;
	s17 =	smul.u32 $0x14F8B589, s12;
	s6 =	sshrl.u32 s6, $0x1F  }
0x6d8: {  	s12 =	sshrl.u32 s7, $0x1F;
	s13 =	sshra.s32 s30, $0x1F;
	s4 =	smul.u32 $0x14F8B589, s4;
	v5 =	vsel vm0, s31, v5  }
0x6d9: {  	s26 =	sadd.s32 s19, s10;
	s14 =	sshra.s32 s8, $0x1F;
	s19 =	smulhi.u32 $0x14F8B589, s8;
	v6 =	vmov s6;
	v5 =	vsel vm10, s5, v5  }
0x6da: {  	v6 =	vnsel vm3, $0x0, v6;
	s5 =	smul.u32 $0x14F8B589, s14;
	s14 =	sshrl.u32 s0, $0x1F;
	s0 =	sshra.s32 s0, $0xD;
	v5 =	vsel vm1, s24, v5  }
0x6db: {  	s7 =	sshra.s32 s7, $0xD;
	s3 =	sadd.s32 s17, s3;
	s17 =	sshrl.u32 s1, $0x1F;
	v6 =	vsel vm0, s29, v6;
	v4 =	vsel vm1, s14, v4;
	v3 =	vsel vm1, s0, v3  }
0x6dc: {  	s10 =	sshrl.u32 s26, $0x1F;
	s6 =	sshra.s32 s26, $0x1F;
	s1 =	sshra.s32 s1, $0xD;
	v5 =	vsel vm11, s23, v5;
	v6 =	vsel vm1, s20, v6;
	v4 =	vsel vm2, s17, v4  }
0x6dd: {  	s20 =	sshra.s32 s26, $0xD;
	s26 =	sshrl.u32 s3, $0x1F;
	s3 =	sshra.s32 s3, $0xD;
	v3 =	vsel vm2, s1, v3;
	v5 =	vsel vm2, s2, v5;
	v6 =	vsel vm2, s15, v6  }
0x6de: {  	s4 =	sadd.s32 s4, s11;
	s23 =	smul.u32 $0x14F8B589, s13;
	s13 =	sadd.s32 s28, s25;
	v7 =	vmov s26;
	v8 =	vmov s3;
	v5 =	vsel vm12, s22, v5  }
0x6df: {  	s24 =	sshrl.u32 s4, $0x1F;
	s15 =	sadd.s32 s5, s19;
	s17 =	sshrl.u32 s13, $0x1F;
	v6 =	vsel vm4, s10, v6;
	v7 =	vsel vm0, s12, v7;
	v5 =	vsel vm4, s20, v5  }
0x6e0: {  	s10 =	sshra.s32 s4, $0xD;
	s14 =	sadd.s32 s23, s21;
	v8 =	vsel vm0, s7, v8;
	v6 =	vsel vm5, s24, v6;
	s20 =	sshra.s32 s13, $0xD;
	v5 =	vsel vm13, s6, v5  }
0x6e1: {  	s19 =	sshra.s32 s4, $0x1F;
	s25 =	sshrl.u32 s15, $0x1F;
	v7 =	vsel vm1, s17, v7;
	s22 =	sshrl.u32 s14, $0x1F;
	v8 =	vsel vm1, s20, v8;
	v5 =	vsel vm5, s10, v5  }
0x6e2: {  	s21 =	sshra.s32 s15, $0xD;
	s23 =	sshra.s32 s14, $0xD;
	v7 =	vsel vm2, s22, v7;
	v6 =	vsel vm6, s25, v6;
	v5 =	vsel vm14, s19, v5  }
0x6e3: {  	s2 =	sshrl.u32 s18, $0x1F;
	s24 =	sshra.s32 s15, $0x1F;
	v8 =	vsel vm2, s23, v8;
	v4 =	vcombine.low v7, v4;
	v5 =	vsel vm6, s21, v5  }
0x6e4: {  	s26 =	sshra.s32 s18, $0xD;
	v6 =	vsel vm7, s2, v6;
	v3 =	vcombine.low v8, v3;
	v5 =	vsel vm15, s24, v5  }
0x6e5: {  	v6 =	vperm.xlane v6, v1;
	v4 =	vperm.xlane v4, v0;
	v5 =	vsel vm7, s26, v5  }
0x6e6: {  	v3 =	vperm.xlane v3, v0;
	v5 =	vperm.xlane v5, v1;
	_ =	sdelay $0x1  }
0x6e7: {  	v4 =	vsel vm8, v6, v4;
	v3 =	vsel vm8, v5, v3  }
0x6e8: {  	v3 =	vadd.s32 v4, v3  }
0x6e9: {  	v3 =	vmul.u32 $0x186A0, v3;
	_ =	sdelay $0x1  }
0x6ea: {  	v2 =	vsub.s32 v2, v3  }
0x6eb: {  	[tilespmem:s16+$0x680] =	vst v2;
	s16 =	simm.s32 $0x0  }
0x6ec: {  	v2 =	vld [tilespmem:s16+$0x700];
	_ =	sdelay $0x4  }
0x6ed: {  	(v2sf) =	vpush v2, $0x0  }
0x6ee: {  	(v2sf) =	vpush v2, $0x1;
	_ =	sdelay $0x1  }
0x6ef: {  	(v2sf) =	vpush v2, $0x2;
	_ =	sdelay $0x1  }
0x6f0: {  	(v2sf) =	vpush v2, $0x7;
	_ =	sdelay $0x2  }
0x6f1: {  	(v2sf) =	vpush v2, $0x3  }
0x6f2: {  	(v2sf) =	vpush v2, $0x4  }
0x6f3: {  	(v2sf) =	vpush v2, $0xC  }
0x6f4: {  	(v2sf) =	vpush v2, $0xD;
	_ =	sdelay $0x3  }
0x6f5: {  	(v2sf) =	vpush v2, $0xE;
	s3 =	spop (v2sf)  }
0x6f6: {  	s2 =	smulhi.u32 $0x14F8B589, s3;
	s4 =	spop (v2sf)  }
0x6f7: {  	(v2sf) =	vpush v2, $0x8;
	s0 =	sshra.s32 s3, $0x1F;
	s5 =	smulhi.u32 $0x14F8B589, s4  }
0x6f8: {  	(v2sf) =	vpush v2, $0xF;
	s10 =	spop (v2sf);
	s0 =	smul.u32 $0x14F8B589, s0  }
0x6f9: {  	s1 =	sshra.s32 s4, $0x1F;
	s11 =	smulhi.u32 $0x14F8B589, s10  }
0x6fa: {  	s20 =	spop (v2sf);
	s1 =	smul.u32 $0x14F8B589, s1  }
0x6fb: {  	(v2sf) =	vpush v2, $0x9;
	s4 =	sshra.s32 s10, $0x1F;
	s7 =	smulhi.u32 $0x14F8B589, s20  }
0x6fc: {  	s6 =	sshra.s32 s20, $0x1F;
	s4 =	smul.u32 $0x14F8B589, s4  }
0x6fd: {  	(v2sf) =	vpush v2, $0xA;
	s21 =	spop (v2sf);
	s6 =	smul.u32 $0x14F8B589, s6  }
0x6fe: {  	(v2sf) =	vpush v2, $0x5;
	s10 =	spop (v2sf);
	s12 =	smulhi.u32 $0x14F8B589, s21;
	s8 =	sshra.s32 s21, $0x1F  }
0x6ff: {  	s22 =	sshra.s32 s10, $0x1F;
	s23 =	spop (v2sf);
	s10 =	smulhi.u32 $0x14F8B589, s10  }
0x700: {  	s4 =	sadd.s32 s4, s11;
	s19 =	smul.u32 $0x14F8B589, s22;
	s25 =	spop (v2sf)  }
0x701: {  	(v2sf) =	vpush v2, $0xB;
	s26 =	sshra.s32 s23, $0x1F;
	s24 =	sshra.s32 s4, $0xD;
	s11 =	smulhi.u32 $0x14F8B589, s23  }
0x702: {  	s20 =	sshrl.u32 s4, $0x1F;
	s23 =	sshra.s32 s4, $0x1F;
	s4 =	smul.u32 $0x14F8B589, s8  }
0x703: {  	s14 =	smulhi.u32 $0x14F8B589, s25  }
0x704: {  	(v2sf) =	vpush v2, $0x6;
	s17 =	sadd.s32 s1, s5;
	s15 =	spop (v2sf);
	s18 =	smul.u32 $0x14F8B589, s26  }
0x705: {  	s29 =	sshrl.u32 s17, $0x1F;
	s21 =	sshra.s32 s25, $0x1F;
	s26 =	smulhi.u32 $0x14F8B589, s15  }
0x706: {  	s13 =	spop (v2sf);
	s1 =	sshra.s32 s15, $0x1F;
	s5 =	smul.u32 $0x14F8B589, s21  }
0x707: {  	s4 =	sadd.s32 s4, s12;
	[smem:$0x7E3] =	sst s1;
	s22 =	spop (v2sf)  }
0x708: {  	s11 =	sadd.s32 s18, s11;
	s18 =	sadd.s32 s6, s7;
	s15 =	sshrl.u32 s4, $0x1F  }
0x709: {  	s6 =	sadd.s32 s0, s2;
	s25 =	sshra.s32 s22, $0x1F;
	s9 =	smulhi.u32 $0x14F8B589, s22  }
0x70a: {  	s2 =	sshra.s32 s4, $0xD;
	s1 =	smul.u32 $0x14F8B589, s25;
	s8 =	spop (v2sf)  }
0x70b: {  	s30 =	sshrl.u32 s11, $0x1F;
	s21 =	sshra.s32 s8, $0x1F;
	s22 =	smulhi.u32 $0x14F8B589, s8  }
0x70c: {  	s5 =	sadd.s32 s5, s14;
	s8 =	spop (v2sf);
	s3 =	smul.u32 $0x14F8B589, s21  }
0x70d: {  	s14 =	sshra.s32 s11, $0xD;
	s21 =	spop (v2sf);
	s25 =	smulhi.u32 $0x14F8B589, s8  }
0x70e: {  	s31 =	sshra.s32 s5, $0xD;
	s12 =	sshra.s32 s8, $0x1F;
	s11 =	smulhi.u32 $0x14F8B589, s21  }
0x70f: {  	s8 =	sshrl.u32 s5, $0x1F;
	s5 =	sshra.s32 s17, $0x1F;
	s28 =	smul.u32 $0x14F8B589, s12  }
0x710: {  	v4 =	vmov s30;
	s12 =	sshra.s32 s13, $0x1F;
	s30 =	spop (v2sf);
	s7 =	sadd.s32 s3, s22  }
0x711: {  	s22 =	sshra.s32 s4, $0x1F;
	s3 =	smulhi.u32 $0x14F8B589, s13;
	s13 =	sld [smem:$0x7E3]  }
0x712: {  	v3 =	vmov s14;
	s4 =	sshra.s32 s21, $0x1F;
	s21 =	sshra.s32 s17, $0xD;
	s17 =	sshra.s32 s18, $0x1F  }
0x713: {  	s14 =	sshra.s32 s6, $0xD;
	v3 =	vsel vm0, s31, v3;
	v4 =	vsel vm0, s8, v4;
	s31 =	smulhi.u32 $0x14F8B589, s30;
	s8 =	spop (v2sf);
	v5 =	vmov s17  }
0x714: {  	s17 =	simm.s32 $0x40;
	v5 =	vsel vm3, s14, v5;
	s0 =	smul.u32 $0x14F8B589, s13;
	s13 =	sshra.s32 s6, $0x1F  }
.LBB2_30:
0x715: {  	s14 =	sshrl.u32 s7, $0x1F;
	s12 =	smul.u32 $0x14F8B589, s12  }
0x716: {  	s30 =	sshra.s32 s30, $0x1F;
	v5 =	vsel vm9, s13, v5;
	s1 =	sadd.s32 s1, s9;
	s6 =	sshrl.u32 s6, $0x1F  }
0x717: {  	s4 =	smul.u32 $0x14F8B589, s4;
	v5 =	vsel vm0, s21, v5;
	s0 =	sadd.s32 s0, s26;
	s13 =	sshrl.u32 s1, $0x1F  }
0x718: {  	v6 =	vmov s6;
	s26 =	smul.u32 $0x14F8B589, s30;
	s1 =	sshra.s32 s1, $0xD;
	s3 =	sadd.s32 s12, s3;
	v5 =	vsel vm10, s5, v5  }
0x719: {  	s6 =	sadd.s32 s19, s10;
	v6 =	vnsel vm3, $0x0, v6;
	s21 =	sshrl.u32 s0, $0x1F;
	s0 =	sshra.s32 s0, $0xD;
	v5 =	vsel vm1, s24, v5  }
0x71a: {  	s19 =	sshra.s32 s8, $0x1F;
	s4 =	sadd.s32 s4, s11;
	s9 =	sshrl.u32 s6, $0x1F;
	v6 =	vsel vm0, s29, v6;
	v4 =	vsel vm1, s21, v4;
	v3 =	vsel vm1, s0, v3  }
0x71b: {  	s10 =	smul.u32 $0x14F8B589, s19;
	s24 =	sshra.s32 s6, $0xD;
	s11 =	sshrl.u32 s4, $0x1F;
	v5 =	vsel vm11, s23, v5;
	v6 =	vsel vm1, s20, v6;
	v4 =	vsel vm2, s13, v4  }
0x71c: {  	s6 =	sshra.s32 s6, $0x1F;
	s13 =	sshrl.u32 s3, $0x1F;
	s3 =	sshra.s32 s3, $0xD;
	v3 =	vsel vm2, s1, v3;
	v5 =	vsel vm2, s2, v5;
	v6 =	vsel vm2, s15, v6  }
0x71d: {  	s19 =	sshra.s32 s4, $0xD;
	s23 =	smulhi.u32 $0x14F8B589, s8;
	s20 =	sadd.s32 s28, s25;
	v7 =	vmov s13;
	v8 =	vmov s3;
	v5 =	vsel vm12, s22, v5  }
0x71e: {  	s5 =	sadd.s32 s26, s31;
	s15 =	sshra.s32 s7, $0xD;
	s26 =	sshra.s32 s20, $0xD;
	v6 =	vsel vm4, s9, v6;
	v7 =	vsel vm0, s14, v7;
	v5 =	vsel vm4, s24, v5  }
0x71f: {  	s21 =	sadd.s32 s10, s23;
	s22 =	sshrl.u32 s20, $0x1F;
	s23 =	sshra.s32 s5, $0xD;
	v8 =	vsel vm0, s15, v8;
	v6 =	vsel vm5, s11, v6;
	v5 =	vsel vm13, s6, v5  }
0x720: {  	s5 =	sshrl.u32 s5, $0x1F;
	s24 =	sshra.s32 s4, $0x1F;
	v7 =	vsel vm1, s22, v7;
	s25 =	sshrl.u32 s21, $0x1F;
	v8 =	vsel vm1, s26, v8;
	v5 =	vsel vm5, s19, v5  }
0x721: {  	s4 =	sshra.s32 s21, $0xD;
	v6 =	vsel vm6, s25, v6;
	v7 =	vsel vm2, s5, v7;
	v5 =	vsel vm14, s24, v5  }
0x722: {  	s7 =	sshrl.u32 s18, $0x1F;
	s8 =	sshra.s32 s21, $0x1F;
	v8 =	vsel vm2, s23, v8;
	v4 =	vcombine.low v7, v4;
	v5 =	vsel vm6, s4, v5  }
0x723: {  	s9 =	sshra.s32 s18, $0xD;
	v3 =	vcombine.low v8, v3;
	v6 =	vsel vm7, s7, v6;
	v5 =	vsel vm15, s8, v5  }
0x724: {  	v6 =	vperm.xlane v6, v1;
	v4 =	vperm.xlane v4, v0;
	v5 =	vsel vm7, s9, v5  }
0x725: {  	v3 =	vperm.xlane v3, v0;
	v5 =	vperm.xlane v5, v1;
	_ =	sdelay $0x1  }
0x726: {  	v4 =	vsel vm8, v6, v4;
	v3 =	vsel vm8, v5, v3  }
0x727: {  	v3 =	vadd.s32 v4, v3  }
0x728: {  	v3 =	vmul.u32 $0x186A0, v3;
	_ =	sdelay $0x1  }
0x729: {  	s10 =	smov.u32 s17;
	v2 =	vsub.s32 v2, v3  }
0x72a: {  	s11 =	sshra.s32 s10, $0x2;
	[tilespmem:s16+$0x700] =	vst v2  }
0x72b: {  	v2 =	vld [tilespmem:s11+$0x700];
	_ =	sdelay $0x4  }
0x72c: {  	(v2sf) =	vpush v2, $0x0  }
0x72d: {  	(v2sf) =	vpush v2, $0x1  }
0x72e: {  	(v2sf) =	vpush v2, $0x2;
	_ =	sdelay $0x1  }
0x72f: {  	(v2sf) =	vpush v2, $0x7;
	_ =	sdelay $0x2  }
0x730: {  	(v2sf) =	vpush v2, $0x3  }
0x731: {  	(v2sf) =	vpush v2, $0x4;
	_ =	sdelay $0x1  }
0x732: {  	(v2sf) =	vpush v2, $0xC;
	_ =	sdelay $0x1  }
0x733: {  	(v2sf) =	vpush v2, $0xD;
	_ =	sdelay $0x2  }
0x734: {  	(v2sf) =	vpush v2, $0xE;
	s12 =	spop (v2sf)  }
0x735: {  	s7 =	smulhi.u32 $0x14F8B589, s12;
	s13 =	spop (v2sf)  }
0x736: {  	(v2sf) =	vpush v2, $0x8;
	s14 =	smulhi.u32 $0x14F8B589, s13;
	s15 =	spop (v2sf)  }
0x737: {  	(v2sf) =	vpush v2, $0xF;
	s0 =	sshra.s32 s13, $0x1F;
	s16 =	smulhi.u32 $0x14F8B589, s15  }
0x738: {  	p0 =	sne.s32 s17, $0x1C0;
	(v2sf) =	vpush v2, $0x9;
	s19 =	spop (v2sf);
	s0 =	smul.u32 $0x14F8B589, s0  }
0x739: {  	s17 =	sadd.s32 $0x40, s17;
	s2 =	sshra.s32 s15, $0x1F;
	s28 =	smulhi.u32 $0x14F8B589, s19  }
0x73a: {  	[dreg:$0x12] =	wrdreg s11;
	s4 =	sshra.s32 s19, $0x1F;
	s24 =	smul.u32 $0x14F8B589, s2  }
0x73b: {  	s18 =	sshra.s32 s12, $0x1F;
	s20 =	spop (v2sf);
	s31 =	smul.u32 $0x14F8B589, s4  }
0x73c: {  	s22 =	sshra.s32 s20, $0x1F;
	s10 =	spop (v2sf);
	s3 =	smulhi.u32 $0x14F8B589, s20  }
0x73d: {  	(v2sf) =	vpush v2, $0xA;
	s8 =	sadd.s32 s0, s14;
	s23 =	sshra.s32 s10, $0x1F;
	s6 =	smul.u32 $0x14F8B589, s22  }
0x73e: {  	s25 =	spop (v2sf);
	s21 =	sshra.s32 s8, $0xD;
	s10 =	smulhi.u32 $0x14F8B589, s10  }
0x73f: {  	s0 =	sadd.s32 s24, s16;
	s29 =	sshrl.u32 s8, $0x1F;
	s11 =	smul.u32 $0x14F8B589, s23  }
0x740: {  	(v2sf) =	vpush v2, $0x5;
	s12 =	spop (v2sf);
	s13 =	sshra.s32 s25, $0x1F;
	s15 =	smulhi.u32 $0x14F8B589, s25  }
0x741: {  	s24 =	sshra.s32 s0, $0xD;
	s20 =	sshrl.u32 s0, $0x1F;
	s5 =	smulhi.u32 $0x14F8B589, s12  }
0x742: {  	(v2sf) =	vpush v2, $0xB;
	s23 =	sshra.s32 s0, $0x1F;
	s2 =	sshra.s32 s12, $0x1F;
	s4 =	smul.u32 $0x14F8B589, s13  }
0x743: {  	s14 =	spop (v2sf);
	(v2sf) =	vpush v2, $0x6;
	s3 =	sadd.s32 s6, s3;
	s6 =	smul.u32 $0x14F8B589, s18  }
0x744: {  	s18 =	sadd.s32 s31, s28;
	[smem:$0x7E2] =	sst s11;
	s26 =	smulhi.u32 $0x14F8B589, s14  }
0x745: {  	s13 =	sshra.s32 s14, $0x1F;
	s14 =	spop (v2sf);
	s2 =	smul.u32 $0x14F8B589, s2  }
0x746: {  	s12 =	sshra.s32 s14, $0x1F;
	s16 =	spop (v2sf);
	s0 =	sadd.s32 s4, s15  }
0x747: {  	s15 =	sshrl.u32 s3, $0x1F;
	s11 =	sshra.s32 s16, $0x1F;
	s19 =	spop (v2sf)  }
0x748: {  	s9 =	smulhi.u32 $0x14F8B589, s16;
	s4 =	sshrl.u32 s0, $0x1F;
	s5 =	sadd.s32 s2, s5  }
0x749: {  	s0 =	sshra.s32 s0, $0xD;
	s22 =	sshra.s32 s19, $0x1F;
	s16 =	smulhi.u32 $0x14F8B589, s19  }
0x74a: {  	s6 =	sadd.s32 s6, s7;
	s2 =	sshra.s32 s5, $0xD;
	v3 =	vmov s0;
	s19 =	smul.u32 $0x14F8B589, s22  }
0x74b: {  	s1 =	smul.u32 $0x14F8B589, s11;
	v3 =	vsel vm0, s2, v3;
	s2 =	sshra.s32 s3, $0xD;
	s22 =	sshra.s32 s3, $0x1F  }
0x74c: {  	s3 =	smulhi.u32 $0x14F8B589, s14;
	s7 =	sadd.s32 s19, s16;
	s25 =	spop (v2sf)  }
0x74d: {  	v4 =	vmov s4;
	s19 =	sld [smem:$0x7E2];
	s4 =	sshra.s32 s25, $0x1F;
	s25 =	smulhi.u32 $0x14F8B589, s25  }
.Ltmp14:
0x74e: {  	s5 =	sshrl.u32 s5, $0x1F;
	s16 =	rddreg [dreg:$0x12];
	(pc) =	sbr.rel @p0 .LBB2_30-.Ltmp14, $4  }
0x74f: {  	v4 =	vsel vm0, s5, v4;
	s5 =	sshra.s32 s8, $0x1F;
	s28 =	smul.u32 $0x14F8B589, s4;
	s0 =	spop (v2sf)  }
0x750: {  	s11 =	smulhi.u32 $0x14F8B589, s0;
	s4 =	sshra.s32 s0, $0x1F;
	s0 =	sshra.s32 s18, $0x1F  }
0x751: {  	s14 =	sshra.s32 s6, $0xD;
	v5 =	vmov s0;
	s0 =	smul.u32 $0x14F8B589, s13;
	s30 =	spop (v2sf)  }
0x752: {  	s13 =	sshra.s32 s6, $0x1F;
	v5 =	vsel vm3, s14, v5;
	s31 =	smulhi.u32 $0x14F8B589, s30;
	s8 =	spop (v2sf)  }
0x753: {  	s1 =	sadd.s32 s1, s9  }
0x754: {  	v5 =	vsel vm9, s13, v5;
	s0 =	sadd.s32 s0, s26;
	s14 =	smul.u32 $0x14F8B589, s12;
	s6 =	sshrl.u32 s6, $0x1F  }
0x755: {  	s12 =	sshrl.u32 s7, $0x1F;
	s17 =	sshra.s32 s30, $0x1F;
	s4 =	smul.u32 $0x14F8B589, s4;
	v5 =	vsel vm0, s21, v5  }
0x756: {  	s26 =	smulhi.u32 $0x14F8B589, s8;
	v6 =	vmov s6;
	s6 =	sadd.s32 s19, s10;
	s19 =	sshra.s32 s8, $0x1F;
	v5 =	vsel vm10, s5, v5  }
0x757: {  	s3 =	sadd.s32 s14, s3;
	v6 =	vnsel vm3, $0x0, v6;
	s14 =	sshrl.u32 s0, $0x1F;
	s0 =	sshra.s32 s0, $0xD;
	v5 =	vsel vm1, s24, v5  }
0x758: {  	s21 =	sshrl.u32 s1, $0x1F;
	s1 =	sshra.s32 s1, $0xD;
	s10 =	sshrl.u32 s6, $0x1F;
	v6 =	vsel vm0, s29, v6;
	v4 =	vsel vm1, s14, v4;
	v3 =	vsel vm1, s0, v3  }
0x759: {  	s5 =	smul.u32 $0x14F8B589, s19;
	s19 =	sshrl.u32 s3, $0x1F;
	s3 =	sshra.s32 s3, $0xD;
	v5 =	vsel vm11, s23, v5;
	v6 =	vsel vm1, s20, v6;
	v4 =	vsel vm2, s21, v4  }
0x75a: {  	s4 =	sadd.s32 s4, s11;
	s11 =	sshra.s32 s6, $0xD;
	s6 =	sshra.s32 s6, $0x1F;
	v7 =	vmov s19;
	v8 =	vmov s3;
	v5 =	vsel vm2, s2, v5  }
0x75b: {  	s14 =	smul.u32 $0x14F8B589, s17;
	s17 =	sshrl.u32 s4, $0x1F;
	s20 =	sshra.s32 s7, $0xD;
	v3 =	vsel vm2, s1, v3;
	v6 =	vsel vm2, s15, v6;
	v5 =	vsel vm12, s22, v5  }
0x75c: {  	s21 =	sshra.s32 s4, $0xD;
	s24 =	sadd.s32 s5, s26;
	v7 =	vsel vm0, s12, v7;
	v6 =	vsel vm4, s10, v6;
	s22 =	sadd.s32 s28, s25;
	v5 =	vsel vm4, s11, v5  }
0x75d: {  	s23 =	sadd.s32 s14, s31;
	v8 =	vsel vm0, s20, v8;
	s25 =	sshrl.u32 s22, $0x1F;
	v6 =	vsel vm5, s17, v6;
	s2 =	sshra.s32 s22, $0xD;
	v5 =	vsel vm13, s6, v5  }
0x75e: {  	s26 =	sshra.s32 s4, $0x1F;
	s8 =	sshrl.u32 s24, $0x1F;
	s5 =	sshrl.u32 s23, $0x1F;
	v7 =	vsel vm1, s25, v7;
	v8 =	vsel vm1, s2, v8;
	v5 =	vsel vm5, s21, v5  }
0x75f: {  	s4 =	sshra.s32 s24, $0xD;
	s6 =	sshra.s32 s23, $0xD;
	v6 =	vsel vm6, s8, v6;
	v7 =	vsel vm2, s5, v7;
	v5 =	vsel vm14, s26, v5  }
0x760: {  	s7 =	sshra.s32 s24, $0x1F;
	s10 =	sshrl.u32 s18, $0x1F;
	v8 =	vsel vm2, s6, v8;
	v4 =	vcombine.low v7, v4;
	v5 =	vsel vm6, s4, v5  }
0x761: {  	s9 =	sshra.s32 s18, $0xD;
	v6 =	vsel vm7, s10, v6;
	v3 =	vcombine.low v8, v3;
	v5 =	vsel vm15, s7, v5  }
0x762: {  	v6 =	vperm.xlane v6, v1;
	v4 =	vperm.xlane v4, v0;
	v5 =	vsel vm7, s9, v5  }
0x763: {  	v3 =	vperm.xlane v3, v0;
	v5 =	vperm.xlane v5, v1;
	_ =	sdelay $0x1  }
0x764: {  	v4 =	vsel vm8, v6, v4;
	v3 =	vsel vm8, v5, v3  }
0x765: {  	v3 =	vadd.s32 v4, v3  }
0x766: {  	v3 =	vmul.u32 $0x186A0, v3;
	_ =	sdelay $0x1  }
0x767: {  	v2 =	vsub.s32 v2, v3  }
0x768: {  	[tilespmem:s16+$0x700] =	vst v2;
	s16 =	simm.s32 $0x0  }
0x769: {  	v2 =	vld [tilespmem:s16+$0x780];
	_ =	sdelay $0x4  }
0x76a: {  	(v2sf) =	vpush v2, $0x0  }
0x76b: {  	(v2sf) =	vpush v2, $0x1  }
0x76c: {  	(v2sf) =	vpush v2, $0x2;
	_ =	sdelay $0x1  }
0x76d: {  	(v2sf) =	vpush v2, $0x7;
	_ =	sdelay $0x2  }
0x76e: {  	(v2sf) =	vpush v2, $0x3;
	_ =	sdelay $0x1  }
0x76f: {  	(v2sf) =	vpush v2, $0x4;
	_ =	sdelay $0x1  }
0x770: {  	(v2sf) =	vpush v2, $0xC  }
0x771: {  	(v2sf) =	vpush v2, $0xD;
	_ =	sdelay $0x1  }
0x772: {  	(v2sf) =	vpush v2, $0xE  }
0x773: {  	s11 =	spop (v2sf)  }
0x774: {  	(v2sf) =	vpush v2, $0x8;
	s2 =	smulhi.u32 $0x14F8B589, s11;
	s12 =	spop (v2sf)  }
0x775: {  	(v2sf) =	vpush v2, $0xF;
	s13 =	smulhi.u32 $0x14F8B589, s12;
	s14 =	spop (v2sf)  }
0x776: {  	s1 =	sshra.s32 s12, $0x1F;
	s15 =	smulhi.u32 $0x14F8B589, s14  }
0x777: {  	(v2sf) =	vpush v2, $0x9;
	s20 =	spop (v2sf);
	s1 =	smul.u32 $0x14F8B589, s1  }
0x778: {  	s4 =	sshra.s32 s14, $0x1F;
	s7 =	smulhi.u32 $0x14F8B589, s20  }
0x779: {  	s6 =	sshra.s32 s20, $0x1F;
	s4 =	smul.u32 $0x14F8B589, s4  }
0x77a: {  	(v2sf) =	vpush v2, $0xA;
	s21 =	spop (v2sf);
	s6 =	smul.u32 $0x14F8B589, s6  }
0x77b: {  	s12 =	smulhi.u32 $0x14F8B589, s21;
	s8 =	sshra.s32 s21, $0x1F  }
0x77c: {  	(v2sf) =	vpush v2, $0x5;
	s9 =	spop (v2sf);
	s8 =	smul.u32 $0x14F8B589, s8  }
0x77d: {  	s22 =	sshra.s32 s9, $0x1F;
	s9 =	smulhi.u32 $0x14F8B589, s9  }
0x77e: {  	s17 =	sadd.s32 s1, s13;
	s23 =	spop (v2sf);
	s19 =	smul.u32 $0x14F8B589, s22  }
0x77f: {  	(v2sf) =	vpush v2, $0xB;
	s4 =	sadd.s32 s4, s15;
	s25 =	spop (v2sf);
	s15 =	smulhi.u32 $0x14F8B589, s23  }
0x780: {  	s26 =	sshra.s32 s23, $0x1F;
	s24 =	sshra.s32 s4, $0xD;
	s14 =	smulhi.u32 $0x14F8B589, s25  }
0x781: {  	s20 =	sshrl.u32 s4, $0x1F;
	s0 =	spop (v2sf);
	s3 =	smul.u32 $0x14F8B589, s26  }
0x782: {  	s23 =	sshra.s32 s4, $0x1F;
	s13 =	sshra.s32 s25, $0x1F;
	s25 =	smulhi.u32 $0x14F8B589, s0  }
0x783: {  	(v2sf) =	vpush v2, $0x6;
	s4 =	spop (v2sf);
	s0 =	sshra.s32 s0, $0x1F;
	s5 =	smul.u32 $0x14F8B589, s13  }
0x784: {  	s18 =	sshra.s32 s11, $0x1F;
	s22 =	spop (v2sf);
	s0 =	smul.u32 $0x14F8B589, s0  }
0x785: {  	s31 =	sshra.s32 s17, $0xD;
	s11 =	sshra.s32 s22, $0x1F;
	s21 =	smulhi.u32 $0x14F8B589, s22  }
0x786: {  	s8 =	sadd.s32 s8, s12;
	s1 =	smul.u32 $0x14F8B589, s11;
	s26 =	spop (v2sf)  }
0x787: {  	s13 =	sadd.s32 s3, s15;
	s22 =	sshra.s32 s26, $0x1F;
	s10 =	smulhi.u32 $0x14F8B589, s26  }
0x788: {  	s29 =	sshrl.u32 s8, $0x1F;
	s30 =	sshrl.u32 s13, $0x1F;
	s3 =	smul.u32 $0x14F8B589, s22  }
0x789: {  	s14 =	sadd.s32 s5, s14;
	s26 =	spop (v2sf);
	s22 =	smul.u32 $0x14F8B589, s18  }
0x78a: {  	s5 =	sshra.s32 s14, $0xD;
	s12 =	sshra.s32 s26, $0x1F;
	s26 =	smulhi.u32 $0x14F8B589, s26  }
0x78b: {  	s28 =	spop (v2sf);
	s18 =	sadd.s32 s6, s7;
	s6 =	smulhi.u32 $0x14F8B589, s4  }
0x78c: {  	s13 =	sshra.s32 s13, $0xD;
	[smem:$0x7E1] =	sst s5;
	s11 =	smulhi.u32 $0x14F8B589, s28  }
0x78d: {  	s14 =	sshrl.u32 s14, $0x1F;
	v3 =	vmov s13;
	s13 =	sld [smem:$0x7E1];
	s7 =	smul.u32 $0x14F8B589, s12  }
0x78e: {  	v4 =	vmov s30;
	s12 =	sshra.s32 s4, $0x1F;
	s4 =	sshra.s32 s17, $0x1F;
	s30 =	spop (v2sf)  }
0x78f: {  	s5 =	sadd.s32 s22, s2;
	s2 =	sshra.s32 s8, $0xD;
	s15 =	sadd.s32 s3, s10  }
0x790: {  	s22 =	sshra.s32 s8, $0x1F;
	s3 =	sshra.s32 s28, $0x1F;
	s10 =	sshra.s32 s18, $0x1F  }
0x791: {  	s28 =	sshrl.u32 s17, $0x1F;
	s17 =	simm.s32 $0x40;
	v5 =	vmov s10;
	s8 =	sshra.s32 s5, $0xD  }
0x792: {  	v4 =	vsel vm0, s14, v4;
	v3 =	vsel vm0, s13, v3;
	s10 =	smulhi.u32 $0x14F8B589, s30;
	s13 =	sshra.s32 s5, $0x1F;
	v5 =	vsel vm3, s8, v5;
	s8 =	spop (v2sf)  }
.LBB2_32:
0x793: {  	s14 =	sshrl.u32 s15, $0x1F  }
0x794: {  	s12 =	smul.u32 $0x14F8B589, s12;
	s30 =	sshra.s32 s30, $0x1F;
	v5 =	vsel vm9, s13, v5;
	s5 =	sshrl.u32 s5, $0x1F  }
0x795: {  	s3 =	smul.u32 $0x14F8B589, s3;
	s1 =	sadd.s32 s1, s21;
	v5 =	vsel vm0, s31, v5;
	s0 =	sadd.s32 s0, s25  }
0x796: {  	v6 =	vmov s5;
	s5 =	sadd.s32 s19, s9;
	s21 =	sshra.s32 s8, $0x1F;
	s7 =	sadd.s32 s7, s26;
	v5 =	vsel vm10, s4, v5  }
0x797: {  	s6 =	sadd.s32 s12, s6;
	v6 =	vnsel vm3, $0x0, v6;
	s25 =	sshrl.u32 s0, $0x1F;
	s0 =	sshra.s32 s0, $0xD;
	v5 =	vsel vm1, s24, v5  }
0x798: {  	s19 =	sshrl.u32 s1, $0x1F;
	s3 =	sadd.s32 s3, s11;
	s11 =	smul.u32 $0x14F8B589, s21;
	v6 =	vsel vm0, s28, v6;
	v4 =	vsel vm1, s25, v4;
	v3 =	vsel vm1, s0, v3  }
0x799: {  	s9 =	sshrl.u32 s5, $0x1F;
	s12 =	smulhi.u32 $0x14F8B589, s8;
	s1 =	sshra.s32 s1, $0xD;
	v5 =	vsel vm11, s23, v5;
	v6 =	vsel vm1, s20, v6;
	v4 =	vsel vm2, s19, v4  }
0x79a: {  	s26 =	sshra.s32 s7, $0xD;
	s19 =	sshrl.u32 s6, $0x1F;
	s6 =	sshra.s32 s6, $0xD;
	v3 =	vsel vm2, s1, v3;
	v5 =	vsel vm2, s2, v5;
	v6 =	vsel vm2, s29, v6  }
0x79b: {  	s24 =	smul.u32 $0x14F8B589, s30;
	s25 =	sshrl.u32 s3, $0x1F;
	s23 =	sshra.s32 s5, $0xD;
	v7 =	vmov s19;
	v8 =	vmov s6;
	v5 =	vsel vm12, s22, v5  }
0x79c: {  	s21 =	sshra.s32 s3, $0xD;
	s5 =	sshra.s32 s5, $0x1F;
	s20 =	sshra.s32 s15, $0xD;
	v6 =	vsel vm4, s9, v6;
	v7 =	vsel vm0, s14, v7;
	v5 =	vsel vm4, s23, v5  }
0x79d: {  	s4 =	sadd.s32 s24, s10;
	s22 =	sadd.s32 s11, s12;
	v8 =	vsel vm0, s20, v8;
	s23 =	sshrl.u32 s7, $0x1F;
	v6 =	vsel vm5, s25, v6;
	v5 =	vsel vm13, s5, v5  }
0x79e: {  	s3 =	sshra.s32 s3, $0x1F;
	s24 =	sshra.s32 s4, $0xD;
	s25 =	sshrl.u32 s22, $0x1F;
	v8 =	vsel vm1, s26, v8;
	v7 =	vsel vm1, s23, v7;
	v5 =	vsel vm5, s21, v5  }
0x79f: {  	s4 =	sshrl.u32 s4, $0x1F;
	s6 =	sshra.s32 s22, $0xD;
	v6 =	vsel vm6, s25, v6;
	v8 =	vsel vm2, s24, v8;
	v5 =	vsel vm14, s3, v5  }
0x7a0: {  	s7 =	sshrl.u32 s18, $0x1F;
	s8 =	sshra.s32 s22, $0x1F;
	v7 =	vsel vm2, s4, v7;
	v3 =	vcombine.low v8, v3;
	v5 =	vsel vm6, s6, v5  }
0x7a1: {  	s9 =	sshra.s32 s18, $0xD;
	v6 =	vsel vm7, s7, v6;
	v4 =	vcombine.low v7, v4;
	v5 =	vsel vm15, s8, v5  }
0x7a2: {  	v6 =	vperm.xlane v6, v1;
	v3 =	vperm.xlane v3, v0;
	v5 =	vsel vm7, s9, v5  }
0x7a3: {  	v4 =	vperm.xlane v4, v0;
	v5 =	vperm.xlane v5, v1;
	_ =	sdelay $0x1  }
0x7a4: {  	v4 =	vsel vm8, v6, v4;
	v3 =	vsel vm8, v5, v3  }
0x7a5: {  	v3 =	vadd.s32 v4, v3  }
0x7a6: {  	v3 =	vmul.u32 $0x186A0, v3;
	_ =	sdelay $0x1  }
0x7a7: {  	s10 =	smov.u32 s17;
	v2 =	vsub.s32 v2, v3  }
0x7a8: {  	s11 =	sshra.s32 s10, $0x2;
	[tilespmem:s16+$0x780] =	vst v2  }
0x7a9: {  	v2 =	vld [tilespmem:s11+$0x780];
	_ =	sdelay $0x4  }
0x7aa: {  	(v2sf) =	vpush v2, $0x0  }
0x7ab: {  	(v2sf) =	vpush v2, $0x1  }
0x7ac: {  	(v2sf) =	vpush v2, $0x2;
	_ =	sdelay $0x1  }
0x7ad: {  	(v2sf) =	vpush v2, $0x7;
	_ =	sdelay $0x1  }
0x7ae: {  	(v2sf) =	vpush v2, $0x3;
	_ =	sdelay $0x1  }
0x7af: {  	(v2sf) =	vpush v2, $0x4  }
0x7b0: {  	(v2sf) =	vpush v2, $0xC;
	_ =	sdelay $0x1  }
0x7b1: {  	(v2sf) =	vpush v2, $0xD;
	_ =	sdelay $0x2  }
0x7b2: {  	(v2sf) =	vpush v2, $0xE  }
0x7b3: {  	s12 =	spop (v2sf)  }
0x7b4: {  	(v2sf) =	vpush v2, $0x8;
	s10 =	smulhi.u32 $0x14F8B589, s12;
	s13 =	spop (v2sf)  }
0x7b5: {  	(v2sf) =	vpush v2, $0xF;
	s14 =	smulhi.u32 $0x14F8B589, s13;
	s15 =	spop (v2sf)  }
0x7b6: {  	p0 =	sne.s32 s17, $0x1C0;
	s0 =	sshra.s32 s13, $0x1F;
	s16 =	smulhi.u32 $0x14F8B589, s15  }
0x7b7: {  	s17 =	sadd.s32 $0x40, s17;
	(v2sf) =	vpush v2, $0x9;
	s20 =	spop (v2sf);
	s0 =	smul.u32 $0x14F8B589, s0  }
0x7b8: {  	s7 =	sshra.s32 s12, $0x1F;
	s2 =	sshra.s32 s15, $0x1F;
	s30 =	smulhi.u32 $0x14F8B589, s20  }
0x7b9: {  	s4 =	sshra.s32 s20, $0x1F;
	s21 =	spop (v2sf);
	s12 =	smul.u32 $0x14F8B589, s2  }
0x7ba: {  	[dreg:$0x11] =	wrdreg s11;
	s22 =	sshra.s32 s21, $0x1F;
	s18 =	smul.u32 $0x14F8B589, s4  }
0x7bb: {  	(v2sf) =	vpush v2, $0xA;
	s9 =	spop (v2sf);
	s8 =	sadd.s32 s0, s14;
	s3 =	smulhi.u32 $0x14F8B589, s21  }
0x7bc: {  	s26 =	sshra.s32 s9, $0x1F;
	s13 =	spop (v2sf);
	s6 =	smul.u32 $0x14F8B589, s22  }
0x7bd: {  	s31 =	sshra.s32 s8, $0xD;
	s0 =	sadd.s32 s12, s16;
	s9 =	smulhi.u32 $0x14F8B589, s9  }
0x7be: {  	(v2sf) =	vpush v2, $0x5;
	s28 =	sshrl.u32 s8, $0x1F;
	s19 =	smul.u32 $0x14F8B589, s26;
	s14 =	spop (v2sf)  }
0x7bf: {  	s15 =	sshra.s32 s13, $0x1F;
	s24 =	sshra.s32 s0, $0xD;
	s21 =	smulhi.u32 $0x14F8B589, s13  }
0x7c0: {  	(v2sf) =	vpush v2, $0xB;
	s20 =	sshrl.u32 s0, $0x1F;
	s23 =	sshra.s32 s0, $0x1F;
	s5 =	smulhi.u32 $0x14F8B589, s14  }
0x7c1: {  	s18 =	sadd.s32 s18, s30;
	s16 =	spop (v2sf);
	s4 =	smul.u32 $0x14F8B589, s15;
	(v2sf) =	vpush v2, $0x6  }
0x7c2: {  	s2 =	sshra.s32 s14, $0x1F;
	s3 =	sadd.s32 s6, s3;
	s25 =	smulhi.u32 $0x14F8B589, s16  }
0x7c3: {  	s13 =	sshra.s32 s16, $0x1F;
	s14 =	spop (v2sf);
	s2 =	smul.u32 $0x14F8B589, s2  }
0x7c4: {  	s29 =	sshrl.u32 s3, $0x1F;
	s12 =	sshra.s32 s14, $0x1F;
	s22 =	spop (v2sf)  }
0x7c5: {  	s0 =	sadd.s32 s4, s21;
	s6 =	smulhi.u32 $0x14F8B589, s14;
	s11 =	sshra.s32 s22, $0x1F  }
0x7c6: {  	s26 =	spop (v2sf);
	s21 =	smulhi.u32 $0x14F8B589, s22;
	s4 =	sshrl.u32 s0, $0x1F  }
0x7c7: {  	s5 =	sadd.s32 s2, s5;
	s0 =	sshra.s32 s0, $0xD;
	s16 =	smulhi.u32 $0x14F8B589, s26  }
0x7c8: {  	v4 =	vmov s4;
	s2 =	sshra.s32 s5, $0xD;
	s1 =	smul.u32 $0x14F8B589, s11;
	s5 =	sshrl.u32 s5, $0x1F  }
0x7c9: {  	s22 =	sshra.s32 s3, $0x1F;
	s15 =	sshra.s32 s26, $0x1F;
	v3 =	vmov s0;
	v4 =	vsel vm0, s5, v4;
	s5 =	smul.u32 $0x14F8B589, s7  }
0x7ca: {  	s15 =	smul.u32 $0x14F8B589, s15;
	v3 =	vsel vm0, s2, v3;
	s2 =	sshra.s32 s3, $0xD;
	s26 =	spop (v2sf)  }
0x7cb: {  	s5 =	sadd.s32 s5, s10;
	s4 =	sshra.s32 s26, $0x1F;
	s26 =	smulhi.u32 $0x14F8B589, s26  }
.Ltmp15:
0x7cc: {  	s15 =	sadd.s32 s15, s16;
	s16 =	rddreg [dreg:$0x11];
	(pc) =	sbr.rel @p0 .LBB2_32-.Ltmp15, $4  }
0x7cd: {  	s7 =	smul.u32 $0x14F8B589, s4;
	s4 =	sshra.s32 s18, $0x1F;
	s0 =	spop (v2sf)  }
0x7ce: {  	s14 =	sshra.s32 s5, $0xD;
	v5 =	vmov s4;
	s4 =	sshra.s32 s8, $0x1F;
	s11 =	smulhi.u32 $0x14F8B589, s0  }
0x7cf: {  	s3 =	sshra.s32 s0, $0x1F;
	s0 =	smul.u32 $0x14F8B589, s13;
	s30 =	spop (v2sf)  }
0x7d0: {  	v5 =	vsel vm3, s14, v5;
	s13 =	sshra.s32 s5, $0x1F;
	s10 =	smulhi.u32 $0x14F8B589, s30;
	s8 =	spop (v2sf)  }
0x7d1: {  	s12 =	smul.u32 $0x14F8B589, s12  }
0x7d2: {  	v5 =	vsel vm9, s13, v5;
	s1 =	sadd.s32 s1, s21;
	s0 =	sadd.s32 s0, s25;
	s5 =	sshrl.u32 s5, $0x1F  }
0x7d3: {  	s3 =	smul.u32 $0x14F8B589, s3;
	s13 =	sshra.s32 s8, $0x1F;
	s9 =	sadd.s32 s19, s9;
	v5 =	vsel vm0, s31, v5  }
0x7d4: {  	s14 =	sshra.s32 s30, $0x1F;
	v6 =	vmov s5;
	s19 =	sshrl.u32 s0, $0x1F;
	s0 =	sshra.s32 s0, $0xD;
	v5 =	vsel vm10, s4, v5  }
0x7d5: {  	s7 =	sadd.s32 s7, s26;
	s26 =	sshrl.u32 s15, $0x1F;
	s17 =	sshrl.u32 s1, $0x1F;
	v6 =	vnsel vm3, $0x0, v6;
	v4 =	vsel vm1, s19, v4;
	v3 =	vsel vm1, s0, v3  }
0x7d6: {  	s5 =	smul.u32 $0x14F8B589, s13;
	s1 =	sshra.s32 s1, $0xD;
	s6 =	sadd.s32 s12, s6;
	v5 =	vsel vm1, s24, v5;
	v6 =	vsel vm0, s28, v6;
	v4 =	vsel vm2, s17, v4  }
0x7d7: {  	s31 =	sshra.s32 s15, $0xD;
	s25 =	sshrl.u32 s6, $0x1F;
	s6 =	sshra.s32 s6, $0xD;
	v3 =	vsel vm2, s1, v3;
	v5 =	vsel vm11, s23, v5;
	v6 =	vsel vm1, s20, v6  }
0x7d8: {  	s3 =	sadd.s32 s3, s11;
	s4 =	smul.u32 $0x14F8B589, s14;
	s24 =	sshra.s32 s9, $0xD;
	v7 =	vmov s25;
	v8 =	vmov s6;
	v5 =	vsel vm2, s2, v5  }
0x7d9: {  	s28 =	sshra.s32 s9, $0x1F;
	s20 =	smulhi.u32 $0x14F8B589, s8;
	s23 =	sshrl.u32 s9, $0x1F;
	v6 =	vsel vm2, s29, v6;
	v7 =	vsel vm0, s26, v7;
	v5 =	vsel vm12, s22, v5  }
0x7da: {  	s21 =	sadd.s32 s4, s10;
	s4 =	sshrl.u32 s7, $0x1F;
	s6 =	sshra.s32 s7, $0xD;
	v8 =	vsel vm0, s31, v8;
	v6 =	vsel vm4, s23, v6;
	v5 =	vsel vm4, s24, v5  }
0x7db: {  	s30 =	sshra.s32 s3, $0xD;
	s29 =	sshrl.u32 s3, $0x1F;
	s8 =	sshrl.u32 s21, $0x1F;
	v7 =	vsel vm1, s4, v7;
	v8 =	vsel vm1, s6, v8;
	v5 =	vsel vm13, s28, v5  }
0x7dc: {  	s3 =	sshra.s32 s3, $0x1F;
	s9 =	sshra.s32 s21, $0xD;
	s5 =	sadd.s32 s5, s20;
	v6 =	vsel vm5, s29, v6;
	v7 =	vsel vm2, s8, v7;
	v5 =	vsel vm5, s30, v5  }
0x7dd: {  	s7 =	sshra.s32 s5, $0xD;
	v8 =	vsel vm2, s9, v8;
	s11 =	sshrl.u32 s5, $0x1F;
	v4 =	vcombine.low v7, v4;
	v5 =	vsel vm14, s3, v5  }
0x7de: {  	s13 =	sshrl.u32 s18, $0x1F;
	s10 =	sshra.s32 s5, $0x1F;
	v6 =	vsel vm6, s11, v6;
	v3 =	vcombine.low v8, v3;
	v5 =	vsel vm6, s7, v5  }
0x7df: {  	s12 =	sshra.s32 s18, $0xD;
	v6 =	vsel vm7, s13, v6;
	v5 =	vsel vm15, s10, v5  }
0x7e0: {  	v4 =	vperm.xlane v4, v0;
	v3 =	vperm.xlane v3, v0;
	v5 =	vsel vm7, s12, v5  }
0x7e1: {  	v6 =	vperm.xlane v6, v1;
	v5 =	vperm.xlane v5, v1;
	_ =	sdelay $0x1  }
0x7e2: {  	v4 =	vsel vm8, v6, v4;
	v3 =	vsel vm8, v5, v3  }
0x7e3: {  	v3 =	vadd.s32 v4, v3  }
0x7e4: {  	v3 =	vmul.u32 $0x186A0, v3  }
0x7e5: {  	s14 =	sld [smem:$0x7F4]  }
0x7e6: {  	v2 =	vsub.s32 v2, v3  }
0x7e7: {  	s1 =	simm.s32 $0x800;
	s2 =	simm.s32 $0x80;
	s5 =	simm.s32 $0x0;
	[tilespmem:s16+$0x780] =	vst v2  }
0x7e8: {  	[tilespmem:s1], [sflag:$0x1] =	stream.indirect.gather [hbm4b:s14+s2], $0x20, s5, s2, $0xb8;
	[tilespmem:$0x10800] =	vst v63  }
0x7e9: {  	s15 =	simm.s32 $0x1800  }
0x7ea: {  	[tilespmem:s15], [sflag:$0x1] =	stream.indirect.gather [hbm4b:s14+s2], $0x20, s2, s2, $0xb8;
	[tilespmem:$0x10800] =	vst v63  }
0x7eb: {  	s17 =	simm.s32 $0x2800;
	s16 =	simm.s32 $0x100  }
0x7ec: {  	[tilespmem:s17], [sflag:$0x1] =	stream.indirect.gather [hbm4b:s14+s2], $0x20, s16, s2, $0xb8;
	[tilespmem:$0x10800] =	vst v63  }
0x7ed: {  	s18 =	simm.s32 $0x180;
	s19 =	simm.s32 $0x3800;
	s20 =	sld [smem:$0x7F5]  }
0x7ee: {  	[tilespmem:s19], [sflag:$0x1] =	stream.indirect.gather [hbm4b:s14+s2], $0x20, s18, s2, $0xb8;
	[tilespmem:$0x10800] =	vst v63  }
0x7ef: {  	s21 =	simm.s32 $0x200;
	s4 =	simm.s32 $0x4800  }
0x7f0: {  	[tilespmem:s4], [sflag:$0x1] =	stream.indirect.gather [hbm4b:s20+s2], $0x20, s21, s2, $0xb8;
	[tilespmem:$0x10800] =	vst v63  }
0x7f1: {  	s22 =	simm.s32 $0x280;
	s23 =	simm.s32 $0x5800  }
0x7f2: {  	[tilespmem:s23], [sflag:$0x1] =	stream.indirect.gather [hbm4b:s20+s2], $0x20, s22, s2, $0xb8;
	[tilespmem:$0x10800] =	vst v63  }
0x7f3: {  	s25 =	simm.s32 $0x6800;
	s24 =	simm.s32 $0x300  }
0x7f4: {  	[tilespmem:s25], [sflag:$0x1] =	stream.indirect.gather [hbm4b:s20+s2], $0x20, s24, s2, $0xb8;
	[tilespmem:$0x10800] =	vst v63  }
0x7f5: {  	s26 =	simm.s32 $0x380;
	s29 =	sld [smem:$0x7F6];
	s28 =	simm.s32 $0x7800  }
0x7f6: {  	[tilespmem:s28], [sflag:$0x1] =	stream.indirect.gather [hbm4b:s20+s2], $0x20, s26, s2, $0xb8;
	[tilespmem:$0x10800] =	vst v63  }
0x7f7: {  	s31 =	simm.s32 $0x8800;
	s30 =	simm.s32 $0x400  }
0x7f8: {  	[tilespmem:s31], [sflag:$0x1] =	stream.indirect.gather [hbm4b:s29+s2], $0x20, s30, s2, $0xb8;
	[tilespmem:$0x10800] =	vst v63  }
0x7f9: {  	s8 =	simm.s32 $0x480;
	s9 =	simm.s32 $0x9800  }
0x7fa: {  	[tilespmem:s9], [sflag:$0x1] =	stream.indirect.gather [hbm4b:s29+s2], $0x20, s8, s2, $0xb8;
	[tilespmem:$0x10800] =	vst v63  }
0x7fb: {  	s11 =	simm.s32 $0xA800;
	s10 =	simm.s32 $0x500  }
0x7fc: {  	[tilespmem:s11], [sflag:$0x1] =	stream.indirect.gather [hbm4b:s29+s2], $0x20, s10, s2, $0xb8;
	[tilespmem:$0x10800] =	vst v63  }
0x7fd: {  	s13 =	simm.s32 $0xB800;
	s12 =	simm.s32 $0x580;
	s14 =	sld [smem:$0x7F7]  }
0x7fe: {  	[tilespmem:s13], [sflag:$0x1] =	stream.indirect.gather [hbm4b:s29+s2], $0x20, s12, s2, $0xb8;
	[tilespmem:$0x10800] =	vst v63  }
0x7ff: {  	s15 =	simm.s32 $0x600;
	s16 =	simm.s32 $0xC800  }
0x800: {  	[tilespmem:s16], [sflag:$0x1] =	stream.indirect.gather [hbm4b:s14+s2], $0x20, s15, s2, $0xb8;
	[tilespmem:$0x10800] =	vst v63  }
0x801: {  	s17 =	simm.s32 $0x680;
	s18 =	simm.s32 $0xD800  }
0x802: {  	[tilespmem:s18], [sflag:$0x1] =	stream.indirect.gather [hbm4b:s14+s2], $0x20, s17, s2, $0xb8;
	[tilespmem:$0x10800] =	vst v63  }
0x803: {  	s19 =	simm.s32 $0x700;
	s20 =	simm.s32 $0xE800  }
0x804: {  	[tilespmem:s20], [sflag:$0x1] =	stream.indirect.gather [hbm4b:s14+s2], $0x20, s19, s2, $0xb8;
	[tilespmem:$0x10800] =	vst v63  }
0x805: {  	s21 =	simm.s32 $0x780;
	s22 =	simm.s32 $0xF800;
	s23 =	simm.s32 $0x1  }
0x806: {  	[tilespmem:s22], [sflag:$0x1] =	stream.indirect.gather [hbm4b:s14+s2], $0x20, s21, s2, $0xb8;
	[tilespmem:$0x10800] =	vst v63  }
0x807: {  	_ =	swait.ge [sflag:s23], $0x4000  }
0x808: {  	[sflag:s23] =	ssyncset.done $0x0  }
0x809: {  	[sflag:s23] =	ssyncadd.s32 $0xFFFFC000  }
0x80a: {  	_ =	swait.ge [sflag:s23], $0x4000  }
0x80b: {  	[sflag:s23] =	ssyncset.done $0x0  }
0x80c: {  	[sflag:s23] =	ssyncadd.s32 $0xFFFFC000  }
0x80d: {  	_ =	swait.ge [sflag:s23], $0x4000  }
0x80e: {  	[sflag:s23] =	ssyncset.done $0x0  }
0x80f: {  	[sflag:s23] =	ssyncadd.s32 $0xFFFFC000  }
0x810: {  	_ =	swait.ge [sflag:s23], $0x4000  }
0x811: {  	s24 =	sld [smem:$0x7FB]  }
0x812: {  	[sflag:s23] =	ssyncset.done $0x0  }
0x813: {  	s25 =	simm.s32 $0x20;
	[sflag:s23] =	ssyncadd.s32 $0xFFFFC000  }
0x814: {  	[hbm4b:s24+s25] =	stream.strided.scatter [tilespmem:s1], [sflag:$0x2], $0x4000, s2, s25, $0x38;
	[tilespmem:$0x10800] =	vst v63  }
0x815: {  	s1 =	simm.s32 $0x2  }
0x816: {  	_ =	swait.ge [sflag:s1], $0x4000  }
0x817: {  	s26 =	sld [smem:$0x7F9]  }
0x818: {  	[sflag:s1] =	ssyncset.done $0x0  }
0x819: {  	[sflag:s1] =	ssyncadd.s32 $0xFFFFC000  }
0x81a: {  	[hbm4b:s26+s25] =	stream.strided.scatter [tilespmem:s4], [sflag:$0x2], $0x4000, s2, s25, $0x38;
	[tilespmem:$0x10800] =	vst v63  }
0x81b: {  	_ =	swait.ge [sflag:s1], $0x4000  }
0x81c: {  	s28 =	sld [smem:$0x7FA]  }
0x81d: {  	[sflag:s1] =	ssyncset.done $0x0  }
0x81e: {  	[sflag:s1] =	ssyncadd.s32 $0xFFFFC000  }
0x81f: {  	[hbm4b:s28+s25] =	stream.strided.scatter [tilespmem:s31], [sflag:$0x2], $0x4000, s2, s25, $0x38;
	[tilespmem:$0x10800] =	vst v63  }
0x820: {  	_ =	swait.ge [sflag:s1], $0x4000  }
0x821: {  	s29 =	sld [smem:$0x7FC]  }
0x822: {  	[sflag:s1] =	ssyncset.done $0x0  }
0x823: {  	[sflag:s1] =	ssyncadd.s32 $0xFFFFC000  }
0x824: {  	[hbm4b:s29+s25] =	stream.strided.scatter [tilespmem:s16], [sflag:$0x2], $0x4000, s2, s25, $0x38;
	[tilespmem:$0x10800] =	vst v63  }
0x825: {  	_ =	swait.ge [sflag:s1], $0x4000  }
0x826: {  	s30 =	sld [smem:$0x7F2]  }
0x827: {  	s31 =	sld [smem:$0x7FD];
	_ =	sdelay $0x1  }
0x828: {  	s2 =	sadd.s32 $0x1, s30  }
0x829: {  	p0 =	sne.s32 s2, s31  }
.Ltmp16:
0x82a: {  	_ = 	snop;
	(pc) =	sbr.rel @p0 .LBB2_1-.Ltmp16, $3  }
0x82b: {  	_ =	sdelay $0x1  }
0x82c: {  	[sflag:s1] =	ssyncset.done $0x0  }
0x82d: {  	[sflag:s1] =	ssyncadd.s32 $0xFFFFC000  }
0x82e: {  	_ =	sfence.sel $0x180000  }
0x82f: {  	[bflag:$0x0] =	sbarrier.arrive $0xFFFF  }
0x830: {  	_ =	strace $0x90000047  }
0x831: {  	s0 =	stileid.u32;
	[bflag:$0x2] =	sbarrier.arrive $0xFFFF  }
0x832: {  	p0 =	sne.s32 s0, $0x0;
	s0 =	rddreg [dreg:$0x2]  }
0x833: {  	s0 =	sadd.s32 @!p0 $0x100000, s0  }
0x834: {  	[sflag:s0] =	ssyncadd.tile.s32 @!p0 $0x1;
	_ =	shalt  }
.Lfunc_end2:
_tile_overlayer_lowered:
.L_overlay_start_2:
0x835: {  	(tag) =	ssettag $0x2  }
0x836: {  	s0 =	rddreg [dreg:$0x0];
	s2 =	stileid.u32  }
0x837: {  	s1 =	rddreg [dreg:$0x1];
	p0 =	sne.s32 s2, $0x0  }
0x838: {  	s3 =	rddreg [dreg:$0x2];
	[bflag:$0x3] =	sbarrier.arrive $0xFFFF;
	s2 =	simm.s32 @!p0 $0x1C02  }
0x839: {  	[timem:s3], [sflag:s2] =	dma.local @!p0 [hbm:s0], s1  }
0x83a: {  	s0 =	simm.s32 @!p0 $0x2  }
0x83b: {  	_ =	swait.ge @!p0 [sflag:s0], s1  }
0x83c: {  	s1 =	ssub.s32 @!p0 $0x0, s1;
	[sflag:s0] =	ssyncset.done @!p0 $0x0  }
0x83d: {  	[sflag:s0] =	ssyncadd.s32 @!p0 s1  }
0x83e: {  	[bflag:$0x3] =	sbarrier.arrive $0xFFFF  }
0x83f: {  	_ =	shalt  }

</sc_bundles>
